<compile_context>
chip_gen: v7x
topology: tpu7x:2x2x1
jax: 0.10.2.dev20260603
libtpu: 0.0.44.dev20260713+nightly
codegen_flags: <defaults>
</compile_context>

<pallas_src>
import functools

import jax
import jax.numpy as jnp
from jax import lax
from jax.experimental import pallas as pl
from jax.experimental.pallas import tpu as pltpu
from jax.experimental.pallas import tpu_sc as plsc

NUM_CLASSES = 80
SOFT_CENTER_RADIUS = 3.0
TOPK = 13
IOU_WEIGHT = 3.0
INF = 100000000.0
EPS = 1e-7
BIG = 3.0e38
LANES = 16


def _cost_kernel(pb_ref, ps_ref, pr_ref, gt_ref, lab_ref, flag_ref,
                 cost_out, iou_out, amin_out):
    N = pb_ref.shape[2]
    G = gt_ref.shape[1]

    pb = pb_ref[0]
    pr = pr_ref[...]
    gt = gt_ref[0]
    lab = lab_ref[0]
    flag = flag_ref[0]

    px = pr[0:1, :]
    py = pr[1:2, :]
    pstride = pr[2:3, :]
    x1 = pb[0:1, :]
    y1 = pb[1:2, :]
    x2 = pb[2:3, :]
    y2 = pb[3:4, :]
    gx1 = gt[:, 0:1]
    gy1 = gt[:, 1:2]
    gx2 = gt[:, 2:3]
    gy2 = gt[:, 3:4]

    in_gts = (px > gx1) & (py > gy1) & (px < gx2) & (py < gy2) & (flag > 0)
    valid = jnp.sum(in_gts.astype(jnp.float32), axis=0, keepdims=True) > 0
    validf = valid.astype(jnp.float32)

    gcx = (gx1 + gx2) * 0.5
    gcy = (gy1 + gy2) * 0.5
    dist = jnp.sqrt((px - gcx) ** 2 + (py - gcy) ** 2) / pstride
    dist = dist * validf
    soft = jnp.power(10.0, dist - SOFT_CENTER_RADIUS)

    iw = jnp.maximum(jnp.minimum(x2, gx2) - jnp.maximum(x1, gx1), 0.0)
    ih = jnp.maximum(jnp.minimum(y2, gy2) - jnp.maximum(y1, gy1), 0.0)
    overlap = iw * ih
    area1 = (x2 - x1) * (y2 - y1)
    area2 = (gx2 - gx1) * (gy2 - gy1)
    union = jnp.maximum(area1 + area2 - overlap, 1e-6)
    iou = overlap / union
    iou_cost = -jnp.log(iou + EPS) * IOU_WEIGHT

    sc_nt = ps_ref[0]
    idx_nt = jnp.broadcast_to(jnp.transpose(lab, (1, 0)), (N, G))
    x = jnp.transpose(jnp.take_along_axis(sc_nt, idx_nt, axis=1), (1, 0))
    sig = jax.nn.sigmoid(x)
    bce = jnp.maximum(x, 0.0) - x * iou + jnp.log1p(jnp.exp(-jnp.abs(x)))
    cost = bce * (iou - sig) ** 2 + iou_cost + soft
    cost = jnp.where(valid, cost, INF)

    gidx = lax.broadcasted_iota(jnp.int32, (G, N), 0)
    rmin = jnp.min(cost, axis=0, keepdims=True)
    amin = jnp.min(jnp.where(cost == rmin, gidx, G), axis=0, keepdims=True)

    cost_out[0] = cost
    iou_out[0] = iou
    amin_out[0] = amin


def _sc_topk(cost_hbm, iou_hbm, idx_hbm, cost_v, iou_v, out_v,
             gm_v, best_v, bidx_v, sem):
    ncols = cost_hbm.shape[0]
    n = cost_hbm.shape[1]
    nch = n // LANES
    grp = 15
    ngrp = nch // grp
    nw = 32
    cols_per_w = (ncols + nw - 1) // nw
    wid = lax.axis_index("s") * 2 + lax.axis_index("c")
    base = wid * cols_per_w

    iota16 = lax.broadcasted_iota(jnp.int32, (LANES,), 0)
    last16 = jnp.full((LANES,), LANES - 1, jnp.int32)
    rots = [(iota16 + (1 << s)) % LANES for s in range(4)]

    def splat(vec, idx):
        return jnp.take_along_axis(vec, idx, axis=0)

    def lane_min(v):
        for r in rots:
            v = jnp.minimum(v, splat(v, r))
        return v[0]

    def lane_max(v):
        for r in rots:
            v = jnp.maximum(v, splat(v, r))
        return v[0]

    def col_body(r, carry):
        row = base + r

        @pl.when(row < ncols)
        def _process():
            _do_col(r, row)

        return carry

    def _do_col(r, row):
        cin = pltpu.make_async_copy(cost_hbm.at[row], cost_v, sem)
        iin = pltpu.make_async_copy(iou_hbm.at[row], iou_v, sem)
        cin.start()
        iin.start()
        cin.wait()
        iin.wait()

        def iou_grp(gi, c):
            m = iou_v[pl.ds(gi * grp * LANES, LANES)]
            for j in range(1, grp):
                m = jnp.maximum(m, iou_v[pl.ds((gi * grp + j) * LANES, LANES)])
            gm_v[pl.ds(gi * LANES, LANES)] = m
            return c

        lax.fori_loop(0, ngrp, iou_grp, 0)

        def tmax_merge(gi, kept):
            s = lax.sort(gm_v[pl.ds(gi * LANES, LANES)], dimension=0)
            hi = jnp.maximum(s, lax.rev(kept, (0,)))
            return lax.sort(hi, dimension=0)

        kept = lax.fori_loop(0, ngrp, tmax_merge,
                             jnp.full((LANES,), -1.0, jnp.float32))
        t_iou = kept[3]

        best_v[...] = jnp.full((LANES,), -1.0, jnp.float32)

        def iou_passb(gi, c):
            gmv = gm_v[pl.ds(gi * LANES, LANES)]

            @pl.when(lane_max(gmv) >= t_iou)
            def _():
                for j in range(grp):
                    v = iou_v[pl.ds((gi * grp + j) * LANES, LANES)]
                    s = lax.sort(v, dimension=0)
                    hi = jnp.maximum(s, lax.rev(best_v[...], (0,)))
                    best_v[...] = lax.sort(hi, dimension=0)

            return c

        lax.fori_loop(0, ngrp, iou_passb, 0)
        ibest = best_v[...]

        def sum_body(j, acc):
            return acc + splat(ibest, last16 - j)

        s13 = lax.fori_loop(0, TOPK, sum_body, jnp.zeros((LANES,), jnp.float32))
        k = jnp.maximum(s13.astype(jnp.int32), 1)

        def cost_grp(gi, c):
            m = cost_v[pl.ds(gi * grp * LANES, LANES)]
            for j in range(1, grp):
                m = jnp.minimum(m, cost_v[pl.ds((gi * grp + j) * LANES, LANES)])
            gm_v[pl.ds(gi * LANES, LANES)] = m
            return c

        lax.fori_loop(0, ngrp, cost_grp, 0)

        def tmin_merge(gi, kept):
            s = lax.sort(gm_v[pl.ds(gi * LANES, LANES)], dimension=0)
            lo = jnp.minimum(s, lax.rev(kept, (0,)))
            return lax.sort(lo, dimension=0)

        kept = lax.fori_loop(0, ngrp, tmin_merge,
                             jnp.full((LANES,), BIG, jnp.float32))
        t_cost = kept[TOPK - 1]

        best_v[...] = jnp.full((LANES,), BIG, jnp.float32)
        bidx_v[...] = jnp.full((LANES,), -1, jnp.int32)

        def cost_passb(gi, c):
            gmv = gm_v[pl.ds(gi * LANES, LANES)]

            @pl.when(lane_min(gmv) <= t_cost)
            def _():
                for j in range(grp):
                    ci = gi * grp + j
                    v = cost_v[pl.ds(ci * LANES, LANES)]
                    vidx = iota16 + ci * LANES
                    s, si = plsc.sort_key_val(v, vidx)
                    rb = lax.rev(best_v[...], (0,))
                    rbi = lax.rev(bidx_v[...], (0,))
                    take = s <= rb
                    nb, nbi = plsc.sort_key_val(jnp.where(take, s, rb),
                                                jnp.where(take, si, rbi))
                    best_v[...] = nb
                    bidx_v[...] = nbi

            return c

        lax.fori_loop(0, ngrp, cost_passb, 0)

        out_v[pl.ds(r * LANES, LANES)] = jnp.where(iota16 < k, bidx_v[...], -1)

    lax.fori_loop(0, cols_per_w, col_body, 0)
    pltpu.sync_copy(out_v, idx_hbm.at[pl.ds(base * LANES, cols_per_w * LANES)])


def _assemble_kernel(iou_ref, idx_ref, amin_ref, gt_ref, lab_ref, flag_ref,
                     lab_out, bbox_out, met_out):
    N = iou_ref.shape[2]
    G = iou_ref.shape[1]

    iou = iou_ref[0]
    sel_idx = idx_ref[0]
    amin = amin_ref[0]
    gt = gt_ref[0]
    lab = lab_ref[0]
    flag = flag_ref[0]

    pidx = lax.broadcasted_iota(jnp.int32, (G, N), 1)
    gt_ok = flag > 0

    matching = jnp.zeros((G, N), jnp.float32)
    for j in range(TOPK):
        hit = (pidx == sel_idx[:, j:j + 1]) & gt_ok
        matching = jnp.where(hit, 1.0, matching)

    cnt = jnp.sum(matching, axis=0, keepdims=True)
    gidx = lax.broadcasted_iota(jnp.int32, (G, N), 0)
    fmatch = jnp.min(jnp.where(matching > 0, gidx, G), axis=0, keepdims=True)
    mg = jnp.where(cnt > 1, amin, fmatch)
    fg = cnt > 0

    sel = (gidx == mg).astype(jnp.float32)
    met = jnp.sum(sel * iou, axis=0, keepdims=True)
    labf = jnp.sum(sel * lab.astype(jnp.float32), axis=0, keepdims=True)
    bbox = jnp.concatenate(
        [jnp.sum(sel * gt[:, c:c + 1], axis=0, keepdims=True)
         for c in range(4)], axis=0)

    lab_out[0] = jnp.where(fg, labf.astype(jnp.int32), NUM_CLASSES)
    met_out[0] = jnp.where(fg, met, 0.0)
    bbox_out[0] = jnp.where(fg, bbox, 0.0)


def kernel(pred_bboxes, pred_scores, priors, gt_labels, gt_bboxes, pad_bbox_flag):
    B, N, _ = pred_bboxes.shape
    G = gt_bboxes.shape[1]
    pb_t = jnp.transpose(pred_bboxes, (0, 2, 1))
    pr_t = jnp.transpose(priors, (1, 0))
    lab = gt_labels.astype(jnp.int32)

    B2 = B // 2
    ncols = B2 * G
    nw = 32
    cols_per_w = (ncols + nw - 1) // nw
    out_rows = nw * cols_per_w
    ngrp = N // LANES // 15

    sc_topk = functools.partial(
        pl.kernel,
        out_type=jax.ShapeDtypeStruct((out_rows * LANES,), jnp.int32),
        mesh=plsc.VectorSubcoreMesh(core_axis_name="c", subcore_axis_name="s"),
        compiler_params=pltpu.CompilerParams(needs_layout_passes=False),
        scratch_types=[
            pltpu.VMEM((N,), jnp.float32),
            pltpu.VMEM((N,), jnp.float32),
            pltpu.VMEM((cols_per_w * LANES,), jnp.int32),
            pltpu.VMEM((ngrp * LANES,), jnp.float32),
            pltpu.VMEM((LANES,), jnp.float32),
            pltpu.VMEM((LANES,), jnp.int32),
            pltpu.SemaphoreType.DMA,
        ],
    )(_sc_topk)

    parts = []
    for h in range(2):
        off = h * B2
        bmap = lambda b, off=off: (b + off, 0, 0)
        cost, iou, amin = pl.pallas_call(
            _cost_kernel,
            grid=(B2,),
            in_specs=[
                pl.BlockSpec((1, 4, N), bmap),
                pl.BlockSpec((1, N, NUM_CLASSES), bmap),
                pl.BlockSpec((4, N), lambda b: (0, 0)),
                pl.BlockSpec((1, G, 4), bmap),
                pl.BlockSpec((1, G, 1), bmap),
                pl.BlockSpec((1, G, 1), bmap),
            ],
            out_specs=[
                pl.BlockSpec((1, G, N), lambda b: (b, 0, 0)),
                pl.BlockSpec((1, G, N), lambda b: (b, 0, 0)),
                pl.BlockSpec((1, 1, N), lambda b: (b, 0, 0)),
            ],
            out_shape=[
                jax.ShapeDtypeStruct((B2, G, N), jnp.float32),
                jax.ShapeDtypeStruct((B2, G, N), jnp.float32),
                jax.ShapeDtypeStruct((B2, 1, N), jnp.int32),
            ],
        )(pb_t, pred_scores, pr_t, gt_bboxes, lab, pad_bbox_flag)

        sel_idx = sc_topk(cost.reshape(ncols, N), iou.reshape(ncols, N))
        sel_idx = sel_idx[:ncols * LANES].reshape(B2, G, LANES)

        labels, bboxes_t, metrics = pl.pallas_call(
            _assemble_kernel,
            grid=(B2,),
            in_specs=[
                pl.BlockSpec((1, G, N), lambda b: (b, 0, 0)),
                pl.BlockSpec((1, G, LANES), lambda b: (b, 0, 0)),
                pl.BlockSpec((1, 1, N), lambda b: (b, 0, 0)),
                pl.BlockSpec((1, G, 4), bmap),
                pl.BlockSpec((1, G, 1), bmap),
                pl.BlockSpec((1, G, 1), bmap),
            ],
            out_specs=[
                pl.BlockSpec((1, 1, N), lambda b: (b, 0, 0)),
                pl.BlockSpec((1, 4, N), lambda b: (b, 0, 0)),
                pl.BlockSpec((1, 1, N), lambda b: (b, 0, 0)),
            ],
            out_shape=[
                jax.ShapeDtypeStruct((B2, 1, N), jnp.int32),
                jax.ShapeDtypeStruct((B2, 4, N), jnp.float32),
                jax.ShapeDtypeStruct((B2, 1, N), jnp.float32),
            ],
        )(iou, sel_idx, amin, gt_bboxes, lab, pad_bbox_flag)
        parts.append((labels, bboxes_t, metrics))

    labels = jnp.concatenate([p[0] for p in parts], axis=0)
    bboxes_t = jnp.concatenate([p[1] for p in parts], axis=0)
    metrics = jnp.concatenate([p[2] for p in parts], axis=0)

    weights = jnp.ones((B, N), dtype=gt_bboxes.dtype)
    bboxes = jnp.transpose(bboxes_t, (0, 2, 1))
    return labels[:, 0], weights, bboxes, metrics[:, 0]

# --- scband reference (transcript-rebuilt; emitter-appended) ---
"""Pipeline reference for scband-batch-dynamic-soft-label-assigner-70909910057788 (READ-ONLY COPY).

The authoritative reference and input builder live on the scoring server;
editing this copy changes nothing except your own understanding.
"""

import jax, jax.numpy as jnp
import numpy as np

NUM_CLASSES = 80
SOFT_CENTER_RADIUS = 3.0
TOPK = 13
IOU_WEIGHT = 3.0
INF = 100000000.0
EPS = 1e-7


def _make_priors(img_size=640, strides=(8, 16, 32)):
    ps = []
    for s in strides:
        fs = img_size // s
        ys, xs = np.meshgrid(np.arange(fs, dtype=np.float32), np.arange(fs, dtype=np.float32), indexing='ij')
        cx = (xs + 0.5) * s
        cy = (ys + 0.5) * s
        st = np.full_like(cx, float(s))
        ps.append(np.stack([cx, cy, st, st], axis=-1).reshape(-1, 4))
    return np.concatenate(ps, axis=0)


def setup_inputs(seed: int = 0):
    key = jax.random.key(seed)
    ks = jax.random.split(key, 8)
    B, G = 16, 50
    priors = jnp.asarray(_make_priors())
    N = priors.shape[0]
    cxy = priors[None, :, :2] + jax.random.normal(ks[0], (B, N, 2)) * priors[None, :, 2:4]
    wh = (jax.random.uniform(ks[1], (B, N, 2)) * 4.0 + 1.0) * priors[None, :, 2:4]
    pred_bboxes = jnp.concatenate([cxy - wh / 2.0, cxy + wh / 2.0], axis=-1)
    pred_scores = jax.random.normal(ks[2], (B, N, NUM_CLASSES))
    x1y1 = jax.random.uniform(ks[3], (B, G, 2)) * 560.0
    gwh = jax.random.uniform(ks[4], (B, G, 2)) * 60.0 + 20.0
    gt_bboxes = jnp.concatenate([x1y1, x1y1 + gwh], axis=-1)
    gt_labels = jax.random.randint(ks[5], (B, G, 1), 0, NUM_CLASSES)
    num_valid = jax.random.randint(ks[6], (B,), 10, G + 1)
    pad_bbox_flag = (jnp.arange(G)[None, :] < num_valid[:, None]).astype(jnp.float32)[..., None]
    return {'pred_bboxes': pred_bboxes, 'pred_scores': pred_scores, 'priors': priors,
            'gt_labels': gt_labels, 'gt_bboxes': gt_bboxes, 'pad_bbox_flag': pad_bbox_flag}


def reference(pred_bboxes, pred_scores, priors, gt_labels, gt_bboxes, pad_bbox_flag):
    B, N, box_dim = pred_bboxes.shape
    G = gt_bboxes.shape[1]

    # --- center prior: is each prior center inside each gt box ---
    prior_center = priors[:, :2]
    lt_ = prior_center[None, :, None, :] - gt_bboxes[:, None, :, :2]
    rb_ = gt_bboxes[:, None, :, 2:] - prior_center[None, :, None, :]
    deltas = jnp.concatenate([lt_, rb_], axis=-1)
    is_in_gts = (jnp.min(deltas, axis=-1) > 0).astype(jnp.float32)
    is_in_gts = is_in_gts * pad_bbox_flag[:, None, :, 0]
    valid_mask = jnp.sum(is_in_gts, axis=-1) > 0  # [B, N]

    # --- soft center prior ---
    gt_center = (gt_bboxes[..., :2] + gt_bboxes[..., 2:]) / 2.0
    strides = priors[:, 2]
    distance = jnp.sqrt(jnp.sum((priors[None, :, None, :2] - gt_center[:, None, :, :]) ** 2, axis=-1)) / strides[None, :, None]
    distance = distance * valid_mask[..., None].astype(distance.dtype)
    soft_center_prior = jnp.power(10.0, distance - SOFT_CENTER_RADIUS)

    # --- pairwise IoU (BboxOverlaps2D, batched, xyxy) ---
    lt = jnp.maximum(pred_bboxes[:, :, None, :2], gt_bboxes[:, None, :, :2])
    rb = jnp.minimum(pred_bboxes[:, :, None, 2:], gt_bboxes[:, None, :, 2:])
    whi = jnp.clip(rb - lt, 0.0, None)
    overlap = whi[..., 0] * whi[..., 1]
    area1 = (pred_bboxes[..., 2] - pred_bboxes[..., 0]) * (pred_bboxes[..., 3] - pred_bboxes[..., 1])
    area2 = (gt_bboxes[..., 2] - gt_bboxes[..., 0]) * (gt_bboxes[..., 3] - gt_bboxes[..., 1])
    union = area1[:, :, None] + area2[:, None, :] - overlap
    pairwise_ious = overlap / jnp.clip(union, 1e-6, None)  # [B, N, G]

    iou_cost = -jnp.log(pairwise_ious + EPS) * IOU_WEIGHT

    # --- classification cost (quality focal style) ---
    gt_lab = gt_labels[..., 0].astype(jnp.int32)  # [B, G]
    pairwise_pred_scores = jnp.take_along_axis(pred_scores, jnp.broadcast_to(gt_lab[:, None, :], (B, N, G)), axis=2)
    scale_factor = pairwise_ious - jax.nn.sigmoid(pairwise_pred_scores)
    x = pairwise_pred_scores
    y = pairwise_ious
    bce = jnp.clip(x, 0.0, None) - x * y + jnp.log1p(jnp.exp(-jnp.abs(x)))
    pairwise_cls_cost = bce * (scale_factor ** 2)

    cost_matrix = pairwise_cls_cost + iou_cost + soft_center_prior
    cost_matrix = jnp.where(valid_mask[..., None], cost_matrix, INF)

    # --- dynamic k matching ---
    candidate_topk = min(TOPK, N)
    topk_ious = jax.lax.top_k(jnp.transpose(pairwise_ious, (0, 2, 1)), candidate_topk)[0]  # [B, G, k]
    dynamic_ks = jnp.clip(jnp.sum(topk_ious, axis=-1).astype(jnp.int32), 1, None)  # [B, G]

    cm = jax.lax.stop_gradient(cost_matrix)
    order = jnp.argsort(cm, axis=1)
    rank = jnp.argsort(order, axis=1)  # rank of each prior in ascending cost, per gt
    gt_valid = pad_bbox_flag[:, :, 0] > 0  # [B, G]
    matching = ((rank < dynamic_ks[:, None, :]) & gt_valid[:, None, :]).astype(jnp.float32)  # [B, N, G]

    # resolve priors matched to more than one gt: keep min-cost gt
    prior_match_gt_mask = jnp.sum(matching, axis=2) > 1
    cost_argmin = jnp.argmin(cm, axis=2)  # [B, N]
    one_hot_min = jax.nn.one_hot(cost_argmin, G, dtype=matching.dtype)
    matching = jnp.where(prior_match_gt_mask[..., None], one_hot_min, matching)

    fg_mask = jnp.sum(matching, axis=2) > 0  # [B, N]
    matched_pred_ious = jnp.sum(matching * pairwise_ious, axis=2)  # [B, N]
    matched_gt_inds = jnp.argmax(matching, axis=2)  # [B, N]

    assigned_labels = jnp.where(fg_mask, jnp.take_along_axis(gt_lab, matched_gt_inds, axis=1), NUM_CLASSES)
    assigned_labels_weights = jnp.ones((B, N), dtype=gt_bboxes.dtype)
    assigned_bboxes = jnp.where(fg_mask[..., None], jnp.take_along_axis(gt_bboxes, matched_gt_inds[..., None], axis=1), 0.0)
    assign_metrics = jnp.where(fg_mask, matched_pred_ious, 0.0)
    return assigned_labels, assigned_labels_weights, assigned_bboxes, assign_metrics

if __name__ == "__main__":
    import jax
    _d = setup_inputs()
    print(jax.jit(kernel)(*tuple(_d.values())))

</pallas_src>

<mosaic_0001>
#map = affine_map<(d0, d1) -> (0, 0)>
#map1 = affine_map<(d0, d1) -> (0)>
module attributes {stable_mosaic.version = 14 : i64} {
  func.func @_sc_topk(%arg0: i32, %arg1: i32, %arg2: memref<400x8400xf32, #tpu.memory_space<hbm>>, %arg3: memref<400x8400xf32, #tpu.memory_space<hbm>>, %arg4: memref<6656xi32, #tpu.memory_space<hbm>>, %arg5: memref<8400xf32, #tpu.memory_space<vmem>>, %arg6: memref<8400xf32, #tpu.memory_space<vmem>>, %arg7: memref<208xi32, #tpu.memory_space<vmem>>, %arg8: memref<560xf32, #tpu.memory_space<vmem>>, %arg9: memref<16xf32, #tpu.memory_space<vmem>>, %arg10: memref<16xi32, #tpu.memory_space<vmem>>, %arg11: memref<!tpu.dma_semaphore, #tpu.memory_space<semaphore_mem>>) attributes {dimension_semantics = [#tpu.dimension_semantics<core_parallel>, #tpu.dimension_semantics<subcore_parallel>], iteration_bounds = array<i64: 2, 16>, scalar_prefetch = 0 : i64, scratch_operands = 7 : i64, tpu.core_type = #tpu.core_type<sc_vector_subcore>, window_params = [{transform_indices = #map}, {transform_indices = #map}, {transform_indices = #map1}]} {
    %mul3A = arith.constant 2 : i32
    %mul3A_0 = arith.muli %arg1, %mul3A : i32
    %add3A = arith.addi %mul3A_0, %arg0 : i32
    %mul3A_1 = arith.constant 13 : i32
    %mul3A_2 = arith.muli %add3A, %mul3A_1 : i32
    %iota3A = tpu.iota {dimensions = array<i32: 0>} : vector<16xi32>
    %broadcast_in_dim3A = arith.constant 15 : i32
    %broadcast_in_dim3A_3 = vector.broadcast %broadcast_in_dim3A : i32 to vector<16xi32>
    %add3A_4 = arith.constant 1 : i32
    %add3A_5 = vector.broadcast %add3A_4 : i32 to vector<16xi32>
    %add3A_6 = arith.addi %iota3A, %add3A_5 : vector<16xi32>
    %jit3A = arith.constant 16 : i32
    %eq3A = arith.constant 0 : i32
    %eq3A_7 = arith.cmpi eq, %jit3A, %eq3A : i32
    %jit3A_8 = arith.constant 1 : i32
    %select_n3A = arith.select %eq3A_7, %jit3A_8, %jit3A : i32
    %rem3A = vector.broadcast %select_n3A : i32 to vector<16xi32>
    %rem3A_9 = arith.remsi %add3A_6, %rem3A : vector<16xi32>
    %ne3A = arith.constant 0 : i32
    %ne3A_10 = vector.broadcast %ne3A : i32 to vector<16xi32>
    %ne3A_11 = arith.cmpi ne, %rem3A_9, %ne3A_10 : vector<16xi32>
    %lt3A = arith.constant 0 : i32
    %lt3A_12 = vector.broadcast %lt3A : i32 to vector<16xi32>
    %lt3A_13 = arith.cmpi slt, %rem3A_9, %lt3A_12 : vector<16xi32>
    %lt3A_14 = arith.constant 0 : i32
    %lt3A_15 = arith.cmpi slt, %select_n3A, %lt3A_14 : i32
    %ne3A_16 = vector.broadcast %lt3A_15 : i1 to vector<16xi1>
    %ne3A_17 = vector.broadcast %ne3A_16 : vector<16xi1> to vector<16xi1>
    %ne3A_18 = arith.xori %lt3A_13, %ne3A_17 : vector<16xi1>
    %and3A = arith.andi %ne3A_18, %ne3A_11 : vector<16xi1>
    %add3A_19 = vector.broadcast %select_n3A : i32 to vector<16xi32>
    %add3A_20 = arith.addi %rem3A_9, %add3A_19 : vector<16xi32>
    %select_n3A_21 = arith.select %and3A, %add3A_20, %rem3A_9 : vector<16xi1>, vector<16xi32>
    %add3A_22 = arith.constant 2 : i32
    %add3A_23 = vector.broadcast %add3A_22 : i32 to vector<16xi32>
    %add3A_24 = arith.addi %iota3A, %add3A_23 : vector<16xi32>
    %jit3A_25 = arith.constant 16 : i32
    %eq3A_26 = arith.constant 0 : i32
    %eq3A_27 = arith.cmpi eq, %jit3A_25, %eq3A_26 : i32
    %jit3A_28 = arith.constant 1 : i32
    %select_n3A_29 = arith.select %eq3A_27, %jit3A_28, %jit3A_25 : i32
    %rem3A_30 = vector.broadcast %select_n3A_29 : i32 to vector<16xi32>
    %rem3A_31 = arith.remsi %add3A_24, %rem3A_30 : vector<16xi32>
    %ne3A_32 = arith.constant 0 : i32
    %ne3A_33 = vector.broadcast %ne3A_32 : i32 to vector<16xi32>
    %ne3A_34 = arith.cmpi ne, %rem3A_31, %ne3A_33 : vector<16xi32>
    %lt3A_35 = arith.constant 0 : i32
    %lt3A_36 = vector.broadcast %lt3A_35 : i32 to vector<16xi32>
    %lt3A_37 = arith.cmpi slt, %rem3A_31, %lt3A_36 : vector<16xi32>
    %lt3A_38 = arith.constant 0 : i32
    %lt3A_39 = arith.cmpi slt, %select_n3A_29, %lt3A_38 : i32
    %ne3A_40 = vector.broadcast %lt3A_39 : i1 to vector<16xi1>
    %ne3A_41 = vector.broadcast %ne3A_40 : vector<16xi1> to vector<16xi1>
    %ne3A_42 = arith.xori %lt3A_37, %ne3A_41 : vector<16xi1>
    %and3A_43 = arith.andi %ne3A_42, %ne3A_34 : vector<16xi1>
    %add3A_44 = vector.broadcast %select_n3A_29 : i32 to vector<16xi32>
    %add3A_45 = arith.addi %rem3A_31, %add3A_44 : vector<16xi32>
    %select_n3A_46 = arith.select %and3A_43, %add3A_45, %rem3A_31 : vector<16xi1>, vector<16xi32>
    %add3A_47 = arith.constant 4 : i32
    %add3A_48 = vector.broadcast %add3A_47 : i32 to vector<16xi32>
    %add3A_49 = arith.addi %iota3A, %add3A_48 : vector<16xi32>
    %jit3A_50 = arith.constant 16 : i32
    %eq3A_51 = arith.constant 0 : i32
    %eq3A_52 = arith.cmpi eq, %jit3A_50, %eq3A_51 : i32
    %jit3A_53 = arith.constant 1 : i32
    %select_n3A_54 = arith.select %eq3A_52, %jit3A_53, %jit3A_50 : i32
    %rem3A_55 = vector.broadcast %select_n3A_54 : i32 to vector<16xi32>
    %rem3A_56 = arith.remsi %add3A_49, %rem3A_55 : vector<16xi32>
    %ne3A_57 = arith.constant 0 : i32
    %ne3A_58 = vector.broadcast %ne3A_57 : i32 to vector<16xi32>
    %ne3A_59 = arith.cmpi ne, %rem3A_56, %ne3A_58 : vector<16xi32>
    %lt3A_60 = arith.constant 0 : i32
    %lt3A_61 = vector.broadcast %lt3A_60 : i32 to vector<16xi32>
    %lt3A_62 = arith.cmpi slt, %rem3A_56, %lt3A_61 : vector<16xi32>
    %lt3A_63 = arith.constant 0 : i32
    %lt3A_64 = arith.cmpi slt, %select_n3A_54, %lt3A_63 : i32
    %ne3A_65 = vector.broadcast %lt3A_64 : i1 to vector<16xi1>
    %ne3A_66 = vector.broadcast %ne3A_65 : vector<16xi1> to vector<16xi1>
    %ne3A_67 = arith.xori %lt3A_62, %ne3A_66 : vector<16xi1>
    %and3A_68 = arith.andi %ne3A_67, %ne3A_59 : vector<16xi1>
    %add3A_69 = vector.broadcast %select_n3A_54 : i32 to vector<16xi32>
    %add3A_70 = arith.addi %rem3A_56, %add3A_69 : vector<16xi32>
    %select_n3A_71 = arith.select %and3A_68, %add3A_70, %rem3A_56 : vector<16xi1>, vector<16xi32>
    %add3A_72 = arith.constant 8 : i32
    %add3A_73 = vector.broadcast %add3A_72 : i32 to vector<16xi32>
    %add3A_74 = arith.addi %iota3A, %add3A_73 : vector<16xi32>
    %jit3A_75 = arith.constant 16 : i32
    %eq3A_76 = arith.constant 0 : i32
    %eq3A_77 = arith.cmpi eq, %jit3A_75, %eq3A_76 : i32
    %jit3A_78 = arith.constant 1 : i32
    %select_n3A_79 = arith.select %eq3A_77, %jit3A_78, %jit3A_75 : i32
    %rem3A_80 = vector.broadcast %select_n3A_79 : i32 to vector<16xi32>
    %rem3A_81 = arith.remsi %add3A_74, %rem3A_80 : vector<16xi32>
    %ne3A_82 = arith.constant 0 : i32
    %ne3A_83 = vector.broadcast %ne3A_82 : i32 to vector<16xi32>
    %ne3A_84 = arith.cmpi ne, %rem3A_81, %ne3A_83 : vector<16xi32>
    %lt3A_85 = arith.constant 0 : i32
    %lt3A_86 = vector.broadcast %lt3A_85 : i32 to vector<16xi32>
    %lt3A_87 = arith.cmpi slt, %rem3A_81, %lt3A_86 : vector<16xi32>
    %lt3A_88 = arith.constant 0 : i32
    %lt3A_89 = arith.cmpi slt, %select_n3A_79, %lt3A_88 : i32
    %ne3A_90 = vector.broadcast %lt3A_89 : i1 to vector<16xi1>
    %ne3A_91 = vector.broadcast %ne3A_90 : vector<16xi1> to vector<16xi1>
    %ne3A_92 = arith.xori %lt3A_87, %ne3A_91 : vector<16xi1>
    %and3A_93 = arith.andi %ne3A_92, %ne3A_84 : vector<16xi1>
    %add3A_94 = vector.broadcast %select_n3A_79 : i32 to vector<16xi32>
    %add3A_95 = arith.addi %rem3A_81, %add3A_94 : vector<16xi32>
    %select_n3A_96 = arith.select %and3A_93, %add3A_95, %rem3A_81 : vector<16xi1>, vector<16xi32>
    %scan3A = arith.constant 0 : i32
    %scan3A_97 = arith.constant 0 : i32
    %scan3A_98 = arith.constant 13 : i32
    %scan3A_99 = arith.addi %scan3A_97, %scan3A_98 : i32
    %scan3A_100 = arith.constant 1 : i32
    scf.for %scan3A_104 = %scan3A_97 to %scan3A_99 step %scan3A_100  : i32 {
      %add3A_105 = arith.addi %mul3A_2, %scan3A_104 : i32
      %lt3A_106 = arith.constant 400 : i32
      %lt3A_107 = arith.cmpi slt, %add3A_105, %lt3A_106 : i32
      %convert_element_type3A = arith.extui %lt3A_107 : i1 to i32
      %cond3A = arith.constant 0 : i32
      %cond3A_108 = arith.cmpi ne, %convert_element_type3A, %cond3A : i32
      scf.if %cond3A_108 {
        %dma_start3A = arith.constant 0 : i32
        %dma_start3A_109 = tpu.memref_slice %arg2[%add3A_105, %dma_start3A] : memref<400x8400xf32, #tpu.memory_space<hbm>> -> memref<1x8400xf32, #tpu.memory_space<hbm>>
        %dma_start3A_110 = tpu.memref_squeeze %dma_start3A_109 : memref<1x8400xf32, #tpu.memory_space<hbm>> -> memref<8400xf32, #tpu.memory_space<hbm>>
        %dma_start3A_111 = arith.constant 0 : i32
        %dma_start3A_112 = tpu.memref_slice %arg2[%add3A_105, %dma_start3A_111] : memref<400x8400xf32, #tpu.memory_space<hbm>> -> memref<1x8400xf32, #tpu.memory_space<hbm>>
        %dma_start3A_113 = tpu.memref_squeeze %dma_start3A_112 : memref<1x8400xf32, #tpu.memory_space<hbm>> -> memref<8400xf32, #tpu.memory_space<hbm>>
        tpu.enqueue_dma source(%dma_start3A_113 : memref<8400xf32, #tpu.memory_space<hbm>>) target(%arg5 : memref<8400xf32, #tpu.memory_space<vmem>>) target_semaphore(%arg11 : memref<!tpu.dma_semaphore, #tpu.memory_space<semaphore_mem>>)
        %dma_start3A_114 = arith.constant 0 : i32
        %dma_start3A_115 = tpu.memref_slice %arg3[%add3A_105, %dma_start3A_114] : memref<400x8400xf32, #tpu.memory_space<hbm>> -> memref<1x8400xf32, #tpu.memory_space<hbm>>
        %dma_start3A_116 = tpu.memref_squeeze %dma_start3A_115 : memref<1x8400xf32, #tpu.memory_space<hbm>> -> memref<8400xf32, #tpu.memory_space<hbm>>
        %dma_start3A_117 = arith.constant 0 : i32
        %dma_start3A_118 = tpu.memref_slice %arg3[%add3A_105, %dma_start3A_117] : memref<400x8400xf32, #tpu.memory_space<hbm>> -> memref<1x8400xf32, #tpu.memory_space<hbm>>
        %dma_start3A_119 = tpu.memref_squeeze %dma_start3A_118 : memref<1x8400xf32, #tpu.memory_space<hbm>> -> memref<8400xf32, #tpu.memory_space<hbm>>
        tpu.enqueue_dma source(%dma_start3A_119 : memref<8400xf32, #tpu.memory_space<hbm>>) target(%arg6 : memref<8400xf32, #tpu.memory_space<vmem>>) target_semaphore(%arg11 : memref<!tpu.dma_semaphore, #tpu.memory_space<semaphore_mem>>)
        %dma_wait3A = arith.constant 0 : i32
        %dma_wait3A_120 = tpu.memref_slice %arg2[%add3A_105, %dma_wait3A] : memref<400x8400xf32, #tpu.memory_space<hbm>> -> memref<1x8400xf32, #tpu.memory_space<hbm>>
        %dma_wait3A_121 = tpu.memref_squeeze %dma_wait3A_120 : memref<1x8400xf32, #tpu.memory_space<hbm>> -> memref<8400xf32, #tpu.memory_space<hbm>>
        %dma_wait3A_122 = arith.constant 0 : i32
        %dma_wait3A_123 = tpu.memref_slice %arg2[%add3A_105, %dma_wait3A_122] : memref<400x8400xf32, #tpu.memory_space<hbm>> -> memref<1x8400xf32, #tpu.memory_space<hbm>>
        %dma_wait3A_124 = tpu.memref_squeeze %dma_wait3A_123 : memref<1x8400xf32, #tpu.memory_space<hbm>> -> memref<8400xf32, #tpu.memory_space<hbm>>
        tpu.wait_dma2 semaphore(%arg11 : memref<!tpu.dma_semaphore, #tpu.memory_space<semaphore_mem>>) src(%dma_wait3A_124 : memref<8400xf32, #tpu.memory_space<hbm>>) dst(%arg5 : memref<8400xf32, #tpu.memory_space<vmem>>)
        %dma_wait3A_125 = arith.constant 0 : i32
        %dma_wait3A_126 = tpu.memref_slice %arg3[%add3A_105, %dma_wait3A_125] : memref<400x8400xf32, #tpu.memory_space<hbm>> -> memref<1x8400xf32, #tpu.memory_space<hbm>>
        %dma_wait3A_127 = tpu.memref_squeeze %dma_wait3A_126 : memref<1x8400xf32, #tpu.memory_space<hbm>> -> memref<8400xf32, #tpu.memory_space<hbm>>
        %dma_wait3A_128 = arith.constant 0 : i32
        %dma_wait3A_129 = tpu.memref_slice %arg3[%add3A_105, %dma_wait3A_128] : memref<400x8400xf32, #tpu.memory_space<hbm>> -> memref<1x8400xf32, #tpu.memory_space<hbm>>
        %dma_wait3A_130 = tpu.memref_squeeze %dma_wait3A_129 : memref<1x8400xf32, #tpu.memory_space<hbm>> -> memref<8400xf32, #tpu.memory_space<hbm>>
        tpu.wait_dma2 semaphore(%arg11 : memref<!tpu.dma_semaphore, #tpu.memory_space<semaphore_mem>>) src(%dma_wait3A_130 : memref<8400xf32, #tpu.memory_space<hbm>>) dst(%arg6 : memref<8400xf32, #tpu.memory_space<vmem>>)
        %scan3A_131 = arith.constant 0 : i32
        %scan3A_132 = arith.constant 0 : i32
        %scan3A_133 = arith.constant 35 : i32
        %scan3A_134 = arith.addi %scan3A_132, %scan3A_133 : i32
        %scan3A_135 = arith.constant 1 : i32
        scf.for %scan3A_206 = %scan3A_132 to %scan3A_134 step %scan3A_135  : i32 {
          %mul3A_207 = arith.constant 15 : i32
          %mul3A_208 = arith.muli %scan3A_206, %mul3A_207 : i32
          %mul3A_209 = arith.constant 16 : i32
          %mul3A_210 = arith.muli %mul3A_208, %mul3A_209 : i32
          %get3A_211 = arith.index_cast %mul3A_210 : i32 to index
          %get3A_212 = tpu.vector_load %arg6[%get3A_211] {strides = array<i32>} : memref<8400xf32, #tpu.memory_space<vmem>>, vector<16xf32>,
          %mul3A_213 = arith.constant 15 : i32
          %mul3A_214 = arith.muli %scan3A_206, %mul3A_213 : i32
          %add3A_215 = arith.constant 1 : i32
          %add3A_216 = arith.addi %mul3A_214, %add3A_215 : i32
          %mul3A_217 = arith.constant 16 : i32
          %mul3A_218 = arith.muli %add3A_216, %mul3A_217 : i32
          %get3A_219 = arith.index_cast %mul3A_218 : i32 to index
          %get3A_220 = tpu.vector_load %arg6[%get3A_219] {strides = array<i32>} : memref<8400xf32, #tpu.memory_space<vmem>>, vector<16xf32>,
          %max3A_221 = arith.maximumf %get3A_212, %get3A_220 : vector<16xf32>
          %mul3A_222 = arith.constant 15 : i32
          %mul3A_223 = arith.muli %scan3A_206, %mul3A_222 : i32
          %add3A_224 = arith.constant 2 : i32
          %add3A_225 = arith.addi %mul3A_223, %add3A_224 : i32
          %mul3A_226 = arith.constant 16 : i32
          %mul3A_227 = arith.muli %add3A_225, %mul3A_226 : i32
          %get3A_228 = arith.index_cast %mul3A_227 : i32 to index
          %get3A_229 = tpu.vector_load %arg6[%get3A_228] {strides = array<i32>} : memref<8400xf32, #tpu.memory_space<vmem>>, vector<16xf32>,
          %max3A_230 = arith.maximumf %max3A_221, %get3A_229 : vector<16xf32>
          %mul3A_231 = arith.constant 15 : i32
          %mul3A_232 = arith.muli %scan3A_206, %mul3A_231 : i32
          %add3A_233 = arith.constant 3 : i32
          %add3A_234 = arith.addi %mul3A_232, %add3A_233 : i32
          %mul3A_235 = arith.constant 16 : i32
          %mul3A_236 = arith.muli %add3A_234, %mul3A_235 : i32
          %get3A_237 = arith.index_cast %mul3A_236 : i32 to index
          %get3A_238 = tpu.vector_load %arg6[%get3A_237] {strides = array<i32>} : memref<8400xf32, #tpu.memory_space<vmem>>, vector<16xf32>,
          %max3A_239 = arith.maximumf %max3A_230, %get3A_238 : vector<16xf32>
          %mul3A_240 = arith.constant 15 : i32
          %mul3A_241 = arith.muli %scan3A_206, %mul3A_240 : i32
          %add3A_242 = arith.constant 4 : i32
          %add3A_243 = arith.addi %mul3A_241, %add3A_242 : i32
          %mul3A_244 = arith.constant 16 : i32
          %mul3A_245 = arith.muli %add3A_243, %mul3A_244 : i32
          %get3A_246 = arith.index_cast %mul3A_245 : i32 to index
          %get3A_247 = tpu.vector_load %arg6[%get3A_246] {strides = array<i32>} : memref<8400xf32, #tpu.memory_space<vmem>>, vector<16xf32>,
          %max3A_248 = arith.maximumf %max3A_239, %get3A_247 : vector<16xf32>
          %mul3A_249 = arith.constant 15 : i32
          %mul3A_250 = arith.muli %scan3A_206, %mul3A_249 : i32
          %add3A_251 = arith.constant 5 : i32
          %add3A_252 = arith.addi %mul3A_250, %add3A_251 : i32
          %mul3A_253 = arith.constant 16 : i32
          %mul3A_254 = arith.muli %add3A_252, %mul3A_253 : i32
          %get3A_255 = arith.index_cast %mul3A_254 : i32 to index
          %get3A_256 = tpu.vector_load %arg6[%get3A_255] {strides = array<i32>} : memref<8400xf32, #tpu.memory_space<vmem>>, vector<16xf32>,
          %max3A_257 = arith.maximumf %max3A_248, %get3A_256 : vector<16xf32>
          %mul3A_258 = arith.constant 15 : i32
          %mul3A_259 = arith.muli %scan3A_206, %mul3A_258 : i32
          %add3A_260 = arith.constant 6 : i32
          %add3A_261 = arith.addi %mul3A_259, %add3A_260 : i32
          %mul3A_262 = arith.constant 16 : i32
          %mul3A_263 = arith.muli %add3A_261, %mul3A_262 : i32
          %get3A_264 = arith.index_cast %mul3A_263 : i32 to index
          %get3A_265 = tpu.vector_load %arg6[%get3A_264] {strides = array<i32>} : memref<8400xf32, #tpu.memory_space<vmem>>, vector<16xf32>,
          %max3A_266 = arith.maximumf %max3A_257, %get3A_265 : vector<16xf32>
          %mul3A_267 = arith.constant 15 : i32
          %mul3A_268 = arith.muli %scan3A_206, %mul3A_267 : i32
          %add3A_269 = arith.constant 7 : i32
          %add3A_270 = arith.addi %mul3A_268, %add3A_269 : i32
          %mul3A_271 = arith.constant 16 : i32
          %mul3A_272 = arith.muli %add3A_270, %mul3A_271 : i32
          %get3A_273 = arith.index_cast %mul3A_272 : i32 to index
          %get3A_274 = tpu.vector_load %arg6[%get3A_273] {strides = array<i32>} : memref<8400xf32, #tpu.memory_space<vmem>>, vector<16xf32>,
          %max3A_275 = arith.maximumf %max3A_266, %get3A_274 : vector<16xf32>
          %mul3A_276 = arith.constant 15 : i32
          %mul3A_277 = arith.muli %scan3A_206, %mul3A_276 : i32
          %add3A_278 = arith.constant 8 : i32
          %add3A_279 = arith.addi %mul3A_277, %add3A_278 : i32
          %mul3A_280 = arith.constant 16 : i32
          %mul3A_281 = arith.muli %add3A_279, %mul3A_280 : i32
          %get3A_282 = arith.index_cast %mul3A_281 : i32 to index
          %get3A_283 = tpu.vector_load %arg6[%get3A_282] {strides = array<i32>} : memref<8400xf32, #tpu.memory_space<vmem>>, vector<16xf32>,
          %max3A_284 = arith.maximumf %max3A_275, %get3A_283 : vector<16xf32>
          %mul3A_285 = arith.constant 15 : i32
          %mul3A_286 = arith.muli %scan3A_206, %mul3A_285 : i32
          %add3A_287 = arith.constant 9 : i32
          %add3A_288 = arith.addi %mul3A_286, %add3A_287 : i32
          %mul3A_289 = arith.constant 16 : i32
          %mul3A_290 = arith.muli %add3A_288, %mul3A_289 : i32
          %get3A_291 = arith.index_cast %mul3A_290 : i32 to index
          %get3A_292 = tpu.vector_load %arg6[%get3A_291] {strides = array<i32>} : memref<8400xf32, #tpu.memory_space<vmem>>, vector<16xf32>,
          %max3A_293 = arith.maximumf %max3A_284, %get3A_292 : vector<16xf32>
          %mul3A_294 = arith.constant 15 : i32
          %mul3A_295 = arith.muli %scan3A_206, %mul3A_294 : i32
          %add3A_296 = arith.constant 10 : i32
          %add3A_297 = arith.addi %mul3A_295, %add3A_296 : i32
          %mul3A_298 = arith.constant 16 : i32
          %mul3A_299 = arith.muli %add3A_297, %mul3A_298 : i32
          %get3A_300 = arith.index_cast %mul3A_299 : i32 to index
          %get3A_301 = tpu.vector_load %arg6[%get3A_300] {strides = array<i32>} : memref<8400xf32, #tpu.memory_space<vmem>>, vector<16xf32>,
          %max3A_302 = arith.maximumf %max3A_293, %get3A_301 : vector<16xf32>
          %mul3A_303 = arith.constant 15 : i32
          %mul3A_304 = arith.muli %scan3A_206, %mul3A_303 : i32
          %add3A_305 = arith.constant 11 : i32
          %add3A_306 = arith.addi %mul3A_304, %add3A_305 : i32
          %mul3A_307 = arith.constant 16 : i32
          %mul3A_308 = arith.muli %add3A_306, %mul3A_307 : i32
          %get3A_309 = arith.index_cast %mul3A_308 : i32 to index
          %get3A_310 = tpu.vector_load %arg6[%get3A_309] {strides = array<i32>} : memref<8400xf32, #tpu.memory_space<vmem>>, vector<16xf32>,
          %max3A_311 = arith.maximumf %max3A_302, %get3A_310 : vector<16xf32>
          %mul3A_312 = arith.constant 15 : i32
          %mul3A_313 = arith.muli %scan3A_206, %mul3A_312 : i32
          %add3A_314 = arith.constant 12 : i32
          %add3A_315 = arith.addi %mul3A_313, %add3A_314 : i32
          %mul3A_316 = arith.constant 16 : i32
          %mul3A_317 = arith.muli %add3A_315, %mul3A_316 : i32
          %get3A_318 = arith.index_cast %mul3A_317 : i32 to index
          %get3A_319 = tpu.vector_load %arg6[%get3A_318] {strides = array<i32>} : memref<8400xf32, #tpu.memory_space<vmem>>, vector<16xf32>,
          %max3A_320 = arith.maximumf %max3A_311, %get3A_319 : vector<16xf32>
          %mul3A_321 = arith.constant 15 : i32
          %mul3A_322 = arith.muli %scan3A_206, %mul3A_321 : i32
          %add3A_323 = arith.constant 13 : i32
          %add3A_324 = arith.addi %mul3A_322, %add3A_323 : i32
          %mul3A_325 = arith.constant 16 : i32
          %mul3A_326 = arith.muli %add3A_324, %mul3A_325 : i32
          %get3A_327 = arith.index_cast %mul3A_326 : i32 to index
          %get3A_328 = tpu.vector_load %arg6[%get3A_327] {strides = array<i32>} : memref<8400xf32, #tpu.memory_space<vmem>>, vector<16xf32>,
          %max3A_329 = arith.maximumf %max3A_320, %get3A_328 : vector<16xf32>
          %mul3A_330 = arith.constant 15 : i32
          %mul3A_331 = arith.muli %scan3A_206, %mul3A_330 : i32
          %add3A_332 = arith.constant 14 : i32
          %add3A_333 = arith.addi %mul3A_331, %add3A_332 : i32
          %mul3A_334 = arith.constant 16 : i32
          %mul3A_335 = arith.muli %add3A_333, %mul3A_334 : i32
          %get3A_336 = arith.index_cast %mul3A_335 : i32 to index
          %get3A_337 = tpu.vector_load %arg6[%get3A_336] {strides = array<i32>} : memref<8400xf32, #tpu.memory_space<vmem>>, vector<16xf32>,
          %max3A_338 = arith.maximumf %max3A_329, %get3A_337 : vector<16xf32>
          %mul3A_339 = arith.constant 16 : i32
          %mul3A_340 = arith.muli %scan3A_206, %mul3A_339 : i32
          %swap3A_341 = arith.index_cast %mul3A_340 : i32 to index
          %swap3A_342 = tpu.vector_load %arg8[%swap3A_341] {strides = array<i32>} : memref<560xf32, #tpu.memory_space<vmem>>, vector<16xf32>,
          tpu.vector_store %arg8[%swap3A_341], %max3A_338 {strides = array<i32>} : memref<560xf32, #tpu.memory_space<vmem>>, vector<16xf32>,
        }
        %scan3A_136 = arith.constant 35 : i32
        %broadcast_in_dim3A_137 = arith.constant -1.000000e+00 : f32
        %broadcast_in_dim3A_138 = vector.broadcast %broadcast_in_dim3A_137 : f32 to vector<16xf32>
        %scan3A_139 = arith.constant 0 : i32
        %scan3A_140 = arith.constant 35 : i32
        %scan3A_141 = arith.addi %scan3A_139, %scan3A_140 : i32
        %scan3A_142 = arith.constant 1 : i32
        %scan3A_143 = scf.for %scan3A_206 = %scan3A_139 to %scan3A_141 step %scan3A_142 iter_args(%scan3A_207 = %broadcast_in_dim3A_138) -> (vector<16xf32>)  : i32 {
          %mul3A_208 = arith.constant 16 : i32
          %mul3A_209 = arith.muli %scan3A_206, %mul3A_208 : i32
          %get3A_210 = arith.index_cast %mul3A_209 : i32 to index
          %get3A_211 = tpu.vector_load %arg8[%get3A_210] {strides = array<i32>} : memref<560xf32, #tpu.memory_space<vmem>>, vector<16xf32>,
          %sort3A = arith.constant dense<true> : vector<16xi1>
          %sort3A_212, %sort3A_213, %sort3A_214 = tpu.sort %get3A_211, %get3A_211 masked %sort3A : (vector<16xf32>, vector<16xf32>, vector<16xi1>) -> (vector<16xi1>, vector<16xf32>, vector<16xf32>)
          %rev3A = arith.constant 15 : i32
          %rev3A_215 = vector.broadcast %rev3A : i32 to vector<16xi32>
          %rev3A_216 = tpu.iota {dimensions = array<i32: 0>} : vector<16xi32>
          %rev3A_217 = arith.subi %rev3A_215, %rev3A_216 : vector<16xi32>
          %rev3A_218 = tpu.dynamic_gather %scan3A_207[%rev3A_217] in [0] : vector<16xf32>, vector<16xi32> -> vector<16xf32>
          %max3A_219 = arith.maximumf %sort3A_213, %rev3A_218 : vector<16xf32>
          %sort3A_220 = arith.constant dense<true> : vector<16xi1>
          %sort3A_221, %sort3A_222, %sort3A_223 = tpu.sort %max3A_219, %max3A_219 masked %sort3A_220 : (vector<16xf32>, vector<16xf32>, vector<16xi1>) -> (vector<16xi1>, vector<16xf32>, vector<16xf32>)
          scf.yield %sort3A_222 : vector<16xf32>
        }
        %scan3A_144 = arith.constant 35 : i32
        %slice3A = vector.extract_strided_slice %scan3A_143 {offsets = [3], sizes = [1], strides = [1]} : vector<16xf32> to vector<1xf32>
        %squeeze3A = vector.extract %slice3A[0] : f32 from vector<1xf32>
        %broadcast_in_dim3A_145 = arith.constant -1.000000e+00 : f32
        %broadcast_in_dim3A_146 = vector.broadcast %broadcast_in_dim3A_145 : f32 to vector<16xf32>
        %swap3A = arith.constant 0 : index
        %swap3A_147 = tpu.vector_load %arg9[%swap3A] {strides = array<i32>} : memref<16xf32, #tpu.memory_space<vmem>>, vector<16xf32>,
        tpu.vector_store %arg9[%swap3A], %broadcast_in_dim3A_146 {strides = array<i32>} : memref<16xf32, #tpu.memory_space<vmem>>, vector<16xf32>,
        %scan3A_148 = arith.constant 0 : i32
        %scan3A_149 = arith.constant 0 : i32
        %scan3A_150 = arith.constant 35 : i32
        %scan3A_151 = arith.addi %scan3A_149, %scan3A_150 : i32
        %scan3A_152 = arith.constant 1 : i32
        scf.for %scan3A_206 = %scan3A_149 to %scan3A_151 step %scan3A_152  : i32 {
          %mul3A_207 = arith.constant 16 : i32
          %mul3A_208 = arith.muli %scan3A_206, %mul3A_207 : i32
          %get3A_209 = arith.index_cast %mul3A_208 : i32 to index
          %get3A_210 = tpu.vector_load %arg8[%get3A_209] {strides = array<i32>} : memref<560xf32, #tpu.memory_space<vmem>>, vector<16xf32>,
          %lt3A_211 = arith.constant 0 : i32
          %lt3A_212 = vector.broadcast %lt3A_211 : i32 to vector<16xi32>
          %lt3A_213 = arith.cmpi slt, %select_n3A_21, %lt3A_212 : vector<16xi32>
          %add3A_214 = arith.constant 16 : i32
          %add3A_215 = vector.broadcast %add3A_214 : i32 to vector<16xi32>
          %add3A_216 = arith.addi %select_n3A_21, %add3A_215 : vector<16xi32>
          %select_n3A_217 = arith.select %lt3A_213, %add3A_216, %select_n3A_21 : vector<16xi1>, vector<16xi32>
          %reshape3A = vector.shape_cast %select_n3A_217 : vector<16xi32> to vector<16x1xi32>
          %gather3A = vector.shape_cast %reshape3A : vector<16x1xi32> to vector<16xi32>
          %gather3A_218 = tpu.dynamic_gather %get3A_210[%gather3A] in [0] : vector<16xf32>, vector<16xi32> -> vector<16xf32>
          %max3A_219 = arith.maximumf %get3A_210, %gather3A_218 : vector<16xf32>
          %lt3A_220 = arith.constant 0 : i32
          %lt3A_221 = vector.broadcast %lt3A_220 : i32 to vector<16xi32>
          %lt3A_222 = arith.cmpi slt, %select_n3A_46, %lt3A_221 : vector<16xi32>
          %add3A_223 = arith.constant 16 : i32
          %add3A_224 = vector.broadcast %add3A_223 : i32 to vector<16xi32>
          %add3A_225 = arith.addi %select_n3A_46, %add3A_224 : vector<16xi32>
          %select_n3A_226 = arith.select %lt3A_222, %add3A_225, %select_n3A_46 : vector<16xi1>, vector<16xi32>
          %reshape3A_227 = vector.shape_cast %select_n3A_226 : vector<16xi32> to vector<16x1xi32>
          %gather3A_228 = vector.shape_cast %reshape3A_227 : vector<16x1xi32> to vector<16xi32>
          %gather3A_229 = tpu.dynamic_gather %max3A_219[%gather3A_228] in [0] : vector<16xf32>, vector<16xi32> -> vector<16xf32>
          %max3A_230 = arith.maximumf %max3A_219, %gather3A_229 : vector<16xf32>
          %lt3A_231 = arith.constant 0 : i32
          %lt3A_232 = vector.broadcast %lt3A_231 : i32 to vector<16xi32>
          %lt3A_233 = arith.cmpi slt, %select_n3A_71, %lt3A_232 : vector<16xi32>
          %add3A_234 = arith.constant 16 : i32
          %add3A_235 = vector.broadcast %add3A_234 : i32 to vector<16xi32>
          %add3A_236 = arith.addi %select_n3A_71, %add3A_235 : vector<16xi32>
          %select_n3A_237 = arith.select %lt3A_233, %add3A_236, %select_n3A_71 : vector<16xi1>, vector<16xi32>
          %reshape3A_238 = vector.shape_cast %select_n3A_237 : vector<16xi32> to vector<16x1xi32>
          %gather3A_239 = vector.shape_cast %reshape3A_238 : vector<16x1xi32> to vector<16xi32>
          %gather3A_240 = tpu.dynamic_gather %max3A_230[%gather3A_239] in [0] : vector<16xf32>, vector<16xi32> -> vector<16xf32>
          %max3A_241 = arith.maximumf %max3A_230, %gather3A_240 : vector<16xf32>
          %lt3A_242 = arith.constant 0 : i32
          %lt3A_243 = vector.broadcast %lt3A_242 : i32 to vector<16xi32>
          %lt3A_244 = arith.cmpi slt, %select_n3A_96, %lt3A_243 : vector<16xi32>
          %add3A_245 = arith.constant 16 : i32
          %add3A_246 = vector.broadcast %add3A_245 : i32 to vector<16xi32>
          %add3A_247 = arith.addi %select_n3A_96, %add3A_246 : vector<16xi32>
          %select_n3A_248 = arith.select %lt3A_244, %add3A_247, %select_n3A_96 : vector<16xi1>, vector<16xi32>
          %reshape3A_249 = vector.shape_cast %select_n3A_248 : vector<16xi32> to vector<16x1xi32>
          %gather3A_250 = vector.shape_cast %reshape3A_249 : vector<16x1xi32> to vector<16xi32>
          %gather3A_251 = tpu.dynamic_gather %max3A_241[%gather3A_250] in [0] : vector<16xf32>, vector<16xi32> -> vector<16xf32>
          %max3A_252 = arith.maximumf %max3A_241, %gather3A_251 : vector<16xf32>
          %slice3A_253 = vector.extract_strided_slice %max3A_252 {offsets = [0], sizes = [1], strides = [1]} : vector<16xf32> to vector<1xf32>
          %squeeze3A_254 = vector.extract %slice3A_253[0] : f32 from vector<1xf32>
          %ge3A = arith.cmpf oge, %squeeze3A_254, %squeeze3A : f32
          %convert_element_type3A_255 = arith.extui %ge3A : i1 to i32
          %cond3A_256 = arith.constant 0 : i32
          %cond3A_257 = arith.cmpi ne, %convert_element_type3A_255, %cond3A_256 : i32
          scf.if %cond3A_257 {
            %mul3A_258 = arith.constant 15 : i32
            %mul3A_259 = arith.muli %scan3A_206, %mul3A_258 : i32
            %add3A_260 = arith.constant 0 : i32
            %add3A_261 = arith.addi %mul3A_259, %add3A_260 : i32
            %mul3A_262 = arith.constant 16 : i32
            %mul3A_263 = arith.muli %add3A_261, %mul3A_262 : i32
            %get3A_264 = arith.index_cast %mul3A_263 : i32 to index
            %get3A_265 = tpu.vector_load %arg6[%get3A_264] {strides = array<i32>} : memref<8400xf32, #tpu.memory_space<vmem>>, vector<16xf32>,
            %sort3A = arith.constant dense<true> : vector<16xi1>
            %sort3A_266, %sort3A_267, %sort3A_268 = tpu.sort %get3A_265, %get3A_265 masked %sort3A : (vector<16xf32>, vector<16xf32>, vector<16xi1>) -> (vector<16xi1>, vector<16xf32>, vector<16xf32>)
            %get3A_269 = arith.constant 0 : index
            %get3A_270 = tpu.vector_load %arg9[%get3A_269] {strides = array<i32>} : memref<16xf32, #tpu.memory_space<vmem>>, vector<16xf32>,
            %rev3A = arith.constant 15 : i32
            %rev3A_271 = vector.broadcast %rev3A : i32 to vector<16xi32>
            %rev3A_272 = tpu.iota {dimensions = array<i32: 0>} : vector<16xi32>
            %rev3A_273 = arith.subi %rev3A_271, %rev3A_272 : vector<16xi32>
            %rev3A_274 = tpu.dynamic_gather %get3A_270[%rev3A_273] in [0] : vector<16xf32>, vector<16xi32> -> vector<16xf32>
            %max3A_275 = arith.maximumf %sort3A_267, %rev3A_274 : vector<16xf32>
            %sort3A_276 = arith.constant dense<true> : vector<16xi1>
            %sort3A_277, %sort3A_278, %sort3A_279 = tpu.sort %max3A_275, %max3A_275 masked %sort3A_276 : (vector<16xf32>, vector<16xf32>, vector<16xi1>) -> (vector<16xi1>, vector<16xf32>, vector<16xf32>)
            %swap3A_280 = arith.constant 0 : index
            %swap3A_281 = tpu.vector_load %arg9[%swap3A_280] {strides = array<i32>} : memref<16xf32, #tpu.memory_space<vmem>>, vector<16xf32>,
            tpu.vector_store %arg9[%swap3A_280], %sort3A_278 {strides = array<i32>} : memref<16xf32, #tpu.memory_space<vmem>>, vector<16xf32>,
            %mul3A_282 = arith.constant 15 : i32
            %mul3A_283 = arith.muli %scan3A_206, %mul3A_282 : i32
            %add3A_284 = arith.constant 1 : i32
            %add3A_285 = arith.addi %mul3A_283, %add3A_284 : i32
            %mul3A_286 = arith.constant 16 : i32
            %mul3A_287 = arith.muli %add3A_285, %mul3A_286 : i32
            %get3A_288 = arith.index_cast %mul3A_287 : i32 to index
            %get3A_289 = tpu.vector_load %arg6[%get3A_288] {strides = array<i32>} : memref<8400xf32, #tpu.memory_space<vmem>>, vector<16xf32>,
            %sort3A_290 = arith.constant dense<true> : vector<16xi1>
            %sort3A_291, %sort3A_292, %sort3A_293 = tpu.sort %get3A_289, %get3A_289 masked %sort3A_290 : (vector<16xf32>, vector<16xf32>, vector<16xi1>) -> (vector<16xi1>, vector<16xf32>, vector<16xf32>)
            %get3A_294 = arith.constant 0 : index
            %get3A_295 = tpu.vector_load %arg9[%get3A_294] {strides = array<i32>} : memref<16xf32, #tpu.memory_space<vmem>>, vector<16xf32>,
            %rev3A_296 = arith.constant 15 : i32
            %rev3A_297 = vector.broadcast %rev3A_296 : i32 to vector<16xi32>
            %rev3A_298 = tpu.iota {dimensions = array<i32: 0>} : vector<16xi32>
            %rev3A_299 = arith.subi %rev3A_297, %rev3A_298 : vector<16xi32>
            %rev3A_300 = tpu.dynamic_gather %get3A_295[%rev3A_299] in [0] : vector<16xf32>, vector<16xi32> -> vector<16xf32>
            %max3A_301 = arith.maximumf %sort3A_292, %rev3A_300 : vector<16xf32>
            %sort3A_302 = arith.constant dense<true> : vector<16xi1>
            %sort3A_303, %sort3A_304, %sort3A_305 = tpu.sort %max3A_301, %max3A_301 masked %sort3A_302 : (vector<16xf32>, vector<16xf32>, vector<16xi1>) -> (vector<16xi1>, vector<16xf32>, vector<16xf32>)
            %swap3A_306 = arith.constant 0 : index
            %swap3A_307 = tpu.vector_load %arg9[%swap3A_306] {strides = array<i32>} : memref<16xf32, #tpu.memory_space<vmem>>, vector<16xf32>,
            tpu.vector_store %arg9[%swap3A_306], %sort3A_304 {strides = array<i32>} : memref<16xf32, #tpu.memory_space<vmem>>, vector<16xf32>,
            %mul3A_308 = arith.constant 15 : i32
            %mul3A_309 = arith.muli %scan3A_206, %mul3A_308 : i32
            %add3A_310 = arith.constant 2 : i32
            %add3A_311 = arith.addi %mul3A_309, %add3A_310 : i32
            %mul3A_312 = arith.constant 16 : i32
            %mul3A_313 = arith.muli %add3A_311, %mul3A_312 : i32
            %get3A_314 = arith.index_cast %mul3A_313 : i32 to index
            %get3A_315 = tpu.vector_load %arg6[%get3A_314] {strides = array<i32>} : memref<8400xf32, #tpu.memory_space<vmem>>, vector<16xf32>,
            %sort3A_316 = arith.constant dense<true> : vector<16xi1>
            %sort3A_317, %sort3A_318, %sort3A_319 = tpu.sort %get3A_315, %get3A_315 masked %sort3A_316 : (vector<16xf32>, vector<16xf32>, vector<16xi1>) -> (vector<16xi1>, vector<16xf32>, vector<16xf32>)
            %get3A_320 = arith.constant 0 : index
            %get3A_321 = tpu.vector_load %arg9[%get3A_320] {strides = array<i32>} : memref<16xf32, #tpu.memory_space<vmem>>, vector<16xf32>,
            %rev3A_322 = arith.constant 15 : i32
            %rev3A_323 = vector.broadcast %rev3A_322 : i32 to vector<16xi32>
            %rev3A_324 = tpu.iota {dimensions = array<i32: 0>} : vector<16xi32>
            %rev3A_325 = arith.subi %rev3A_323, %rev3A_324 : vector<16xi32>
            %rev3A_326 = tpu.dynamic_gather %get3A_321[%rev3A_325] in [0] : vector<16xf32>, vector<16xi32> -> vector<16xf32>
            %max3A_327 = arith.maximumf %sort3A_318, %rev3A_326 : vector<16xf32>
            %sort3A_328 = arith.constant dense<true> : vector<16xi1>
            %sort3A_329, %sort3A_330, %sort3A_331 = tpu.sort %max3A_327, %max3A_327 masked %sort3A_328 : (vector<16xf32>, vector<16xf32>, vector<16xi1>) -> (vector<16xi1>, vector<16xf32>, vector<16xf32>)
            %swap3A_332 = arith.constant 0 : index
            %swap3A_333 = tpu.vector_load %arg9[%swap3A_332] {strides = array<i32>} : memref<16xf32, #tpu.memory_space<vmem>>, vector<16xf32>,
            tpu.vector_store %arg9[%swap3A_332], %sort3A_330 {strides = array<i32>} : memref<16xf32, #tpu.memory_space<vmem>>, vector<16xf32>,
            %mul3A_334 = arith.constant 15 : i32
            %mul3A_335 = arith.muli %scan3A_206, %mul3A_334 : i32
            %add3A_336 = arith.constant 3 : i32
            %add3A_337 = arith.addi %mul3A_335, %add3A_336 : i32
            %mul3A_338 = arith.constant 16 : i32
            %mul3A_339 = arith.muli %add3A_337, %mul3A_338 : i32
            %get3A_340 = arith.index_cast %mul3A_339 : i32 to index
            %get3A_341 = tpu.vector_load %arg6[%get3A_340] {strides = array<i32>} : memref<8400xf32, #tpu.memory_space<vmem>>, vector<16xf32>,
            %sort3A_342 = arith.constant dense<true> : vector<16xi1>
            %sort3A_343, %sort3A_344, %sort3A_345 = tpu.sort %get3A_341, %get3A_341 masked %sort3A_342 : (vector<16xf32>, vector<16xf32>, vector<16xi1>) -> (vector<16xi1>, vector<16xf32>, vector<16xf32>)
            %get3A_346 = arith.constant 0 : index
            %get3A_347 = tpu.vector_load %arg9[%get3A_346] {strides = array<i32>} : memref<16xf32, #tpu.memory_space<vmem>>, vector<16xf32>,
            %rev3A_348 = arith.constant 15 : i32
            %rev3A_349 = vector.broadcast %rev3A_348 : i32 to vector<16xi32>
            %rev3A_350 = tpu.iota {dimensions = array<i32: 0>} : vector<16xi32>
            %rev3A_351 = arith.subi %rev3A_349, %rev3A_350 : vector<16xi32>
            %rev3A_352 = tpu.dynamic_gather %get3A_347[%rev3A_351] in [0] : vector<16xf32>, vector<16xi32> -> vector<16xf32>
            %max3A_353 = arith.maximumf %sort3A_344, %rev3A_352 : vector<16xf32>
            %sort3A_354 = arith.constant dense<true> : vector<16xi1>
            %sort3A_355, %sort3A_356, %sort3A_357 = tpu.sort %max3A_353, %max3A_353 masked %sort3A_354 : (vector<16xf32>, vector<16xf32>, vector<16xi1>) -> (vector<16xi1>, vector<16xf32>, vector<16xf32>)
            %swap3A_358 = arith.constant 0 : index
            %swap3A_359 = tpu.vector_load %arg9[%swap3A_358] {strides = array<i32>} : memref<16xf32, #tpu.memory_space<vmem>>, vector<16xf32>,
            tpu.vector_store %arg9[%swap3A_358], %sort3A_356 {strides = array<i32>} : memref<16xf32, #tpu.memory_space<vmem>>, vector<16xf32>,
            %mul3A_360 = arith.constant 15 : i32
            %mul3A_361 = arith.muli %scan3A_206, %mul3A_360 : i32
            %add3A_362 = arith.constant 4 : i32
            %add3A_363 = arith.addi %mul3A_361, %add3A_362 : i32
            %mul3A_364 = arith.constant 16 : i32
            %mul3A_365 = arith.muli %add3A_363, %mul3A_364 : i32
            %get3A_366 = arith.index_cast %mul3A_365 : i32 to index
            %get3A_367 = tpu.vector_load %arg6[%get3A_366] {strides = array<i32>} : memref<8400xf32, #tpu.memory_space<vmem>>, vector<16xf32>,
            %sort3A_368 = arith.constant dense<true> : vector<16xi1>
            %sort3A_369, %sort3A_370, %sort3A_371 = tpu.sort %get3A_367, %get3A_367 masked %sort3A_368 : (vector<16xf32>, vector<16xf32>, vector<16xi1>) -> (vector<16xi1>, vector<16xf32>, vector<16xf32>)
            %get3A_372 = arith.constant 0 : index
            %get3A_373 = tpu.vector_load %arg9[%get3A_372] {strides = array<i32>} : memref<16xf32, #tpu.memory_space<vmem>>, vector<16xf32>,
            %rev3A_374 = arith.constant 15 : i32
            %rev3A_375 = vector.broadcast %rev3A_374 : i32 to vector<16xi32>
            %rev3A_376 = tpu.iota {dimensions = array<i32: 0>} : vector<16xi32>
            %rev3A_377 = arith.subi %rev3A_375, %rev3A_376 : vector<16xi32>
            %rev3A_378 = tpu.dynamic_gather %get3A_373[%rev3A_377] in [0] : vector<16xf32>, vector<16xi32> -> vector<16xf32>
            %max3A_379 = arith.maximumf %sort3A_370, %rev3A_378 : vector<16xf32>
            %sort3A_380 = arith.constant dense<true> : vector<16xi1>
            %sort3A_381, %sort3A_382, %sort3A_383 = tpu.sort %max3A_379, %max3A_379 masked %sort3A_380 : (vector<16xf32>, vector<16xf32>, vector<16xi1>) -> (vector<16xi1>, vector<16xf32>, vector<16xf32>)
            %swap3A_384 = arith.constant 0 : index
            %swap3A_385 = tpu.vector_load %arg9[%swap3A_384] {strides = array<i32>} : memref<16xf32, #tpu.memory_space<vmem>>, vector<16xf32>,
            tpu.vector_store %arg9[%swap3A_384], %sort3A_382 {strides = array<i32>} : memref<16xf32, #tpu.memory_space<vmem>>, vector<16xf32>,
            %mul3A_386 = arith.constant 15 : i32
            %mul3A_387 = arith.muli %scan3A_206, %mul3A_386 : i32
            %add3A_388 = arith.constant 5 : i32
            %add3A_389 = arith.addi %mul3A_387, %add3A_388 : i32
            %mul3A_390 = arith.constant 16 : i32
            %mul3A_391 = arith.muli %add3A_389, %mul3A_390 : i32
            %get3A_392 = arith.index_cast %mul3A_391 : i32 to index
            %get3A_393 = tpu.vector_load %arg6[%get3A_392] {strides = array<i32>} : memref<8400xf32, #tpu.memory_space<vmem>>, vector<16xf32>,
            %sort3A_394 = arith.constant dense<true> : vector<16xi1>
            %sort3A_395, %sort3A_396, %sort3A_397 = tpu.sort %get3A_393, %get3A_393 masked %sort3A_394 : (vector<16xf32>, vector<16xf32>, vector<16xi1>) -> (vector<16xi1>, vector<16xf32>, vector<16xf32>)
            %get3A_398 = arith.constant 0 : index
            %get3A_399 = tpu.vector_load %arg9[%get3A_398] {strides = array<i32>} : memref<16xf32, #tpu.memory_space<vmem>>, vector<16xf32>,
            %rev3A_400 = arith.constant 15 : i32
            %rev3A_401 = vector.broadcast %rev3A_400 : i32 to vector<16xi32>
            %rev3A_402 = tpu.iota {dimensions = array<i32: 0>} : vector<16xi32>
            %rev3A_403 = arith.subi %rev3A_401, %rev3A_402 : vector<16xi32>
            %rev3A_404 = tpu.dynamic_gather %get3A_399[%rev3A_403] in [0] : vector<16xf32>, vector<16xi32> -> vector<16xf32>
            %max3A_405 = arith.maximumf %sort3A_396, %rev3A_404 : vector<16xf32>
            %sort3A_406 = arith.constant dense<true> : vector<16xi1>
            %sort3A_407, %sort3A_408, %sort3A_409 = tpu.sort %max3A_405, %max3A_405 masked %sort3A_406 : (vector<16xf32>, vector<16xf32>, vector<16xi1>) -> (vector<16xi1>, vector<16xf32>, vector<16xf32>)
            %swap3A_410 = arith.constant 0 : index
            %swap3A_411 = tpu.vector_load %arg9[%swap3A_410] {strides = array<i32>} : memref<16xf32, #tpu.memory_space<vmem>>, vector<16xf32>,
            tpu.vector_store %arg9[%swap3A_410], %sort3A_408 {strides = array<i32>} : memref<16xf32, #tpu.memory_space<vmem>>, vector<16xf32>,
            %mul3A_412 = arith.constant 15 : i32
            %mul3A_413 = arith.muli %scan3A_206, %mul3A_412 : i32
            %add3A_414 = arith.constant 6 : i32
            %add3A_415 = arith.addi %mul3A_413, %add3A_414 : i32
            %mul3A_416 = arith.constant 16 : i32
            %mul3A_417 = arith.muli %add3A_415, %mul3A_416 : i32
            %get3A_418 = arith.index_cast %mul3A_417 : i32 to index
            %get3A_419 = tpu.vector_load %arg6[%get3A_418] {strides = array<i32>} : memref<8400xf32, #tpu.memory_space<vmem>>, vector<16xf32>,
            %sort3A_420 = arith.constant dense<true> : vector<16xi1>
            %sort3A_421, %sort3A_422, %sort3A_423 = tpu.sort %get3A_419, %get3A_419 masked %sort3A_420 : (vector<16xf32>, vector<16xf32>, vector<16xi1>) -> (vector<16xi1>, vector<16xf32>, vector<16xf32>)
            %get3A_424 = arith.constant 0 : index
            %get3A_425 = tpu.vector_load %arg9[%get3A_424] {strides = array<i32>} : memref<16xf32, #tpu.memory_space<vmem>>, vector<16xf32>,
            %rev3A_426 = arith.constant 15 : i32
            %rev3A_427 = vector.broadcast %rev3A_426 : i32 to vector<16xi32>
            %rev3A_428 = tpu.iota {dimensions = array<i32: 0>} : vector<16xi32>
            %rev3A_429 = arith.subi %rev3A_427, %rev3A_428 : vector<16xi32>
            %rev3A_430 = tpu.dynamic_gather %get3A_425[%rev3A_429] in [0] : vector<16xf32>, vector<16xi32> -> vector<16xf32>
            %max3A_431 = arith.maximumf %sort3A_422, %rev3A_430 : vector<16xf32>
            %sort3A_432 = arith.constant dense<true> : vector<16xi1>
            %sort3A_433, %sort3A_434, %sort3A_435 = tpu.sort %max3A_431, %max3A_431 masked %sort3A_432 : (vector<16xf32>, vector<16xf32>, vector<16xi1>) -> (vector<16xi1>, vector<16xf32>, vector<16xf32>)
            %swap3A_436 = arith.constant 0 : index
            %swap3A_437 = tpu.vector_load %arg9[%swap3A_436] {strides = array<i32>} : memref<16xf32, #tpu.memory_space<vmem>>, vector<16xf32>,
            tpu.vector_store %arg9[%swap3A_436], %sort3A_434 {strides = array<i32>} : memref<16xf32, #tpu.memory_space<vmem>>, vector<16xf32>,
            %mul3A_438 = arith.constant 15 : i32
            %mul3A_439 = arith.muli %scan3A_206, %mul3A_438 : i32
            %add3A_440 = arith.constant 7 : i32
            %add3A_441 = arith.addi %mul3A_439, %add3A_440 : i32
            %mul3A_442 = arith.constant 16 : i32
            %mul3A_443 = arith.muli %add3A_441, %mul3A_442 : i32
            %get3A_444 = arith.index_cast %mul3A_443 : i32 to index
            %get3A_445 = tpu.vector_load %arg6[%get3A_444] {strides = array<i32>} : memref<8400xf32, #tpu.memory_space<vmem>>, vector<16xf32>,
            %sort3A_446 = arith.constant dense<true> : vector<16xi1>
            %sort3A_447, %sort3A_448, %sort3A_449 = tpu.sort %get3A_445, %get3A_445 masked %sort3A_446 : (vector<16xf32>, vector<16xf32>, vector<16xi1>) -> (vector<16xi1>, vector<16xf32>, vector<16xf32>)
            %get3A_450 = arith.constant 0 : index
            %get3A_451 = tpu.vector_load %arg9[%get3A_450] {strides = array<i32>} : memref<16xf32, #tpu.memory_space<vmem>>, vector<16xf32>,
            %rev3A_452 = arith.constant 15 : i32
            %rev3A_453 = vector.broadcast %rev3A_452 : i32 to vector<16xi32>
            %rev3A_454 = tpu.iota {dimensions = array<i32: 0>} : vector<16xi32>
            %rev3A_455 = arith.subi %rev3A_453, %rev3A_454 : vector<16xi32>
            %rev3A_456 = tpu.dynamic_gather %get3A_451[%rev3A_455] in [0] : vector<16xf32>, vector<16xi32> -> vector<16xf32>
            %max3A_457 = arith.maximumf %sort3A_448, %rev3A_456 : vector<16xf32>
            %sort3A_458 = arith.constant dense<true> : vector<16xi1>
            %sort3A_459, %sort3A_460, %sort3A_461 = tpu.sort %max3A_457, %max3A_457 masked %sort3A_458 : (vector<16xf32>, vector<16xf32>, vector<16xi1>) -> (vector<16xi1>, vector<16xf32>, vector<16xf32>)
            %swap3A_462 = arith.constant 0 : index
            %swap3A_463 = tpu.vector_load %arg9[%swap3A_462] {strides = array<i32>} : memref<16xf32, #tpu.memory_space<vmem>>, vector<16xf32>,
            tpu.vector_store %arg9[%swap3A_462], %sort3A_460 {strides = array<i32>} : memref<16xf32, #tpu.memory_space<vmem>>, vector<16xf32>,
            %mul3A_464 = arith.constant 15 : i32
            %mul3A_465 = arith.muli %scan3A_206, %mul3A_464 : i32
            %add3A_466 = arith.constant 8 : i32
            %add3A_467 = arith.addi %mul3A_465, %add3A_466 : i32
            %mul3A_468 = arith.constant 16 : i32
            %mul3A_469 = arith.muli %add3A_467, %mul3A_468 : i32
            %get3A_470 = arith.index_cast %mul3A_469 : i32 to index
            %get3A_471 = tpu.vector_load %arg6[%get3A_470] {strides = array<i32>} : memref<8400xf32, #tpu.memory_space<vmem>>, vector<16xf32>,
            %sort3A_472 = arith.constant dense<true> : vector<16xi1>
            %sort3A_473, %sort3A_474, %sort3A_475 = tpu.sort %get3A_471, %get3A_471 masked %sort3A_472 : (vector<16xf32>, vector<16xf32>, vector<16xi1>) -> (vector<16xi1>, vector<16xf32>, vector<16xf32>)
            %get3A_476 = arith.constant 0 : index
            %get3A_477 = tpu.vector_load %arg9[%get3A_476] {strides = array<i32>} : memref<16xf32, #tpu.memory_space<vmem>>, vector<16xf32>,
            %rev3A_478 = arith.constant 15 : i32
            %rev3A_479 = vector.broadcast %rev3A_478 : i32 to vector<16xi32>
            %rev3A_480 = tpu.iota {dimensions = array<i32: 0>} : vector<16xi32>
            %rev3A_481 = arith.subi %rev3A_479, %rev3A_480 : vector<16xi32>
            %rev3A_482 = tpu.dynamic_gather %get3A_477[%rev3A_481] in [0] : vector<16xf32>, vector<16xi32> -> vector<16xf32>
            %max3A_483 = arith.maximumf %sort3A_474, %rev3A_482 : vector<16xf32>
            %sort3A_484 = arith.constant dense<true> : vector<16xi1>
            %sort3A_485, %sort3A_486, %sort3A_487 = tpu.sort %max3A_483, %max3A_483 masked %sort3A_484 : (vector<16xf32>, vector<16xf32>, vector<16xi1>) -> (vector<16xi1>, vector<16xf32>, vector<16xf32>)
            %swap3A_488 = arith.constant 0 : index
            %swap3A_489 = tpu.vector_load %arg9[%swap3A_488] {strides = array<i32>} : memref<16xf32, #tpu.memory_space<vmem>>, vector<16xf32>,
            tpu.vector_store %arg9[%swap3A_488], %sort3A_486 {strides = array<i32>} : memref<16xf32, #tpu.memory_space<vmem>>, vector<16xf32>,
            %mul3A_490 = arith.constant 15 : i32
            %mul3A_491 = arith.muli %scan3A_206, %mul3A_490 : i32
            %add3A_492 = arith.constant 9 : i32
            %add3A_493 = arith.addi %mul3A_491, %add3A_492 : i32
            %mul3A_494 = arith.constant 16 : i32
            %mul3A_495 = arith.muli %add3A_493, %mul3A_494 : i32
            %get3A_496 = arith.index_cast %mul3A_495 : i32 to index
            %get3A_497 = tpu.vector_load %arg6[%get3A_496] {strides = array<i32>} : memref<8400xf32, #tpu.memory_space<vmem>>, vector<16xf32>,
            %sort3A_498 = arith.constant dense<true> : vector<16xi1>
            %sort3A_499, %sort3A_500, %sort3A_501 = tpu.sort %get3A_497, %get3A_497 masked %sort3A_498 : (vector<16xf32>, vector<16xf32>, vector<16xi1>) -> (vector<16xi1>, vector<16xf32>, vector<16xf32>)
            %get3A_502 = arith.constant 0 : index
            %get3A_503 = tpu.vector_load %arg9[%get3A_502] {strides = array<i32>} : memref<16xf32, #tpu.memory_space<vmem>>, vector<16xf32>,
            %rev3A_504 = arith.constant 15 : i32
            %rev3A_505 = vector.broadcast %rev3A_504 : i32 to vector<16xi32>
            %rev3A_506 = tpu.iota {dimensions = array<i32: 0>} : vector<16xi32>
            %rev3A_507 = arith.subi %rev3A_505, %rev3A_506 : vector<16xi32>
            %rev3A_508 = tpu.dynamic_gather %get3A_503[%rev3A_507] in [0] : vector<16xf32>, vector<16xi32> -> vector<16xf32>
            %max3A_509 = arith.maximumf %sort3A_500, %rev3A_508 : vector<16xf32>
            %sort3A_510 = arith.constant dense<true> : vector<16xi1>
            %sort3A_511, %sort3A_512, %sort3A_513 = tpu.sort %max3A_509, %max3A_509 masked %sort3A_510 : (vector<16xf32>, vector<16xf32>, vector<16xi1>) -> (vector<16xi1>, vector<16xf32>, vector<16xf32>)
            %swap3A_514 = arith.constant 0 : index
            %swap3A_515 = tpu.vector_load %arg9[%swap3A_514] {strides = array<i32>} : memref<16xf32, #tpu.memory_space<vmem>>, vector<16xf32>,
            tpu.vector_store %arg9[%swap3A_514], %sort3A_512 {strides = array<i32>} : memref<16xf32, #tpu.memory_space<vmem>>, vector<16xf32>,
            %mul3A_516 = arith.constant 15 : i32
            %mul3A_517 = arith.muli %scan3A_206, %mul3A_516 : i32
            %add3A_518 = arith.constant 10 : i32
            %add3A_519 = arith.addi %mul3A_517, %add3A_518 : i32
            %mul3A_520 = arith.constant 16 : i32
            %mul3A_521 = arith.muli %add3A_519, %mul3A_520 : i32
            %get3A_522 = arith.index_cast %mul3A_521 : i32 to index
            %get3A_523 = tpu.vector_load %arg6[%get3A_522] {strides = array<i32>} : memref<8400xf32, #tpu.memory_space<vmem>>, vector<16xf32>,
            %sort3A_524 = arith.constant dense<true> : vector<16xi1>
            %sort3A_525, %sort3A_526, %sort3A_527 = tpu.sort %get3A_523, %get3A_523 masked %sort3A_524 : (vector<16xf32>, vector<16xf32>, vector<16xi1>) -> (vector<16xi1>, vector<16xf32>, vector<16xf32>)
            %get3A_528 = arith.constant 0 : index
            %get3A_529 = tpu.vector_load %arg9[%get3A_528] {strides = array<i32>} : memref<16xf32, #tpu.memory_space<vmem>>, vector<16xf32>,
            %rev3A_530 = arith.constant 15 : i32
            %rev3A_531 = vector.broadcast %rev3A_530 : i32 to vector<16xi32>
            %rev3A_532 = tpu.iota {dimensions = array<i32: 0>} : vector<16xi32>
            %rev3A_533 = arith.subi %rev3A_531, %rev3A_532 : vector<16xi32>
            %rev3A_534 = tpu.dynamic_gather %get3A_529[%rev3A_533] in [0] : vector<16xf32>, vector<16xi32> -> vector<16xf32>
            %max3A_535 = arith.maximumf %sort3A_526, %rev3A_534 : vector<16xf32>
            %sort3A_536 = arith.constant dense<true> : vector<16xi1>
            %sort3A_537, %sort3A_538, %sort3A_539 = tpu.sort %max3A_535, %max3A_535 masked %sort3A_536 : (vector<16xf32>, vector<16xf32>, vector<16xi1>) -> (vector<16xi1>, vector<16xf32>, vector<16xf32>)
            %swap3A_540 = arith.constant 0 : index
            %swap3A_541 = tpu.vector_load %arg9[%swap3A_540] {strides = array<i32>} : memref<16xf32, #tpu.memory_space<vmem>>, vector<16xf32>,
            tpu.vector_store %arg9[%swap3A_540], %sort3A_538 {strides = array<i32>} : memref<16xf32, #tpu.memory_space<vmem>>, vector<16xf32>,
            %mul3A_542 = arith.constant 15 : i32
            %mul3A_543 = arith.muli %scan3A_206, %mul3A_542 : i32
            %add3A_544 = arith.constant 11 : i32
            %add3A_545 = arith.addi %mul3A_543, %add3A_544 : i32
            %mul3A_546 = arith.constant 16 : i32
            %mul3A_547 = arith.muli %add3A_545, %mul3A_546 : i32
            %get3A_548 = arith.index_cast %mul3A_547 : i32 to index
            %get3A_549 = tpu.vector_load %arg6[%get3A_548] {strides = array<i32>} : memref<8400xf32, #tpu.memory_space<vmem>>, vector<16xf32>,
            %sort3A_550 = arith.constant dense<true> : vector<16xi1>
            %sort3A_551, %sort3A_552, %sort3A_553 = tpu.sort %get3A_549, %get3A_549 masked %sort3A_550 : (vector<16xf32>, vector<16xf32>, vector<16xi1>) -> (vector<16xi1>, vector<16xf32>, vector<16xf32>)
            %get3A_554 = arith.constant 0 : index
            %get3A_555 = tpu.vector_load %arg9[%get3A_554] {strides = array<i32>} : memref<16xf32, #tpu.memory_space<vmem>>, vector<16xf32>,
            %rev3A_556 = arith.constant 15 : i32
            %rev3A_557 = vector.broadcast %rev3A_556 : i32 to vector<16xi32>
            %rev3A_558 = tpu.iota {dimensions = array<i32: 0>} : vector<16xi32>
            %rev3A_559 = arith.subi %rev3A_557, %rev3A_558 : vector<16xi32>
            %rev3A_560 = tpu.dynamic_gather %get3A_555[%rev3A_559] in [0] : vector<16xf32>, vector<16xi32> -> vector<16xf32>
            %max3A_561 = arith.maximumf %sort3A_552, %rev3A_560 : vector<16xf32>
            %sort3A_562 = arith.constant dense<true> : vector<16xi1>
            %sort3A_563, %sort3A_564, %sort3A_565 = tpu.sort %max3A_561, %max3A_561 masked %sort3A_562 : (vector<16xf32>, vector<16xf32>, vector<16xi1>) -> (vector<16xi1>, vector<16xf32>, vector<16xf32>)
            %swap3A_566 = arith.constant 0 : index
            %swap3A_567 = tpu.vector_load %arg9[%swap3A_566] {strides = array<i32>} : memref<16xf32, #tpu.memory_space<vmem>>, vector<16xf32>,
            tpu.vector_store %arg9[%swap3A_566], %sort3A_564 {strides = array<i32>} : memref<16xf32, #tpu.memory_space<vmem>>, vector<16xf32>,
            %mul3A_568 = arith.constant 15 : i32
            %mul3A_569 = arith.muli %scan3A_206, %mul3A_568 : i32
            %add3A_570 = arith.constant 12 : i32
            %add3A_571 = arith.addi %mul3A_569, %add3A_570 : i32
            %mul3A_572 = arith.constant 16 : i32
            %mul3A_573 = arith.muli %add3A_571, %mul3A_572 : i32
            %get3A_574 = arith.index_cast %mul3A_573 : i32 to index
            %get3A_575 = tpu.vector_load %arg6[%get3A_574] {strides = array<i32>} : memref<8400xf32, #tpu.memory_space<vmem>>, vector<16xf32>,
            %sort3A_576 = arith.constant dense<true> : vector<16xi1>
            %sort3A_577, %sort3A_578, %sort3A_579 = tpu.sort %get3A_575, %get3A_575 masked %sort3A_576 : (vector<16xf32>, vector<16xf32>, vector<16xi1>) -> (vector<16xi1>, vector<16xf32>, vector<16xf32>)
            %get3A_580 = arith.constant 0 : index
            %get3A_581 = tpu.vector_load %arg9[%get3A_580] {strides = array<i32>} : memref<16xf32, #tpu.memory_space<vmem>>, vector<16xf32>,
            %rev3A_582 = arith.constant 15 : i32
            %rev3A_583 = vector.broadcast %rev3A_582 : i32 to vector<16xi32>
            %rev3A_584 = tpu.iota {dimensions = array<i32: 0>} : vector<16xi32>
            %rev3A_585 = arith.subi %rev3A_583, %rev3A_584 : vector<16xi32>
            %rev3A_586 = tpu.dynamic_gather %get3A_581[%rev3A_585] in [0] : vector<16xf32>, vector<16xi32> -> vector<16xf32>
            %max3A_587 = arith.maximumf %sort3A_578, %rev3A_586 : vector<16xf32>
            %sort3A_588 = arith.constant dense<true> : vector<16xi1>
            %sort3A_589, %sort3A_590, %sort3A_591 = tpu.sort %max3A_587, %max3A_587 masked %sort3A_588 : (vector<16xf32>, vector<16xf32>, vector<16xi1>) -> (vector<16xi1>, vector<16xf32>, vector<16xf32>)
            %swap3A_592 = arith.constant 0 : index
            %swap3A_593 = tpu.vector_load %arg9[%swap3A_592] {strides = array<i32>} : memref<16xf32, #tpu.memory_space<vmem>>, vector<16xf32>,
            tpu.vector_store %arg9[%swap3A_592], %sort3A_590 {strides = array<i32>} : memref<16xf32, #tpu.memory_space<vmem>>, vector<16xf32>,
            %mul3A_594 = arith.constant 15 : i32
            %mul3A_595 = arith.muli %scan3A_206, %mul3A_594 : i32
            %add3A_596 = arith.constant 13 : i32
            %add3A_597 = arith.addi %mul3A_595, %add3A_596 : i32
            %mul3A_598 = arith.constant 16 : i32
            %mul3A_599 = arith.muli %add3A_597, %mul3A_598 : i32
            %get3A_600 = arith.index_cast %mul3A_599 : i32 to index
            %get3A_601 = tpu.vector_load %arg6[%get3A_600] {strides = array<i32>} : memref<8400xf32, #tpu.memory_space<vmem>>, vector<16xf32>,
            %sort3A_602 = arith.constant dense<true> : vector<16xi1>
            %sort3A_603, %sort3A_604, %sort3A_605 = tpu.sort %get3A_601, %get3A_601 masked %sort3A_602 : (vector<16xf32>, vector<16xf32>, vector<16xi1>) -> (vector<16xi1>, vector<16xf32>, vector<16xf32>)
            %get3A_606 = arith.constant 0 : index
            %get3A_607 = tpu.vector_load %arg9[%get3A_606] {strides = array<i32>} : memref<16xf32, #tpu.memory_space<vmem>>, vector<16xf32>,
            %rev3A_608 = arith.constant 15 : i32
            %rev3A_609 = vector.broadcast %rev3A_608 : i32 to vector<16xi32>
            %rev3A_610 = tpu.iota {dimensions = array<i32: 0>} : vector<16xi32>
            %rev3A_611 = arith.subi %rev3A_609, %rev3A_610 : vector<16xi32>
            %rev3A_612 = tpu.dynamic_gather %get3A_607[%rev3A_611] in [0] : vector<16xf32>, vector<16xi32> -> vector<16xf32>
            %max3A_613 = arith.maximumf %sort3A_604, %rev3A_612 : vector<16xf32>
            %sort3A_614 = arith.constant dense<true> : vector<16xi1>
            %sort3A_615, %sort3A_616, %sort3A_617 = tpu.sort %max3A_613, %max3A_613 masked %sort3A_614 : (vector<16xf32>, vector<16xf32>, vector<16xi1>) -> (vector<16xi1>, vector<16xf32>, vector<16xf32>)
            %swap3A_618 = arith.constant 0 : index
            %swap3A_619 = tpu.vector_load %arg9[%swap3A_618] {strides = array<i32>} : memref<16xf32, #tpu.memory_space<vmem>>, vector<16xf32>,
            tpu.vector_store %arg9[%swap3A_618], %sort3A_616 {strides = array<i32>} : memref<16xf32, #tpu.memory_space<vmem>>, vector<16xf32>,
            %mul3A_620 = arith.constant 15 : i32
            %mul3A_621 = arith.muli %scan3A_206, %mul3A_620 : i32
            %add3A_622 = arith.constant 14 : i32
            %add3A_623 = arith.addi %mul3A_621, %add3A_622 : i32
            %mul3A_624 = arith.constant 16 : i32
            %mul3A_625 = arith.muli %add3A_623, %mul3A_624 : i32
            %get3A_626 = arith.index_cast %mul3A_625 : i32 to index
            %get3A_627 = tpu.vector_load %arg6[%get3A_626] {strides = array<i32>} : memref<8400xf32, #tpu.memory_space<vmem>>, vector<16xf32>,
            %sort3A_628 = arith.constant dense<true> : vector<16xi1>
            %sort3A_629, %sort3A_630, %sort3A_631 = tpu.sort %get3A_627, %get3A_627 masked %sort3A_628 : (vector<16xf32>, vector<16xf32>, vector<16xi1>) -> (vector<16xi1>, vector<16xf32>, vector<16xf32>)
            %get3A_632 = arith.constant 0 : index
            %get3A_633 = tpu.vector_load %arg9[%get3A_632] {strides = array<i32>} : memref<16xf32, #tpu.memory_space<vmem>>, vector<16xf32>,
            %rev3A_634 = arith.constant 15 : i32
            %rev3A_635 = vector.broadcast %rev3A_634 : i32 to vector<16xi32>
            %rev3A_636 = tpu.iota {dimensions = array<i32: 0>} : vector<16xi32>
            %rev3A_637 = arith.subi %rev3A_635, %rev3A_636 : vector<16xi32>
            %rev3A_638 = tpu.dynamic_gather %get3A_633[%rev3A_637] in [0] : vector<16xf32>, vector<16xi32> -> vector<16xf32>
            %max3A_639 = arith.maximumf %sort3A_630, %rev3A_638 : vector<16xf32>
            %sort3A_640 = arith.constant dense<true> : vector<16xi1>
            %sort3A_641, %sort3A_642, %sort3A_643 = tpu.sort %max3A_639, %max3A_639 masked %sort3A_640 : (vector<16xf32>, vector<16xf32>, vector<16xi1>) -> (vector<16xi1>, vector<16xf32>, vector<16xf32>)
            %swap3A_644 = arith.constant 0 : index
            %swap3A_645 = tpu.vector_load %arg9[%swap3A_644] {strides = array<i32>} : memref<16xf32, #tpu.memory_space<vmem>>, vector<16xf32>,
            tpu.vector_store %arg9[%swap3A_644], %sort3A_642 {strides = array<i32>} : memref<16xf32, #tpu.memory_space<vmem>>, vector<16xf32>,
          } else {
          }
        }
        %scan3A_153 = arith.constant 35 : i32
        %get3A = arith.constant 0 : index
        %get3A_154 = tpu.vector_load %arg9[%get3A] {strides = array<i32>} : memref<16xf32, #tpu.memory_space<vmem>>, vector<16xf32>,
        %broadcast_in_dim3A_155 = arith.constant 0.000000e+00 : f32
        %broadcast_in_dim3A_156 = vector.broadcast %broadcast_in_dim3A_155 : f32 to vector<16xf32>
        %scan3A_157 = arith.constant 0 : i32
        %scan3A_158 = arith.constant 13 : i32
        %scan3A_159 = arith.addi %scan3A_157, %scan3A_158 : i32
        %scan3A_160 = arith.constant 1 : i32
        %scan3A_161 = scf.for %scan3A_206 = %scan3A_157 to %scan3A_159 step %scan3A_160 iter_args(%scan3A_207 = %broadcast_in_dim3A_156) -> (vector<16xf32>)  : i32 {
          %sub3A = vector.broadcast %scan3A_206 : i32 to vector<16xi32>
          %sub3A_208 = arith.subi %broadcast_in_dim3A_3, %sub3A : vector<16xi32>
          %lt3A_209 = arith.constant 0 : i32
          %lt3A_210 = vector.broadcast %lt3A_209 : i32 to vector<16xi32>
          %lt3A_211 = arith.cmpi slt, %sub3A_208, %lt3A_210 : vector<16xi32>
          %add3A_212 = arith.constant 16 : i32
          %add3A_213 = vector.broadcast %add3A_212 : i32 to vector<16xi32>
          %add3A_214 = arith.addi %sub3A_208, %add3A_213 : vector<16xi32>
          %select_n3A_215 = arith.select %lt3A_211, %add3A_214, %sub3A_208 : vector<16xi1>, vector<16xi32>
          %reshape3A = vector.shape_cast %select_n3A_215 : vector<16xi32> to vector<16x1xi32>
          %gather3A = vector.shape_cast %reshape3A : vector<16x1xi32> to vector<16xi32>
          %gather3A_216 = tpu.dynamic_gather %get3A_154[%gather3A] in [0] : vector<16xf32>, vector<16xi32> -> vector<16xf32>
          %add3A_217 = arith.addf %scan3A_207, %gather3A_216 : vector<16xf32>
          scf.yield %add3A_217 : vector<16xf32>
        }
        %scan3A_162 = arith.constant 13 : i32
        %convert_element_type3A_163 = arith.fptosi %scan3A_161 : vector<16xf32> to vector<16xi32>
        %max3A = arith.constant 1 : i32
        %max3A_164 = vector.broadcast %max3A : i32 to vector<16xi32>
        %max3A_165 = arith.maxsi %convert_element_type3A_163, %max3A_164 : vector<16xi32>
        %scan3A_166 = arith.constant 0 : i32
        %scan3A_167 = arith.constant 0 : i32
        %scan3A_168 = arith.constant 35 : i32
        %scan3A_169 = arith.addi %scan3A_167, %scan3A_168 : i32
        %scan3A_170 = arith.constant 1 : i32
        scf.for %scan3A_206 = %scan3A_167 to %scan3A_169 step %scan3A_170  : i32 {
          %mul3A_207 = arith.constant 15 : i32
          %mul3A_208 = arith.muli %scan3A_206, %mul3A_207 : i32
          %mul3A_209 = arith.constant 16 : i32
          %mul3A_210 = arith.muli %mul3A_208, %mul3A_209 : i32
          %get3A_211 = arith.index_cast %mul3A_210 : i32 to index
          %get3A_212 = tpu.vector_load %arg5[%get3A_211] {strides = array<i32>} : memref<8400xf32, #tpu.memory_space<vmem>>, vector<16xf32>,
          %mul3A_213 = arith.constant 15 : i32
          %mul3A_214 = arith.muli %scan3A_206, %mul3A_213 : i32
          %add3A_215 = arith.constant 1 : i32
          %add3A_216 = arith.addi %mul3A_214, %add3A_215 : i32
          %mul3A_217 = arith.constant 16 : i32
          %mul3A_218 = arith.muli %add3A_216, %mul3A_217 : i32
          %get3A_219 = arith.index_cast %mul3A_218 : i32 to index
          %get3A_220 = tpu.vector_load %arg5[%get3A_219] {strides = array<i32>} : memref<8400xf32, #tpu.memory_space<vmem>>, vector<16xf32>,
          %min3A = arith.minimumf %get3A_212, %get3A_220 : vector<16xf32>
          %mul3A_221 = arith.constant 15 : i32
          %mul3A_222 = arith.muli %scan3A_206, %mul3A_221 : i32
          %add3A_223 = arith.constant 2 : i32
          %add3A_224 = arith.addi %mul3A_222, %add3A_223 : i32
          %mul3A_225 = arith.constant 16 : i32
          %mul3A_226 = arith.muli %add3A_224, %mul3A_225 : i32
          %get3A_227 = arith.index_cast %mul3A_226 : i32 to index
          %get3A_228 = tpu.vector_load %arg5[%get3A_227] {strides = array<i32>} : memref<8400xf32, #tpu.memory_space<vmem>>, vector<16xf32>,
          %min3A_229 = arith.minimumf %min3A, %get3A_228 : vector<16xf32>
          %mul3A_230 = arith.constant 15 : i32
          %mul3A_231 = arith.muli %scan3A_206, %mul3A_230 : i32
          %add3A_232 = arith.constant 3 : i32
          %add3A_233 = arith.addi %mul3A_231, %add3A_232 : i32
          %mul3A_234 = arith.constant 16 : i32
          %mul3A_235 = arith.muli %add3A_233, %mul3A_234 : i32
          %get3A_236 = arith.index_cast %mul3A_235 : i32 to index
          %get3A_237 = tpu.vector_load %arg5[%get3A_236] {strides = array<i32>} : memref<8400xf32, #tpu.memory_space<vmem>>, vector<16xf32>,
          %min3A_238 = arith.minimumf %min3A_229, %get3A_237 : vector<16xf32>
          %mul3A_239 = arith.constant 15 : i32
          %mul3A_240 = arith.muli %scan3A_206, %mul3A_239 : i32
          %add3A_241 = arith.constant 4 : i32
          %add3A_242 = arith.addi %mul3A_240, %add3A_241 : i32
          %mul3A_243 = arith.constant 16 : i32
          %mul3A_244 = arith.muli %add3A_242, %mul3A_243 : i32
          %get3A_245 = arith.index_cast %mul3A_244 : i32 to index
          %get3A_246 = tpu.vector_load %arg5[%get3A_245] {strides = array<i32>} : memref<8400xf32, #tpu.memory_space<vmem>>, vector<16xf32>,
          %min3A_247 = arith.minimumf %min3A_238, %get3A_246 : vector<16xf32>
          %mul3A_248 = arith.constant 15 : i32
          %mul3A_249 = arith.muli %scan3A_206, %mul3A_248 : i32
          %add3A_250 = arith.constant 5 : i32
          %add3A_251 = arith.addi %mul3A_249, %add3A_250 : i32
          %mul3A_252 = arith.constant 16 : i32
          %mul3A_253 = arith.muli %add3A_251, %mul3A_252 : i32
          %get3A_254 = arith.index_cast %mul3A_253 : i32 to index
          %get3A_255 = tpu.vector_load %arg5[%get3A_254] {strides = array<i32>} : memref<8400xf32, #tpu.memory_space<vmem>>, vector<16xf32>,
          %min3A_256 = arith.minimumf %min3A_247, %get3A_255 : vector<16xf32>
          %mul3A_257 = arith.constant 15 : i32
          %mul3A_258 = arith.muli %scan3A_206, %mul3A_257 : i32
          %add3A_259 = arith.constant 6 : i32
          %add3A_260 = arith.addi %mul3A_258, %add3A_259 : i32
          %mul3A_261 = arith.constant 16 : i32
          %mul3A_262 = arith.muli %add3A_260, %mul3A_261 : i32
          %get3A_263 = arith.index_cast %mul3A_262 : i32 to index
          %get3A_264 = tpu.vector_load %arg5[%get3A_263] {strides = array<i32>} : memref<8400xf32, #tpu.memory_space<vmem>>, vector<16xf32>,
          %min3A_265 = arith.minimumf %min3A_256, %get3A_264 : vector<16xf32>
          %mul3A_266 = arith.constant 15 : i32
          %mul3A_267 = arith.muli %scan3A_206, %mul3A_266 : i32
          %add3A_268 = arith.constant 7 : i32
          %add3A_269 = arith.addi %mul3A_267, %add3A_268 : i32
          %mul3A_270 = arith.constant 16 : i32
          %mul3A_271 = arith.muli %add3A_269, %mul3A_270 : i32
          %get3A_272 = arith.index_cast %mul3A_271 : i32 to index
          %get3A_273 = tpu.vector_load %arg5[%get3A_272] {strides = array<i32>} : memref<8400xf32, #tpu.memory_space<vmem>>, vector<16xf32>,
          %min3A_274 = arith.minimumf %min3A_265, %get3A_273 : vector<16xf32>
          %mul3A_275 = arith.constant 15 : i32
          %mul3A_276 = arith.muli %scan3A_206, %mul3A_275 : i32
          %add3A_277 = arith.constant 8 : i32
          %add3A_278 = arith.addi %mul3A_276, %add3A_277 : i32
          %mul3A_279 = arith.constant 16 : i32
          %mul3A_280 = arith.muli %add3A_278, %mul3A_279 : i32
          %get3A_281 = arith.index_cast %mul3A_280 : i32 to index
          %get3A_282 = tpu.vector_load %arg5[%get3A_281] {strides = array<i32>} : memref<8400xf32, #tpu.memory_space<vmem>>, vector<16xf32>,
          %min3A_283 = arith.minimumf %min3A_274, %get3A_282 : vector<16xf32>
          %mul3A_284 = arith.constant 15 : i32
          %mul3A_285 = arith.muli %scan3A_206, %mul3A_284 : i32
          %add3A_286 = arith.constant 9 : i32
          %add3A_287 = arith.addi %mul3A_285, %add3A_286 : i32
          %mul3A_288 = arith.constant 16 : i32
          %mul3A_289 = arith.muli %add3A_287, %mul3A_288 : i32
          %get3A_290 = arith.index_cast %mul3A_289 : i32 to index
          %get3A_291 = tpu.vector_load %arg5[%get3A_290] {strides = array<i32>} : memref<8400xf32, #tpu.memory_space<vmem>>, vector<16xf32>,
          %min3A_292 = arith.minimumf %min3A_283, %get3A_291 : vector<16xf32>
          %mul3A_293 = arith.constant 15 : i32
          %mul3A_294 = arith.muli %scan3A_206, %mul3A_293 : i32
          %add3A_295 = arith.constant 10 : i32
          %add3A_296 = arith.addi %mul3A_294, %add3A_295 : i32
          %mul3A_297 = arith.constant 16 : i32
          %mul3A_298 = arith.muli %add3A_296, %mul3A_297 : i32
          %get3A_299 = arith.index_cast %mul3A_298 : i32 to index
          %get3A_300 = tpu.vector_load %arg5[%get3A_299] {strides = array<i32>} : memref<8400xf32, #tpu.memory_space<vmem>>, vector<16xf32>,
          %min3A_301 = arith.minimumf %min3A_292, %get3A_300 : vector<16xf32>
          %mul3A_302 = arith.constant 15 : i32
          %mul3A_303 = arith.muli %scan3A_206, %mul3A_302 : i32
          %add3A_304 = arith.constant 11 : i32
          %add3A_305 = arith.addi %mul3A_303, %add3A_304 : i32
          %mul3A_306 = arith.constant 16 : i32
          %mul3A_307 = arith.muli %add3A_305, %mul3A_306 : i32
          %get3A_308 = arith.index_cast %mul3A_307 : i32 to index
          %get3A_309 = tpu.vector_load %arg5[%get3A_308] {strides = array<i32>} : memref<8400xf32, #tpu.memory_space<vmem>>, vector<16xf32>,
          %min3A_310 = arith.minimumf %min3A_301, %get3A_309 : vector<16xf32>
          %mul3A_311 = arith.constant 15 : i32
          %mul3A_312 = arith.muli %scan3A_206, %mul3A_311 : i32
          %add3A_313 = arith.constant 12 : i32
          %add3A_314 = arith.addi %mul3A_312, %add3A_313 : i32
          %mul3A_315 = arith.constant 16 : i32
          %mul3A_316 = arith.muli %add3A_314, %mul3A_315 : i32
          %get3A_317 = arith.index_cast %mul3A_316 : i32 to index
          %get3A_318 = tpu.vector_load %arg5[%get3A_317] {strides = array<i32>} : memref<8400xf32, #tpu.memory_space<vmem>>, vector<16xf32>,
          %min3A_319 = arith.minimumf %min3A_310, %get3A_318 : vector<16xf32>
          %mul3A_320 = arith.constant 15 : i32
          %mul3A_321 = arith.muli %scan3A_206, %mul3A_320 : i32
          %add3A_322 = arith.constant 13 : i32
          %add3A_323 = arith.addi %mul3A_321, %add3A_322 : i32
          %mul3A_324 = arith.constant 16 : i32
          %mul3A_325 = arith.muli %add3A_323, %mul3A_324 : i32
          %get3A_326 = arith.index_cast %mul3A_325 : i32 to index
          %get3A_327 = tpu.vector_load %arg5[%get3A_326] {strides = array<i32>} : memref<8400xf32, #tpu.memory_space<vmem>>, vector<16xf32>,
          %min3A_328 = arith.minimumf %min3A_319, %get3A_327 : vector<16xf32>
          %mul3A_329 = arith.constant 15 : i32
          %mul3A_330 = arith.muli %scan3A_206, %mul3A_329 : i32
          %add3A_331 = arith.constant 14 : i32
          %add3A_332 = arith.addi %mul3A_330, %add3A_331 : i32
          %mul3A_333 = arith.constant 16 : i32
          %mul3A_334 = arith.muli %add3A_332, %mul3A_333 : i32
          %get3A_335 = arith.index_cast %mul3A_334 : i32 to index
          %get3A_336 = tpu.vector_load %arg5[%get3A_335] {strides = array<i32>} : memref<8400xf32, #tpu.memory_space<vmem>>, vector<16xf32>,
          %min3A_337 = arith.minimumf %min3A_328, %get3A_336 : vector<16xf32>
          %mul3A_338 = arith.constant 16 : i32
          %mul3A_339 = arith.muli %scan3A_206, %mul3A_338 : i32
          %swap3A_340 = arith.index_cast %mul3A_339 : i32 to index
          %swap3A_341 = tpu.vector_load %arg8[%swap3A_340] {strides = array<i32>} : memref<560xf32, #tpu.memory_space<vmem>>, vector<16xf32>,
          tpu.vector_store %arg8[%swap3A_340], %min3A_337 {strides = array<i32>} : memref<560xf32, #tpu.memory_space<vmem>>, vector<16xf32>,
        }
        %scan3A_171 = arith.constant 35 : i32
        %broadcast_in_dim3A_172 = arith.constant 3.000000e+38 : f32
        %broadcast_in_dim3A_173 = vector.broadcast %broadcast_in_dim3A_172 : f32 to vector<16xf32>
        %scan3A_174 = arith.constant 0 : i32
        %scan3A_175 = arith.constant 35 : i32
        %scan3A_176 = arith.addi %scan3A_174, %scan3A_175 : i32
        %scan3A_177 = arith.constant 1 : i32
        %scan3A_178 = scf.for %scan3A_206 = %scan3A_174 to %scan3A_176 step %scan3A_177 iter_args(%scan3A_207 = %broadcast_in_dim3A_173) -> (vector<16xf32>)  : i32 {
          %mul3A_208 = arith.constant 16 : i32
          %mul3A_209 = arith.muli %scan3A_206, %mul3A_208 : i32
          %get3A_210 = arith.index_cast %mul3A_209 : i32 to index
          %get3A_211 = tpu.vector_load %arg8[%get3A_210] {strides = array<i32>} : memref<560xf32, #tpu.memory_space<vmem>>, vector<16xf32>,
          %sort3A = arith.constant dense<true> : vector<16xi1>
          %sort3A_212, %sort3A_213, %sort3A_214 = tpu.sort %get3A_211, %get3A_211 masked %sort3A : (vector<16xf32>, vector<16xf32>, vector<16xi1>) -> (vector<16xi1>, vector<16xf32>, vector<16xf32>)
          %rev3A = arith.constant 15 : i32
          %rev3A_215 = vector.broadcast %rev3A : i32 to vector<16xi32>
          %rev3A_216 = tpu.iota {dimensions = array<i32: 0>} : vector<16xi32>
          %rev3A_217 = arith.subi %rev3A_215, %rev3A_216 : vector<16xi32>
          %rev3A_218 = tpu.dynamic_gather %scan3A_207[%rev3A_217] in [0] : vector<16xf32>, vector<16xi32> -> vector<16xf32>
          %min3A = arith.minimumf %sort3A_213, %rev3A_218 : vector<16xf32>
          %sort3A_219 = arith.constant dense<true> : vector<16xi1>
          %sort3A_220, %sort3A_221, %sort3A_222 = tpu.sort %min3A, %min3A masked %sort3A_219 : (vector<16xf32>, vector<16xf32>, vector<16xi1>) -> (vector<16xi1>, vector<16xf32>, vector<16xf32>)
          scf.yield %sort3A_221 : vector<16xf32>
        }
        %scan3A_179 = arith.constant 35 : i32
        %slice3A_180 = vector.extract_strided_slice %scan3A_178 {offsets = [12], sizes = [1], strides = [1]} : vector<16xf32> to vector<1xf32>
        %squeeze3A_181 = vector.extract %slice3A_180[0] : f32 from vector<1xf32>
        %broadcast_in_dim3A_182 = arith.constant 3.000000e+38 : f32
        %broadcast_in_dim3A_183 = vector.broadcast %broadcast_in_dim3A_182 : f32 to vector<16xf32>
        %swap3A_184 = arith.constant 0 : index
        %swap3A_185 = tpu.vector_load %arg9[%swap3A_184] {strides = array<i32>} : memref<16xf32, #tpu.memory_space<vmem>>, vector<16xf32>,
        tpu.vector_store %arg9[%swap3A_184], %broadcast_in_dim3A_183 {strides = array<i32>} : memref<16xf32, #tpu.memory_space<vmem>>, vector<16xf32>,
        %broadcast_in_dim3A_186 = arith.constant -1 : i32
        %broadcast_in_dim3A_187 = vector.broadcast %broadcast_in_dim3A_186 : i32 to vector<16xi32>
        %swap3A_188 = arith.constant 0 : index
        %swap3A_189 = tpu.vector_load %arg10[%swap3A_188] {strides = array<i32>} : memref<16xi32, #tpu.memory_space<vmem>>, vector<16xi32>,
        tpu.vector_store %arg10[%swap3A_188], %broadcast_in_dim3A_187 {strides = array<i32>} : memref<16xi32, #tpu.memory_space<vmem>>, vector<16xi32>,
        %scan3A_190 = arith.constant 0 : i32
        %scan3A_191 = arith.constant 0 : i32
        %scan3A_192 = arith.constant 35 : i32
        %scan3A_193 = arith.addi %scan3A_191, %scan3A_192 : i32
        %scan3A_194 = arith.constant 1 : i32
        scf.for %scan3A_206 = %scan3A_191 to %scan3A_193 step %scan3A_194  : i32 {
          %mul3A_207 = arith.constant 16 : i32
          %mul3A_208 = arith.muli %scan3A_206, %mul3A_207 : i32
          %get3A_209 = arith.index_cast %mul3A_208 : i32 to index
          %get3A_210 = tpu.vector_load %arg8[%get3A_209] {strides = array<i32>} : memref<560xf32, #tpu.memory_space<vmem>>, vector<16xf32>,
          %lt3A_211 = arith.constant 0 : i32
          %lt3A_212 = vector.broadcast %lt3A_211 : i32 to vector<16xi32>
          %lt3A_213 = arith.cmpi slt, %select_n3A_21, %lt3A_212 : vector<16xi32>
          %add3A_214 = arith.constant 16 : i32
          %add3A_215 = vector.broadcast %add3A_214 : i32 to vector<16xi32>
          %add3A_216 = arith.addi %select_n3A_21, %add3A_215 : vector<16xi32>
          %select_n3A_217 = arith.select %lt3A_213, %add3A_216, %select_n3A_21 : vector<16xi1>, vector<16xi32>
          %reshape3A = vector.shape_cast %select_n3A_217 : vector<16xi32> to vector<16x1xi32>
          %gather3A = vector.shape_cast %reshape3A : vector<16x1xi32> to vector<16xi32>
          %gather3A_218 = tpu.dynamic_gather %get3A_210[%gather3A] in [0] : vector<16xf32>, vector<16xi32> -> vector<16xf32>
          %min3A = arith.minimumf %get3A_210, %gather3A_218 : vector<16xf32>
          %lt3A_219 = arith.constant 0 : i32
          %lt3A_220 = vector.broadcast %lt3A_219 : i32 to vector<16xi32>
          %lt3A_221 = arith.cmpi slt, %select_n3A_46, %lt3A_220 : vector<16xi32>
          %add3A_222 = arith.constant 16 : i32
          %add3A_223 = vector.broadcast %add3A_222 : i32 to vector<16xi32>
          %add3A_224 = arith.addi %select_n3A_46, %add3A_223 : vector<16xi32>
          %select_n3A_225 = arith.select %lt3A_221, %add3A_224, %select_n3A_46 : vector<16xi1>, vector<16xi32>
          %reshape3A_226 = vector.shape_cast %select_n3A_225 : vector<16xi32> to vector<16x1xi32>
          %gather3A_227 = vector.shape_cast %reshape3A_226 : vector<16x1xi32> to vector<16xi32>
          %gather3A_228 = tpu.dynamic_gather %min3A[%gather3A_227] in [0] : vector<16xf32>, vector<16xi32> -> vector<16xf32>
          %min3A_229 = arith.minimumf %min3A, %gather3A_228 : vector<16xf32>
          %lt3A_230 = arith.constant 0 : i32
          %lt3A_231 = vector.broadcast %lt3A_230 : i32 to vector<16xi32>
          %lt3A_232 = arith.cmpi slt, %select_n3A_71, %lt3A_231 : vector<16xi32>
          %add3A_233 = arith.constant 16 : i32
          %add3A_234 = vector.broadcast %add3A_233 : i32 to vector<16xi32>
          %add3A_235 = arith.addi %select_n3A_71, %add3A_234 : vector<16xi32>
          %select_n3A_236 = arith.select %lt3A_232, %add3A_235, %select_n3A_71 : vector<16xi1>, vector<16xi32>
          %reshape3A_237 = vector.shape_cast %select_n3A_236 : vector<16xi32> to vector<16x1xi32>
          %gather3A_238 = vector.shape_cast %reshape3A_237 : vector<16x1xi32> to vector<16xi32>
          %gather3A_239 = tpu.dynamic_gather %min3A_229[%gather3A_238] in [0] : vector<16xf32>, vector<16xi32> -> vector<16xf32>
          %min3A_240 = arith.minimumf %min3A_229, %gather3A_239 : vector<16xf32>
          %lt3A_241 = arith.constant 0 : i32
          %lt3A_242 = vector.broadcast %lt3A_241 : i32 to vector<16xi32>
          %lt3A_243 = arith.cmpi slt, %select_n3A_96, %lt3A_242 : vector<16xi32>
          %add3A_244 = arith.constant 16 : i32
          %add3A_245 = vector.broadcast %add3A_244 : i32 to vector<16xi32>
          %add3A_246 = arith.addi %select_n3A_96, %add3A_245 : vector<16xi32>
          %select_n3A_247 = arith.select %lt3A_243, %add3A_246, %select_n3A_96 : vector<16xi1>, vector<16xi32>
          %reshape3A_248 = vector.shape_cast %select_n3A_247 : vector<16xi32> to vector<16x1xi32>
          %gather3A_249 = vector.shape_cast %reshape3A_248 : vector<16x1xi32> to vector<16xi32>
          %gather3A_250 = tpu.dynamic_gather %min3A_240[%gather3A_249] in [0] : vector<16xf32>, vector<16xi32> -> vector<16xf32>
          %min3A_251 = arith.minimumf %min3A_240, %gather3A_250 : vector<16xf32>
          %slice3A_252 = vector.extract_strided_slice %min3A_251 {offsets = [0], sizes = [1], strides = [1]} : vector<16xf32> to vector<1xf32>
          %squeeze3A_253 = vector.extract %slice3A_252[0] : f32 from vector<1xf32>
          %le3A = arith.cmpf ole, %squeeze3A_253, %squeeze3A_181 : f32
          %convert_element_type3A_254 = arith.extui %le3A : i1 to i32
          %cond3A_255 = arith.constant 0 : i32
          %cond3A_256 = arith.cmpi ne, %convert_element_type3A_254, %cond3A_255 : i32
          scf.if %cond3A_256 {
            %mul3A_257 = arith.constant 15 : i32
            %mul3A_258 = arith.muli %scan3A_206, %mul3A_257 : i32
            %add3A_259 = arith.constant 0 : i32
            %add3A_260 = arith.addi %mul3A_258, %add3A_259 : i32
            %mul3A_261 = arith.constant 16 : i32
            %mul3A_262 = arith.muli %add3A_260, %mul3A_261 : i32
            %get3A_263 = arith.index_cast %mul3A_262 : i32 to index
            %get3A_264 = tpu.vector_load %arg5[%get3A_263] {strides = array<i32>} : memref<8400xf32, #tpu.memory_space<vmem>>, vector<16xf32>,
            %mul3A_265 = arith.constant 16 : i32
            %mul3A_266 = arith.muli %add3A_260, %mul3A_265 : i32
            %add3A_267 = vector.broadcast %mul3A_266 : i32 to vector<16xi32>
            %add3A_268 = arith.addi %iota3A, %add3A_267 : vector<16xi32>
            %masked_sort3A = arith.constant dense<true> : vector<16xi1>
            %masked_sort3A_269, %masked_sort3A_270, %masked_sort3A_271 = tpu.sort %get3A_264, %add3A_268 masked %masked_sort3A : (vector<16xf32>, vector<16xi32>, vector<16xi1>) -> (vector<16xi1>, vector<16xf32>, vector<16xi32>)
            %get3A_272 = arith.constant 0 : index
            %get3A_273 = tpu.vector_load %arg9[%get3A_272] {strides = array<i32>} : memref<16xf32, #tpu.memory_space<vmem>>, vector<16xf32>,
            %rev3A = arith.constant 15 : i32
            %rev3A_274 = vector.broadcast %rev3A : i32 to vector<16xi32>
            %rev3A_275 = tpu.iota {dimensions = array<i32: 0>} : vector<16xi32>
            %rev3A_276 = arith.subi %rev3A_274, %rev3A_275 : vector<16xi32>
            %rev3A_277 = tpu.dynamic_gather %get3A_273[%rev3A_276] in [0] : vector<16xf32>, vector<16xi32> -> vector<16xf32>
            %get3A_278 = arith.constant 0 : index
            %get3A_279 = tpu.vector_load %arg10[%get3A_278] {strides = array<i32>} : memref<16xi32, #tpu.memory_space<vmem>>, vector<16xi32>,
            %rev3A_280 = arith.constant 15 : i32
            %rev3A_281 = vector.broadcast %rev3A_280 : i32 to vector<16xi32>
            %rev3A_282 = tpu.iota {dimensions = array<i32: 0>} : vector<16xi32>
            %rev3A_283 = arith.subi %rev3A_281, %rev3A_282 : vector<16xi32>
            %rev3A_284 = tpu.dynamic_gather %get3A_279[%rev3A_283] in [0] : vector<16xi32>, vector<16xi32> -> vector<16xi32>
            %le3A_285 = arith.cmpf ole, %masked_sort3A_270, %rev3A_277 : vector<16xf32>
            %select_n3A_286 = arith.select %le3A_285, %masked_sort3A_270, %rev3A_277 : vector<16xi1>, vector<16xf32>
            %select_n3A_287 = arith.select %le3A_285, %masked_sort3A_271, %rev3A_284 : vector<16xi1>, vector<16xi32>
            %masked_sort3A_288 = arith.constant dense<true> : vector<16xi1>
            %masked_sort3A_289, %masked_sort3A_290, %masked_sort3A_291 = tpu.sort %select_n3A_286, %select_n3A_287 masked %masked_sort3A_288 : (vector<16xf32>, vector<16xi32>, vector<16xi1>) -> (vector<16xi1>, vector<16xf32>, vector<16xi32>)
            %swap3A_292 = arith.constant 0 : index
            %swap3A_293 = tpu.vector_load %arg9[%swap3A_292] {strides = array<i32>} : memref<16xf32, #tpu.memory_space<vmem>>, vector<16xf32>,
            tpu.vector_store %arg9[%swap3A_292], %masked_sort3A_290 {strides = array<i32>} : memref<16xf32, #tpu.memory_space<vmem>>, vector<16xf32>,
            %swap3A_294 = arith.constant 0 : index
            %swap3A_295 = tpu.vector_load %arg10[%swap3A_294] {strides = array<i32>} : memref<16xi32, #tpu.memory_space<vmem>>, vector<16xi32>,
            tpu.vector_store %arg10[%swap3A_294], %masked_sort3A_291 {strides = array<i32>} : memref<16xi32, #tpu.memory_space<vmem>>, vector<16xi32>,
            %mul3A_296 = arith.constant 15 : i32
            %mul3A_297 = arith.muli %scan3A_206, %mul3A_296 : i32
            %add3A_298 = arith.constant 1 : i32
            %add3A_299 = arith.addi %mul3A_297, %add3A_298 : i32
            %mul3A_300 = arith.constant 16 : i32
            %mul3A_301 = arith.muli %add3A_299, %mul3A_300 : i32
            %get3A_302 = arith.index_cast %mul3A_301 : i32 to index
            %get3A_303 = tpu.vector_load %arg5[%get3A_302] {strides = array<i32>} : memref<8400xf32, #tpu.memory_space<vmem>>, vector<16xf32>,
            %mul3A_304 = arith.constant 16 : i32
            %mul3A_305 = arith.muli %add3A_299, %mul3A_304 : i32
            %add3A_306 = vector.broadcast %mul3A_305 : i32 to vector<16xi32>
            %add3A_307 = arith.addi %iota3A, %add3A_306 : vector<16xi32>
            %masked_sort3A_308 = arith.constant dense<true> : vector<16xi1>
            %masked_sort3A_309, %masked_sort3A_310, %masked_sort3A_311 = tpu.sort %get3A_303, %add3A_307 masked %masked_sort3A_308 : (vector<16xf32>, vector<16xi32>, vector<16xi1>) -> (vector<16xi1>, vector<16xf32>, vector<16xi32>)
            %get3A_312 = arith.constant 0 : index
            %get3A_313 = tpu.vector_load %arg9[%get3A_312] {strides = array<i32>} : memref<16xf32, #tpu.memory_space<vmem>>, vector<16xf32>,
            %rev3A_314 = arith.constant 15 : i32
            %rev3A_315 = vector.broadcast %rev3A_314 : i32 to vector<16xi32>
            %rev3A_316 = tpu.iota {dimensions = array<i32: 0>} : vector<16xi32>
            %rev3A_317 = arith.subi %rev3A_315, %rev3A_316 : vector<16xi32>
            %rev3A_318 = tpu.dynamic_gather %get3A_313[%rev3A_317] in [0] : vector<16xf32>, vector<16xi32> -> vector<16xf32>
            %get3A_319 = arith.constant 0 : index
            %get3A_320 = tpu.vector_load %arg10[%get3A_319] {strides = array<i32>} : memref<16xi32, #tpu.memory_space<vmem>>, vector<16xi32>,
            %rev3A_321 = arith.constant 15 : i32
            %rev3A_322 = vector.broadcast %rev3A_321 : i32 to vector<16xi32>
            %rev3A_323 = tpu.iota {dimensions = array<i32: 0>} : vector<16xi32>
            %rev3A_324 = arith.subi %rev3A_322, %rev3A_323 : vector<16xi32>
            %rev3A_325 = tpu.dynamic_gather %get3A_320[%rev3A_324] in [0] : vector<16xi32>, vector<16xi32> -> vector<16xi32>
            %le3A_326 = arith.cmpf ole, %masked_sort3A_310, %rev3A_318 : vector<16xf32>
            %select_n3A_327 = arith.select %le3A_326, %masked_sort3A_310, %rev3A_318 : vector<16xi1>, vector<16xf32>
            %select_n3A_328 = arith.select %le3A_326, %masked_sort3A_311, %rev3A_325 : vector<16xi1>, vector<16xi32>
            %masked_sort3A_329 = arith.constant dense<true> : vector<16xi1>
            %masked_sort3A_330, %masked_sort3A_331, %masked_sort3A_332 = tpu.sort %select_n3A_327, %select_n3A_328 masked %masked_sort3A_329 : (vector<16xf32>, vector<16xi32>, vector<16xi1>) -> (vector<16xi1>, vector<16xf32>, vector<16xi32>)
            %swap3A_333 = arith.constant 0 : index
            %swap3A_334 = tpu.vector_load %arg9[%swap3A_333] {strides = array<i32>} : memref<16xf32, #tpu.memory_space<vmem>>, vector<16xf32>,
            tpu.vector_store %arg9[%swap3A_333], %masked_sort3A_331 {strides = array<i32>} : memref<16xf32, #tpu.memory_space<vmem>>, vector<16xf32>,
            %swap3A_335 = arith.constant 0 : index
            %swap3A_336 = tpu.vector_load %arg10[%swap3A_335] {strides = array<i32>} : memref<16xi32, #tpu.memory_space<vmem>>, vector<16xi32>,
            tpu.vector_store %arg10[%swap3A_335], %masked_sort3A_332 {strides = array<i32>} : memref<16xi32, #tpu.memory_space<vmem>>, vector<16xi32>,
            %mul3A_337 = arith.constant 15 : i32
            %mul3A_338 = arith.muli %scan3A_206, %mul3A_337 : i32
            %add3A_339 = arith.constant 2 : i32
            %add3A_340 = arith.addi %mul3A_338, %add3A_339 : i32
            %mul3A_341 = arith.constant 16 : i32
            %mul3A_342 = arith.muli %add3A_340, %mul3A_341 : i32
            %get3A_343 = arith.index_cast %mul3A_342 : i32 to index
            %get3A_344 = tpu.vector_load %arg5[%get3A_343] {strides = array<i32>} : memref<8400xf32, #tpu.memory_space<vmem>>, vector<16xf32>,
            %mul3A_345 = arith.constant 16 : i32
            %mul3A_346 = arith.muli %add3A_340, %mul3A_345 : i32
            %add3A_347 = vector.broadcast %mul3A_346 : i32 to vector<16xi32>
            %add3A_348 = arith.addi %iota3A, %add3A_347 : vector<16xi32>
            %masked_sort3A_349 = arith.constant dense<true> : vector<16xi1>
            %masked_sort3A_350, %masked_sort3A_351, %masked_sort3A_352 = tpu.sort %get3A_344, %add3A_348 masked %masked_sort3A_349 : (vector<16xf32>, vector<16xi32>, vector<16xi1>) -> (vector<16xi1>, vector<16xf32>, vector<16xi32>)
            %get3A_353 = arith.constant 0 : index
            %get3A_354 = tpu.vector_load %arg9[%get3A_353] {strides = array<i32>} : memref<16xf32, #tpu.memory_space<vmem>>, vector<16xf32>,
            %rev3A_355 = arith.constant 15 : i32
            %rev3A_356 = vector.broadcast %rev3A_355 : i32 to vector<16xi32>
            %rev3A_357 = tpu.iota {dimensions = array<i32: 0>} : vector<16xi32>
            %rev3A_358 = arith.subi %rev3A_356, %rev3A_357 : vector<16xi32>
            %rev3A_359 = tpu.dynamic_gather %get3A_354[%rev3A_358] in [0] : vector<16xf32>, vector<16xi32> -> vector<16xf32>
            %get3A_360 = arith.constant 0 : index
            %get3A_361 = tpu.vector_load %arg10[%get3A_360] {strides = array<i32>} : memref<16xi32, #tpu.memory_space<vmem>>, vector<16xi32>,
            %rev3A_362 = arith.constant 15 : i32
            %rev3A_363 = vector.broadcast %rev3A_362 : i32 to vector<16xi32>
            %rev3A_364 = tpu.iota {dimensions = array<i32: 0>} : vector<16xi32>
            %rev3A_365 = arith.subi %rev3A_363, %rev3A_364 : vector<16xi32>
            %rev3A_366 = tpu.dynamic_gather %get3A_361[%rev3A_365] in [0] : vector<16xi32>, vector<16xi32> -> vector<16xi32>
            %le3A_367 = arith.cmpf ole, %masked_sort3A_351, %rev3A_359 : vector<16xf32>
            %select_n3A_368 = arith.select %le3A_367, %masked_sort3A_351, %rev3A_359 : vector<16xi1>, vector<16xf32>
            %select_n3A_369 = arith.select %le3A_367, %masked_sort3A_352, %rev3A_366 : vector<16xi1>, vector<16xi32>
            %masked_sort3A_370 = arith.constant dense<true> : vector<16xi1>
            %masked_sort3A_371, %masked_sort3A_372, %masked_sort3A_373 = tpu.sort %select_n3A_368, %select_n3A_369 masked %masked_sort3A_370 : (vector<16xf32>, vector<16xi32>, vector<16xi1>) -> (vector<16xi1>, vector<16xf32>, vector<16xi32>)
            %swap3A_374 = arith.constant 0 : index
            %swap3A_375 = tpu.vector_load %arg9[%swap3A_374] {strides = array<i32>} : memref<16xf32, #tpu.memory_space<vmem>>, vector<16xf32>,
            tpu.vector_store %arg9[%swap3A_374], %masked_sort3A_372 {strides = array<i32>} : memref<16xf32, #tpu.memory_space<vmem>>, vector<16xf32>,
            %swap3A_376 = arith.constant 0 : index
            %swap3A_377 = tpu.vector_load %arg10[%swap3A_376] {strides = array<i32>} : memref<16xi32, #tpu.memory_space<vmem>>, vector<16xi32>,
            tpu.vector_store %arg10[%swap3A_376], %masked_sort3A_373 {strides = array<i32>} : memref<16xi32, #tpu.memory_space<vmem>>, vector<16xi32>,
            %mul3A_378 = arith.constant 15 : i32
            %mul3A_379 = arith.muli %scan3A_206, %mul3A_378 : i32
            %add3A_380 = arith.constant 3 : i32
            %add3A_381 = arith.addi %mul3A_379, %add3A_380 : i32
            %mul3A_382 = arith.constant 16 : i32
            %mul3A_383 = arith.muli %add3A_381, %mul3A_382 : i32
            %get3A_384 = arith.index_cast %mul3A_383 : i32 to index
            %get3A_385 = tpu.vector_load %arg5[%get3A_384] {strides = array<i32>} : memref<8400xf32, #tpu.memory_space<vmem>>, vector<16xf32>,
            %mul3A_386 = arith.constant 16 : i32
            %mul3A_387 = arith.muli %add3A_381, %mul3A_386 : i32
            %add3A_388 = vector.broadcast %mul3A_387 : i32 to vector<16xi32>
            %add3A_389 = arith.addi %iota3A, %add3A_388 : vector<16xi32>
            %masked_sort3A_390 = arith.constant dense<true> : vector<16xi1>
            %masked_sort3A_391, %masked_sort3A_392, %masked_sort3A_393 = tpu.sort %get3A_385, %add3A_389 masked %masked_sort3A_390 : (vector<16xf32>, vector<16xi32>, vector<16xi1>) -> (vector<16xi1>, vector<16xf32>, vector<16xi32>)
            %get3A_394 = arith.constant 0 : index
            %get3A_395 = tpu.vector_load %arg9[%get3A_394] {strides = array<i32>} : memref<16xf32, #tpu.memory_space<vmem>>, vector<16xf32>,
            %rev3A_396 = arith.constant 15 : i32
            %rev3A_397 = vector.broadcast %rev3A_396 : i32 to vector<16xi32>
            %rev3A_398 = tpu.iota {dimensions = array<i32: 0>} : vector<16xi32>
            %rev3A_399 = arith.subi %rev3A_397, %rev3A_398 : vector<16xi32>
            %rev3A_400 = tpu.dynamic_gather %get3A_395[%rev3A_399] in [0] : vector<16xf32>, vector<16xi32> -> vector<16xf32>
            %get3A_401 = arith.constant 0 : index
            %get3A_402 = tpu.vector_load %arg10[%get3A_401] {strides = array<i32>} : memref<16xi32, #tpu.memory_space<vmem>>, vector<16xi32>,
            %rev3A_403 = arith.constant 15 : i32
            %rev3A_404 = vector.broadcast %rev3A_403 : i32 to vector<16xi32>
            %rev3A_405 = tpu.iota {dimensions = array<i32: 0>} : vector<16xi32>
            %rev3A_406 = arith.subi %rev3A_404, %rev3A_405 : vector<16xi32>
            %rev3A_407 = tpu.dynamic_gather %get3A_402[%rev3A_406] in [0] : vector<16xi32>, vector<16xi32> -> vector<16xi32>
            %le3A_408 = arith.cmpf ole, %masked_sort3A_392, %rev3A_400 : vector<16xf32>
            %select_n3A_409 = arith.select %le3A_408, %masked_sort3A_392, %rev3A_400 : vector<16xi1>, vector<16xf32>
            %select_n3A_410 = arith.select %le3A_408, %masked_sort3A_393, %rev3A_407 : vector<16xi1>, vector<16xi32>
            %masked_sort3A_411 = arith.constant dense<true> : vector<16xi1>
            %masked_sort3A_412, %masked_sort3A_413, %masked_sort3A_414 = tpu.sort %select_n3A_409, %select_n3A_410 masked %masked_sort3A_411 : (vector<16xf32>, vector<16xi32>, vector<16xi1>) -> (vector<16xi1>, vector<16xf32>, vector<16xi32>)
            %swap3A_415 = arith.constant 0 : index
            %swap3A_416 = tpu.vector_load %arg9[%swap3A_415] {strides = array<i32>} : memref<16xf32, #tpu.memory_space<vmem>>, vector<16xf32>,
            tpu.vector_store %arg9[%swap3A_415], %masked_sort3A_413 {strides = array<i32>} : memref<16xf32, #tpu.memory_space<vmem>>, vector<16xf32>,
            %swap3A_417 = arith.constant 0 : index
            %swap3A_418 = tpu.vector_load %arg10[%swap3A_417] {strides = array<i32>} : memref<16xi32, #tpu.memory_space<vmem>>, vector<16xi32>,
            tpu.vector_store %arg10[%swap3A_417], %masked_sort3A_414 {strides = array<i32>} : memref<16xi32, #tpu.memory_space<vmem>>, vector<16xi32>,
            %mul3A_419 = arith.constant 15 : i32
            %mul3A_420 = arith.muli %scan3A_206, %mul3A_419 : i32
            %add3A_421 = arith.constant 4 : i32
            %add3A_422 = arith.addi %mul3A_420, %add3A_421 : i32
            %mul3A_423 = arith.constant 16 : i32
            %mul3A_424 = arith.muli %add3A_422, %mul3A_423 : i32
            %get3A_425 = arith.index_cast %mul3A_424 : i32 to index
            %get3A_426 = tpu.vector_load %arg5[%get3A_425] {strides = array<i32>} : memref<8400xf32, #tpu.memory_space<vmem>>, vector<16xf32>,
            %mul3A_427 = arith.constant 16 : i32
            %mul3A_428 = arith.muli %add3A_422, %mul3A_427 : i32
            %add3A_429 = vector.broadcast %mul3A_428 : i32 to vector<16xi32>
            %add3A_430 = arith.addi %iota3A, %add3A_429 : vector<16xi32>
            %masked_sort3A_431 = arith.constant dense<true> : vector<16xi1>
            %masked_sort3A_432, %masked_sort3A_433, %masked_sort3A_434 = tpu.sort %get3A_426, %add3A_430 masked %masked_sort3A_431 : (vector<16xf32>, vector<16xi32>, vector<16xi1>) -> (vector<16xi1>, vector<16xf32>, vector<16xi32>)
            %get3A_435 = arith.constant 0 : index
            %get3A_436 = tpu.vector_load %arg9[%get3A_435] {strides = array<i32>} : memref<16xf32, #tpu.memory_space<vmem>>, vector<16xf32>,
            %rev3A_437 = arith.constant 15 : i32
            %rev3A_438 = vector.broadcast %rev3A_437 : i32 to vector<16xi32>
            %rev3A_439 = tpu.iota {dimensions = array<i32: 0>} : vector<16xi32>
            %rev3A_440 = arith.subi %rev3A_438, %rev3A_439 : vector<16xi32>
            %rev3A_441 = tpu.dynamic_gather %get3A_436[%rev3A_440] in [0] : vector<16xf32>, vector<16xi32> -> vector<16xf32>
            %get3A_442 = arith.constant 0 : index
            %get3A_443 = tpu.vector_load %arg10[%get3A_442] {strides = array<i32>} : memref<16xi32, #tpu.memory_space<vmem>>, vector<16xi32>,
            %rev3A_444 = arith.constant 15 : i32
            %rev3A_445 = vector.broadcast %rev3A_444 : i32 to vector<16xi32>
            %rev3A_446 = tpu.iota {dimensions = array<i32: 0>} : vector<16xi32>
            %rev3A_447 = arith.subi %rev3A_445, %rev3A_446 : vector<16xi32>
            %rev3A_448 = tpu.dynamic_gather %get3A_443[%rev3A_447] in [0] : vector<16xi32>, vector<16xi32> -> vector<16xi32>
            %le3A_449 = arith.cmpf ole, %masked_sort3A_433, %rev3A_441 : vector<16xf32>
            %select_n3A_450 = arith.select %le3A_449, %masked_sort3A_433, %rev3A_441 : vector<16xi1>, vector<16xf32>
            %select_n3A_451 = arith.select %le3A_449, %masked_sort3A_434, %rev3A_448 : vector<16xi1>, vector<16xi32>
            %masked_sort3A_452 = arith.constant dense<true> : vector<16xi1>
            %masked_sort3A_453, %masked_sort3A_454, %masked_sort3A_455 = tpu.sort %select_n3A_450, %select_n3A_451 masked %masked_sort3A_452 : (vector<16xf32>, vector<16xi32>, vector<16xi1>) -> (vector<16xi1>, vector<16xf32>, vector<16xi32>)
            %swap3A_456 = arith.constant 0 : index
            %swap3A_457 = tpu.vector_load %arg9[%swap3A_456] {strides = array<i32>} : memref<16xf32, #tpu.memory_space<vmem>>, vector<16xf32>,
            tpu.vector_store %arg9[%swap3A_456], %masked_sort3A_454 {strides = array<i32>} : memref<16xf32, #tpu.memory_space<vmem>>, vector<16xf32>,
            %swap3A_458 = arith.constant 0 : index
            %swap3A_459 = tpu.vector_load %arg10[%swap3A_458] {strides = array<i32>} : memref<16xi32, #tpu.memory_space<vmem>>, vector<16xi32>,
            tpu.vector_store %arg10[%swap3A_458], %masked_sort3A_455 {strides = array<i32>} : memref<16xi32, #tpu.memory_space<vmem>>, vector<16xi32>,
            %mul3A_460 = arith.constant 15 : i32
            %mul3A_461 = arith.muli %scan3A_206, %mul3A_460 : i32
            %add3A_462 = arith.constant 5 : i32
            %add3A_463 = arith.addi %mul3A_461, %add3A_462 : i32
            %mul3A_464 = arith.constant 16 : i32
            %mul3A_465 = arith.muli %add3A_463, %mul3A_464 : i32
            %get3A_466 = arith.index_cast %mul3A_465 : i32 to index
            %get3A_467 = tpu.vector_load %arg5[%get3A_466] {strides = array<i32>} : memref<8400xf32, #tpu.memory_space<vmem>>, vector<16xf32>,
            %mul3A_468 = arith.constant 16 : i32
            %mul3A_469 = arith.muli %add3A_463, %mul3A_468 : i32
            %add3A_470 = vector.broadcast %mul3A_469 : i32 to vector<16xi32>
            %add3A_471 = arith.addi %iota3A, %add3A_470 : vector<16xi32>
            %masked_sort3A_472 = arith.constant dense<true> : vector<16xi1>
            %masked_sort3A_473, %masked_sort3A_474, %masked_sort3A_475 = tpu.sort %get3A_467, %add3A_471 masked %masked_sort3A_472 : (vector<16xf32>, vector<16xi32>, vector<16xi1>) -> (vector<16xi1>, vector<16xf32>, vector<16xi32>)
            %get3A_476 = arith.constant 0 : index
            %get3A_477 = tpu.vector_load %arg9[%get3A_476] {strides = array<i32>} : memref<16xf32, #tpu.memory_space<vmem>>, vector<16xf32>,
            %rev3A_478 = arith.constant 15 : i32
            %rev3A_479 = vector.broadcast %rev3A_478 : i32 to vector<16xi32>
            %rev3A_480 = tpu.iota {dimensions = array<i32: 0>} : vector<16xi32>
            %rev3A_481 = arith.subi %rev3A_479, %rev3A_480 : vector<16xi32>
            %rev3A_482 = tpu.dynamic_gather %get3A_477[%rev3A_481] in [0] : vector<16xf32>, vector<16xi32> -> vector<16xf32>
            %get3A_483 = arith.constant 0 : index
            %get3A_484 = tpu.vector_load %arg10[%get3A_483] {strides = array<i32>} : memref<16xi32, #tpu.memory_space<vmem>>, vector<16xi32>,
            %rev3A_485 = arith.constant 15 : i32
            %rev3A_486 = vector.broadcast %rev3A_485 : i32 to vector<16xi32>
            %rev3A_487 = tpu.iota {dimensions = array<i32: 0>} : vector<16xi32>
            %rev3A_488 = arith.subi %rev3A_486, %rev3A_487 : vector<16xi32>
            %rev3A_489 = tpu.dynamic_gather %get3A_484[%rev3A_488] in [0] : vector<16xi32>, vector<16xi32> -> vector<16xi32>
            %le3A_490 = arith.cmpf ole, %masked_sort3A_474, %rev3A_482 : vector<16xf32>
            %select_n3A_491 = arith.select %le3A_490, %masked_sort3A_474, %rev3A_482 : vector<16xi1>, vector<16xf32>
            %select_n3A_492 = arith.select %le3A_490, %masked_sort3A_475, %rev3A_489 : vector<16xi1>, vector<16xi32>
            %masked_sort3A_493 = arith.constant dense<true> : vector<16xi1>
            %masked_sort3A_494, %masked_sort3A_495, %masked_sort3A_496 = tpu.sort %select_n3A_491, %select_n3A_492 masked %masked_sort3A_493 : (vector<16xf32>, vector<16xi32>, vector<16xi1>) -> (vector<16xi1>, vector<16xf32>, vector<16xi32>)
            %swap3A_497 = arith.constant 0 : index
            %swap3A_498 = tpu.vector_load %arg9[%swap3A_497] {strides = array<i32>} : memref<16xf32, #tpu.memory_space<vmem>>, vector<16xf32>,
            tpu.vector_store %arg9[%swap3A_497], %masked_sort3A_495 {strides = array<i32>} : memref<16xf32, #tpu.memory_space<vmem>>, vector<16xf32>,
            %swap3A_499 = arith.constant 0 : index
            %swap3A_500 = tpu.vector_load %arg10[%swap3A_499] {strides = array<i32>} : memref<16xi32, #tpu.memory_space<vmem>>, vector<16xi32>,
            tpu.vector_store %arg10[%swap3A_499], %masked_sort3A_496 {strides = array<i32>} : memref<16xi32, #tpu.memory_space<vmem>>, vector<16xi32>,
            %mul3A_501 = arith.constant 15 : i32
            %mul3A_502 = arith.muli %scan3A_206, %mul3A_501 : i32
            %add3A_503 = arith.constant 6 : i32
            %add3A_504 = arith.addi %mul3A_502, %add3A_503 : i32
            %mul3A_505 = arith.constant 16 : i32
            %mul3A_506 = arith.muli %add3A_504, %mul3A_505 : i32
            %get3A_507 = arith.index_cast %mul3A_506 : i32 to index
            %get3A_508 = tpu.vector_load %arg5[%get3A_507] {strides = array<i32>} : memref<8400xf32, #tpu.memory_space<vmem>>, vector<16xf32>,
            %mul3A_509 = arith.constant 16 : i32
            %mul3A_510 = arith.muli %add3A_504, %mul3A_509 : i32
            %add3A_511 = vector.broadcast %mul3A_510 : i32 to vector<16xi32>
            %add3A_512 = arith.addi %iota3A, %add3A_511 : vector<16xi32>
            %masked_sort3A_513 = arith.constant dense<true> : vector<16xi1>
            %masked_sort3A_514, %masked_sort3A_515, %masked_sort3A_516 = tpu.sort %get3A_508, %add3A_512 masked %masked_sort3A_513 : (vector<16xf32>, vector<16xi32>, vector<16xi1>) -> (vector<16xi1>, vector<16xf32>, vector<16xi32>)
            %get3A_517 = arith.constant 0 : index
            %get3A_518 = tpu.vector_load %arg9[%get3A_517] {strides = array<i32>} : memref<16xf32, #tpu.memory_space<vmem>>, vector<16xf32>,
            %rev3A_519 = arith.constant 15 : i32
            %rev3A_520 = vector.broadcast %rev3A_519 : i32 to vector<16xi32>
            %rev3A_521 = tpu.iota {dimensions = array<i32: 0>} : vector<16xi32>
            %rev3A_522 = arith.subi %rev3A_520, %rev3A_521 : vector<16xi32>
            %rev3A_523 = tpu.dynamic_gather %get3A_518[%rev3A_522] in [0] : vector<16xf32>, vector<16xi32> -> vector<16xf32>
            %get3A_524 = arith.constant 0 : index
            %get3A_525 = tpu.vector_load %arg10[%get3A_524] {strides = array<i32>} : memref<16xi32, #tpu.memory_space<vmem>>, vector<16xi32>,
            %rev3A_526 = arith.constant 15 : i32
            %rev3A_527 = vector.broadcast %rev3A_526 : i32 to vector<16xi32>
            %rev3A_528 = tpu.iota {dimensions = array<i32: 0>} : vector<16xi32>
            %rev3A_529 = arith.subi %rev3A_527, %rev3A_528 : vector<16xi32>
            %rev3A_530 = tpu.dynamic_gather %get3A_525[%rev3A_529] in [0] : vector<16xi32>, vector<16xi32> -> vector<16xi32>
            %le3A_531 = arith.cmpf ole, %masked_sort3A_515, %rev3A_523 : vector<16xf32>
            %select_n3A_532 = arith.select %le3A_531, %masked_sort3A_515, %rev3A_523 : vector<16xi1>, vector<16xf32>
            %select_n3A_533 = arith.select %le3A_531, %masked_sort3A_516, %rev3A_530 : vector<16xi1>, vector<16xi32>
            %masked_sort3A_534 = arith.constant dense<true> : vector<16xi1>
            %masked_sort3A_535, %masked_sort3A_536, %masked_sort3A_537 = tpu.sort %select_n3A_532, %select_n3A_533 masked %masked_sort3A_534 : (vector<16xf32>, vector<16xi32>, vector<16xi1>) -> (vector<16xi1>, vector<16xf32>, vector<16xi32>)
            %swap3A_538 = arith.constant 0 : index
            %swap3A_539 = tpu.vector_load %arg9[%swap3A_538] {strides = array<i32>} : memref<16xf32, #tpu.memory_space<vmem>>, vector<16xf32>,
            tpu.vector_store %arg9[%swap3A_538], %masked_sort3A_536 {strides = array<i32>} : memref<16xf32, #tpu.memory_space<vmem>>, vector<16xf32>,
            %swap3A_540 = arith.constant 0 : index
            %swap3A_541 = tpu.vector_load %arg10[%swap3A_540] {strides = array<i32>} : memref<16xi32, #tpu.memory_space<vmem>>, vector<16xi32>,
            tpu.vector_store %arg10[%swap3A_540], %masked_sort3A_537 {strides = array<i32>} : memref<16xi32, #tpu.memory_space<vmem>>, vector<16xi32>,
            %mul3A_542 = arith.constant 15 : i32
            %mul3A_543 = arith.muli %scan3A_206, %mul3A_542 : i32
            %add3A_544 = arith.constant 7 : i32
            %add3A_545 = arith.addi %mul3A_543, %add3A_544 : i32
            %mul3A_546 = arith.constant 16 : i32
            %mul3A_547 = arith.muli %add3A_545, %mul3A_546 : i32
            %get3A_548 = arith.index_cast %mul3A_547 : i32 to index
            %get3A_549 = tpu.vector_load %arg5[%get3A_548] {strides = array<i32>} : memref<8400xf32, #tpu.memory_space<vmem>>, vector<16xf32>,
            %mul3A_550 = arith.constant 16 : i32
            %mul3A_551 = arith.muli %add3A_545, %mul3A_550 : i32
            %add3A_552 = vector.broadcast %mul3A_551 : i32 to vector<16xi32>
            %add3A_553 = arith.addi %iota3A, %add3A_552 : vector<16xi32>
            %masked_sort3A_554 = arith.constant dense<true> : vector<16xi1>
            %masked_sort3A_555, %masked_sort3A_556, %masked_sort3A_557 = tpu.sort %get3A_549, %add3A_553 masked %masked_sort3A_554 : (vector<16xf32>, vector<16xi32>, vector<16xi1>) -> (vector<16xi1>, vector<16xf32>, vector<16xi32>)
            %get3A_558 = arith.constant 0 : index
            %get3A_559 = tpu.vector_load %arg9[%get3A_558] {strides = array<i32>} : memref<16xf32, #tpu.memory_space<vmem>>, vector<16xf32>,
            %rev3A_560 = arith.constant 15 : i32
            %rev3A_561 = vector.broadcast %rev3A_560 : i32 to vector<16xi32>
            %rev3A_562 = tpu.iota {dimensions = array<i32: 0>} : vector<16xi32>
            %rev3A_563 = arith.subi %rev3A_561, %rev3A_562 : vector<16xi32>
            %rev3A_564 = tpu.dynamic_gather %get3A_559[%rev3A_563] in [0] : vector<16xf32>, vector<16xi32> -> vector<16xf32>
            %get3A_565 = arith.constant 0 : index
            %get3A_566 = tpu.vector_load %arg10[%get3A_565] {strides = array<i32>} : memref<16xi32, #tpu.memory_space<vmem>>, vector<16xi32>,
            %rev3A_567 = arith.constant 15 : i32
            %rev3A_568 = vector.broadcast %rev3A_567 : i32 to vector<16xi32>
            %rev3A_569 = tpu.iota {dimensions = array<i32: 0>} : vector<16xi32>
            %rev3A_570 = arith.subi %rev3A_568, %rev3A_569 : vector<16xi32>
            %rev3A_571 = tpu.dynamic_gather %get3A_566[%rev3A_570] in [0] : vector<16xi32>, vector<16xi32> -> vector<16xi32>
            %le3A_572 = arith.cmpf ole, %masked_sort3A_556, %rev3A_564 : vector<16xf32>
            %select_n3A_573 = arith.select %le3A_572, %masked_sort3A_556, %rev3A_564 : vector<16xi1>, vector<16xf32>
            %select_n3A_574 = arith.select %le3A_572, %masked_sort3A_557, %rev3A_571 : vector<16xi1>, vector<16xi32>
            %masked_sort3A_575 = arith.constant dense<true> : vector<16xi1>
            %masked_sort3A_576, %masked_sort3A_577, %masked_sort3A_578 = tpu.sort %select_n3A_573, %select_n3A_574 masked %masked_sort3A_575 : (vector<16xf32>, vector<16xi32>, vector<16xi1>) -> (vector<16xi1>, vector<16xf32>, vector<16xi32>)
            %swap3A_579 = arith.constant 0 : index
            %swap3A_580 = tpu.vector_load %arg9[%swap3A_579] {strides = array<i32>} : memref<16xf32, #tpu.memory_space<vmem>>, vector<16xf32>,
            tpu.vector_store %arg9[%swap3A_579], %masked_sort3A_577 {strides = array<i32>} : memref<16xf32, #tpu.memory_space<vmem>>, vector<16xf32>,
            %swap3A_581 = arith.constant 0 : index
            %swap3A_582 = tpu.vector_load %arg10[%swap3A_581] {strides = array<i32>} : memref<16xi32, #tpu.memory_space<vmem>>, vector<16xi32>,
            tpu.vector_store %arg10[%swap3A_581], %masked_sort3A_578 {strides = array<i32>} : memref<16xi32, #tpu.memory_space<vmem>>, vector<16xi32>,
            %mul3A_583 = arith.constant 15 : i32
            %mul3A_584 = arith.muli %scan3A_206, %mul3A_583 : i32
            %add3A_585 = arith.constant 8 : i32
            %add3A_586 = arith.addi %mul3A_584, %add3A_585 : i32
            %mul3A_587 = arith.constant 16 : i32
            %mul3A_588 = arith.muli %add3A_586, %mul3A_587 : i32
            %get3A_589 = arith.index_cast %mul3A_588 : i32 to index
            %get3A_590 = tpu.vector_load %arg5[%get3A_589] {strides = array<i32>} : memref<8400xf32, #tpu.memory_space<vmem>>, vector<16xf32>,
            %mul3A_591 = arith.constant 16 : i32
            %mul3A_592 = arith.muli %add3A_586, %mul3A_591 : i32
            %add3A_593 = vector.broadcast %mul3A_592 : i32 to vector<16xi32>
            %add3A_594 = arith.addi %iota3A, %add3A_593 : vector<16xi32>
            %masked_sort3A_595 = arith.constant dense<true> : vector<16xi1>
            %masked_sort3A_596, %masked_sort3A_597, %masked_sort3A_598 = tpu.sort %get3A_590, %add3A_594 masked %masked_sort3A_595 : (vector<16xf32>, vector<16xi32>, vector<16xi1>) -> (vector<16xi1>, vector<16xf32>, vector<16xi32>)
            %get3A_599 = arith.constant 0 : index
            %get3A_600 = tpu.vector_load %arg9[%get3A_599] {strides = array<i32>} : memref<16xf32, #tpu.memory_space<vmem>>, vector<16xf32>,
            %rev3A_601 = arith.constant 15 : i32
            %rev3A_602 = vector.broadcast %rev3A_601 : i32 to vector<16xi32>
            %rev3A_603 = tpu.iota {dimensions = array<i32: 0>} : vector<16xi32>
            %rev3A_604 = arith.subi %rev3A_602, %rev3A_603 : vector<16xi32>
            %rev3A_605 = tpu.dynamic_gather %get3A_600[%rev3A_604] in [0] : vector<16xf32>, vector<16xi32> -> vector<16xf32>
            %get3A_606 = arith.constant 0 : index
            %get3A_607 = tpu.vector_load %arg10[%get3A_606] {strides = array<i32>} : memref<16xi32, #tpu.memory_space<vmem>>, vector<16xi32>,
            %rev3A_608 = arith.constant 15 : i32
            %rev3A_609 = vector.broadcast %rev3A_608 : i32 to vector<16xi32>
            %rev3A_610 = tpu.iota {dimensions = array<i32: 0>} : vector<16xi32>
            %rev3A_611 = arith.subi %rev3A_609, %rev3A_610 : vector<16xi32>
            %rev3A_612 = tpu.dynamic_gather %get3A_607[%rev3A_611] in [0] : vector<16xi32>, vector<16xi32> -> vector<16xi32>
            %le3A_613 = arith.cmpf ole, %masked_sort3A_597, %rev3A_605 : vector<16xf32>
            %select_n3A_614 = arith.select %le3A_613, %masked_sort3A_597, %rev3A_605 : vector<16xi1>, vector<16xf32>
            %select_n3A_615 = arith.select %le3A_613, %masked_sort3A_598, %rev3A_612 : vector<16xi1>, vector<16xi32>
            %masked_sort3A_616 = arith.constant dense<true> : vector<16xi1>
            %masked_sort3A_617, %masked_sort3A_618, %masked_sort3A_619 = tpu.sort %select_n3A_614, %select_n3A_615 masked %masked_sort3A_616 : (vector<16xf32>, vector<16xi32>, vector<16xi1>) -> (vector<16xi1>, vector<16xf32>, vector<16xi32>)
            %swap3A_620 = arith.constant 0 : index
            %swap3A_621 = tpu.vector_load %arg9[%swap3A_620] {strides = array<i32>} : memref<16xf32, #tpu.memory_space<vmem>>, vector<16xf32>,
            tpu.vector_store %arg9[%swap3A_620], %masked_sort3A_618 {strides = array<i32>} : memref<16xf32, #tpu.memory_space<vmem>>, vector<16xf32>,
            %swap3A_622 = arith.constant 0 : index
            %swap3A_623 = tpu.vector_load %arg10[%swap3A_622] {strides = array<i32>} : memref<16xi32, #tpu.memory_space<vmem>>, vector<16xi32>,
            tpu.vector_store %arg10[%swap3A_622], %masked_sort3A_619 {strides = array<i32>} : memref<16xi32, #tpu.memory_space<vmem>>, vector<16xi32>,
            %mul3A_624 = arith.constant 15 : i32
            %mul3A_625 = arith.muli %scan3A_206, %mul3A_624 : i32
            %add3A_626 = arith.constant 9 : i32
            %add3A_627 = arith.addi %mul3A_625, %add3A_626 : i32
            %mul3A_628 = arith.constant 16 : i32
            %mul3A_629 = arith.muli %add3A_627, %mul3A_628 : i32
            %get3A_630 = arith.index_cast %mul3A_629 : i32 to index
            %get3A_631 = tpu.vector_load %arg5[%get3A_630] {strides = array<i32>} : memref<8400xf32, #tpu.memory_space<vmem>>, vector<16xf32>,
            %mul3A_632 = arith.constant 16 : i32
            %mul3A_633 = arith.muli %add3A_627, %mul3A_632 : i32
            %add3A_634 = vector.broadcast %mul3A_633 : i32 to vector<16xi32>
            %add3A_635 = arith.addi %iota3A, %add3A_634 : vector<16xi32>
            %masked_sort3A_636 = arith.constant dense<true> : vector<16xi1>
            %masked_sort3A_637, %masked_sort3A_638, %masked_sort3A_639 = tpu.sort %get3A_631, %add3A_635 masked %masked_sort3A_636 : (vector<16xf32>, vector<16xi32>, vector<16xi1>) -> (vector<16xi1>, vector<16xf32>, vector<16xi32>)
            %get3A_640 = arith.constant 0 : index
            %get3A_641 = tpu.vector_load %arg9[%get3A_640] {strides = array<i32>} : memref<16xf32, #tpu.memory_space<vmem>>, vector<16xf32>,
            %rev3A_642 = arith.constant 15 : i32
            %rev3A_643 = vector.broadcast %rev3A_642 : i32 to vector<16xi32>
            %rev3A_644 = tpu.iota {dimensions = array<i32: 0>} : vector<16xi32>
            %rev3A_645 = arith.subi %rev3A_643, %rev3A_644 : vector<16xi32>
            %rev3A_646 = tpu.dynamic_gather %get3A_641[%rev3A_645] in [0] : vector<16xf32>, vector<16xi32> -> vector<16xf32>
            %get3A_647 = arith.constant 0 : index
            %get3A_648 = tpu.vector_load %arg10[%get3A_647] {strides = array<i32>} : memref<16xi32, #tpu.memory_space<vmem>>, vector<16xi32>,
            %rev3A_649 = arith.constant 15 : i32
            %rev3A_650 = vector.broadcast %rev3A_649 : i32 to vector<16xi32>
            %rev3A_651 = tpu.iota {dimensions = array<i32: 0>} : vector<16xi32>
            %rev3A_652 = arith.subi %rev3A_650, %rev3A_651 : vector<16xi32>
            %rev3A_653 = tpu.dynamic_gather %get3A_648[%rev3A_652] in [0] : vector<16xi32>, vector<16xi32> -> vector<16xi32>
            %le3A_654 = arith.cmpf ole, %masked_sort3A_638, %rev3A_646 : vector<16xf32>
            %select_n3A_655 = arith.select %le3A_654, %masked_sort3A_638, %rev3A_646 : vector<16xi1>, vector<16xf32>
            %select_n3A_656 = arith.select %le3A_654, %masked_sort3A_639, %rev3A_653 : vector<16xi1>, vector<16xi32>
            %masked_sort3A_657 = arith.constant dense<true> : vector<16xi1>
            %masked_sort3A_658, %masked_sort3A_659, %masked_sort3A_660 = tpu.sort %select_n3A_655, %select_n3A_656 masked %masked_sort3A_657 : (vector<16xf32>, vector<16xi32>, vector<16xi1>) -> (vector<16xi1>, vector<16xf32>, vector<16xi32>)
            %swap3A_661 = arith.constant 0 : index
            %swap3A_662 = tpu.vector_load %arg9[%swap3A_661] {strides = array<i32>} : memref<16xf32, #tpu.memory_space<vmem>>, vector<16xf32>,
            tpu.vector_store %arg9[%swap3A_661], %masked_sort3A_659 {strides = array<i32>} : memref<16xf32, #tpu.memory_space<vmem>>, vector<16xf32>,
            %swap3A_663 = arith.constant 0 : index
            %swap3A_664 = tpu.vector_load %arg10[%swap3A_663] {strides = array<i32>} : memref<16xi32, #tpu.memory_space<vmem>>, vector<16xi32>,
            tpu.vector_store %arg10[%swap3A_663], %masked_sort3A_660 {strides = array<i32>} : memref<16xi32, #tpu.memory_space<vmem>>, vector<16xi32>,
            %mul3A_665 = arith.constant 15 : i32
            %mul3A_666 = arith.muli %scan3A_206, %mul3A_665 : i32
            %add3A_667 = arith.constant 10 : i32
            %add3A_668 = arith.addi %mul3A_666, %add3A_667 : i32
            %mul3A_669 = arith.constant 16 : i32
            %mul3A_670 = arith.muli %add3A_668, %mul3A_669 : i32
            %get3A_671 = arith.index_cast %mul3A_670 : i32 to index
            %get3A_672 = tpu.vector_load %arg5[%get3A_671] {strides = array<i32>} : memref<8400xf32, #tpu.memory_space<vmem>>, vector<16xf32>,
            %mul3A_673 = arith.constant 16 : i32
            %mul3A_674 = arith.muli %add3A_668, %mul3A_673 : i32
            %add3A_675 = vector.broadcast %mul3A_674 : i32 to vector<16xi32>
            %add3A_676 = arith.addi %iota3A, %add3A_675 : vector<16xi32>
            %masked_sort3A_677 = arith.constant dense<true> : vector<16xi1>
            %masked_sort3A_678, %masked_sort3A_679, %masked_sort3A_680 = tpu.sort %get3A_672, %add3A_676 masked %masked_sort3A_677 : (vector<16xf32>, vector<16xi32>, vector<16xi1>) -> (vector<16xi1>, vector<16xf32>, vector<16xi32>)
            %get3A_681 = arith.constant 0 : index
            %get3A_682 = tpu.vector_load %arg9[%get3A_681] {strides = array<i32>} : memref<16xf32, #tpu.memory_space<vmem>>, vector<16xf32>,
            %rev3A_683 = arith.constant 15 : i32
            %rev3A_684 = vector.broadcast %rev3A_683 : i32 to vector<16xi32>
            %rev3A_685 = tpu.iota {dimensions = array<i32: 0>} : vector<16xi32>
            %rev3A_686 = arith.subi %rev3A_684, %rev3A_685 : vector<16xi32>
            %rev3A_687 = tpu.dynamic_gather %get3A_682[%rev3A_686] in [0] : vector<16xf32>, vector<16xi32> -> vector<16xf32>
            %get3A_688 = arith.constant 0 : index
            %get3A_689 = tpu.vector_load %arg10[%get3A_688] {strides = array<i32>} : memref<16xi32, #tpu.memory_space<vmem>>, vector<16xi32>,
            %rev3A_690 = arith.constant 15 : i32
            %rev3A_691 = vector.broadcast %rev3A_690 : i32 to vector<16xi32>
            %rev3A_692 = tpu.iota {dimensions = array<i32: 0>} : vector<16xi32>
            %rev3A_693 = arith.subi %rev3A_691, %rev3A_692 : vector<16xi32>
            %rev3A_694 = tpu.dynamic_gather %get3A_689[%rev3A_693] in [0] : vector<16xi32>, vector<16xi32> -> vector<16xi32>
            %le3A_695 = arith.cmpf ole, %masked_sort3A_679, %rev3A_687 : vector<16xf32>
            %select_n3A_696 = arith.select %le3A_695, %masked_sort3A_679, %rev3A_687 : vector<16xi1>, vector<16xf32>
            %select_n3A_697 = arith.select %le3A_695, %masked_sort3A_680, %rev3A_694 : vector<16xi1>, vector<16xi32>
            %masked_sort3A_698 = arith.constant dense<true> : vector<16xi1>
            %masked_sort3A_699, %masked_sort3A_700, %masked_sort3A_701 = tpu.sort %select_n3A_696, %select_n3A_697 masked %masked_sort3A_698 : (vector<16xf32>, vector<16xi32>, vector<16xi1>) -> (vector<16xi1>, vector<16xf32>, vector<16xi32>)
            %swap3A_702 = arith.constant 0 : index
            %swap3A_703 = tpu.vector_load %arg9[%swap3A_702] {strides = array<i32>} : memref<16xf32, #tpu.memory_space<vmem>>, vector<16xf32>,
            tpu.vector_store %arg9[%swap3A_702], %masked_sort3A_700 {strides = array<i32>} : memref<16xf32, #tpu.memory_space<vmem>>, vector<16xf32>,
            %swap3A_704 = arith.constant 0 : index
            %swap3A_705 = tpu.vector_load %arg10[%swap3A_704] {strides = array<i32>} : memref<16xi32, #tpu.memory_space<vmem>>, vector<16xi32>,
            tpu.vector_store %arg10[%swap3A_704], %masked_sort3A_701 {strides = array<i32>} : memref<16xi32, #tpu.memory_space<vmem>>, vector<16xi32>,
            %mul3A_706 = arith.constant 15 : i32
            %mul3A_707 = arith.muli %scan3A_206, %mul3A_706 : i32
            %add3A_708 = arith.constant 11 : i32
            %add3A_709 = arith.addi %mul3A_707, %add3A_708 : i32
            %mul3A_710 = arith.constant 16 : i32
            %mul3A_711 = arith.muli %add3A_709, %mul3A_710 : i32
            %get3A_712 = arith.index_cast %mul3A_711 : i32 to index
            %get3A_713 = tpu.vector_load %arg5[%get3A_712] {strides = array<i32>} : memref<8400xf32, #tpu.memory_space<vmem>>, vector<16xf32>,
            %mul3A_714 = arith.constant 16 : i32
            %mul3A_715 = arith.muli %add3A_709, %mul3A_714 : i32
            %add3A_716 = vector.broadcast %mul3A_715 : i32 to vector<16xi32>
            %add3A_717 = arith.addi %iota3A, %add3A_716 : vector<16xi32>
            %masked_sort3A_718 = arith.constant dense<true> : vector<16xi1>
            %masked_sort3A_719, %masked_sort3A_720, %masked_sort3A_721 = tpu.sort %get3A_713, %add3A_717 masked %masked_sort3A_718 : (vector<16xf32>, vector<16xi32>, vector<16xi1>) -> (vector<16xi1>, vector<16xf32>, vector<16xi32>)
            %get3A_722 = arith.constant 0 : index
            %get3A_723 = tpu.vector_load %arg9[%get3A_722] {strides = array<i32>} : memref<16xf32, #tpu.memory_space<vmem>>, vector<16xf32>,
            %rev3A_724 = arith.constant 15 : i32
            %rev3A_725 = vector.broadcast %rev3A_724 : i32 to vector<16xi32>
            %rev3A_726 = tpu.iota {dimensions = array<i32: 0>} : vector<16xi32>
            %rev3A_727 = arith.subi %rev3A_725, %rev3A_726 : vector<16xi32>
            %rev3A_728 = tpu.dynamic_gather %get3A_723[%rev3A_727] in [0] : vector<16xf32>, vector<16xi32> -> vector<16xf32>
            %get3A_729 = arith.constant 0 : index
            %get3A_730 = tpu.vector_load %arg10[%get3A_729] {strides = array<i32>} : memref<16xi32, #tpu.memory_space<vmem>>, vector<16xi32>,
            %rev3A_731 = arith.constant 15 : i32
            %rev3A_732 = vector.broadcast %rev3A_731 : i32 to vector<16xi32>
            %rev3A_733 = tpu.iota {dimensions = array<i32: 0>} : vector<16xi32>
            %rev3A_734 = arith.subi %rev3A_732, %rev3A_733 : vector<16xi32>
            %rev3A_735 = tpu.dynamic_gather %get3A_730[%rev3A_734] in [0] : vector<16xi32>, vector<16xi32> -> vector<16xi32>
            %le3A_736 = arith.cmpf ole, %masked_sort3A_720, %rev3A_728 : vector<16xf32>
            %select_n3A_737 = arith.select %le3A_736, %masked_sort3A_720, %rev3A_728 : vector<16xi1>, vector<16xf32>
            %select_n3A_738 = arith.select %le3A_736, %masked_sort3A_721, %rev3A_735 : vector<16xi1>, vector<16xi32>
            %masked_sort3A_739 = arith.constant dense<true> : vector<16xi1>
            %masked_sort3A_740, %masked_sort3A_741, %masked_sort3A_742 = tpu.sort %select_n3A_737, %select_n3A_738 masked %masked_sort3A_739 : (vector<16xf32>, vector<16xi32>, vector<16xi1>) -> (vector<16xi1>, vector<16xf32>, vector<16xi32>)
            %swap3A_743 = arith.constant 0 : index
            %swap3A_744 = tpu.vector_load %arg9[%swap3A_743] {strides = array<i32>} : memref<16xf32, #tpu.memory_space<vmem>>, vector<16xf32>,
            tpu.vector_store %arg9[%swap3A_743], %masked_sort3A_741 {strides = array<i32>} : memref<16xf32, #tpu.memory_space<vmem>>, vector<16xf32>,
            %swap3A_745 = arith.constant 0 : index
            %swap3A_746 = tpu.vector_load %arg10[%swap3A_745] {strides = array<i32>} : memref<16xi32, #tpu.memory_space<vmem>>, vector<16xi32>,
            tpu.vector_store %arg10[%swap3A_745], %masked_sort3A_742 {strides = array<i32>} : memref<16xi32, #tpu.memory_space<vmem>>, vector<16xi32>,
            %mul3A_747 = arith.constant 15 : i32
            %mul3A_748 = arith.muli %scan3A_206, %mul3A_747 : i32
            %add3A_749 = arith.constant 12 : i32
            %add3A_750 = arith.addi %mul3A_748, %add3A_749 : i32
            %mul3A_751 = arith.constant 16 : i32
            %mul3A_752 = arith.muli %add3A_750, %mul3A_751 : i32
            %get3A_753 = arith.index_cast %mul3A_752 : i32 to index
            %get3A_754 = tpu.vector_load %arg5[%get3A_753] {strides = array<i32>} : memref<8400xf32, #tpu.memory_space<vmem>>, vector<16xf32>,
            %mul3A_755 = arith.constant 16 : i32
            %mul3A_756 = arith.muli %add3A_750, %mul3A_755 : i32
            %add3A_757 = vector.broadcast %mul3A_756 : i32 to vector<16xi32>
            %add3A_758 = arith.addi %iota3A, %add3A_757 : vector<16xi32>
            %masked_sort3A_759 = arith.constant dense<true> : vector<16xi1>
            %masked_sort3A_760, %masked_sort3A_761, %masked_sort3A_762 = tpu.sort %get3A_754, %add3A_758 masked %masked_sort3A_759 : (vector<16xf32>, vector<16xi32>, vector<16xi1>) -> (vector<16xi1>, vector<16xf32>, vector<16xi32>)
            %get3A_763 = arith.constant 0 : index
            %get3A_764 = tpu.vector_load %arg9[%get3A_763] {strides = array<i32>} : memref<16xf32, #tpu.memory_space<vmem>>, vector<16xf32>,
            %rev3A_765 = arith.constant 15 : i32
            %rev3A_766 = vector.broadcast %rev3A_765 : i32 to vector<16xi32>
            %rev3A_767 = tpu.iota {dimensions = array<i32: 0>} : vector<16xi32>
            %rev3A_768 = arith.subi %rev3A_766, %rev3A_767 : vector<16xi32>
            %rev3A_769 = tpu.dynamic_gather %get3A_764[%rev3A_768] in [0] : vector<16xf32>, vector<16xi32> -> vector<16xf32>
            %get3A_770 = arith.constant 0 : index
            %get3A_771 = tpu.vector_load %arg10[%get3A_770] {strides = array<i32>} : memref<16xi32, #tpu.memory_space<vmem>>, vector<16xi32>,
            %rev3A_772 = arith.constant 15 : i32
            %rev3A_773 = vector.broadcast %rev3A_772 : i32 to vector<16xi32>
            %rev3A_774 = tpu.iota {dimensions = array<i32: 0>} : vector<16xi32>
            %rev3A_775 = arith.subi %rev3A_773, %rev3A_774 : vector<16xi32>
            %rev3A_776 = tpu.dynamic_gather %get3A_771[%rev3A_775] in [0] : vector<16xi32>, vector<16xi32> -> vector<16xi32>
            %le3A_777 = arith.cmpf ole, %masked_sort3A_761, %rev3A_769 : vector<16xf32>
            %select_n3A_778 = arith.select %le3A_777, %masked_sort3A_761, %rev3A_769 : vector<16xi1>, vector<16xf32>
            %select_n3A_779 = arith.select %le3A_777, %masked_sort3A_762, %rev3A_776 : vector<16xi1>, vector<16xi32>
            %masked_sort3A_780 = arith.constant dense<true> : vector<16xi1>
            %masked_sort3A_781, %masked_sort3A_782, %masked_sort3A_783 = tpu.sort %select_n3A_778, %select_n3A_779 masked %masked_sort3A_780 : (vector<16xf32>, vector<16xi32>, vector<16xi1>) -> (vector<16xi1>, vector<16xf32>, vector<16xi32>)
            %swap3A_784 = arith.constant 0 : index
            %swap3A_785 = tpu.vector_load %arg9[%swap3A_784] {strides = array<i32>} : memref<16xf32, #tpu.memory_space<vmem>>, vector<16xf32>,
            tpu.vector_store %arg9[%swap3A_784], %masked_sort3A_782 {strides = array<i32>} : memref<16xf32, #tpu.memory_space<vmem>>, vector<16xf32>,
            %swap3A_786 = arith.constant 0 : index
            %swap3A_787 = tpu.vector_load %arg10[%swap3A_786] {strides = array<i32>} : memref<16xi32, #tpu.memory_space<vmem>>, vector<16xi32>,
            tpu.vector_store %arg10[%swap3A_786], %masked_sort3A_783 {strides = array<i32>} : memref<16xi32, #tpu.memory_space<vmem>>, vector<16xi32>,
            %mul3A_788 = arith.constant 15 : i32
            %mul3A_789 = arith.muli %scan3A_206, %mul3A_788 : i32
            %add3A_790 = arith.constant 13 : i32
            %add3A_791 = arith.addi %mul3A_789, %add3A_790 : i32
            %mul3A_792 = arith.constant 16 : i32
            %mul3A_793 = arith.muli %add3A_791, %mul3A_792 : i32
            %get3A_794 = arith.index_cast %mul3A_793 : i32 to index
            %get3A_795 = tpu.vector_load %arg5[%get3A_794] {strides = array<i32>} : memref<8400xf32, #tpu.memory_space<vmem>>, vector<16xf32>,
            %mul3A_796 = arith.constant 16 : i32
            %mul3A_797 = arith.muli %add3A_791, %mul3A_796 : i32
            %add3A_798 = vector.broadcast %mul3A_797 : i32 to vector<16xi32>
            %add3A_799 = arith.addi %iota3A, %add3A_798 : vector<16xi32>
            %masked_sort3A_800 = arith.constant dense<true> : vector<16xi1>
            %masked_sort3A_801, %masked_sort3A_802, %masked_sort3A_803 = tpu.sort %get3A_795, %add3A_799 masked %masked_sort3A_800 : (vector<16xf32>, vector<16xi32>, vector<16xi1>) -> (vector<16xi1>, vector<16xf32>, vector<16xi32>)
            %get3A_804 = arith.constant 0 : index
            %get3A_805 = tpu.vector_load %arg9[%get3A_804] {strides = array<i32>} : memref<16xf32, #tpu.memory_space<vmem>>, vector<16xf32>,
            %rev3A_806 = arith.constant 15 : i32
            %rev3A_807 = vector.broadcast %rev3A_806 : i32 to vector<16xi32>
            %rev3A_808 = tpu.iota {dimensions = array<i32: 0>} : vector<16xi32>
            %rev3A_809 = arith.subi %rev3A_807, %rev3A_808 : vector<16xi32>
            %rev3A_810 = tpu.dynamic_gather %get3A_805[%rev3A_809] in [0] : vector<16xf32>, vector<16xi32> -> vector<16xf32>
            %get3A_811 = arith.constant 0 : index
            %get3A_812 = tpu.vector_load %arg10[%get3A_811] {strides = array<i32>} : memref<16xi32, #tpu.memory_space<vmem>>, vector<16xi32>,
            %rev3A_813 = arith.constant 15 : i32
            %rev3A_814 = vector.broadcast %rev3A_813 : i32 to vector<16xi32>
            %rev3A_815 = tpu.iota {dimensions = array<i32: 0>} : vector<16xi32>
            %rev3A_816 = arith.subi %rev3A_814, %rev3A_815 : vector<16xi32>
            %rev3A_817 = tpu.dynamic_gather %get3A_812[%rev3A_816] in [0] : vector<16xi32>, vector<16xi32> -> vector<16xi32>
            %le3A_818 = arith.cmpf ole, %masked_sort3A_802, %rev3A_810 : vector<16xf32>
            %select_n3A_819 = arith.select %le3A_818, %masked_sort3A_802, %rev3A_810 : vector<16xi1>, vector<16xf32>
            %select_n3A_820 = arith.select %le3A_818, %masked_sort3A_803, %rev3A_817 : vector<16xi1>, vector<16xi32>
            %masked_sort3A_821 = arith.constant dense<true> : vector<16xi1>
            %masked_sort3A_822, %masked_sort3A_823, %masked_sort3A_824 = tpu.sort %select_n3A_819, %select_n3A_820 masked %masked_sort3A_821 : (vector<16xf32>, vector<16xi32>, vector<16xi1>) -> (vector<16xi1>, vector<16xf32>, vector<16xi32>)
            %swap3A_825 = arith.constant 0 : index
            %swap3A_826 = tpu.vector_load %arg9[%swap3A_825] {strides = array<i32>} : memref<16xf32, #tpu.memory_space<vmem>>, vector<16xf32>,
            tpu.vector_store %arg9[%swap3A_825], %masked_sort3A_823 {strides = array<i32>} : memref<16xf32, #tpu.memory_space<vmem>>, vector<16xf32>,
            %swap3A_827 = arith.constant 0 : index
            %swap3A_828 = tpu.vector_load %arg10[%swap3A_827] {strides = array<i32>} : memref<16xi32, #tpu.memory_space<vmem>>, vector<16xi32>,
            tpu.vector_store %arg10[%swap3A_827], %masked_sort3A_824 {strides = array<i32>} : memref<16xi32, #tpu.memory_space<vmem>>, vector<16xi32>,
            %mul3A_829 = arith.constant 15 : i32
            %mul3A_830 = arith.muli %scan3A_206, %mul3A_829 : i32
            %add3A_831 = arith.constant 14 : i32
            %add3A_832 = arith.addi %mul3A_830, %add3A_831 : i32
            %mul3A_833 = arith.constant 16 : i32
            %mul3A_834 = arith.muli %add3A_832, %mul3A_833 : i32
            %get3A_835 = arith.index_cast %mul3A_834 : i32 to index
            %get3A_836 = tpu.vector_load %arg5[%get3A_835] {strides = array<i32>} : memref<8400xf32, #tpu.memory_space<vmem>>, vector<16xf32>,
            %mul3A_837 = arith.constant 16 : i32
            %mul3A_838 = arith.muli %add3A_832, %mul3A_837 : i32
            %add3A_839 = vector.broadcast %mul3A_838 : i32 to vector<16xi32>
            %add3A_840 = arith.addi %iota3A, %add3A_839 : vector<16xi32>
            %masked_sort3A_841 = arith.constant dense<true> : vector<16xi1>
            %masked_sort3A_842, %masked_sort3A_843, %masked_sort3A_844 = tpu.sort %get3A_836, %add3A_840 masked %masked_sort3A_841 : (vector<16xf32>, vector<16xi32>, vector<16xi1>) -> (vector<16xi1>, vector<16xf32>, vector<16xi32>)
            %get3A_845 = arith.constant 0 : index
            %get3A_846 = tpu.vector_load %arg9[%get3A_845] {strides = array<i32>} : memref<16xf32, #tpu.memory_space<vmem>>, vector<16xf32>,
            %rev3A_847 = arith.constant 15 : i32
            %rev3A_848 = vector.broadcast %rev3A_847 : i32 to vector<16xi32>
            %rev3A_849 = tpu.iota {dimensions = array<i32: 0>} : vector<16xi32>
            %rev3A_850 = arith.subi %rev3A_848, %rev3A_849 : vector<16xi32>
            %rev3A_851 = tpu.dynamic_gather %get3A_846[%rev3A_850] in [0] : vector<16xf32>, vector<16xi32> -> vector<16xf32>
            %get3A_852 = arith.constant 0 : index
            %get3A_853 = tpu.vector_load %arg10[%get3A_852] {strides = array<i32>} : memref<16xi32, #tpu.memory_space<vmem>>, vector<16xi32>,
            %rev3A_854 = arith.constant 15 : i32
            %rev3A_855 = vector.broadcast %rev3A_854 : i32 to vector<16xi32>
            %rev3A_856 = tpu.iota {dimensions = array<i32: 0>} : vector<16xi32>
            %rev3A_857 = arith.subi %rev3A_855, %rev3A_856 : vector<16xi32>
            %rev3A_858 = tpu.dynamic_gather %get3A_853[%rev3A_857] in [0] : vector<16xi32>, vector<16xi32> -> vector<16xi32>
            %le3A_859 = arith.cmpf ole, %masked_sort3A_843, %rev3A_851 : vector<16xf32>
            %select_n3A_860 = arith.select %le3A_859, %masked_sort3A_843, %rev3A_851 : vector<16xi1>, vector<16xf32>
            %select_n3A_861 = arith.select %le3A_859, %masked_sort3A_844, %rev3A_858 : vector<16xi1>, vector<16xi32>
            %masked_sort3A_862 = arith.constant dense<true> : vector<16xi1>
            %masked_sort3A_863, %masked_sort3A_864, %masked_sort3A_865 = tpu.sort %select_n3A_860, %select_n3A_861 masked %masked_sort3A_862 : (vector<16xf32>, vector<16xi32>, vector<16xi1>) -> (vector<16xi1>, vector<16xf32>, vector<16xi32>)
            %swap3A_866 = arith.constant 0 : index
            %swap3A_867 = tpu.vector_load %arg9[%swap3A_866] {strides = array<i32>} : memref<16xf32, #tpu.memory_space<vmem>>, vector<16xf32>,
            tpu.vector_store %arg9[%swap3A_866], %masked_sort3A_864 {strides = array<i32>} : memref<16xf32, #tpu.memory_space<vmem>>, vector<16xf32>,
            %swap3A_868 = arith.constant 0 : index
            %swap3A_869 = tpu.vector_load %arg10[%swap3A_868] {strides = array<i32>} : memref<16xi32, #tpu.memory_space<vmem>>, vector<16xi32>,
            tpu.vector_store %arg10[%swap3A_868], %masked_sort3A_865 {strides = array<i32>} : memref<16xi32, #tpu.memory_space<vmem>>, vector<16xi32>,
          } else {
          }
        }
        %scan3A_195 = arith.constant 35 : i32
        %lt3A_196 = arith.cmpi slt, %iota3A, %max3A_165 : vector<16xi32>
        %get3A_197 = arith.constant 0 : index
        %get3A_198 = tpu.vector_load %arg10[%get3A_197] {strides = array<i32>} : memref<16xi32, #tpu.memory_space<vmem>>, vector<16xi32>,
        %jit3A_199 = arith.constant -1 : i32
        %broadcast_in_dim3A_200 = vector.broadcast %jit3A_199 : i32 to vector<16xi32>
        %select_n3A_201 = arith.select %lt3A_196, %get3A_198, %broadcast_in_dim3A_200 : vector<16xi1>, vector<16xi32>
        %mul3A_202 = arith.constant 16 : i32
        %mul3A_203 = arith.muli %scan3A_104, %mul3A_202 : i32
        %swap3A_204 = arith.index_cast %mul3A_203 : i32 to index
        %swap3A_205 = tpu.vector_load %arg7[%swap3A_204] {strides = array<i32>} : memref<208xi32, #tpu.memory_space<vmem>>, vector<16xi32>,
        tpu.vector_store %arg7[%swap3A_204], %select_n3A_201 {strides = array<i32>} : memref<208xi32, #tpu.memory_space<vmem>>, vector<16xi32>,
      } else {
      }
    }
    %scan3A_101 = arith.constant 13 : i32
    %mul3A_102 = arith.constant 16 : i32
    %mul3A_103 = arith.muli %mul3A_2, %mul3A_102 : i32
    "tpu.region"() ({
      %run_scoped3A = tpu.sem_alloc : memref<!tpu.dma_semaphore, #tpu.memory_space<semaphore_mem>>
      %dma_start3A = tpu.memref_slice %arg4[%mul3A_103] : memref<6656xi32, #tpu.memory_space<hbm>> -> memref<208xi32, #tpu.memory_space<hbm>>
      %dma_start3A_104 = tpu.memref_slice %arg4[%mul3A_103] : memref<6656xi32, #tpu.memory_space<hbm>> -> memref<208xi32, #tpu.memory_space<hbm>>
      tpu.enqueue_dma source(%arg7 : memref<208xi32, #tpu.memory_space<vmem>>) target(%dma_start3A_104 : memref<208xi32, #tpu.memory_space<hbm>>) target_semaphore(%run_scoped3A : memref<!tpu.dma_semaphore, #tpu.memory_space<semaphore_mem>>)
      %dma_wait3A = tpu.memref_slice %arg4[%mul3A_103] : memref<6656xi32, #tpu.memory_space<hbm>> -> memref<208xi32, #tpu.memory_space<hbm>>
      %dma_wait3A_105 = tpu.memref_slice %arg4[%mul3A_103] : memref<6656xi32, #tpu.memory_space<hbm>> -> memref<208xi32, #tpu.memory_space<hbm>>
      tpu.wait_dma2 semaphore(%run_scoped3A : memref<!tpu.dma_semaphore, #tpu.memory_space<semaphore_mem>>) src(%arg7 : memref<208xi32, #tpu.memory_space<vmem>>) dst(%dma_wait3A_105 : memref<208xi32, #tpu.memory_space<hbm>>)
      tpu.yield
    }) : () -> ()
    return
  }
}

#map = affine_map<(d0, d1) -> (0, 0)>
#map1 = affine_map<(d0, d1) -> (0)>
module attributes {stable_mosaic.version = 14 : i64} {
  func.func @_sc_topk(%arg0: i32, %arg1: i32, %arg2: memref<400x8400xf32, #tpu.memory_space<hbm>>, %arg3: memref<400x8400xf32, #tpu.memory_space<hbm>>, %arg4: memref<6656xi32, #tpu.memory_space<hbm>>, %arg5: memref<8400xf32, #tpu.memory_space<vmem>>, %arg6: memref<8400xf32, #tpu.memory_space<vmem>>, %arg7: memref<208xi32, #tpu.memory_space<vmem>>, %arg8: memref<560xf32, #tpu.memory_space<vmem>>, %arg9: memref<16xf32, #tpu.memory_space<vmem>>, %arg10: memref<16xi32, #tpu.memory_space<vmem>>, %arg11: memref<!tpu.dma_semaphore, #tpu.memory_space<semaphore_mem>>) attributes {dimension_semantics = [#tpu.dimension_semantics<core_parallel>, #tpu.dimension_semantics<subcore_parallel>], iteration_bounds = array<i64: 2, 16>, scalar_prefetch = 0 : i64, scratch_operands = 7 : i64, tpu.core_type = #tpu.core_type<sc_vector_subcore>, window_params = [{transform_indices = #map}, {transform_indices = #map}, {transform_indices = #map1}]} {
    %mul3A = arith.constant 2 : i32
    %mul3A_0 = arith.muli %arg1, %mul3A : i32
    %add3A = arith.addi %mul3A_0, %arg0 : i32
    %mul3A_1 = arith.constant 13 : i32
    %mul3A_2 = arith.muli %add3A, %mul3A_1 : i32
    %iota3A = tpu.iota {dimensions = array<i32: 0>} : vector<16xi32>
    %broadcast_in_dim3A = arith.constant 15 : i32
    %broadcast_in_dim3A_3 = vector.broadcast %broadcast_in_dim3A : i32 to vector<16xi32>
    %add3A_4 = arith.constant 1 : i32
    %add3A_5 = vector.broadcast %add3A_4 : i32 to vector<16xi32>
    %add3A_6 = arith.addi %iota3A, %add3A_5 : vector<16xi32>
    %jit3A = arith.constant 16 : i32
    %eq3A = arith.constant 0 : i32
    %eq3A_7 = arith.cmpi eq, %jit3A, %eq3A : i32
    %jit3A_8 = arith.constant 1 : i32
    %select_n3A = arith.select %eq3A_7, %jit3A_8, %jit3A : i32
    %rem3A = vector.broadcast %select_n3A : i32 to vector<16xi32>
    %rem3A_9 = arith.remsi %add3A_6, %rem3A : vector<16xi32>
    %ne3A = arith.constant 0 : i32
    %ne3A_10 = vector.broadcast %ne3A : i32 to vector<16xi32>
    %ne3A_11 = arith.cmpi ne, %rem3A_9, %ne3A_10 : vector<16xi32>
    %lt3A = arith.constant 0 : i32
    %lt3A_12 = vector.broadcast %lt3A : i32 to vector<16xi32>
    %lt3A_13 = arith.cmpi slt, %rem3A_9, %lt3A_12 : vector<16xi32>
    %lt3A_14 = arith.constant 0 : i32
    %lt3A_15 = arith.cmpi slt, %select_n3A, %lt3A_14 : i32
    %ne3A_16 = vector.broadcast %lt3A_15 : i1 to vector<16xi1>
    %ne3A_17 = vector.broadcast %ne3A_16 : vector<16xi1> to vector<16xi1>
    %ne3A_18 = arith.xori %lt3A_13, %ne3A_17 : vector<16xi1>
    %and3A = arith.andi %ne3A_18, %ne3A_11 : vector<16xi1>
    %add3A_19 = vector.broadcast %select_n3A : i32 to vector<16xi32>
    %add3A_20 = arith.addi %rem3A_9, %add3A_19 : vector<16xi32>
    %select_n3A_21 = arith.select %and3A, %add3A_20, %rem3A_9 : vector<16xi1>, vector<16xi32>
    %add3A_22 = arith.constant 2 : i32
    %add3A_23 = vector.broadcast %add3A_22 : i32 to vector<16xi32>
    %add3A_24 = arith.addi %iota3A, %add3A_23 : vector<16xi32>
    %jit3A_25 = arith.constant 16 : i32
    %eq3A_26 = arith.constant 0 : i32
    %eq3A_27 = arith.cmpi eq, %jit3A_25, %eq3A_26 : i32
    %jit3A_28 = arith.constant 1 : i32
    %select_n3A_29 = arith.select %eq3A_27, %jit3A_28, %jit3A_25 : i32
    %rem3A_30 = vector.broadcast %select_n3A_29 : i32 to vector<16xi32>
    %rem3A_31 = arith.remsi %add3A_24, %rem3A_30 : vector<16xi32>
    %ne3A_32 = arith.constant 0 : i32
    %ne3A_33 = vector.broadcast %ne3A_32 : i32 to vector<16xi32>
    %ne3A_34 = arith.cmpi ne, %rem3A_31, %ne3A_33 : vector<16xi32>
    %lt3A_35 = arith.constant 0 : i32
    %lt3A_36 = vector.broadcast %lt3A_35 : i32 to vector<16xi32>
    %lt3A_37 = arith.cmpi slt, %rem3A_31, %lt3A_36 : vector<16xi32>
    %lt3A_38 = arith.constant 0 : i32
    %lt3A_39 = arith.cmpi slt, %select_n3A_29, %lt3A_38 : i32
    %ne3A_40 = vector.broadcast %lt3A_39 : i1 to vector<16xi1>
    %ne3A_41 = vector.broadcast %ne3A_40 : vector<16xi1> to vector<16xi1>
    %ne3A_42 = arith.xori %lt3A_37, %ne3A_41 : vector<16xi1>
    %and3A_43 = arith.andi %ne3A_42, %ne3A_34 : vector<16xi1>
    %add3A_44 = vector.broadcast %select_n3A_29 : i32 to vector<16xi32>
    %add3A_45 = arith.addi %rem3A_31, %add3A_44 : vector<16xi32>
    %select_n3A_46 = arith.select %and3A_43, %add3A_45, %rem3A_31 : vector<16xi1>, vector<16xi32>
    %add3A_47 = arith.constant 4 : i32
    %add3A_48 = vector.broadcast %add3A_47 : i32 to vector<16xi32>
    %add3A_49 = arith.addi %iota3A, %add3A_48 : vector<16xi32>
    %jit3A_50 = arith.constant 16 : i32
    %eq3A_51 = arith.constant 0 : i32
    %eq3A_52 = arith.cmpi eq, %jit3A_50, %eq3A_51 : i32
    %jit3A_53 = arith.constant 1 : i32
    %select_n3A_54 = arith.select %eq3A_52, %jit3A_53, %jit3A_50 : i32
    %rem3A_55 = vector.broadcast %select_n3A_54 : i32 to vector<16xi32>
    %rem3A_56 = arith.remsi %add3A_49, %rem3A_55 : vector<16xi32>
    %ne3A_57 = arith.constant 0 : i32
    %ne3A_58 = vector.broadcast %ne3A_57 : i32 to vector<16xi32>
    %ne3A_59 = arith.cmpi ne, %rem3A_56, %ne3A_58 : vector<16xi32>
    %lt3A_60 = arith.constant 0 : i32
    %lt3A_61 = vector.broadcast %lt3A_60 : i32 to vector<16xi32>
    %lt3A_62 = arith.cmpi slt, %rem3A_56, %lt3A_61 : vector<16xi32>
    %lt3A_63 = arith.constant 0 : i32
    %lt3A_64 = arith.cmpi slt, %select_n3A_54, %lt3A_63 : i32
    %ne3A_65 = vector.broadcast %lt3A_64 : i1 to vector<16xi1>
    %ne3A_66 = vector.broadcast %ne3A_65 : vector<16xi1> to vector<16xi1>
    %ne3A_67 = arith.xori %lt3A_62, %ne3A_66 : vector<16xi1>
    %and3A_68 = arith.andi %ne3A_67, %ne3A_59 : vector<16xi1>
    %add3A_69 = vector.broadcast %select_n3A_54 : i32 to vector<16xi32>
    %add3A_70 = arith.addi %rem3A_56, %add3A_69 : vector<16xi32>
    %select_n3A_71 = arith.select %and3A_68, %add3A_70, %rem3A_56 : vector<16xi1>, vector<16xi32>
    %add3A_72 = arith.constant 8 : i32
    %add3A_73 = vector.broadcast %add3A_72 : i32 to vector<16xi32>
    %add3A_74 = arith.addi %iota3A, %add3A_73 : vector<16xi32>
    %jit3A_75 = arith.constant 16 : i32
    %eq3A_76 = arith.constant 0 : i32
    %eq3A_77 = arith.cmpi eq, %jit3A_75, %eq3A_76 : i32
    %jit3A_78 = arith.constant 1 : i32
    %select_n3A_79 = arith.select %eq3A_77, %jit3A_78, %jit3A_75 : i32
    %rem3A_80 = vector.broadcast %select_n3A_79 : i32 to vector<16xi32>
    %rem3A_81 = arith.remsi %add3A_74, %rem3A_80 : vector<16xi32>
    %ne3A_82 = arith.constant 0 : i32
    %ne3A_83 = vector.broadcast %ne3A_82 : i32 to vector<16xi32>
    %ne3A_84 = arith.cmpi ne, %rem3A_81, %ne3A_83 : vector<16xi32>
    %lt3A_85 = arith.constant 0 : i32
    %lt3A_86 = vector.broadcast %lt3A_85 : i32 to vector<16xi32>
    %lt3A_87 = arith.cmpi slt, %rem3A_81, %lt3A_86 : vector<16xi32>
    %lt3A_88 = arith.constant 0 : i32
    %lt3A_89 = arith.cmpi slt, %select_n3A_79, %lt3A_88 : i32
    %ne3A_90 = vector.broadcast %lt3A_89 : i1 to vector<16xi1>
    %ne3A_91 = vector.broadcast %ne3A_90 : vector<16xi1> to vector<16xi1>
    %ne3A_92 = arith.xori %lt3A_87, %ne3A_91 : vector<16xi1>
    %and3A_93 = arith.andi %ne3A_92, %ne3A_84 : vector<16xi1>
    %add3A_94 = vector.broadcast %select_n3A_79 : i32 to vector<16xi32>
    %add3A_95 = arith.addi %rem3A_81, %add3A_94 : vector<16xi32>
    %select_n3A_96 = arith.select %and3A_93, %add3A_95, %rem3A_81 : vector<16xi1>, vector<16xi32>
    %scan3A = arith.constant 0 : i32
    %scan3A_97 = arith.constant 0 : i32
    %scan3A_98 = arith.constant 13 : i32
    %scan3A_99 = arith.addi %scan3A_97, %scan3A_98 : i32
    %scan3A_100 = arith.constant 1 : i32
    scf.for %scan3A_104 = %scan3A_97 to %scan3A_99 step %scan3A_100  : i32 {
      %add3A_105 = arith.addi %mul3A_2, %scan3A_104 : i32
      %lt3A_106 = arith.constant 400 : i32
      %lt3A_107 = arith.cmpi slt, %add3A_105, %lt3A_106 : i32
      %convert_element_type3A = arith.extui %lt3A_107 : i1 to i32
      %cond3A = arith.constant 0 : i32
      %cond3A_108 = arith.cmpi ne, %convert_element_type3A, %cond3A : i32
      scf.if %cond3A_108 {
        %dma_start3A = arith.constant 0 : i32
        %dma_start3A_109 = tpu.memref_slice %arg2[%add3A_105, %dma_start3A] : memref<400x8400xf32, #tpu.memory_space<hbm>> -> memref<1x8400xf32, #tpu.memory_space<hbm>>
        %dma_start3A_110 = tpu.memref_squeeze %dma_start3A_109 : memref<1x8400xf32, #tpu.memory_space<hbm>> -> memref<8400xf32, #tpu.memory_space<hbm>>
        %dma_start3A_111 = arith.constant 0 : i32
        %dma_start3A_112 = tpu.memref_slice %arg2[%add3A_105, %dma_start3A_111] : memref<400x8400xf32, #tpu.memory_space<hbm>> -> memref<1x8400xf32, #tpu.memory_space<hbm>>
        %dma_start3A_113 = tpu.memref_squeeze %dma_start3A_112 : memref<1x8400xf32, #tpu.memory_space<hbm>> -> memref<8400xf32, #tpu.memory_space<hbm>>
        tpu.enqueue_dma source(%dma_start3A_113 : memref<8400xf32, #tpu.memory_space<hbm>>) target(%arg5 : memref<8400xf32, #tpu.memory_space<vmem>>) target_semaphore(%arg11 : memref<!tpu.dma_semaphore, #tpu.memory_space<semaphore_mem>>)
        %dma_start3A_114 = arith.constant 0 : i32
        %dma_start3A_115 = tpu.memref_slice %arg3[%add3A_105, %dma_start3A_114] : memref<400x8400xf32, #tpu.memory_space<hbm>> -> memref<1x8400xf32, #tpu.memory_space<hbm>>
        %dma_start3A_116 = tpu.memref_squeeze %dma_start3A_115 : memref<1x8400xf32, #tpu.memory_space<hbm>> -> memref<8400xf32, #tpu.memory_space<hbm>>
        %dma_start3A_117 = arith.constant 0 : i32
        %dma_start3A_118 = tpu.memref_slice %arg3[%add3A_105, %dma_start3A_117] : memref<400x8400xf32, #tpu.memory_space<hbm>> -> memref<1x8400xf32, #tpu.memory_space<hbm>>
        %dma_start3A_119 = tpu.memref_squeeze %dma_start3A_118 : memref<1x8400xf32, #tpu.memory_space<hbm>> -> memref<8400xf32, #tpu.memory_space<hbm>>
        tpu.enqueue_dma source(%dma_start3A_119 : memref<8400xf32, #tpu.memory_space<hbm>>) target(%arg6 : memref<8400xf32, #tpu.memory_space<vmem>>) target_semaphore(%arg11 : memref<!tpu.dma_semaphore, #tpu.memory_space<semaphore_mem>>)
        %dma_wait3A = arith.constant 0 : i32
        %dma_wait3A_120 = tpu.memref_slice %arg2[%add3A_105, %dma_wait3A] : memref<400x8400xf32, #tpu.memory_space<hbm>> -> memref<1x8400xf32, #tpu.memory_space<hbm>>
        %dma_wait3A_121 = tpu.memref_squeeze %dma_wait3A_120 : memref<1x8400xf32, #tpu.memory_space<hbm>> -> memref<8400xf32, #tpu.memory_space<hbm>>
        %dma_wait3A_122 = arith.constant 0 : i32
        %dma_wait3A_123 = tpu.memref_slice %arg2[%add3A_105, %dma_wait3A_122] : memref<400x8400xf32, #tpu.memory_space<hbm>> -> memref<1x8400xf32, #tpu.memory_space<hbm>>
        %dma_wait3A_124 = tpu.memref_squeeze %dma_wait3A_123 : memref<1x8400xf32, #tpu.memory_space<hbm>> -> memref<8400xf32, #tpu.memory_space<hbm>>
        tpu.wait_dma2 semaphore(%arg11 : memref<!tpu.dma_semaphore, #tpu.memory_space<semaphore_mem>>) src(%dma_wait3A_124 : memref<8400xf32, #tpu.memory_space<hbm>>) dst(%arg5 : memref<8400xf32, #tpu.memory_space<vmem>>)
        %dma_wait3A_125 = arith.constant 0 : i32
        %dma_wait3A_126 = tpu.memref_slice %arg3[%add3A_105, %dma_wait3A_125] : memref<400x8400xf32, #tpu.memory_space<hbm>> -> memref<1x8400xf32, #tpu.memory_space<hbm>>
        %dma_wait3A_127 = tpu.memref_squeeze %dma_wait3A_126 : memref<1x8400xf32, #tpu.memory_space<hbm>> -> memref<8400xf32, #tpu.memory_space<hbm>>
        %dma_wait3A_128 = arith.constant 0 : i32
        %dma_wait3A_129 = tpu.memref_slice %arg3[%add3A_105, %dma_wait3A_128] : memref<400x8400xf32, #tpu.memory_space<hbm>> -> memref<1x8400xf32, #tpu.memory_space<hbm>>
        %dma_wait3A_130 = tpu.memref_squeeze %dma_wait3A_129 : memref<1x8400xf32, #tpu.memory_space<hbm>> -> memref<8400xf32, #tpu.memory_space<hbm>>
        tpu.wait_dma2 semaphore(%arg11 : memref<!tpu.dma_semaphore, #tpu.memory_space<semaphore_mem>>) src(%dma_wait3A_130 : memref<8400xf32, #tpu.memory_space<hbm>>) dst(%arg6 : memref<8400xf32, #tpu.memory_space<vmem>>)
        %scan3A_131 = arith.constant 0 : i32
        %scan3A_132 = arith.constant 0 : i32
        %scan3A_133 = arith.constant 35 : i32
        %scan3A_134 = arith.addi %scan3A_132, %scan3A_133 : i32
        %scan3A_135 = arith.constant 1 : i32
        scf.for %scan3A_206 = %scan3A_132 to %scan3A_134 step %scan3A_135  : i32 {
          %mul3A_207 = arith.constant 15 : i32
          %mul3A_208 = arith.muli %scan3A_206, %mul3A_207 : i32
          %mul3A_209 = arith.constant 16 : i32
          %mul3A_210 = arith.muli %mul3A_208, %mul3A_209 : i32
          %get3A_211 = arith.index_cast %mul3A_210 : i32 to index
          %get3A_212 = tpu.vector_load %arg6[%get3A_211] {strides = array<i32>} : memref<8400xf32, #tpu.memory_space<vmem>>, vector<16xf32>,
          %mul3A_213 = arith.constant 15 : i32
          %mul3A_214 = arith.muli %scan3A_206, %mul3A_213 : i32
          %add3A_215 = arith.constant 1 : i32
          %add3A_216 = arith.addi %mul3A_214, %add3A_215 : i32
          %mul3A_217 = arith.constant 16 : i32
          %mul3A_218 = arith.muli %add3A_216, %mul3A_217 : i32
          %get3A_219 = arith.index_cast %mul3A_218 : i32 to index
          %get3A_220 = tpu.vector_load %arg6[%get3A_219] {strides = array<i32>} : memref<8400xf32, #tpu.memory_space<vmem>>, vector<16xf32>,
          %max3A_221 = arith.maximumf %get3A_212, %get3A_220 : vector<16xf32>
          %mul3A_222 = arith.constant 15 : i32
          %mul3A_223 = arith.muli %scan3A_206, %mul3A_222 : i32
          %add3A_224 = arith.constant 2 : i32
          %add3A_225 = arith.addi %mul3A_223, %add3A_224 : i32
          %mul3A_226 = arith.constant 16 : i32
          %mul3A_227 = arith.muli %add3A_225, %mul3A_226 : i32
          %get3A_228 = arith.index_cast %mul3A_227 : i32 to index
          %get3A_229 = tpu.vector_load %arg6[%get3A_228] {strides = array<i32>} : memref<8400xf32, #tpu.memory_space<vmem>>, vector<16xf32>,
          %max3A_230 = arith.maximumf %max3A_221, %get3A_229 : vector<16xf32>
          %mul3A_231 = arith.constant 15 : i32
          %mul3A_232 = arith.muli %scan3A_206, %mul3A_231 : i32
          %add3A_233 = arith.constant 3 : i32
          %add3A_234 = arith.addi %mul3A_232, %add3A_233 : i32
          %mul3A_235 = arith.constant 16 : i32
          %mul3A_236 = arith.muli %add3A_234, %mul3A_235 : i32
          %get3A_237 = arith.index_cast %mul3A_236 : i32 to index
          %get3A_238 = tpu.vector_load %arg6[%get3A_237] {strides = array<i32>} : memref<8400xf32, #tpu.memory_space<vmem>>, vector<16xf32>,
          %max3A_239 = arith.maximumf %max3A_230, %get3A_238 : vector<16xf32>
          %mul3A_240 = arith.constant 15 : i32
          %mul3A_241 = arith.muli %scan3A_206, %mul3A_240 : i32
          %add3A_242 = arith.constant 4 : i32
          %add3A_243 = arith.addi %mul3A_241, %add3A_242 : i32
          %mul3A_244 = arith.constant 16 : i32
          %mul3A_245 = arith.muli %add3A_243, %mul3A_244 : i32
          %get3A_246 = arith.index_cast %mul3A_245 : i32 to index
          %get3A_247 = tpu.vector_load %arg6[%get3A_246] {strides = array<i32>} : memref<8400xf32, #tpu.memory_space<vmem>>, vector<16xf32>,
          %max3A_248 = arith.maximumf %max3A_239, %get3A_247 : vector<16xf32>
          %mul3A_249 = arith.constant 15 : i32
          %mul3A_250 = arith.muli %scan3A_206, %mul3A_249 : i32
          %add3A_251 = arith.constant 5 : i32
          %add3A_252 = arith.addi %mul3A_250, %add3A_251 : i32
          %mul3A_253 = arith.constant 16 : i32
          %mul3A_254 = arith.muli %add3A_252, %mul3A_253 : i32
          %get3A_255 = arith.index_cast %mul3A_254 : i32 to index
          %get3A_256 = tpu.vector_load %arg6[%get3A_255] {strides = array<i32>} : memref<8400xf32, #tpu.memory_space<vmem>>, vector<16xf32>,
          %max3A_257 = arith.maximumf %max3A_248, %get3A_256 : vector<16xf32>
          %mul3A_258 = arith.constant 15 : i32
          %mul3A_259 = arith.muli %scan3A_206, %mul3A_258 : i32
          %add3A_260 = arith.constant 6 : i32
          %add3A_261 = arith.addi %mul3A_259, %add3A_260 : i32
          %mul3A_262 = arith.constant 16 : i32
          %mul3A_263 = arith.muli %add3A_261, %mul3A_262 : i32
          %get3A_264 = arith.index_cast %mul3A_263 : i32 to index
          %get3A_265 = tpu.vector_load %arg6[%get3A_264] {strides = array<i32>} : memref<8400xf32, #tpu.memory_space<vmem>>, vector<16xf32>,
          %max3A_266 = arith.maximumf %max3A_257, %get3A_265 : vector<16xf32>
          %mul3A_267 = arith.constant 15 : i32
          %mul3A_268 = arith.muli %scan3A_206, %mul3A_267 : i32
          %add3A_269 = arith.constant 7 : i32
          %add3A_270 = arith.addi %mul3A_268, %add3A_269 : i32
          %mul3A_271 = arith.constant 16 : i32
          %mul3A_272 = arith.muli %add3A_270, %mul3A_271 : i32
          %get3A_273 = arith.index_cast %mul3A_272 : i32 to index
          %get3A_274 = tpu.vector_load %arg6[%get3A_273] {strides = array<i32>} : memref<8400xf32, #tpu.memory_space<vmem>>, vector<16xf32>,
          %max3A_275 = arith.maximumf %max3A_266, %get3A_274 : vector<16xf32>
          %mul3A_276 = arith.constant 15 : i32
          %mul3A_277 = arith.muli %scan3A_206, %mul3A_276 : i32
          %add3A_278 = arith.constant 8 : i32
          %add3A_279 = arith.addi %mul3A_277, %add3A_278 : i32
          %mul3A_280 = arith.constant 16 : i32
          %mul3A_281 = arith.muli %add3A_279, %mul3A_280 : i32
          %get3A_282 = arith.index_cast %mul3A_281 : i32 to index
          %get3A_283 = tpu.vector_load %arg6[%get3A_282] {strides = array<i32>} : memref<8400xf32, #tpu.memory_space<vmem>>, vector<16xf32>,
          %max3A_284 = arith.maximumf %max3A_275, %get3A_283 : vector<16xf32>
          %mul3A_285 = arith.constant 15 : i32
          %mul3A_286 = arith.muli %scan3A_206, %mul3A_285 : i32
          %add3A_287 = arith.constant 9 : i32
          %add3A_288 = arith.addi %mul3A_286, %add3A_287 : i32
          %mul3A_289 = arith.constant 16 : i32
          %mul3A_290 = arith.muli %add3A_288, %mul3A_289 : i32
          %get3A_291 = arith.index_cast %mul3A_290 : i32 to index
          %get3A_292 = tpu.vector_load %arg6[%get3A_291] {strides = array<i32>} : memref<8400xf32, #tpu.memory_space<vmem>>, vector<16xf32>,
          %max3A_293 = arith.maximumf %max3A_284, %get3A_292 : vector<16xf32>
          %mul3A_294 = arith.constant 15 : i32
          %mul3A_295 = arith.muli %scan3A_206, %mul3A_294 : i32
          %add3A_296 = arith.constant 10 : i32
          %add3A_297 = arith.addi %mul3A_295, %add3A_296 : i32
          %mul3A_298 = arith.constant 16 : i32
          %mul3A_299 = arith.muli %add3A_297, %mul3A_298 : i32
          %get3A_300 = arith.index_cast %mul3A_299 : i32 to index
          %get3A_301 = tpu.vector_load %arg6[%get3A_300] {strides = array<i32>} : memref<8400xf32, #tpu.memory_space<vmem>>, vector<16xf32>,
          %max3A_302 = arith.maximumf %max3A_293, %get3A_301 : vector<16xf32>
          %mul3A_303 = arith.constant 15 : i32
          %mul3A_304 = arith.muli %scan3A_206, %mul3A_303 : i32
          %add3A_305 = arith.constant 11 : i32
          %add3A_306 = arith.addi %mul3A_304, %add3A_305 : i32
          %mul3A_307 = arith.constant 16 : i32
          %mul3A_308 = arith.muli %add3A_306, %mul3A_307 : i32
          %get3A_309 = arith.index_cast %mul3A_308 : i32 to index
          %get3A_310 = tpu.vector_load %arg6[%get3A_309] {strides = array<i32>} : memref<8400xf32, #tpu.memory_space<vmem>>, vector<16xf32>,
          %max3A_311 = arith.maximumf %max3A_302, %get3A_310 : vector<16xf32>
          %mul3A_312 = arith.constant 15 : i32
          %mul3A_313 = arith.muli %scan3A_206, %mul3A_312 : i32
          %add3A_314 = arith.constant 12 : i32
          %add3A_315 = arith.addi %mul3A_313, %add3A_314 : i32
          %mul3A_316 = arith.constant 16 : i32
          %mul3A_317 = arith.muli %add3A_315, %mul3A_316 : i32
          %get3A_318 = arith.index_cast %mul3A_317 : i32 to index
          %get3A_319 = tpu.vector_load %arg6[%get3A_318] {strides = array<i32>} : memref<8400xf32, #tpu.memory_space<vmem>>, vector<16xf32>,
          %max3A_320 = arith.maximumf %max3A_311, %get3A_319 : vector<16xf32>
          %mul3A_321 = arith.constant 15 : i32
          %mul3A_322 = arith.muli %scan3A_206, %mul3A_321 : i32
          %add3A_323 = arith.constant 13 : i32
          %add3A_324 = arith.addi %mul3A_322, %add3A_323 : i32
          %mul3A_325 = arith.constant 16 : i32
          %mul3A_326 = arith.muli %add3A_324, %mul3A_325 : i32
          %get3A_327 = arith.index_cast %mul3A_326 : i32 to index
          %get3A_328 = tpu.vector_load %arg6[%get3A_327] {strides = array<i32>} : memref<8400xf32, #tpu.memory_space<vmem>>, vector<16xf32>,
          %max3A_329 = arith.maximumf %max3A_320, %get3A_328 : vector<16xf32>
          %mul3A_330 = arith.constant 15 : i32
          %mul3A_331 = arith.muli %scan3A_206, %mul3A_330 : i32
          %add3A_332 = arith.constant 14 : i32
          %add3A_333 = arith.addi %mul3A_331, %add3A_332 : i32
          %mul3A_334 = arith.constant 16 : i32
          %mul3A_335 = arith.muli %add3A_333, %mul3A_334 : i32
          %get3A_336 = arith.index_cast %mul3A_335 : i32 to index
          %get3A_337 = tpu.vector_load %arg6[%get3A_336] {strides = array<i32>} : memref<8400xf32, #tpu.memory_space<vmem>>, vector<16xf32>,
          %max3A_338 = arith.maximumf %max3A_329, %get3A_337 : vector<16xf32>
          %mul3A_339 = arith.constant 16 : i32
          %mul3A_340 = arith.muli %scan3A_206, %mul3A_339 : i32
          %swap3A_341 = arith.index_cast %mul3A_340 : i32 to index
          %swap3A_342 = tpu.vector_load %arg8[%swap3A_341] {strides = array<i32>} : memref<560xf32, #tpu.memory_space<vmem>>, vector<16xf32>,
          tpu.vector_store %arg8[%swap3A_341], %max3A_338 {strides = array<i32>} : memref<560xf32, #tpu.memory_space<vmem>>, vector<16xf32>,
        }
        %scan3A_136 = arith.constant 35 : i32
        %broadcast_in_dim3A_137 = arith.constant -1.000000e+00 : f32
        %broadcast_in_dim3A_138 = vector.broadcast %broadcast_in_dim3A_137 : f32 to vector<16xf32>
        %scan3A_139 = arith.constant 0 : i32
        %scan3A_140 = arith.constant 35 : i32
        %scan3A_141 = arith.addi %scan3A_139, %scan3A_140 : i32
        %scan3A_142 = arith.constant 1 : i32
        %scan3A_143 = scf.for %scan3A_206 = %scan3A_139 to %scan3A_141 step %scan3A_142 iter_args(%scan3A_207 = %broadcast_in_dim3A_138) -> (vector<16xf32>)  : i32 {
          %mul3A_208 = arith.constant 16 : i32
          %mul3A_209 = arith.muli %scan3A_206, %mul3A_208 : i32
          %get3A_210 = arith.index_cast %mul3A_209 : i32 to index
          %get3A_211 = tpu.vector_load %arg8[%get3A_210] {strides = array<i32>} : memref<560xf32, #tpu.memory_space<vmem>>, vector<16xf32>,
          %sort3A = arith.constant dense<true> : vector<16xi1>
          %sort3A_212, %sort3A_213, %sort3A_214 = tpu.sort %get3A_211, %get3A_211 masked %sort3A : (vector<16xf32>, vector<16xf32>, vector<16xi1>) -> (vector<16xi1>, vector<16xf32>, vector<16xf32>)
          %rev3A = arith.constant 15 : i32
          %rev3A_215 = vector.broadcast %rev3A : i32 to vector<16xi32>
          %rev3A_216 = tpu.iota {dimensions = array<i32: 0>} : vector<16xi32>
          %rev3A_217 = arith.subi %rev3A_215, %rev3A_216 : vector<16xi32>
          %rev3A_218 = tpu.dynamic_gather %scan3A_207[%rev3A_217] in [0] : vector<16xf32>, vector<16xi32> -> vector<16xf32>
          %max3A_219 = arith.maximumf %sort3A_213, %rev3A_218 : vector<16xf32>
          %sort3A_220 = arith.constant dense<true> : vector<16xi1>
          %sort3A_221, %sort3A_222, %sort3A_223 = tpu.sort %max3A_219, %max3A_219 masked %sort3A_220 : (vector<16xf32>, vector<16xf32>, vector<16xi1>) -> (vector<16xi1>, vector<16xf32>, vector<16xf32>)
          scf.yield %sort3A_222 : vector<16xf32>
        }
        %scan3A_144 = arith.constant 35 : i32
        %slice3A = vector.extract_strided_slice %scan3A_143 {offsets = [3], sizes = [1], strides = [1]} : vector<16xf32> to vector<1xf32>
        %squeeze3A = vector.extract %slice3A[0] : f32 from vector<1xf32>
        %broadcast_in_dim3A_145 = arith.constant -1.000000e+00 : f32
        %broadcast_in_dim3A_146 = vector.broadcast %broadcast_in_dim3A_145 : f32 to vector<16xf32>
        %swap3A = arith.constant 0 : index
        %swap3A_147 = tpu.vector_load %arg9[%swap3A] {strides = array<i32>} : memref<16xf32, #tpu.memory_space<vmem>>, vector<16xf32>,
        tpu.vector_store %arg9[%swap3A], %broadcast_in_dim3A_146 {strides = array<i32>} : memref<16xf32, #tpu.memory_space<vmem>>, vector<16xf32>,
        %scan3A_148 = arith.constant 0 : i32
        %scan3A_149 = arith.constant 0 : i32
        %scan3A_150 = arith.constant 35 : i32
        %scan3A_151 = arith.addi %scan3A_149, %scan3A_150 : i32
        %scan3A_152 = arith.constant 1 : i32
        scf.for %scan3A_206 = %scan3A_149 to %scan3A_151 step %scan3A_152  : i32 {
          %mul3A_207 = arith.constant 16 : i32
          %mul3A_208 = arith.muli %scan3A_206, %mul3A_207 : i32
          %get3A_209 = arith.index_cast %mul3A_208 : i32 to index
          %get3A_210 = tpu.vector_load %arg8[%get3A_209] {strides = array<i32>} : memref<560xf32, #tpu.memory_space<vmem>>, vector<16xf32>,
          %lt3A_211 = arith.constant 0 : i32
          %lt3A_212 = vector.broadcast %lt3A_211 : i32 to vector<16xi32>
          %lt3A_213 = arith.cmpi slt, %select_n3A_21, %lt3A_212 : vector<16xi32>
          %add3A_214 = arith.constant 16 : i32
          %add3A_215 = vector.broadcast %add3A_214 : i32 to vector<16xi32>
          %add3A_216 = arith.addi %select_n3A_21, %add3A_215 : vector<16xi32>
          %select_n3A_217 = arith.select %lt3A_213, %add3A_216, %select_n3A_21 : vector<16xi1>, vector<16xi32>
          %reshape3A = vector.shape_cast %select_n3A_217 : vector<16xi32> to vector<16x1xi32>
          %gather3A = vector.shape_cast %reshape3A : vector<16x1xi32> to vector<16xi32>
          %gather3A_218 = tpu.dynamic_gather %get3A_210[%gather3A] in [0] : vector<16xf32>, vector<16xi32> -> vector<16xf32>
          %max3A_219 = arith.maximumf %get3A_210, %gather3A_218 : vector<16xf32>
          %lt3A_220 = arith.constant 0 : i32
          %lt3A_221 = vector.broadcast %lt3A_220 : i32 to vector<16xi32>
          %lt3A_222 = arith.cmpi slt, %select_n3A_46, %lt3A_221 : vector<16xi32>
          %add3A_223 = arith.constant 16 : i32
          %add3A_224 = vector.broadcast %add3A_223 : i32 to vector<16xi32>
          %add3A_225 = arith.addi %select_n3A_46, %add3A_224 : vector<16xi32>
          %select_n3A_226 = arith.select %lt3A_222, %add3A_225, %select_n3A_46 : vector<16xi1>, vector<16xi32>
          %reshape3A_227 = vector.shape_cast %select_n3A_226 : vector<16xi32> to vector<16x1xi32>
          %gather3A_228 = vector.shape_cast %reshape3A_227 : vector<16x1xi32> to vector<16xi32>
          %gather3A_229 = tpu.dynamic_gather %max3A_219[%gather3A_228] in [0] : vector<16xf32>, vector<16xi32> -> vector<16xf32>
          %max3A_230 = arith.maximumf %max3A_219, %gather3A_229 : vector<16xf32>
          %lt3A_231 = arith.constant 0 : i32
          %lt3A_232 = vector.broadcast %lt3A_231 : i32 to vector<16xi32>
          %lt3A_233 = arith.cmpi slt, %select_n3A_71, %lt3A_232 : vector<16xi32>
          %add3A_234 = arith.constant 16 : i32
          %add3A_235 = vector.broadcast %add3A_234 : i32 to vector<16xi32>
          %add3A_236 = arith.addi %select_n3A_71, %add3A_235 : vector<16xi32>
          %select_n3A_237 = arith.select %lt3A_233, %add3A_236, %select_n3A_71 : vector<16xi1>, vector<16xi32>
          %reshape3A_238 = vector.shape_cast %select_n3A_237 : vector<16xi32> to vector<16x1xi32>
          %gather3A_239 = vector.shape_cast %reshape3A_238 : vector<16x1xi32> to vector<16xi32>
          %gather3A_240 = tpu.dynamic_gather %max3A_230[%gather3A_239] in [0] : vector<16xf32>, vector<16xi32> -> vector<16xf32>
          %max3A_241 = arith.maximumf %max3A_230, %gather3A_240 : vector<16xf32>
          %lt3A_242 = arith.constant 0 : i32
          %lt3A_243 = vector.broadcast %lt3A_242 : i32 to vector<16xi32>
          %lt3A_244 = arith.cmpi slt, %select_n3A_96, %lt3A_243 : vector<16xi32>
          %add3A_245 = arith.constant 16 : i32
          %add3A_246 = vector.broadcast %add3A_245 : i32 to vector<16xi32>
          %add3A_247 = arith.addi %select_n3A_96, %add3A_246 : vector<16xi32>
          %select_n3A_248 = arith.select %lt3A_244, %add3A_247, %select_n3A_96 : vector<16xi1>, vector<16xi32>
          %reshape3A_249 = vector.shape_cast %select_n3A_248 : vector<16xi32> to vector<16x1xi32>
          %gather3A_250 = vector.shape_cast %reshape3A_249 : vector<16x1xi32> to vector<16xi32>
          %gather3A_251 = tpu.dynamic_gather %max3A_241[%gather3A_250] in [0] : vector<16xf32>, vector<16xi32> -> vector<16xf32>
          %max3A_252 = arith.maximumf %max3A_241, %gather3A_251 : vector<16xf32>
          %slice3A_253 = vector.extract_strided_slice %max3A_252 {offsets = [0], sizes = [1], strides = [1]} : vector<16xf32> to vector<1xf32>
          %squeeze3A_254 = vector.extract %slice3A_253[0] : f32 from vector<1xf32>
          %ge3A = arith.cmpf oge, %squeeze3A_254, %squeeze3A : f32
          %convert_element_type3A_255 = arith.extui %ge3A : i1 to i32
          %cond3A_256 = arith.constant 0 : i32
          %cond3A_257 = arith.cmpi ne, %convert_element_type3A_255, %cond3A_256 : i32
          scf.if %cond3A_257 {
            %mul3A_258 = arith.constant 15 : i32
            %mul3A_259 = arith.muli %scan3A_206, %mul3A_258 : i32
            %add3A_260 = arith.constant 0 : i32
            %add3A_261 = arith.addi %mul3A_259, %add3A_260 : i32
            %mul3A_262 = arith.constant 16 : i32
            %mul3A_263 = arith.muli %add3A_261, %mul3A_262 : i32
            %get3A_264 = arith.index_cast %mul3A_263 : i32 to index
            %get3A_265 = tpu.vector_load %arg6[%get3A_264] {strides = array<i32>} : memref<8400xf32, #tpu.memory_space<vmem>>, vector<16xf32>,
            %sort3A = arith.constant dense<true> : vector<16xi1>
            %sort3A_266, %sort3A_267, %sort3A_268 = tpu.sort %get3A_265, %get3A_265 masked %sort3A : (vector<16xf32>, vector<16xf32>, vector<16xi1>) -> (vector<16xi1>, vector<16xf32>, vector<16xf32>)
            %get3A_269 = arith.constant 0 : index
            %get3A_270 = tpu.vector_load %arg9[%get3A_269] {strides = array<i32>} : memref<16xf32, #tpu.memory_space<vmem>>, vector<16xf32>,
            %rev3A = arith.constant 15 : i32
            %rev3A_271 = vector.broadcast %rev3A : i32 to vector<16xi32>
            %rev3A_272 = tpu.iota {dimensions = array<i32: 0>} : vector<16xi32>
            %rev3A_273 = arith.subi %rev3A_271, %rev3A_272 : vector<16xi32>
            %rev3A_274 = tpu.dynamic_gather %get3A_270[%rev3A_273] in [0] : vector<16xf32>, vector<16xi32> -> vector<16xf32>
            %max3A_275 = arith.maximumf %sort3A_267, %rev3A_274 : vector<16xf32>
            %sort3A_276 = arith.constant dense<true> : vector<16xi1>
            %sort3A_277, %sort3A_278, %sort3A_279 = tpu.sort %max3A_275, %max3A_275 masked %sort3A_276 : (vector<16xf32>, vector<16xf32>, vector<16xi1>) -> (vector<16xi1>, vector<16xf32>, vector<16xf32>)
            %swap3A_280 = arith.constant 0 : index
            %swap3A_281 = tpu.vector_load %arg9[%swap3A_280] {strides = array<i32>} : memref<16xf32, #tpu.memory_space<vmem>>, vector<16xf32>,
            tpu.vector_store %arg9[%swap3A_280], %sort3A_278 {strides = array<i32>} : memref<16xf32, #tpu.memory_space<vmem>>, vector<16xf32>,
            %mul3A_282 = arith.constant 15 : i32
            %mul3A_283 = arith.muli %scan3A_206, %mul3A_282 : i32
            %add3A_284 = arith.constant 1 : i32
            %add3A_285 = arith.addi %mul3A_283, %add3A_284 : i32
            %mul3A_286 = arith.constant 16 : i32
            %mul3A_287 = arith.muli %add3A_285, %mul3A_286 : i32
            %get3A_288 = arith.index_cast %mul3A_287 : i32 to index
            %get3A_289 = tpu.vector_load %arg6[%get3A_288] {strides = array<i32>} : memref<8400xf32, #tpu.memory_space<vmem>>, vector<16xf32>,
            %sort3A_290 = arith.constant dense<true> : vector<16xi1>
            %sort3A_291, %sort3A_292, %sort3A_293 = tpu.sort %get3A_289, %get3A_289 masked %sort3A_290 : (vector<16xf32>, vector<16xf32>, vector<16xi1>) -> (vector<16xi1>, vector<16xf32>, vector<16xf32>)
            %get3A_294 = arith.constant 0 : index
            %get3A_295 = tpu.vector_load %arg9[%get3A_294] {strides = array<i32>} : memref<16xf32, #tpu.memory_space<vmem>>, vector<16xf32>,
            %rev3A_296 = arith.constant 15 : i32
            %rev3A_297 = vector.broadcast %rev3A_296 : i32 to vector<16xi32>
            %rev3A_298 = tpu.iota {dimensions = array<i32: 0>} : vector<16xi32>
            %rev3A_299 = arith.subi %rev3A_297, %rev3A_298 : vector<16xi32>
            %rev3A_300 = tpu.dynamic_gather %get3A_295[%rev3A_299] in [0] : vector<16xf32>, vector<16xi32> -> vector<16xf32>
            %max3A_301 = arith.maximumf %sort3A_292, %rev3A_300 : vector<16xf32>
            %sort3A_302 = arith.constant dense<true> : vector<16xi1>
            %sort3A_303, %sort3A_304, %sort3A_305 = tpu.sort %max3A_301, %max3A_301 masked %sort3A_302 : (vector<16xf32>, vector<16xf32>, vector<16xi1>) -> (vector<16xi1>, vector<16xf32>, vector<16xf32>)
            %swap3A_306 = arith.constant 0 : index
            %swap3A_307 = tpu.vector_load %arg9[%swap3A_306] {strides = array<i32>} : memref<16xf32, #tpu.memory_space<vmem>>, vector<16xf32>,
            tpu.vector_store %arg9[%swap3A_306], %sort3A_304 {strides = array<i32>} : memref<16xf32, #tpu.memory_space<vmem>>, vector<16xf32>,
            %mul3A_308 = arith.constant 15 : i32
            %mul3A_309 = arith.muli %scan3A_206, %mul3A_308 : i32
            %add3A_310 = arith.constant 2 : i32
            %add3A_311 = arith.addi %mul3A_309, %add3A_310 : i32
            %mul3A_312 = arith.constant 16 : i32
            %mul3A_313 = arith.muli %add3A_311, %mul3A_312 : i32
            %get3A_314 = arith.index_cast %mul3A_313 : i32 to index
            %get3A_315 = tpu.vector_load %arg6[%get3A_314] {strides = array<i32>} : memref<8400xf32, #tpu.memory_space<vmem>>, vector<16xf32>,
            %sort3A_316 = arith.constant dense<true> : vector<16xi1>
            %sort3A_317, %sort3A_318, %sort3A_319 = tpu.sort %get3A_315, %get3A_315 masked %sort3A_316 : (vector<16xf32>, vector<16xf32>, vector<16xi1>) -> (vector<16xi1>, vector<16xf32>, vector<16xf32>)
            %get3A_320 = arith.constant 0 : index
            %get3A_321 = tpu.vector_load %arg9[%get3A_320] {strides = array<i32>} : memref<16xf32, #tpu.memory_space<vmem>>, vector<16xf32>,
            %rev3A_322 = arith.constant 15 : i32
            %rev3A_323 = vector.broadcast %rev3A_322 : i32 to vector<16xi32>
            %rev3A_324 = tpu.iota {dimensions = array<i32: 0>} : vector<16xi32>
            %rev3A_325 = arith.subi %rev3A_323, %rev3A_324 : vector<16xi32>
            %rev3A_326 = tpu.dynamic_gather %get3A_321[%rev3A_325] in [0] : vector<16xf32>, vector<16xi32> -> vector<16xf32>
            %max3A_327 = arith.maximumf %sort3A_318, %rev3A_326 : vector<16xf32>
            %sort3A_328 = arith.constant dense<true> : vector<16xi1>
            %sort3A_329, %sort3A_330, %sort3A_331 = tpu.sort %max3A_327, %max3A_327 masked %sort3A_328 : (vector<16xf32>, vector<16xf32>, vector<16xi1>) -> (vector<16xi1>, vector<16xf32>, vector<16xf32>)
            %swap3A_332 = arith.constant 0 : index
            %swap3A_333 = tpu.vector_load %arg9[%swap3A_332] {strides = array<i32>} : memref<16xf32, #tpu.memory_space<vmem>>, vector<16xf32>,
            tpu.vector_store %arg9[%swap3A_332], %sort3A_330 {strides = array<i32>} : memref<16xf32, #tpu.memory_space<vmem>>, vector<16xf32>,
            %mul3A_334 = arith.constant 15 : i32
            %mul3A_335 = arith.muli %scan3A_206, %mul3A_334 : i32
            %add3A_336 = arith.constant 3 : i32
            %add3A_337 = arith.addi %mul3A_335, %add3A_336 : i32
            %mul3A_338 = arith.constant 16 : i32
            %mul3A_339 = arith.muli %add3A_337, %mul3A_338 : i32
            %get3A_340 = arith.index_cast %mul3A_339 : i32 to index
            %get3A_341 = tpu.vector_load %arg6[%get3A_340] {strides = array<i32>} : memref<8400xf32, #tpu.memory_space<vmem>>, vector<16xf32>,
            %sort3A_342 = arith.constant dense<true> : vector<16xi1>
            %sort3A_343, %sort3A_344, %sort3A_345 = tpu.sort %get3A_341, %get3A_341 masked %sort3A_342 : (vector<16xf32>, vector<16xf32>, vector<16xi1>) -> (vector<16xi1>, vector<16xf32>, vector<16xf32>)
            %get3A_346 = arith.constant 0 : index
            %get3A_347 = tpu.vector_load %arg9[%get3A_346] {strides = array<i32>} : memref<16xf32, #tpu.memory_space<vmem>>, vector<16xf32>,
            %rev3A_348 = arith.constant 15 : i32
            %rev3A_349 = vector.broadcast %rev3A_348 : i32 to vector<16xi32>
            %rev3A_350 = tpu.iota {dimensions = array<i32: 0>} : vector<16xi32>
            %rev3A_351 = arith.subi %rev3A_349, %rev3A_350 : vector<16xi32>
            %rev3A_352 = tpu.dynamic_gather %get3A_347[%rev3A_351] in [0] : vector<16xf32>, vector<16xi32> -> vector<16xf32>
            %max3A_353 = arith.maximumf %sort3A_344, %rev3A_352 : vector<16xf32>
            %sort3A_354 = arith.constant dense<true> : vector<16xi1>
            %sort3A_355, %sort3A_356, %sort3A_357 = tpu.sort %max3A_353, %max3A_353 masked %sort3A_354 : (vector<16xf32>, vector<16xf32>, vector<16xi1>) -> (vector<16xi1>, vector<16xf32>, vector<16xf32>)
            %swap3A_358 = arith.constant 0 : index
            %swap3A_359 = tpu.vector_load %arg9[%swap3A_358] {strides = array<i32>} : memref<16xf32, #tpu.memory_space<vmem>>, vector<16xf32>,
            tpu.vector_store %arg9[%swap3A_358], %sort3A_356 {strides = array<i32>} : memref<16xf32, #tpu.memory_space<vmem>>, vector<16xf32>,
            %mul3A_360 = arith.constant 15 : i32
            %mul3A_361 = arith.muli %scan3A_206, %mul3A_360 : i32
            %add3A_362 = arith.constant 4 : i32
            %add3A_363 = arith.addi %mul3A_361, %add3A_362 : i32
            %mul3A_364 = arith.constant 16 : i32
            %mul3A_365 = arith.muli %add3A_363, %mul3A_364 : i32
            %get3A_366 = arith.index_cast %mul3A_365 : i32 to index
            %get3A_367 = tpu.vector_load %arg6[%get3A_366] {strides = array<i32>} : memref<8400xf32, #tpu.memory_space<vmem>>, vector<16xf32>,
            %sort3A_368 = arith.constant dense<true> : vector<16xi1>
            %sort3A_369, %sort3A_370, %sort3A_371 = tpu.sort %get3A_367, %get3A_367 masked %sort3A_368 : (vector<16xf32>, vector<16xf32>, vector<16xi1>) -> (vector<16xi1>, vector<16xf32>, vector<16xf32>)
            %get3A_372 = arith.constant 0 : index
            %get3A_373 = tpu.vector_load %arg9[%get3A_372] {strides = array<i32>} : memref<16xf32, #tpu.memory_space<vmem>>, vector<16xf32>,
            %rev3A_374 = arith.constant 15 : i32
            %rev3A_375 = vector.broadcast %rev3A_374 : i32 to vector<16xi32>
            %rev3A_376 = tpu.iota {dimensions = array<i32: 0>} : vector<16xi32>
            %rev3A_377 = arith.subi %rev3A_375, %rev3A_376 : vector<16xi32>
            %rev3A_378 = tpu.dynamic_gather %get3A_373[%rev3A_377] in [0] : vector<16xf32>, vector<16xi32> -> vector<16xf32>
            %max3A_379 = arith.maximumf %sort3A_370, %rev3A_378 : vector<16xf32>
            %sort3A_380 = arith.constant dense<true> : vector<16xi1>
            %sort3A_381, %sort3A_382, %sort3A_383 = tpu.sort %max3A_379, %max3A_379 masked %sort3A_380 : (vector<16xf32>, vector<16xf32>, vector<16xi1>) -> (vector<16xi1>, vector<16xf32>, vector<16xf32>)
            %swap3A_384 = arith.constant 0 : index
            %swap3A_385 = tpu.vector_load %arg9[%swap3A_384] {strides = array<i32>} : memref<16xf32, #tpu.memory_space<vmem>>, vector<16xf32>,
            tpu.vector_store %arg9[%swap3A_384], %sort3A_382 {strides = array<i32>} : memref<16xf32, #tpu.memory_space<vmem>>, vector<16xf32>,
            %mul3A_386 = arith.constant 15 : i32
            %mul3A_387 = arith.muli %scan3A_206, %mul3A_386 : i32
            %add3A_388 = arith.constant 5 : i32
            %add3A_389 = arith.addi %mul3A_387, %add3A_388 : i32
            %mul3A_390 = arith.constant 16 : i32
            %mul3A_391 = arith.muli %add3A_389, %mul3A_390 : i32
            %get3A_392 = arith.index_cast %mul3A_391 : i32 to index
            %get3A_393 = tpu.vector_load %arg6[%get3A_392] {strides = array<i32>} : memref<8400xf32, #tpu.memory_space<vmem>>, vector<16xf32>,
            %sort3A_394 = arith.constant dense<true> : vector<16xi1>
            %sort3A_395, %sort3A_396, %sort3A_397 = tpu.sort %get3A_393, %get3A_393 masked %sort3A_394 : (vector<16xf32>, vector<16xf32>, vector<16xi1>) -> (vector<16xi1>, vector<16xf32>, vector<16xf32>)
            %get3A_398 = arith.constant 0 : index
            %get3A_399 = tpu.vector_load %arg9[%get3A_398] {strides = array<i32>} : memref<16xf32, #tpu.memory_space<vmem>>, vector<16xf32>,
            %rev3A_400 = arith.constant 15 : i32
            %rev3A_401 = vector.broadcast %rev3A_400 : i32 to vector<16xi32>
            %rev3A_402 = tpu.iota {dimensions = array<i32: 0>} : vector<16xi32>
            %rev3A_403 = arith.subi %rev3A_401, %rev3A_402 : vector<16xi32>
            %rev3A_404 = tpu.dynamic_gather %get3A_399[%rev3A_403] in [0] : vector<16xf32>, vector<16xi32> -> vector<16xf32>
            %max3A_405 = arith.maximumf %sort3A_396, %rev3A_404 : vector<16xf32>
            %sort3A_406 = arith.constant dense<true> : vector<16xi1>
            %sort3A_407, %sort3A_408, %sort3A_409 = tpu.sort %max3A_405, %max3A_405 masked %sort3A_406 : (vector<16xf32>, vector<16xf32>, vector<16xi1>) -> (vector<16xi1>, vector<16xf32>, vector<16xf32>)
            %swap3A_410 = arith.constant 0 : index
            %swap3A_411 = tpu.vector_load %arg9[%swap3A_410] {strides = array<i32>} : memref<16xf32, #tpu.memory_space<vmem>>, vector<16xf32>,
            tpu.vector_store %arg9[%swap3A_410], %sort3A_408 {strides = array<i32>} : memref<16xf32, #tpu.memory_space<vmem>>, vector<16xf32>,
            %mul3A_412 = arith.constant 15 : i32
            %mul3A_413 = arith.muli %scan3A_206, %mul3A_412 : i32
            %add3A_414 = arith.constant 6 : i32
            %add3A_415 = arith.addi %mul3A_413, %add3A_414 : i32
            %mul3A_416 = arith.constant 16 : i32
            %mul3A_417 = arith.muli %add3A_415, %mul3A_416 : i32
            %get3A_418 = arith.index_cast %mul3A_417 : i32 to index
            %get3A_419 = tpu.vector_load %arg6[%get3A_418] {strides = array<i32>} : memref<8400xf32, #tpu.memory_space<vmem>>, vector<16xf32>,
            %sort3A_420 = arith.constant dense<true> : vector<16xi1>
            %sort3A_421, %sort3A_422, %sort3A_423 = tpu.sort %get3A_419, %get3A_419 masked %sort3A_420 : (vector<16xf32>, vector<16xf32>, vector<16xi1>) -> (vector<16xi1>, vector<16xf32>, vector<16xf32>)
            %get3A_424 = arith.constant 0 : index
            %get3A_425 = tpu.vector_load %arg9[%get3A_424] {strides = array<i32>} : memref<16xf32, #tpu.memory_space<vmem>>, vector<16xf32>,
            %rev3A_426 = arith.constant 15 : i32
            %rev3A_427 = vector.broadcast %rev3A_426 : i32 to vector<16xi32>
            %rev3A_428 = tpu.iota {dimensions = array<i32: 0>} : vector<16xi32>
            %rev3A_429 = arith.subi %rev3A_427, %rev3A_428 : vector<16xi32>
            %rev3A_430 = tpu.dynamic_gather %get3A_425[%rev3A_429] in [0] : vector<16xf32>, vector<16xi32> -> vector<16xf32>
            %max3A_431 = arith.maximumf %sort3A_422, %rev3A_430 : vector<16xf32>
            %sort3A_432 = arith.constant dense<true> : vector<16xi1>
            %sort3A_433, %sort3A_434, %sort3A_435 = tpu.sort %max3A_431, %max3A_431 masked %sort3A_432 : (vector<16xf32>, vector<16xf32>, vector<16xi1>) -> (vector<16xi1>, vector<16xf32>, vector<16xf32>)
            %swap3A_436 = arith.constant 0 : index
            %swap3A_437 = tpu.vector_load %arg9[%swap3A_436] {strides = array<i32>} : memref<16xf32, #tpu.memory_space<vmem>>, vector<16xf32>,
            tpu.vector_store %arg9[%swap3A_436], %sort3A_434 {strides = array<i32>} : memref<16xf32, #tpu.memory_space<vmem>>, vector<16xf32>,
            %mul3A_438 = arith.constant 15 : i32
            %mul3A_439 = arith.muli %scan3A_206, %mul3A_438 : i32
            %add3A_440 = arith.constant 7 : i32
            %add3A_441 = arith.addi %mul3A_439, %add3A_440 : i32
            %mul3A_442 = arith.constant 16 : i32
            %mul3A_443 = arith.muli %add3A_441, %mul3A_442 : i32
            %get3A_444 = arith.index_cast %mul3A_443 : i32 to index
            %get3A_445 = tpu.vector_load %arg6[%get3A_444] {strides = array<i32>} : memref<8400xf32, #tpu.memory_space<vmem>>, vector<16xf32>,
            %sort3A_446 = arith.constant dense<true> : vector<16xi1>
            %sort3A_447, %sort3A_448, %sort3A_449 = tpu.sort %get3A_445, %get3A_445 masked %sort3A_446 : (vector<16xf32>, vector<16xf32>, vector<16xi1>) -> (vector<16xi1>, vector<16xf32>, vector<16xf32>)
            %get3A_450 = arith.constant 0 : index
            %get3A_451 = tpu.vector_load %arg9[%get3A_450] {strides = array<i32>} : memref<16xf32, #tpu.memory_space<vmem>>, vector<16xf32>,
            %rev3A_452 = arith.constant 15 : i32
            %rev3A_453 = vector.broadcast %rev3A_452 : i32 to vector<16xi32>
            %rev3A_454 = tpu.iota {dimensions = array<i32: 0>} : vector<16xi32>
            %rev3A_455 = arith.subi %rev3A_453, %rev3A_454 : vector<16xi32>
            %rev3A_456 = tpu.dynamic_gather %get3A_451[%rev3A_455] in [0] : vector<16xf32>, vector<16xi32> -> vector<16xf32>
            %max3A_457 = arith.maximumf %sort3A_448, %rev3A_456 : vector<16xf32>
            %sort3A_458 = arith.constant dense<true> : vector<16xi1>
            %sort3A_459, %sort3A_460, %sort3A_461 = tpu.sort %max3A_457, %max3A_457 masked %sort3A_458 : (vector<16xf32>, vector<16xf32>, vector<16xi1>) -> (vector<16xi1>, vector<16xf32>, vector<16xf32>)
            %swap3A_462 = arith.constant 0 : index
            %swap3A_463 = tpu.vector_load %arg9[%swap3A_462] {strides = array<i32>} : memref<16xf32, #tpu.memory_space<vmem>>, vector<16xf32>,
            tpu.vector_store %arg9[%swap3A_462], %sort3A_460 {strides = array<i32>} : memref<16xf32, #tpu.memory_space<vmem>>, vector<16xf32>,
            %mul3A_464 = arith.constant 15 : i32
            %mul3A_465 = arith.muli %scan3A_206, %mul3A_464 : i32
            %add3A_466 = arith.constant 8 : i32
            %add3A_467 = arith.addi %mul3A_465, %add3A_466 : i32
            %mul3A_468 = arith.constant 16 : i32
            %mul3A_469 = arith.muli %add3A_467, %mul3A_468 : i32
            %get3A_470 = arith.index_cast %mul3A_469 : i32 to index
            %get3A_471 = tpu.vector_load %arg6[%get3A_470] {strides = array<i32>} : memref<8400xf32, #tpu.memory_space<vmem>>, vector<16xf32>,
            %sort3A_472 = arith.constant dense<true> : vector<16xi1>
            %sort3A_473, %sort3A_474, %sort3A_475 = tpu.sort %get3A_471, %get3A_471 masked %sort3A_472 : (vector<16xf32>, vector<16xf32>, vector<16xi1>) -> (vector<16xi1>, vector<16xf32>, vector<16xf32>)
            %get3A_476 = arith.constant 0 : index
            %get3A_477 = tpu.vector_load %arg9[%get3A_476] {strides = array<i32>} : memref<16xf32, #tpu.memory_space<vmem>>, vector<16xf32>,
            %rev3A_478 = arith.constant 15 : i32
            %rev3A_479 = vector.broadcast %rev3A_478 : i32 to vector<16xi32>
            %rev3A_480 = tpu.iota {dimensions = array<i32: 0>} : vector<16xi32>
            %rev3A_481 = arith.subi %rev3A_479, %rev3A_480 : vector<16xi32>
            %rev3A_482 = tpu.dynamic_gather %get3A_477[%rev3A_481] in [0] : vector<16xf32>, vector<16xi32> -> vector<16xf32>
            %max3A_483 = arith.maximumf %sort3A_474, %rev3A_482 : vector<16xf32>
            %sort3A_484 = arith.constant dense<true> : vector<16xi1>
            %sort3A_485, %sort3A_486, %sort3A_487 = tpu.sort %max3A_483, %max3A_483 masked %sort3A_484 : (vector<16xf32>, vector<16xf32>, vector<16xi1>) -> (vector<16xi1>, vector<16xf32>, vector<16xf32>)
            %swap3A_488 = arith.constant 0 : index
            %swap3A_489 = tpu.vector_load %arg9[%swap3A_488] {strides = array<i32>} : memref<16xf32, #tpu.memory_space<vmem>>, vector<16xf32>,
            tpu.vector_store %arg9[%swap3A_488], %sort3A_486 {strides = array<i32>} : memref<16xf32, #tpu.memory_space<vmem>>, vector<16xf32>,
            %mul3A_490 = arith.constant 15 : i32
            %mul3A_491 = arith.muli %scan3A_206, %mul3A_490 : i32
            %add3A_492 = arith.constant 9 : i32
            %add3A_493 = arith.addi %mul3A_491, %add3A_492 : i32
            %mul3A_494 = arith.constant 16 : i32
            %mul3A_495 = arith.muli %add3A_493, %mul3A_494 : i32
            %get3A_496 = arith.index_cast %mul3A_495 : i32 to index
            %get3A_497 = tpu.vector_load %arg6[%get3A_496] {strides = array<i32>} : memref<8400xf32, #tpu.memory_space<vmem>>, vector<16xf32>,
            %sort3A_498 = arith.constant dense<true> : vector<16xi1>
            %sort3A_499, %sort3A_500, %sort3A_501 = tpu.sort %get3A_497, %get3A_497 masked %sort3A_498 : (vector<16xf32>, vector<16xf32>, vector<16xi1>) -> (vector<16xi1>, vector<16xf32>, vector<16xf32>)
            %get3A_502 = arith.constant 0 : index
            %get3A_503 = tpu.vector_load %arg9[%get3A_502] {strides = array<i32>} : memref<16xf32, #tpu.memory_space<vmem>>, vector<16xf32>,
            %rev3A_504 = arith.constant 15 : i32
            %rev3A_505 = vector.broadcast %rev3A_504 : i32 to vector<16xi32>
            %rev3A_506 = tpu.iota {dimensions = array<i32: 0>} : vector<16xi32>
            %rev3A_507 = arith.subi %rev3A_505, %rev3A_506 : vector<16xi32>
            %rev3A_508 = tpu.dynamic_gather %get3A_503[%rev3A_507] in [0] : vector<16xf32>, vector<16xi32> -> vector<16xf32>
            %max3A_509 = arith.maximumf %sort3A_500, %rev3A_508 : vector<16xf32>
            %sort3A_510 = arith.constant dense<true> : vector<16xi1>
            %sort3A_511, %sort3A_512, %sort3A_513 = tpu.sort %max3A_509, %max3A_509 masked %sort3A_510 : (vector<16xf32>, vector<16xf32>, vector<16xi1>) -> (vector<16xi1>, vector<16xf32>, vector<16xf32>)
            %swap3A_514 = arith.constant 0 : index
            %swap3A_515 = tpu.vector_load %arg9[%swap3A_514] {strides = array<i32>} : memref<16xf32, #tpu.memory_space<vmem>>, vector<16xf32>,
            tpu.vector_store %arg9[%swap3A_514], %sort3A_512 {strides = array<i32>} : memref<16xf32, #tpu.memory_space<vmem>>, vector<16xf32>,
            %mul3A_516 = arith.constant 15 : i32
            %mul3A_517 = arith.muli %scan3A_206, %mul3A_516 : i32
            %add3A_518 = arith.constant 10 : i32
            %add3A_519 = arith.addi %mul3A_517, %add3A_518 : i32
            %mul3A_520 = arith.constant 16 : i32
            %mul3A_521 = arith.muli %add3A_519, %mul3A_520 : i32
            %get3A_522 = arith.index_cast %mul3A_521 : i32 to index
            %get3A_523 = tpu.vector_load %arg6[%get3A_522] {strides = array<i32>} : memref<8400xf32, #tpu.memory_space<vmem>>, vector<16xf32>,
            %sort3A_524 = arith.constant dense<true> : vector<16xi1>
            %sort3A_525, %sort3A_526, %sort3A_527 = tpu.sort %get3A_523, %get3A_523 masked %sort3A_524 : (vector<16xf32>, vector<16xf32>, vector<16xi1>) -> (vector<16xi1>, vector<16xf32>, vector<16xf32>)
            %get3A_528 = arith.constant 0 : index
            %get3A_529 = tpu.vector_load %arg9[%get3A_528] {strides = array<i32>} : memref<16xf32, #tpu.memory_space<vmem>>, vector<16xf32>,
            %rev3A_530 = arith.constant 15 : i32
            %rev3A_531 = vector.broadcast %rev3A_530 : i32 to vector<16xi32>
            %rev3A_532 = tpu.iota {dimensions = array<i32: 0>} : vector<16xi32>
            %rev3A_533 = arith.subi %rev3A_531, %rev3A_532 : vector<16xi32>
            %rev3A_534 = tpu.dynamic_gather %get3A_529[%rev3A_533] in [0] : vector<16xf32>, vector<16xi32> -> vector<16xf32>
            %max3A_535 = arith.maximumf %sort3A_526, %rev3A_534 : vector<16xf32>
            %sort3A_536 = arith.constant dense<true> : vector<16xi1>
            %sort3A_537, %sort3A_538, %sort3A_539 = tpu.sort %max3A_535, %max3A_535 masked %sort3A_536 : (vector<16xf32>, vector<16xf32>, vector<16xi1>) -> (vector<16xi1>, vector<16xf32>, vector<16xf32>)
            %swap3A_540 = arith.constant 0 : index
            %swap3A_541 = tpu.vector_load %arg9[%swap3A_540] {strides = array<i32>} : memref<16xf32, #tpu.memory_space<vmem>>, vector<16xf32>,
            tpu.vector_store %arg9[%swap3A_540], %sort3A_538 {strides = array<i32>} : memref<16xf32, #tpu.memory_space<vmem>>, vector<16xf32>,
            %mul3A_542 = arith.constant 15 : i32
            %mul3A_543 = arith.muli %scan3A_206, %mul3A_542 : i32
            %add3A_544 = arith.constant 11 : i32
            %add3A_545 = arith.addi %mul3A_543, %add3A_544 : i32
            %mul3A_546 = arith.constant 16 : i32
            %mul3A_547 = arith.muli %add3A_545, %mul3A_546 : i32
            %get3A_548 = arith.index_cast %mul3A_547 : i32 to index
            %get3A_549 = tpu.vector_load %arg6[%get3A_548] {strides = array<i32>} : memref<8400xf32, #tpu.memory_space<vmem>>, vector<16xf32>,
            %sort3A_550 = arith.constant dense<true> : vector<16xi1>
            %sort3A_551, %sort3A_552, %sort3A_553 = tpu.sort %get3A_549, %get3A_549 masked %sort3A_550 : (vector<16xf32>, vector<16xf32>, vector<16xi1>) -> (vector<16xi1>, vector<16xf32>, vector<16xf32>)
            %get3A_554 = arith.constant 0 : index
            %get3A_555 = tpu.vector_load %arg9[%get3A_554] {strides = array<i32>} : memref<16xf32, #tpu.memory_space<vmem>>, vector<16xf32>,
            %rev3A_556 = arith.constant 15 : i32
            %rev3A_557 = vector.broadcast %rev3A_556 : i32 to vector<16xi32>
            %rev3A_558 = tpu.iota {dimensions = array<i32: 0>} : vector<16xi32>
            %rev3A_559 = arith.subi %rev3A_557, %rev3A_558 : vector<16xi32>
            %rev3A_560 = tpu.dynamic_gather %get3A_555[%rev3A_559] in [0] : vector<16xf32>, vector<16xi32> -> vector<16xf32>
            %max3A_561 = arith.maximumf %sort3A_552, %rev3A_560 : vector<16xf32>
            %sort3A_562 = arith.constant dense<true> : vector<16xi1>
            %sort3A_563, %sort3A_564, %sort3A_565 = tpu.sort %max3A_561, %max3A_561 masked %sort3A_562 : (vector<16xf32>, vector<16xf32>, vector<16xi1>) -> (vector<16xi1>, vector<16xf32>, vector<16xf32>)
            %swap3A_566 = arith.constant 0 : index
            %swap3A_567 = tpu.vector_load %arg9[%swap3A_566] {strides = array<i32>} : memref<16xf32, #tpu.memory_space<vmem>>, vector<16xf32>,
            tpu.vector_store %arg9[%swap3A_566], %sort3A_564 {strides = array<i32>} : memref<16xf32, #tpu.memory_space<vmem>>, vector<16xf32>,
            %mul3A_568 = arith.constant 15 : i32
            %mul3A_569 = arith.muli %scan3A_206, %mul3A_568 : i32
            %add3A_570 = arith.constant 12 : i32
            %add3A_571 = arith.addi %mul3A_569, %add3A_570 : i32
            %mul3A_572 = arith.constant 16 : i32
            %mul3A_573 = arith.muli %add3A_571, %mul3A_572 : i32
            %get3A_574 = arith.index_cast %mul3A_573 : i32 to index
            %get3A_575 = tpu.vector_load %arg6[%get3A_574] {strides = array<i32>} : memref<8400xf32, #tpu.memory_space<vmem>>, vector<16xf32>,
            %sort3A_576 = arith.constant dense<true> : vector<16xi1>
            %sort3A_577, %sort3A_578, %sort3A_579 = tpu.sort %get3A_575, %get3A_575 masked %sort3A_576 : (vector<16xf32>, vector<16xf32>, vector<16xi1>) -> (vector<16xi1>, vector<16xf32>, vector<16xf32>)
            %get3A_580 = arith.constant 0 : index
            %get3A_581 = tpu.vector_load %arg9[%get3A_580] {strides = array<i32>} : memref<16xf32, #tpu.memory_space<vmem>>, vector<16xf32>,
            %rev3A_582 = arith.constant 15 : i32
            %rev3A_583 = vector.broadcast %rev3A_582 : i32 to vector<16xi32>
            %rev3A_584 = tpu.iota {dimensions = array<i32: 0>} : vector<16xi32>
            %rev3A_585 = arith.subi %rev3A_583, %rev3A_584 : vector<16xi32>
            %rev3A_586 = tpu.dynamic_gather %get3A_581[%rev3A_585] in [0] : vector<16xf32>, vector<16xi32> -> vector<16xf32>
            %max3A_587 = arith.maximumf %sort3A_578, %rev3A_586 : vector<16xf32>
            %sort3A_588 = arith.constant dense<true> : vector<16xi1>
            %sort3A_589, %sort3A_590, %sort3A_591 = tpu.sort %max3A_587, %max3A_587 masked %sort3A_588 : (vector<16xf32>, vector<16xf32>, vector<16xi1>) -> (vector<16xi1>, vector<16xf32>, vector<16xf32>)
            %swap3A_592 = arith.constant 0 : index
            %swap3A_593 = tpu.vector_load %arg9[%swap3A_592] {strides = array<i32>} : memref<16xf32, #tpu.memory_space<vmem>>, vector<16xf32>,
            tpu.vector_store %arg9[%swap3A_592], %sort3A_590 {strides = array<i32>} : memref<16xf32, #tpu.memory_space<vmem>>, vector<16xf32>,
            %mul3A_594 = arith.constant 15 : i32
            %mul3A_595 = arith.muli %scan3A_206, %mul3A_594 : i32
            %add3A_596 = arith.constant 13 : i32
            %add3A_597 = arith.addi %mul3A_595, %add3A_596 : i32
            %mul3A_598 = arith.constant 16 : i32
            %mul3A_599 = arith.muli %add3A_597, %mul3A_598 : i32
            %get3A_600 = arith.index_cast %mul3A_599 : i32 to index
            %get3A_601 = tpu.vector_load %arg6[%get3A_600] {strides = array<i32>} : memref<8400xf32, #tpu.memory_space<vmem>>, vector<16xf32>,
            %sort3A_602 = arith.constant dense<true> : vector<16xi1>
            %sort3A_603, %sort3A_604, %sort3A_605 = tpu.sort %get3A_601, %get3A_601 masked %sort3A_602 : (vector<16xf32>, vector<16xf32>, vector<16xi1>) -> (vector<16xi1>, vector<16xf32>, vector<16xf32>)
            %get3A_606 = arith.constant 0 : index
            %get3A_607 = tpu.vector_load %arg9[%get3A_606] {strides = array<i32>} : memref<16xf32, #tpu.memory_space<vmem>>, vector<16xf32>,
            %rev3A_608 = arith.constant 15 : i32
            %rev3A_609 = vector.broadcast %rev3A_608 : i32 to vector<16xi32>
            %rev3A_610 = tpu.iota {dimensions = array<i32: 0>} : vector<16xi32>
            %rev3A_611 = arith.subi %rev3A_609, %rev3A_610 : vector<16xi32>
            %rev3A_612 = tpu.dynamic_gather %get3A_607[%rev3A_611] in [0] : vector<16xf32>, vector<16xi32> -> vector<16xf32>
            %max3A_613 = arith.maximumf %sort3A_604, %rev3A_612 : vector<16xf32>
            %sort3A_614 = arith.constant dense<true> : vector<16xi1>
            %sort3A_615, %sort3A_616, %sort3A_617 = tpu.sort %max3A_613, %max3A_613 masked %sort3A_614 : (vector<16xf32>, vector<16xf32>, vector<16xi1>) -> (vector<16xi1>, vector<16xf32>, vector<16xf32>)
            %swap3A_618 = arith.constant 0 : index
            %swap3A_619 = tpu.vector_load %arg9[%swap3A_618] {strides = array<i32>} : memref<16xf32, #tpu.memory_space<vmem>>, vector<16xf32>,
            tpu.vector_store %arg9[%swap3A_618], %sort3A_616 {strides = array<i32>} : memref<16xf32, #tpu.memory_space<vmem>>, vector<16xf32>,
            %mul3A_620 = arith.constant 15 : i32
            %mul3A_621 = arith.muli %scan3A_206, %mul3A_620 : i32
            %add3A_622 = arith.constant 14 : i32
            %add3A_623 = arith.addi %mul3A_621, %add3A_622 : i32
            %mul3A_624 = arith.constant 16 : i32
            %mul3A_625 = arith.muli %add3A_623, %mul3A_624 : i32
            %get3A_626 = arith.index_cast %mul3A_625 : i32 to index
            %get3A_627 = tpu.vector_load %arg6[%get3A_626] {strides = array<i32>} : memref<8400xf32, #tpu.memory_space<vmem>>, vector<16xf32>,
            %sort3A_628 = arith.constant dense<true> : vector<16xi1>
            %sort3A_629, %sort3A_630, %sort3A_631 = tpu.sort %get3A_627, %get3A_627 masked %sort3A_628 : (vector<16xf32>, vector<16xf32>, vector<16xi1>) -> (vector<16xi1>, vector<16xf32>, vector<16xf32>)
            %get3A_632 = arith.constant 0 : index
            %get3A_633 = tpu.vector_load %arg9[%get3A_632] {strides = array<i32>} : memref<16xf32, #tpu.memory_space<vmem>>, vector<16xf32>,
            %rev3A_634 = arith.constant 15 : i32
            %rev3A_635 = vector.broadcast %rev3A_634 : i32 to vector<16xi32>
            %rev3A_636 = tpu.iota {dimensions = array<i32: 0>} : vector<16xi32>
            %rev3A_637 = arith.subi %rev3A_635, %rev3A_636 : vector<16xi32>
            %rev3A_638 = tpu.dynamic_gather %get3A_633[%rev3A_637] in [0] : vector<16xf32>, vector<16xi32> -> vector<16xf32>
            %max3A_639 = arith.maximumf %sort3A_630, %rev3A_638 : vector<16xf32>
            %sort3A_640 = arith.constant dense<true> : vector<16xi1>
            %sort3A_641, %sort3A_642, %sort3A_643 = tpu.sort %max3A_639, %max3A_639 masked %sort3A_640 : (vector<16xf32>, vector<16xf32>, vector<16xi1>) -> (vector<16xi1>, vector<16xf32>, vector<16xf32>)
            %swap3A_644 = arith.constant 0 : index
            %swap3A_645 = tpu.vector_load %arg9[%swap3A_644] {strides = array<i32>} : memref<16xf32, #tpu.memory_space<vmem>>, vector<16xf32>,
            tpu.vector_store %arg9[%swap3A_644], %sort3A_642 {strides = array<i32>} : memref<16xf32, #tpu.memory_space<vmem>>, vector<16xf32>,
          } else {
          }
        }
        %scan3A_153 = arith.constant 35 : i32
        %get3A = arith.constant 0 : index
        %get3A_154 = tpu.vector_load %arg9[%get3A] {strides = array<i32>} : memref<16xf32, #tpu.memory_space<vmem>>, vector<16xf32>,
        %broadcast_in_dim3A_155 = arith.constant 0.000000e+00 : f32
        %broadcast_in_dim3A_156 = vector.broadcast %broadcast_in_dim3A_155 : f32 to vector<16xf32>
        %scan3A_157 = arith.constant 0 : i32
        %scan3A_158 = arith.constant 13 : i32
        %scan3A_159 = arith.addi %scan3A_157, %scan3A_158 : i32
        %scan3A_160 = arith.constant 1 : i32
        %scan3A_161 = scf.for %scan3A_206 = %scan3A_157 to %scan3A_159 step %scan3A_160 iter_args(%scan3A_207 = %broadcast_in_dim3A_156) -> (vector<16xf32>)  : i32 {
          %sub3A = vector.broadcast %scan3A_206 : i32 to vector<16xi32>
          %sub3A_208 = arith.subi %broadcast_in_dim3A_3, %sub3A : vector<16xi32>
          %lt3A_209 = arith.constant 0 : i32
          %lt3A_210 = vector.broadcast %lt3A_209 : i32 to vector<16xi32>
          %lt3A_211 = arith.cmpi slt, %sub3A_208, %lt3A_210 : vector<16xi32>
          %add3A_212 = arith.constant 16 : i32
          %add3A_213 = vector.broadcast %add3A_212 : i32 to vector<16xi32>
          %add3A_214 = arith.addi %sub3A_208, %add3A_213 : vector<16xi32>
          %select_n3A_215 = arith.select %lt3A_211, %add3A_214, %sub3A_208 : vector<16xi1>, vector<16xi32>
          %reshape3A = vector.shape_cast %select_n3A_215 : vector<16xi32> to vector<16x1xi32>
          %gather3A = vector.shape_cast %reshape3A : vector<16x1xi32> to vector<16xi32>
          %gather3A_216 = tpu.dynamic_gather %get3A_154[%gather3A] in [0] : vector<16xf32>, vector<16xi32> -> vector<16xf32>
          %add3A_217 = arith.addf %scan3A_207, %gather3A_216 : vector<16xf32>
          scf.yield %add3A_217 : vector<16xf32>
        }
        %scan3A_162 = arith.constant 13 : i32
        %convert_element_type3A_163 = arith.fptosi %scan3A_161 : vector<16xf32> to vector<16xi32>
        %max3A = arith.constant 1 : i32
        %max3A_164 = vector.broadcast %max3A : i32 to vector<16xi32>
        %max3A_165 = arith.maxsi %convert_element_type3A_163, %max3A_164 : vector<16xi32>
        %scan3A_166 = arith.constant 0 : i32
        %scan3A_167 = arith.constant 0 : i32
        %scan3A_168 = arith.constant 35 : i32
        %scan3A_169 = arith.addi %scan3A_167, %scan3A_168 : i32
        %scan3A_170 = arith.constant 1 : i32
        scf.for %scan3A_206 = %scan3A_167 to %scan3A_169 step %scan3A_170  : i32 {
          %mul3A_207 = arith.constant 15 : i32
          %mul3A_208 = arith.muli %scan3A_206, %mul3A_207 : i32
          %mul3A_209 = arith.constant 16 : i32
          %mul3A_210 = arith.muli %mul3A_208, %mul3A_209 : i32
          %get3A_211 = arith.index_cast %mul3A_210 : i32 to index
          %get3A_212 = tpu.vector_load %arg5[%get3A_211] {strides = array<i32>} : memref<8400xf32, #tpu.memory_space<vmem>>, vector<16xf32>,
          %mul3A_213 = arith.constant 15 : i32
          %mul3A_214 = arith.muli %scan3A_206, %mul3A_213 : i32
          %add3A_215 = arith.constant 1 : i32
          %add3A_216 = arith.addi %mul3A_214, %add3A_215 : i32
          %mul3A_217 = arith.constant 16 : i32
          %mul3A_218 = arith.muli %add3A_216, %mul3A_217 : i32
          %get3A_219 = arith.index_cast %mul3A_218 : i32 to index
          %get3A_220 = tpu.vector_load %arg5[%get3A_219] {strides = array<i32>} : memref<8400xf32, #tpu.memory_space<vmem>>, vector<16xf32>,
          %min3A = arith.minimumf %get3A_212, %get3A_220 : vector<16xf32>
          %mul3A_221 = arith.constant 15 : i32
          %mul3A_222 = arith.muli %scan3A_206, %mul3A_221 : i32
          %add3A_223 = arith.constant 2 : i32
          %add3A_224 = arith.addi %mul3A_222, %add3A_223 : i32
          %mul3A_225 = arith.constant 16 : i32
          %mul3A_226 = arith.muli %add3A_224, %mul3A_225 : i32
          %get3A_227 = arith.index_cast %mul3A_226 : i32 to index
          %get3A_228 = tpu.vector_load %arg5[%get3A_227] {strides = array<i32>} : memref<8400xf32, #tpu.memory_space<vmem>>, vector<16xf32>,
          %min3A_229 = arith.minimumf %min3A, %get3A_228 : vector<16xf32>
          %mul3A_230 = arith.constant 15 : i32
          %mul3A_231 = arith.muli %scan3A_206, %mul3A_230 : i32
          %add3A_232 = arith.constant 3 : i32
          %add3A_233 = arith.addi %mul3A_231, %add3A_232 : i32
          %mul3A_234 = arith.constant 16 : i32
          %mul3A_235 = arith.muli %add3A_233, %mul3A_234 : i32
          %get3A_236 = arith.index_cast %mul3A_235 : i32 to index
          %get3A_237 = tpu.vector_load %arg5[%get3A_236] {strides = array<i32>} : memref<8400xf32, #tpu.memory_space<vmem>>, vector<16xf32>,
          %min3A_238 = arith.minimumf %min3A_229, %get3A_237 : vector<16xf32>
          %mul3A_239 = arith.constant 15 : i32
          %mul3A_240 = arith.muli %scan3A_206, %mul3A_239 : i32
          %add3A_241 = arith.constant 4 : i32
          %add3A_242 = arith.addi %mul3A_240, %add3A_241 : i32
          %mul3A_243 = arith.constant 16 : i32
          %mul3A_244 = arith.muli %add3A_242, %mul3A_243 : i32
          %get3A_245 = arith.index_cast %mul3A_244 : i32 to index
          %get3A_246 = tpu.vector_load %arg5[%get3A_245] {strides = array<i32>} : memref<8400xf32, #tpu.memory_space<vmem>>, vector<16xf32>,
          %min3A_247 = arith.minimumf %min3A_238, %get3A_246 : vector<16xf32>
          %mul3A_248 = arith.constant 15 : i32
          %mul3A_249 = arith.muli %scan3A_206, %mul3A_248 : i32
          %add3A_250 = arith.constant 5 : i32
          %add3A_251 = arith.addi %mul3A_249, %add3A_250 : i32
          %mul3A_252 = arith.constant 16 : i32
          %mul3A_253 = arith.muli %add3A_251, %mul3A_252 : i32
          %get3A_254 = arith.index_cast %mul3A_253 : i32 to index
          %get3A_255 = tpu.vector_load %arg5[%get3A_254] {strides = array<i32>} : memref<8400xf32, #tpu.memory_space<vmem>>, vector<16xf32>,
          %min3A_256 = arith.minimumf %min3A_247, %get3A_255 : vector<16xf32>
          %mul3A_257 = arith.constant 15 : i32
          %mul3A_258 = arith.muli %scan3A_206, %mul3A_257 : i32
          %add3A_259 = arith.constant 6 : i32
          %add3A_260 = arith.addi %mul3A_258, %add3A_259 : i32
          %mul3A_261 = arith.constant 16 : i32
          %mul3A_262 = arith.muli %add3A_260, %mul3A_261 : i32
          %get3A_263 = arith.index_cast %mul3A_262 : i32 to index
          %get3A_264 = tpu.vector_load %arg5[%get3A_263] {strides = array<i32>} : memref<8400xf32, #tpu.memory_space<vmem>>, vector<16xf32>,
          %min3A_265 = arith.minimumf %min3A_256, %get3A_264 : vector<16xf32>
          %mul3A_266 = arith.constant 15 : i32
          %mul3A_267 = arith.muli %scan3A_206, %mul3A_266 : i32
          %add3A_268 = arith.constant 7 : i32
          %add3A_269 = arith.addi %mul3A_267, %add3A_268 : i32
          %mul3A_270 = arith.constant 16 : i32
          %mul3A_271 = arith.muli %add3A_269, %mul3A_270 : i32
          %get3A_272 = arith.index_cast %mul3A_271 : i32 to index
          %get3A_273 = tpu.vector_load %arg5[%get3A_272] {strides = array<i32>} : memref<8400xf32, #tpu.memory_space<vmem>>, vector<16xf32>,
          %min3A_274 = arith.minimumf %min3A_265, %get3A_273 : vector<16xf32>
          %mul3A_275 = arith.constant 15 : i32
          %mul3A_276 = arith.muli %scan3A_206, %mul3A_275 : i32
          %add3A_277 = arith.constant 8 : i32
          %add3A_278 = arith.addi %mul3A_276, %add3A_277 : i32
          %mul3A_279 = arith.constant 16 : i32
          %mul3A_280 = arith.muli %add3A_278, %mul3A_279 : i32
          %get3A_281 = arith.index_cast %mul3A_280 : i32 to index
          %get3A_282 = tpu.vector_load %arg5[%get3A_281] {strides = array<i32>} : memref<8400xf32, #tpu.memory_space<vmem>>, vector<16xf32>,
          %min3A_283 = arith.minimumf %min3A_274, %get3A_282 : vector<16xf32>
          %mul3A_284 = arith.constant 15 : i32
          %mul3A_285 = arith.muli %scan3A_206, %mul3A_284 : i32
          %add3A_286 = arith.constant 9 : i32
          %add3A_287 = arith.addi %mul3A_285, %add3A_286 : i32
          %mul3A_288 = arith.constant 16 : i32
          %mul3A_289 = arith.muli %add3A_287, %mul3A_288 : i32
          %get3A_290 = arith.index_cast %mul3A_289 : i32 to index
          %get3A_291 = tpu.vector_load %arg5[%get3A_290] {strides = array<i32>} : memref<8400xf32, #tpu.memory_space<vmem>>, vector<16xf32>,
          %min3A_292 = arith.minimumf %min3A_283, %get3A_291 : vector<16xf32>
          %mul3A_293 = arith.constant 15 : i32
          %mul3A_294 = arith.muli %scan3A_206, %mul3A_293 : i32
          %add3A_295 = arith.constant 10 : i32
          %add3A_296 = arith.addi %mul3A_294, %add3A_295 : i32
          %mul3A_297 = arith.constant 16 : i32
          %mul3A_298 = arith.muli %add3A_296, %mul3A_297 : i32
          %get3A_299 = arith.index_cast %mul3A_298 : i32 to index
          %get3A_300 = tpu.vector_load %arg5[%get3A_299] {strides = array<i32>} : memref<8400xf32, #tpu.memory_space<vmem>>, vector<16xf32>,
          %min3A_301 = arith.minimumf %min3A_292, %get3A_300 : vector<16xf32>
          %mul3A_302 = arith.constant 15 : i32
          %mul3A_303 = arith.muli %scan3A_206, %mul3A_302 : i32
          %add3A_304 = arith.constant 11 : i32
          %add3A_305 = arith.addi %mul3A_303, %add3A_304 : i32
          %mul3A_306 = arith.constant 16 : i32
          %mul3A_307 = arith.muli %add3A_305, %mul3A_306 : i32
          %get3A_308 = arith.index_cast %mul3A_307 : i32 to index
          %get3A_309 = tpu.vector_load %arg5[%get3A_308] {strides = array<i32>} : memref<8400xf32, #tpu.memory_space<vmem>>, vector<16xf32>,
          %min3A_310 = arith.minimumf %min3A_301, %get3A_309 : vector<16xf32>
          %mul3A_311 = arith.constant 15 : i32
          %mul3A_312 = arith.muli %scan3A_206, %mul3A_311 : i32
          %add3A_313 = arith.constant 12 : i32
          %add3A_314 = arith.addi %mul3A_312, %add3A_313 : i32
          %mul3A_315 = arith.constant 16 : i32
          %mul3A_316 = arith.muli %add3A_314, %mul3A_315 : i32
          %get3A_317 = arith.index_cast %mul3A_316 : i32 to index
          %get3A_318 = tpu.vector_load %arg5[%get3A_317] {strides = array<i32>} : memref<8400xf32, #tpu.memory_space<vmem>>, vector<16xf32>,
          %min3A_319 = arith.minimumf %min3A_310, %get3A_318 : vector<16xf32>
          %mul3A_320 = arith.constant 15 : i32
          %mul3A_321 = arith.muli %scan3A_206, %mul3A_320 : i32
          %add3A_322 = arith.constant 13 : i32
          %add3A_323 = arith.addi %mul3A_321, %add3A_322 : i32
          %mul3A_324 = arith.constant 16 : i32
          %mul3A_325 = arith.muli %add3A_323, %mul3A_324 : i32
          %get3A_326 = arith.index_cast %mul3A_325 : i32 to index
          %get3A_327 = tpu.vector_load %arg5[%get3A_326] {strides = array<i32>} : memref<8400xf32, #tpu.memory_space<vmem>>, vector<16xf32>,
          %min3A_328 = arith.minimumf %min3A_319, %get3A_327 : vector<16xf32>
          %mul3A_329 = arith.constant 15 : i32
          %mul3A_330 = arith.muli %scan3A_206, %mul3A_329 : i32
          %add3A_331 = arith.constant 14 : i32
          %add3A_332 = arith.addi %mul3A_330, %add3A_331 : i32
          %mul3A_333 = arith.constant 16 : i32
          %mul3A_334 = arith.muli %add3A_332, %mul3A_333 : i32
          %get3A_335 = arith.index_cast %mul3A_334 : i32 to index
          %get3A_336 = tpu.vector_load %arg5[%get3A_335] {strides = array<i32>} : memref<8400xf32, #tpu.memory_space<vmem>>, vector<16xf32>,
          %min3A_337 = arith.minimumf %min3A_328, %get3A_336 : vector<16xf32>
          %mul3A_338 = arith.constant 16 : i32
          %mul3A_339 = arith.muli %scan3A_206, %mul3A_338 : i32
          %swap3A_340 = arith.index_cast %mul3A_339 : i32 to index
          %swap3A_341 = tpu.vector_load %arg8[%swap3A_340] {strides = array<i32>} : memref<560xf32, #tpu.memory_space<vmem>>, vector<16xf32>,
          tpu.vector_store %arg8[%swap3A_340], %min3A_337 {strides = array<i32>} : memref<560xf32, #tpu.memory_space<vmem>>, vector<16xf32>,
        }
        %scan3A_171 = arith.constant 35 : i32
        %broadcast_in_dim3A_172 = arith.constant 3.000000e+38 : f32
        %broadcast_in_dim3A_173 = vector.broadcast %broadcast_in_dim3A_172 : f32 to vector<16xf32>
        %scan3A_174 = arith.constant 0 : i32
        %scan3A_175 = arith.constant 35 : i32
        %scan3A_176 = arith.addi %scan3A_174, %scan3A_175 : i32
        %scan3A_177 = arith.constant 1 : i32
        %scan3A_178 = scf.for %scan3A_206 = %scan3A_174 to %scan3A_176 step %scan3A_177 iter_args(%scan3A_207 = %broadcast_in_dim3A_173) -> (vector<16xf32>)  : i32 {
          %mul3A_208 = arith.constant 16 : i32
          %mul3A_209 = arith.muli %scan3A_206, %mul3A_208 : i32
          %get3A_210 = arith.index_cast %mul3A_209 : i32 to index
          %get3A_211 = tpu.vector_load %arg8[%get3A_210] {strides = array<i32>} : memref<560xf32, #tpu.memory_space<vmem>>, vector<16xf32>,
          %sort3A = arith.constant dense<true> : vector<16xi1>
          %sort3A_212, %sort3A_213, %sort3A_214 = tpu.sort %get3A_211, %get3A_211 masked %sort3A : (vector<16xf32>, vector<16xf32>, vector<16xi1>) -> (vector<16xi1>, vector<16xf32>, vector<16xf32>)
          %rev3A = arith.constant 15 : i32
          %rev3A_215 = vector.broadcast %rev3A : i32 to vector<16xi32>
          %rev3A_216 = tpu.iota {dimensions = array<i32: 0>} : vector<16xi32>
          %rev3A_217 = arith.subi %rev3A_215, %rev3A_216 : vector<16xi32>
          %rev3A_218 = tpu.dynamic_gather %scan3A_207[%rev3A_217] in [0] : vector<16xf32>, vector<16xi32> -> vector<16xf32>
          %min3A = arith.minimumf %sort3A_213, %rev3A_218 : vector<16xf32>
          %sort3A_219 = arith.constant dense<true> : vector<16xi1>
          %sort3A_220, %sort3A_221, %sort3A_222 = tpu.sort %min3A, %min3A masked %sort3A_219 : (vector<16xf32>, vector<16xf32>, vector<16xi1>) -> (vector<16xi1>, vector<16xf32>, vector<16xf32>)
          scf.yield %sort3A_221 : vector<16xf32>
        }
        %scan3A_179 = arith.constant 35 : i32
        %slice3A_180 = vector.extract_strided_slice %scan3A_178 {offsets = [12], sizes = [1], strides = [1]} : vector<16xf32> to vector<1xf32>
        %squeeze3A_181 = vector.extract %slice3A_180[0] : f32 from vector<1xf32>
        %broadcast_in_dim3A_182 = arith.constant 3.000000e+38 : f32
        %broadcast_in_dim3A_183 = vector.broadcast %broadcast_in_dim3A_182 : f32 to vector<16xf32>
        %swap3A_184 = arith.constant 0 : index
        %swap3A_185 = tpu.vector_load %arg9[%swap3A_184] {strides = array<i32>} : memref<16xf32, #tpu.memory_space<vmem>>, vector<16xf32>,
        tpu.vector_store %arg9[%swap3A_184], %broadcast_in_dim3A_183 {strides = array<i32>} : memref<16xf32, #tpu.memory_space<vmem>>, vector<16xf32>,
        %broadcast_in_dim3A_186 = arith.constant -1 : i32
        %broadcast_in_dim3A_187 = vector.broadcast %broadcast_in_dim3A_186 : i32 to vector<16xi32>
        %swap3A_188 = arith.constant 0 : index
        %swap3A_189 = tpu.vector_load %arg10[%swap3A_188] {strides = array<i32>} : memref<16xi32, #tpu.memory_space<vmem>>, vector<16xi32>,
        tpu.vector_store %arg10[%swap3A_188], %broadcast_in_dim3A_187 {strides = array<i32>} : memref<16xi32, #tpu.memory_space<vmem>>, vector<16xi32>,
        %scan3A_190 = arith.constant 0 : i32
        %scan3A_191 = arith.constant 0 : i32
        %scan3A_192 = arith.constant 35 : i32
        %scan3A_193 = arith.addi %scan3A_191, %scan3A_192 : i32
        %scan3A_194 = arith.constant 1 : i32
        scf.for %scan3A_206 = %scan3A_191 to %scan3A_193 step %scan3A_194  : i32 {
          %mul3A_207 = arith.constant 16 : i32
          %mul3A_208 = arith.muli %scan3A_206, %mul3A_207 : i32
          %get3A_209 = arith.index_cast %mul3A_208 : i32 to index
          %get3A_210 = tpu.vector_load %arg8[%get3A_209] {strides = array<i32>} : memref<560xf32, #tpu.memory_space<vmem>>, vector<16xf32>,
          %lt3A_211 = arith.constant 0 : i32
          %lt3A_212 = vector.broadcast %lt3A_211 : i32 to vector<16xi32>
          %lt3A_213 = arith.cmpi slt, %select_n3A_21, %lt3A_212 : vector<16xi32>
          %add3A_214 = arith.constant 16 : i32
          %add3A_215 = vector.broadcast %add3A_214 : i32 to vector<16xi32>
          %add3A_216 = arith.addi %select_n3A_21, %add3A_215 : vector<16xi32>
          %select_n3A_217 = arith.select %lt3A_213, %add3A_216, %select_n3A_21 : vector<16xi1>, vector<16xi32>
          %reshape3A = vector.shape_cast %select_n3A_217 : vector<16xi32> to vector<16x1xi32>
          %gather3A = vector.shape_cast %reshape3A : vector<16x1xi32> to vector<16xi32>
          %gather3A_218 = tpu.dynamic_gather %get3A_210[%gather3A] in [0] : vector<16xf32>, vector<16xi32> -> vector<16xf32>
          %min3A = arith.minimumf %get3A_210, %gather3A_218 : vector<16xf32>
          %lt3A_219 = arith.constant 0 : i32
          %lt3A_220 = vector.broadcast %lt3A_219 : i32 to vector<16xi32>
          %lt3A_221 = arith.cmpi slt, %select_n3A_46, %lt3A_220 : vector<16xi32>
          %add3A_222 = arith.constant 16 : i32
          %add3A_223 = vector.broadcast %add3A_222 : i32 to vector<16xi32>
          %add3A_224 = arith.addi %select_n3A_46, %add3A_223 : vector<16xi32>
          %select_n3A_225 = arith.select %lt3A_221, %add3A_224, %select_n3A_46 : vector<16xi1>, vector<16xi32>
          %reshape3A_226 = vector.shape_cast %select_n3A_225 : vector<16xi32> to vector<16x1xi32>
          %gather3A_227 = vector.shape_cast %reshape3A_226 : vector<16x1xi32> to vector<16xi32>
          %gather3A_228 = tpu.dynamic_gather %min3A[%gather3A_227] in [0] : vector<16xf32>, vector<16xi32> -> vector<16xf32>
          %min3A_229 = arith.minimumf %min3A, %gather3A_228 : vector<16xf32>
          %lt3A_230 = arith.constant 0 : i32
          %lt3A_231 = vector.broadcast %lt3A_230 : i32 to vector<16xi32>
          %lt3A_232 = arith.cmpi slt, %select_n3A_71, %lt3A_231 : vector<16xi32>
          %add3A_233 = arith.constant 16 : i32
          %add3A_234 = vector.broadcast %add3A_233 : i32 to vector<16xi32>
          %add3A_235 = arith.addi %select_n3A_71, %add3A_234 : vector<16xi32>
          %select_n3A_236 = arith.select %lt3A_232, %add3A_235, %select_n3A_71 : vector<16xi1>, vector<16xi32>
          %reshape3A_237 = vector.shape_cast %select_n3A_236 : vector<16xi32> to vector<16x1xi32>
          %gather3A_238 = vector.shape_cast %reshape3A_237 : vector<16x1xi32> to vector<16xi32>
          %gather3A_239 = tpu.dynamic_gather %min3A_229[%gather3A_238] in [0] : vector<16xf32>, vector<16xi32> -> vector<16xf32>
          %min3A_240 = arith.minimumf %min3A_229, %gather3A_239 : vector<16xf32>
          %lt3A_241 = arith.constant 0 : i32
          %lt3A_242 = vector.broadcast %lt3A_241 : i32 to vector<16xi32>
          %lt3A_243 = arith.cmpi slt, %select_n3A_96, %lt3A_242 : vector<16xi32>
          %add3A_244 = arith.constant 16 : i32
          %add3A_245 = vector.broadcast %add3A_244 : i32 to vector<16xi32>
          %add3A_246 = arith.addi %select_n3A_96, %add3A_245 : vector<16xi32>
          %select_n3A_247 = arith.select %lt3A_243, %add3A_246, %select_n3A_96 : vector<16xi1>, vector<16xi32>
          %reshape3A_248 = vector.shape_cast %select_n3A_247 : vector<16xi32> to vector<16x1xi32>
          %gather3A_249 = vector.shape_cast %reshape3A_248 : vector<16x1xi32> to vector<16xi32>
          %gather3A_250 = tpu.dynamic_gather %min3A_240[%gather3A_249] in [0] : vector<16xf32>, vector<16xi32> -> vector<16xf32>
          %min3A_251 = arith.minimumf %min3A_240, %gather3A_250 : vector<16xf32>
          %slice3A_252 = vector.extract_strided_slice %min3A_251 {offsets = [0], sizes = [1], strides = [1]} : vector<16xf32> to vector<1xf32>
          %squeeze3A_253 = vector.extract %slice3A_252[0] : f32 from vector<1xf32>
          %le3A = arith.cmpf ole, %squeeze3A_253, %squeeze3A_181 : f32
          %convert_element_type3A_254 = arith.extui %le3A : i1 to i32
          %cond3A_255 = arith.constant 0 : i32
          %cond3A_256 = arith.cmpi ne, %convert_element_type3A_254, %cond3A_255 : i32
          scf.if %cond3A_256 {
            %mul3A_257 = arith.constant 15 : i32
            %mul3A_258 = arith.muli %scan3A_206, %mul3A_257 : i32
            %add3A_259 = arith.constant 0 : i32
            %add3A_260 = arith.addi %mul3A_258, %add3A_259 : i32
            %mul3A_261 = arith.constant 16 : i32
            %mul3A_262 = arith.muli %add3A_260, %mul3A_261 : i32
            %get3A_263 = arith.index_cast %mul3A_262 : i32 to index
            %get3A_264 = tpu.vector_load %arg5[%get3A_263] {strides = array<i32>} : memref<8400xf32, #tpu.memory_space<vmem>>, vector<16xf32>,
            %mul3A_265 = arith.constant 16 : i32
            %mul3A_266 = arith.muli %add3A_260, %mul3A_265 : i32
            %add3A_267 = vector.broadcast %mul3A_266 : i32 to vector<16xi32>
            %add3A_268 = arith.addi %iota3A, %add3A_267 : vector<16xi32>
            %masked_sort3A = arith.constant dense<true> : vector<16xi1>
            %masked_sort3A_269, %masked_sort3A_270, %masked_sort3A_271 = tpu.sort %get3A_264, %add3A_268 masked %masked_sort3A : (vector<16xf32>, vector<16xi32>, vector<16xi1>) -> (vector<16xi1>, vector<16xf32>, vector<16xi32>)
            %get3A_272 = arith.constant 0 : index
            %get3A_273 = tpu.vector_load %arg9[%get3A_272] {strides = array<i32>} : memref<16xf32, #tpu.memory_space<vmem>>, vector<16xf32>,
            %rev3A = arith.constant 15 : i32
            %rev3A_274 = vector.broadcast %rev3A : i32 to vector<16xi32>
            %rev3A_275 = tpu.iota {dimensions = array<i32: 0>} : vector<16xi32>
            %rev3A_276 = arith.subi %rev3A_274, %rev3A_275 : vector<16xi32>
            %rev3A_277 = tpu.dynamic_gather %get3A_273[%rev3A_276] in [0] : vector<16xf32>, vector<16xi32> -> vector<16xf32>
            %get3A_278 = arith.constant 0 : index
            %get3A_279 = tpu.vector_load %arg10[%get3A_278] {strides = array<i32>} : memref<16xi32, #tpu.memory_space<vmem>>, vector<16xi32>,
            %rev3A_280 = arith.constant 15 : i32
            %rev3A_281 = vector.broadcast %rev3A_280 : i32 to vector<16xi32>
            %rev3A_282 = tpu.iota {dimensions = array<i32: 0>} : vector<16xi32>
            %rev3A_283 = arith.subi %rev3A_281, %rev3A_282 : vector<16xi32>
            %rev3A_284 = tpu.dynamic_gather %get3A_279[%rev3A_283] in [0] : vector<16xi32>, vector<16xi32> -> vector<16xi32>
            %le3A_285 = arith.cmpf ole, %masked_sort3A_270, %rev3A_277 : vector<16xf32>
            %select_n3A_286 = arith.select %le3A_285, %masked_sort3A_270, %rev3A_277 : vector<16xi1>, vector<16xf32>
            %select_n3A_287 = arith.select %le3A_285, %masked_sort3A_271, %rev3A_284 : vector<16xi1>, vector<16xi32>
            %masked_sort3A_288 = arith.constant dense<true> : vector<16xi1>
            %masked_sort3A_289, %masked_sort3A_290, %masked_sort3A_291 = tpu.sort %select_n3A_286, %select_n3A_287 masked %masked_sort3A_288 : (vector<16xf32>, vector<16xi32>, vector<16xi1>) -> (vector<16xi1>, vector<16xf32>, vector<16xi32>)
            %swap3A_292 = arith.constant 0 : index
            %swap3A_293 = tpu.vector_load %arg9[%swap3A_292] {strides = array<i32>} : memref<16xf32, #tpu.memory_space<vmem>>, vector<16xf32>,
            tpu.vector_store %arg9[%swap3A_292], %masked_sort3A_290 {strides = array<i32>} : memref<16xf32, #tpu.memory_space<vmem>>, vector<16xf32>,
            %swap3A_294 = arith.constant 0 : index
            %swap3A_295 = tpu.vector_load %arg10[%swap3A_294] {strides = array<i32>} : memref<16xi32, #tpu.memory_space<vmem>>, vector<16xi32>,
            tpu.vector_store %arg10[%swap3A_294], %masked_sort3A_291 {strides = array<i32>} : memref<16xi32, #tpu.memory_space<vmem>>, vector<16xi32>,
            %mul3A_296 = arith.constant 15 : i32
            %mul3A_297 = arith.muli %scan3A_206, %mul3A_296 : i32
            %add3A_298 = arith.constant 1 : i32
            %add3A_299 = arith.addi %mul3A_297, %add3A_298 : i32
            %mul3A_300 = arith.constant 16 : i32
            %mul3A_301 = arith.muli %add3A_299, %mul3A_300 : i32
            %get3A_302 = arith.index_cast %mul3A_301 : i32 to index
            %get3A_303 = tpu.vector_load %arg5[%get3A_302] {strides = array<i32>} : memref<8400xf32, #tpu.memory_space<vmem>>, vector<16xf32>,
            %mul3A_304 = arith.constant 16 : i32
            %mul3A_305 = arith.muli %add3A_299, %mul3A_304 : i32
            %add3A_306 = vector.broadcast %mul3A_305 : i32 to vector<16xi32>
            %add3A_307 = arith.addi %iota3A, %add3A_306 : vector<16xi32>
            %masked_sort3A_308 = arith.constant dense<true> : vector<16xi1>
            %masked_sort3A_309, %masked_sort3A_310, %masked_sort3A_311 = tpu.sort %get3A_303, %add3A_307 masked %masked_sort3A_308 : (vector<16xf32>, vector<16xi32>, vector<16xi1>) -> (vector<16xi1>, vector<16xf32>, vector<16xi32>)
            %get3A_312 = arith.constant 0 : index
            %get3A_313 = tpu.vector_load %arg9[%get3A_312] {strides = array<i32>} : memref<16xf32, #tpu.memory_space<vmem>>, vector<16xf32>,
            %rev3A_314 = arith.constant 15 : i32
            %rev3A_315 = vector.broadcast %rev3A_314 : i32 to vector<16xi32>
            %rev3A_316 = tpu.iota {dimensions = array<i32: 0>} : vector<16xi32>
            %rev3A_317 = arith.subi %rev3A_315, %rev3A_316 : vector<16xi32>
            %rev3A_318 = tpu.dynamic_gather %get3A_313[%rev3A_317] in [0] : vector<16xf32>, vector<16xi32> -> vector<16xf32>
            %get3A_319 = arith.constant 0 : index
            %get3A_320 = tpu.vector_load %arg10[%get3A_319] {strides = array<i32>} : memref<16xi32, #tpu.memory_space<vmem>>, vector<16xi32>,
            %rev3A_321 = arith.constant 15 : i32
            %rev3A_322 = vector.broadcast %rev3A_321 : i32 to vector<16xi32>
            %rev3A_323 = tpu.iota {dimensions = array<i32: 0>} : vector<16xi32>
            %rev3A_324 = arith.subi %rev3A_322, %rev3A_323 : vector<16xi32>
            %rev3A_325 = tpu.dynamic_gather %get3A_320[%rev3A_324] in [0] : vector<16xi32>, vector<16xi32> -> vector<16xi32>
            %le3A_326 = arith.cmpf ole, %masked_sort3A_310, %rev3A_318 : vector<16xf32>
            %select_n3A_327 = arith.select %le3A_326, %masked_sort3A_310, %rev3A_318 : vector<16xi1>, vector<16xf32>
            %select_n3A_328 = arith.select %le3A_326, %masked_sort3A_311, %rev3A_325 : vector<16xi1>, vector<16xi32>
            %masked_sort3A_329 = arith.constant dense<true> : vector<16xi1>
            %masked_sort3A_330, %masked_sort3A_331, %masked_sort3A_332 = tpu.sort %select_n3A_327, %select_n3A_328 masked %masked_sort3A_329 : (vector<16xf32>, vector<16xi32>, vector<16xi1>) -> (vector<16xi1>, vector<16xf32>, vector<16xi32>)
            %swap3A_333 = arith.constant 0 : index
            %swap3A_334 = tpu.vector_load %arg9[%swap3A_333] {strides = array<i32>} : memref<16xf32, #tpu.memory_space<vmem>>, vector<16xf32>,
            tpu.vector_store %arg9[%swap3A_333], %masked_sort3A_331 {strides = array<i32>} : memref<16xf32, #tpu.memory_space<vmem>>, vector<16xf32>,
            %swap3A_335 = arith.constant 0 : index
            %swap3A_336 = tpu.vector_load %arg10[%swap3A_335] {strides = array<i32>} : memref<16xi32, #tpu.memory_space<vmem>>, vector<16xi32>,
            tpu.vector_store %arg10[%swap3A_335], %masked_sort3A_332 {strides = array<i32>} : memref<16xi32, #tpu.memory_space<vmem>>, vector<16xi32>,
            %mul3A_337 = arith.constant 15 : i32
            %mul3A_338 = arith.muli %scan3A_206, %mul3A_337 : i32
            %add3A_339 = arith.constant 2 : i32
            %add3A_340 = arith.addi %mul3A_338, %add3A_339 : i32
            %mul3A_341 = arith.constant 16 : i32
            %mul3A_342 = arith.muli %add3A_340, %mul3A_341 : i32
            %get3A_343 = arith.index_cast %mul3A_342 : i32 to index
            %get3A_344 = tpu.vector_load %arg5[%get3A_343] {strides = array<i32>} : memref<8400xf32, #tpu.memory_space<vmem>>, vector<16xf32>,
            %mul3A_345 = arith.constant 16 : i32
            %mul3A_346 = arith.muli %add3A_340, %mul3A_345 : i32
            %add3A_347 = vector.broadcast %mul3A_346 : i32 to vector<16xi32>
            %add3A_348 = arith.addi %iota3A, %add3A_347 : vector<16xi32>
            %masked_sort3A_349 = arith.constant dense<true> : vector<16xi1>
            %masked_sort3A_350, %masked_sort3A_351, %masked_sort3A_352 = tpu.sort %get3A_344, %add3A_348 masked %masked_sort3A_349 : (vector<16xf32>, vector<16xi32>, vector<16xi1>) -> (vector<16xi1>, vector<16xf32>, vector<16xi32>)
            %get3A_353 = arith.constant 0 : index
            %get3A_354 = tpu.vector_load %arg9[%get3A_353] {strides = array<i32>} : memref<16xf32, #tpu.memory_space<vmem>>, vector<16xf32>,
            %rev3A_355 = arith.constant 15 : i32
            %rev3A_356 = vector.broadcast %rev3A_355 : i32 to vector<16xi32>
            %rev3A_357 = tpu.iota {dimensions = array<i32: 0>} : vector<16xi32>
            %rev3A_358 = arith.subi %rev3A_356, %rev3A_357 : vector<16xi32>
            %rev3A_359 = tpu.dynamic_gather %get3A_354[%rev3A_358] in [0] : vector<16xf32>, vector<16xi32> -> vector<16xf32>
            %get3A_360 = arith.constant 0 : index
            %get3A_361 = tpu.vector_load %arg10[%get3A_360] {strides = array<i32>} : memref<16xi32, #tpu.memory_space<vmem>>, vector<16xi32>,
            %rev3A_362 = arith.constant 15 : i32
            %rev3A_363 = vector.broadcast %rev3A_362 : i32 to vector<16xi32>
            %rev3A_364 = tpu.iota {dimensions = array<i32: 0>} : vector<16xi32>
            %rev3A_365 = arith.subi %rev3A_363, %rev3A_364 : vector<16xi32>
            %rev3A_366 = tpu.dynamic_gather %get3A_361[%rev3A_365] in [0] : vector<16xi32>, vector<16xi32> -> vector<16xi32>
            %le3A_367 = arith.cmpf ole, %masked_sort3A_351, %rev3A_359 : vector<16xf32>
            %select_n3A_368 = arith.select %le3A_367, %masked_sort3A_351, %rev3A_359 : vector<16xi1>, vector<16xf32>
            %select_n3A_369 = arith.select %le3A_367, %masked_sort3A_352, %rev3A_366 : vector<16xi1>, vector<16xi32>
            %masked_sort3A_370 = arith.constant dense<true> : vector<16xi1>
            %masked_sort3A_371, %masked_sort3A_372, %masked_sort3A_373 = tpu.sort %select_n3A_368, %select_n3A_369 masked %masked_sort3A_370 : (vector<16xf32>, vector<16xi32>, vector<16xi1>) -> (vector<16xi1>, vector<16xf32>, vector<16xi32>)
            %swap3A_374 = arith.constant 0 : index
            %swap3A_375 = tpu.vector_load %arg9[%swap3A_374] {strides = array<i32>} : memref<16xf32, #tpu.memory_space<vmem>>, vector<16xf32>,
            tpu.vector_store %arg9[%swap3A_374], %masked_sort3A_372 {strides = array<i32>} : memref<16xf32, #tpu.memory_space<vmem>>, vector<16xf32>,
            %swap3A_376 = arith.constant 0 : index
            %swap3A_377 = tpu.vector_load %arg10[%swap3A_376] {strides = array<i32>} : memref<16xi32, #tpu.memory_space<vmem>>, vector<16xi32>,
            tpu.vector_store %arg10[%swap3A_376], %masked_sort3A_373 {strides = array<i32>} : memref<16xi32, #tpu.memory_space<vmem>>, vector<16xi32>,
            %mul3A_378 = arith.constant 15 : i32
            %mul3A_379 = arith.muli %scan3A_206, %mul3A_378 : i32
            %add3A_380 = arith.constant 3 : i32
            %add3A_381 = arith.addi %mul3A_379, %add3A_380 : i32
            %mul3A_382 = arith.constant 16 : i32
            %mul3A_383 = arith.muli %add3A_381, %mul3A_382 : i32
            %get3A_384 = arith.index_cast %mul3A_383 : i32 to index
            %get3A_385 = tpu.vector_load %arg5[%get3A_384] {strides = array<i32>} : memref<8400xf32, #tpu.memory_space<vmem>>, vector<16xf32>,
            %mul3A_386 = arith.constant 16 : i32
            %mul3A_387 = arith.muli %add3A_381, %mul3A_386 : i32
            %add3A_388 = vector.broadcast %mul3A_387 : i32 to vector<16xi32>
            %add3A_389 = arith.addi %iota3A, %add3A_388 : vector<16xi32>
            %masked_sort3A_390 = arith.constant dense<true> : vector<16xi1>
            %masked_sort3A_391, %masked_sort3A_392, %masked_sort3A_393 = tpu.sort %get3A_385, %add3A_389 masked %masked_sort3A_390 : (vector<16xf32>, vector<16xi32>, vector<16xi1>) -> (vector<16xi1>, vector<16xf32>, vector<16xi32>)
            %get3A_394 = arith.constant 0 : index
            %get3A_395 = tpu.vector_load %arg9[%get3A_394] {strides = array<i32>} : memref<16xf32, #tpu.memory_space<vmem>>, vector<16xf32>,
            %rev3A_396 = arith.constant 15 : i32
            %rev3A_397 = vector.broadcast %rev3A_396 : i32 to vector<16xi32>
            %rev3A_398 = tpu.iota {dimensions = array<i32: 0>} : vector<16xi32>
            %rev3A_399 = arith.subi %rev3A_397, %rev3A_398 : vector<16xi32>
            %rev3A_400 = tpu.dynamic_gather %get3A_395[%rev3A_399] in [0] : vector<16xf32>, vector<16xi32> -> vector<16xf32>
            %get3A_401 = arith.constant 0 : index
            %get3A_402 = tpu.vector_load %arg10[%get3A_401] {strides = array<i32>} : memref<16xi32, #tpu.memory_space<vmem>>, vector<16xi32>,
            %rev3A_403 = arith.constant 15 : i32
            %rev3A_404 = vector.broadcast %rev3A_403 : i32 to vector<16xi32>
            %rev3A_405 = tpu.iota {dimensions = array<i32: 0>} : vector<16xi32>
            %rev3A_406 = arith.subi %rev3A_404, %rev3A_405 : vector<16xi32>
            %rev3A_407 = tpu.dynamic_gather %get3A_402[%rev3A_406] in [0] : vector<16xi32>, vector<16xi32> -> vector<16xi32>
            %le3A_408 = arith.cmpf ole, %masked_sort3A_392, %rev3A_400 : vector<16xf32>
            %select_n3A_409 = arith.select %le3A_408, %masked_sort3A_392, %rev3A_400 : vector<16xi1>, vector<16xf32>
            %select_n3A_410 = arith.select %le3A_408, %masked_sort3A_393, %rev3A_407 : vector<16xi1>, vector<16xi32>
            %masked_sort3A_411 = arith.constant dense<true> : vector<16xi1>
            %masked_sort3A_412, %masked_sort3A_413, %masked_sort3A_414 = tpu.sort %select_n3A_409, %select_n3A_410 masked %masked_sort3A_411 : (vector<16xf32>, vector<16xi32>, vector<16xi1>) -> (vector<16xi1>, vector<16xf32>, vector<16xi32>)
            %swap3A_415 = arith.constant 0 : index
            %swap3A_416 = tpu.vector_load %arg9[%swap3A_415] {strides = array<i32>} : memref<16xf32, #tpu.memory_space<vmem>>, vector<16xf32>,
            tpu.vector_store %arg9[%swap3A_415], %masked_sort3A_413 {strides = array<i32>} : memref<16xf32, #tpu.memory_space<vmem>>, vector<16xf32>,
            %swap3A_417 = arith.constant 0 : index
            %swap3A_418 = tpu.vector_load %arg10[%swap3A_417] {strides = array<i32>} : memref<16xi32, #tpu.memory_space<vmem>>, vector<16xi32>,
            tpu.vector_store %arg10[%swap3A_417], %masked_sort3A_414 {strides = array<i32>} : memref<16xi32, #tpu.memory_space<vmem>>, vector<16xi32>,
            %mul3A_419 = arith.constant 15 : i32
            %mul3A_420 = arith.muli %scan3A_206, %mul3A_419 : i32
            %add3A_421 = arith.constant 4 : i32
            %add3A_422 = arith.addi %mul3A_420, %add3A_421 : i32
            %mul3A_423 = arith.constant 16 : i32
            %mul3A_424 = arith.muli %add3A_422, %mul3A_423 : i32
            %get3A_425 = arith.index_cast %mul3A_424 : i32 to index
            %get3A_426 = tpu.vector_load %arg5[%get3A_425] {strides = array<i32>} : memref<8400xf32, #tpu.memory_space<vmem>>, vector<16xf32>,
            %mul3A_427 = arith.constant 16 : i32
            %mul3A_428 = arith.muli %add3A_422, %mul3A_427 : i32
            %add3A_429 = vector.broadcast %mul3A_428 : i32 to vector<16xi32>
            %add3A_430 = arith.addi %iota3A, %add3A_429 : vector<16xi32>
            %masked_sort3A_431 = arith.constant dense<true> : vector<16xi1>
            %masked_sort3A_432, %masked_sort3A_433, %masked_sort3A_434 = tpu.sort %get3A_426, %add3A_430 masked %masked_sort3A_431 : (vector<16xf32>, vector<16xi32>, vector<16xi1>) -> (vector<16xi1>, vector<16xf32>, vector<16xi32>)
            %get3A_435 = arith.constant 0 : index
            %get3A_436 = tpu.vector_load %arg9[%get3A_435] {strides = array<i32>} : memref<16xf32, #tpu.memory_space<vmem>>, vector<16xf32>,
            %rev3A_437 = arith.constant 15 : i32
            %rev3A_438 = vector.broadcast %rev3A_437 : i32 to vector<16xi32>
            %rev3A_439 = tpu.iota {dimensions = array<i32: 0>} : vector<16xi32>
            %rev3A_440 = arith.subi %rev3A_438, %rev3A_439 : vector<16xi32>
            %rev3A_441 = tpu.dynamic_gather %get3A_436[%rev3A_440] in [0] : vector<16xf32>, vector<16xi32> -> vector<16xf32>
            %get3A_442 = arith.constant 0 : index
            %get3A_443 = tpu.vector_load %arg10[%get3A_442] {strides = array<i32>} : memref<16xi32, #tpu.memory_space<vmem>>, vector<16xi32>,
            %rev3A_444 = arith.constant 15 : i32
            %rev3A_445 = vector.broadcast %rev3A_444 : i32 to vector<16xi32>
            %rev3A_446 = tpu.iota {dimensions = array<i32: 0>} : vector<16xi32>
            %rev3A_447 = arith.subi %rev3A_445, %rev3A_446 : vector<16xi32>
            %rev3A_448 = tpu.dynamic_gather %get3A_443[%rev3A_447] in [0] : vector<16xi32>, vector<16xi32> -> vector<16xi32>
            %le3A_449 = arith.cmpf ole, %masked_sort3A_433, %rev3A_441 : vector<16xf32>
            %select_n3A_450 = arith.select %le3A_449, %masked_sort3A_433, %rev3A_441 : vector<16xi1>, vector<16xf32>
            %select_n3A_451 = arith.select %le3A_449, %masked_sort3A_434, %rev3A_448 : vector<16xi1>, vector<16xi32>
            %masked_sort3A_452 = arith.constant dense<true> : vector<16xi1>
            %masked_sort3A_453, %masked_sort3A_454, %masked_sort3A_455 = tpu.sort %select_n3A_450, %select_n3A_451 masked %masked_sort3A_452 : (vector<16xf32>, vector<16xi32>, vector<16xi1>) -> (vector<16xi1>, vector<16xf32>, vector<16xi32>)
            %swap3A_456 = arith.constant 0 : index
            %swap3A_457 = tpu.vector_load %arg9[%swap3A_456] {strides = array<i32>} : memref<16xf32, #tpu.memory_space<vmem>>, vector<16xf32>,
            tpu.vector_store %arg9[%swap3A_456], %masked_sort3A_454 {strides = array<i32>} : memref<16xf32, #tpu.memory_space<vmem>>, vector<16xf32>,
            %swap3A_458 = arith.constant 0 : index
            %swap3A_459 = tpu.vector_load %arg10[%swap3A_458] {strides = array<i32>} : memref<16xi32, #tpu.memory_space<vmem>>, vector<16xi32>,
            tpu.vector_store %arg10[%swap3A_458], %masked_sort3A_455 {strides = array<i32>} : memref<16xi32, #tpu.memory_space<vmem>>, vector<16xi32>,
            %mul3A_460 = arith.constant 15 : i32
            %mul3A_461 = arith.muli %scan3A_206, %mul3A_460 : i32
            %add3A_462 = arith.constant 5 : i32
            %add3A_463 = arith.addi %mul3A_461, %add3A_462 : i32
            %mul3A_464 = arith.constant 16 : i32
            %mul3A_465 = arith.muli %add3A_463, %mul3A_464 : i32
            %get3A_466 = arith.index_cast %mul3A_465 : i32 to index
            %get3A_467 = tpu.vector_load %arg5[%get3A_466] {strides = array<i32>} : memref<8400xf32, #tpu.memory_space<vmem>>, vector<16xf32>,
            %mul3A_468 = arith.constant 16 : i32
            %mul3A_469 = arith.muli %add3A_463, %mul3A_468 : i32
            %add3A_470 = vector.broadcast %mul3A_469 : i32 to vector<16xi32>
            %add3A_471 = arith.addi %iota3A, %add3A_470 : vector<16xi32>
            %masked_sort3A_472 = arith.constant dense<true> : vector<16xi1>
            %masked_sort3A_473, %masked_sort3A_474, %masked_sort3A_475 = tpu.sort %get3A_467, %add3A_471 masked %masked_sort3A_472 : (vector<16xf32>, vector<16xi32>, vector<16xi1>) -> (vector<16xi1>, vector<16xf32>, vector<16xi32>)
            %get3A_476 = arith.constant 0 : index
            %get3A_477 = tpu.vector_load %arg9[%get3A_476] {strides = array<i32>} : memref<16xf32, #tpu.memory_space<vmem>>, vector<16xf32>,
            %rev3A_478 = arith.constant 15 : i32
            %rev3A_479 = vector.broadcast %rev3A_478 : i32 to vector<16xi32>
            %rev3A_480 = tpu.iota {dimensions = array<i32: 0>} : vector<16xi32>
            %rev3A_481 = arith.subi %rev3A_479, %rev3A_480 : vector<16xi32>
            %rev3A_482 = tpu.dynamic_gather %get3A_477[%rev3A_481] in [0] : vector<16xf32>, vector<16xi32> -> vector<16xf32>
            %get3A_483 = arith.constant 0 : index
            %get3A_484 = tpu.vector_load %arg10[%get3A_483] {strides = array<i32>} : memref<16xi32, #tpu.memory_space<vmem>>, vector<16xi32>,
            %rev3A_485 = arith.constant 15 : i32
            %rev3A_486 = vector.broadcast %rev3A_485 : i32 to vector<16xi32>
            %rev3A_487 = tpu.iota {dimensions = array<i32: 0>} : vector<16xi32>
            %rev3A_488 = arith.subi %rev3A_486, %rev3A_487 : vector<16xi32>
            %rev3A_489 = tpu.dynamic_gather %get3A_484[%rev3A_488] in [0] : vector<16xi32>, vector<16xi32> -> vector<16xi32>
            %le3A_490 = arith.cmpf ole, %masked_sort3A_474, %rev3A_482 : vector<16xf32>
            %select_n3A_491 = arith.select %le3A_490, %masked_sort3A_474, %rev3A_482 : vector<16xi1>, vector<16xf32>
            %select_n3A_492 = arith.select %le3A_490, %masked_sort3A_475, %rev3A_489 : vector<16xi1>, vector<16xi32>
            %masked_sort3A_493 = arith.constant dense<true> : vector<16xi1>
            %masked_sort3A_494, %masked_sort3A_495, %masked_sort3A_496 = tpu.sort %select_n3A_491, %select_n3A_492 masked %masked_sort3A_493 : (vector<16xf32>, vector<16xi32>, vector<16xi1>) -> (vector<16xi1>, vector<16xf32>, vector<16xi32>)
            %swap3A_497 = arith.constant 0 : index
            %swap3A_498 = tpu.vector_load %arg9[%swap3A_497] {strides = array<i32>} : memref<16xf32, #tpu.memory_space<vmem>>, vector<16xf32>,
            tpu.vector_store %arg9[%swap3A_497], %masked_sort3A_495 {strides = array<i32>} : memref<16xf32, #tpu.memory_space<vmem>>, vector<16xf32>,
            %swap3A_499 = arith.constant 0 : index
            %swap3A_500 = tpu.vector_load %arg10[%swap3A_499] {strides = array<i32>} : memref<16xi32, #tpu.memory_space<vmem>>, vector<16xi32>,
            tpu.vector_store %arg10[%swap3A_499], %masked_sort3A_496 {strides = array<i32>} : memref<16xi32, #tpu.memory_space<vmem>>, vector<16xi32>,
            %mul3A_501 = arith.constant 15 : i32
            %mul3A_502 = arith.muli %scan3A_206, %mul3A_501 : i32
            %add3A_503 = arith.constant 6 : i32
            %add3A_504 = arith.addi %mul3A_502, %add3A_503 : i32
            %mul3A_505 = arith.constant 16 : i32
            %mul3A_506 = arith.muli %add3A_504, %mul3A_505 : i32
            %get3A_507 = arith.index_cast %mul3A_506 : i32 to index
            %get3A_508 = tpu.vector_load %arg5[%get3A_507] {strides = array<i32>} : memref<8400xf32, #tpu.memory_space<vmem>>, vector<16xf32>,
            %mul3A_509 = arith.constant 16 : i32
            %mul3A_510 = arith.muli %add3A_504, %mul3A_509 : i32
            %add3A_511 = vector.broadcast %mul3A_510 : i32 to vector<16xi32>
            %add3A_512 = arith.addi %iota3A, %add3A_511 : vector<16xi32>
            %masked_sort3A_513 = arith.constant dense<true> : vector<16xi1>
            %masked_sort3A_514, %masked_sort3A_515, %masked_sort3A_516 = tpu.sort %get3A_508, %add3A_512 masked %masked_sort3A_513 : (vector<16xf32>, vector<16xi32>, vector<16xi1>) -> (vector<16xi1>, vector<16xf32>, vector<16xi32>)
            %get3A_517 = arith.constant 0 : index
            %get3A_518 = tpu.vector_load %arg9[%get3A_517] {strides = array<i32>} : memref<16xf32, #tpu.memory_space<vmem>>, vector<16xf32>,
            %rev3A_519 = arith.constant 15 : i32
            %rev3A_520 = vector.broadcast %rev3A_519 : i32 to vector<16xi32>
            %rev3A_521 = tpu.iota {dimensions = array<i32: 0>} : vector<16xi32>
            %rev3A_522 = arith.subi %rev3A_520, %rev3A_521 : vector<16xi32>
            %rev3A_523 = tpu.dynamic_gather %get3A_518[%rev3A_522] in [0] : vector<16xf32>, vector<16xi32> -> vector<16xf32>
            %get3A_524 = arith.constant 0 : index
            %get3A_525 = tpu.vector_load %arg10[%get3A_524] {strides = array<i32>} : memref<16xi32, #tpu.memory_space<vmem>>, vector<16xi32>,
            %rev3A_526 = arith.constant 15 : i32
            %rev3A_527 = vector.broadcast %rev3A_526 : i32 to vector<16xi32>
            %rev3A_528 = tpu.iota {dimensions = array<i32: 0>} : vector<16xi32>
            %rev3A_529 = arith.subi %rev3A_527, %rev3A_528 : vector<16xi32>
            %rev3A_530 = tpu.dynamic_gather %get3A_525[%rev3A_529] in [0] : vector<16xi32>, vector<16xi32> -> vector<16xi32>
            %le3A_531 = arith.cmpf ole, %masked_sort3A_515, %rev3A_523 : vector<16xf32>
            %select_n3A_532 = arith.select %le3A_531, %masked_sort3A_515, %rev3A_523 : vector<16xi1>, vector<16xf32>
            %select_n3A_533 = arith.select %le3A_531, %masked_sort3A_516, %rev3A_530 : vector<16xi1>, vector<16xi32>
            %masked_sort3A_534 = arith.constant dense<true> : vector<16xi1>
            %masked_sort3A_535, %masked_sort3A_536, %masked_sort3A_537 = tpu.sort %select_n3A_532, %select_n3A_533 masked %masked_sort3A_534 : (vector<16xf32>, vector<16xi32>, vector<16xi1>) -> (vector<16xi1>, vector<16xf32>, vector<16xi32>)
            %swap3A_538 = arith.constant 0 : index
            %swap3A_539 = tpu.vector_load %arg9[%swap3A_538] {strides = array<i32>} : memref<16xf32, #tpu.memory_space<vmem>>, vector<16xf32>,
            tpu.vector_store %arg9[%swap3A_538], %masked_sort3A_536 {strides = array<i32>} : memref<16xf32, #tpu.memory_space<vmem>>, vector<16xf32>,
            %swap3A_540 = arith.constant 0 : index
            %swap3A_541 = tpu.vector_load %arg10[%swap3A_540] {strides = array<i32>} : memref<16xi32, #tpu.memory_space<vmem>>, vector<16xi32>,
            tpu.vector_store %arg10[%swap3A_540], %masked_sort3A_537 {strides = array<i32>} : memref<16xi32, #tpu.memory_space<vmem>>, vector<16xi32>,
            %mul3A_542 = arith.constant 15 : i32
            %mul3A_543 = arith.muli %scan3A_206, %mul3A_542 : i32
            %add3A_544 = arith.constant 7 : i32
            %add3A_545 = arith.addi %mul3A_543, %add3A_544 : i32
            %mul3A_546 = arith.constant 16 : i32
            %mul3A_547 = arith.muli %add3A_545, %mul3A_546 : i32
            %get3A_548 = arith.index_cast %mul3A_547 : i32 to index
            %get3A_549 = tpu.vector_load %arg5[%get3A_548] {strides = array<i32>} : memref<8400xf32, #tpu.memory_space<vmem>>, vector<16xf32>,
            %mul3A_550 = arith.constant 16 : i32
            %mul3A_551 = arith.muli %add3A_545, %mul3A_550 : i32
            %add3A_552 = vector.broadcast %mul3A_551 : i32 to vector<16xi32>
            %add3A_553 = arith.addi %iota3A, %add3A_552 : vector<16xi32>
            %masked_sort3A_554 = arith.constant dense<true> : vector<16xi1>
            %masked_sort3A_555, %masked_sort3A_556, %masked_sort3A_557 = tpu.sort %get3A_549, %add3A_553 masked %masked_sort3A_554 : (vector<16xf32>, vector<16xi32>, vector<16xi1>) -> (vector<16xi1>, vector<16xf32>, vector<16xi32>)
            %get3A_558 = arith.constant 0 : index
            %get3A_559 = tpu.vector_load %arg9[%get3A_558] {strides = array<i32>} : memref<16xf32, #tpu.memory_space<vmem>>, vector<16xf32>,
            %rev3A_560 = arith.constant 15 : i32
            %rev3A_561 = vector.broadcast %rev3A_560 : i32 to vector<16xi32>
            %rev3A_562 = tpu.iota {dimensions = array<i32: 0>} : vector<16xi32>
            %rev3A_563 = arith.subi %rev3A_561, %rev3A_562 : vector<16xi32>
            %rev3A_564 = tpu.dynamic_gather %get3A_559[%rev3A_563] in [0] : vector<16xf32>, vector<16xi32> -> vector<16xf32>
            %get3A_565 = arith.constant 0 : index
            %get3A_566 = tpu.vector_load %arg10[%get3A_565] {strides = array<i32>} : memref<16xi32, #tpu.memory_space<vmem>>, vector<16xi32>,
            %rev3A_567 = arith.constant 15 : i32
            %rev3A_568 = vector.broadcast %rev3A_567 : i32 to vector<16xi32>
            %rev3A_569 = tpu.iota {dimensions = array<i32: 0>} : vector<16xi32>
            %rev3A_570 = arith.subi %rev3A_568, %rev3A_569 : vector<16xi32>
            %rev3A_571 = tpu.dynamic_gather %get3A_566[%rev3A_570] in [0] : vector<16xi32>, vector<16xi32> -> vector<16xi32>
            %le3A_572 = arith.cmpf ole, %masked_sort3A_556, %rev3A_564 : vector<16xf32>
            %select_n3A_573 = arith.select %le3A_572, %masked_sort3A_556, %rev3A_564 : vector<16xi1>, vector<16xf32>
            %select_n3A_574 = arith.select %le3A_572, %masked_sort3A_557, %rev3A_571 : vector<16xi1>, vector<16xi32>
            %masked_sort3A_575 = arith.constant dense<true> : vector<16xi1>
            %masked_sort3A_576, %masked_sort3A_577, %masked_sort3A_578 = tpu.sort %select_n3A_573, %select_n3A_574 masked %masked_sort3A_575 : (vector<16xf32>, vector<16xi32>, vector<16xi1>) -> (vector<16xi1>, vector<16xf32>, vector<16xi32>)
            %swap3A_579 = arith.constant 0 : index
            %swap3A_580 = tpu.vector_load %arg9[%swap3A_579] {strides = array<i32>} : memref<16xf32, #tpu.memory_space<vmem>>, vector<16xf32>,
            tpu.vector_store %arg9[%swap3A_579], %masked_sort3A_577 {strides = array<i32>} : memref<16xf32, #tpu.memory_space<vmem>>, vector<16xf32>,
            %swap3A_581 = arith.constant 0 : index
            %swap3A_582 = tpu.vector_load %arg10[%swap3A_581] {strides = array<i32>} : memref<16xi32, #tpu.memory_space<vmem>>, vector<16xi32>,
            tpu.vector_store %arg10[%swap3A_581], %masked_sort3A_578 {strides = array<i32>} : memref<16xi32, #tpu.memory_space<vmem>>, vector<16xi32>,
            %mul3A_583 = arith.constant 15 : i32
            %mul3A_584 = arith.muli %scan3A_206, %mul3A_583 : i32
            %add3A_585 = arith.constant 8 : i32
            %add3A_586 = arith.addi %mul3A_584, %add3A_585 : i32
            %mul3A_587 = arith.constant 16 : i32
            %mul3A_588 = arith.muli %add3A_586, %mul3A_587 : i32
            %get3A_589 = arith.index_cast %mul3A_588 : i32 to index
            %get3A_590 = tpu.vector_load %arg5[%get3A_589] {strides = array<i32>} : memref<8400xf32, #tpu.memory_space<vmem>>, vector<16xf32>,
            %mul3A_591 = arith.constant 16 : i32
            %mul3A_592 = arith.muli %add3A_586, %mul3A_591 : i32
            %add3A_593 = vector.broadcast %mul3A_592 : i32 to vector<16xi32>
            %add3A_594 = arith.addi %iota3A, %add3A_593 : vector<16xi32>
            %masked_sort3A_595 = arith.constant dense<true> : vector<16xi1>
            %masked_sort3A_596, %masked_sort3A_597, %masked_sort3A_598 = tpu.sort %get3A_590, %add3A_594 masked %masked_sort3A_595 : (vector<16xf32>, vector<16xi32>, vector<16xi1>) -> (vector<16xi1>, vector<16xf32>, vector<16xi32>)
            %get3A_599 = arith.constant 0 : index
            %get3A_600 = tpu.vector_load %arg9[%get3A_599] {strides = array<i32>} : memref<16xf32, #tpu.memory_space<vmem>>, vector<16xf32>,
            %rev3A_601 = arith.constant 15 : i32
            %rev3A_602 = vector.broadcast %rev3A_601 : i32 to vector<16xi32>
            %rev3A_603 = tpu.iota {dimensions = array<i32: 0>} : vector<16xi32>
            %rev3A_604 = arith.subi %rev3A_602, %rev3A_603 : vector<16xi32>
            %rev3A_605 = tpu.dynamic_gather %get3A_600[%rev3A_604] in [0] : vector<16xf32>, vector<16xi32> -> vector<16xf32>
            %get3A_606 = arith.constant 0 : index
            %get3A_607 = tpu.vector_load %arg10[%get3A_606] {strides = array<i32>} : memref<16xi32, #tpu.memory_space<vmem>>, vector<16xi32>,
            %rev3A_608 = arith.constant 15 : i32
            %rev3A_609 = vector.broadcast %rev3A_608 : i32 to vector<16xi32>
            %rev3A_610 = tpu.iota {dimensions = array<i32: 0>} : vector<16xi32>
            %rev3A_611 = arith.subi %rev3A_609, %rev3A_610 : vector<16xi32>
            %rev3A_612 = tpu.dynamic_gather %get3A_607[%rev3A_611] in [0] : vector<16xi32>, vector<16xi32> -> vector<16xi32>
            %le3A_613 = arith.cmpf ole, %masked_sort3A_597, %rev3A_605 : vector<16xf32>
            %select_n3A_614 = arith.select %le3A_613, %masked_sort3A_597, %rev3A_605 : vector<16xi1>, vector<16xf32>
            %select_n3A_615 = arith.select %le3A_613, %masked_sort3A_598, %rev3A_612 : vector<16xi1>, vector<16xi32>
            %masked_sort3A_616 = arith.constant dense<true> : vector<16xi1>
            %masked_sort3A_617, %masked_sort3A_618, %masked_sort3A_619 = tpu.sort %select_n3A_614, %select_n3A_615 masked %masked_sort3A_616 : (vector<16xf32>, vector<16xi32>, vector<16xi1>) -> (vector<16xi1>, vector<16xf32>, vector<16xi32>)
            %swap3A_620 = arith.constant 0 : index
            %swap3A_621 = tpu.vector_load %arg9[%swap3A_620] {strides = array<i32>} : memref<16xf32, #tpu.memory_space<vmem>>, vector<16xf32>,
            tpu.vector_store %arg9[%swap3A_620], %masked_sort3A_618 {strides = array<i32>} : memref<16xf32, #tpu.memory_space<vmem>>, vector<16xf32>,
            %swap3A_622 = arith.constant 0 : index
            %swap3A_623 = tpu.vector_load %arg10[%swap3A_622] {strides = array<i32>} : memref<16xi32, #tpu.memory_space<vmem>>, vector<16xi32>,
            tpu.vector_store %arg10[%swap3A_622], %masked_sort3A_619 {strides = array<i32>} : memref<16xi32, #tpu.memory_space<vmem>>, vector<16xi32>,
            %mul3A_624 = arith.constant 15 : i32
            %mul3A_625 = arith.muli %scan3A_206, %mul3A_624 : i32
            %add3A_626 = arith.constant 9 : i32
            %add3A_627 = arith.addi %mul3A_625, %add3A_626 : i32
            %mul3A_628 = arith.constant 16 : i32
            %mul3A_629 = arith.muli %add3A_627, %mul3A_628 : i32
            %get3A_630 = arith.index_cast %mul3A_629 : i32 to index
            %get3A_631 = tpu.vector_load %arg5[%get3A_630] {strides = array<i32>} : memref<8400xf32, #tpu.memory_space<vmem>>, vector<16xf32>,
            %mul3A_632 = arith.constant 16 : i32
            %mul3A_633 = arith.muli %add3A_627, %mul3A_632 : i32
            %add3A_634 = vector.broadcast %mul3A_633 : i32 to vector<16xi32>
            %add3A_635 = arith.addi %iota3A, %add3A_634 : vector<16xi32>
            %masked_sort3A_636 = arith.constant dense<true> : vector<16xi1>
            %masked_sort3A_637, %masked_sort3A_638, %masked_sort3A_639 = tpu.sort %get3A_631, %add3A_635 masked %masked_sort3A_636 : (vector<16xf32>, vector<16xi32>, vector<16xi1>) -> (vector<16xi1>, vector<16xf32>, vector<16xi32>)
            %get3A_640 = arith.constant 0 : index
            %get3A_641 = tpu.vector_load %arg9[%get3A_640] {strides = array<i32>} : memref<16xf32, #tpu.memory_space<vmem>>, vector<16xf32>,
            %rev3A_642 = arith.constant 15 : i32
            %rev3A_643 = vector.broadcast %rev3A_642 : i32 to vector<16xi32>
            %rev3A_644 = tpu.iota {dimensions = array<i32: 0>} : vector<16xi32>
            %rev3A_645 = arith.subi %rev3A_643, %rev3A_644 : vector<16xi32>
            %rev3A_646 = tpu.dynamic_gather %get3A_641[%rev3A_645] in [0] : vector<16xf32>, vector<16xi32> -> vector<16xf32>
            %get3A_647 = arith.constant 0 : index
            %get3A_648 = tpu.vector_load %arg10[%get3A_647] {strides = array<i32>} : memref<16xi32, #tpu.memory_space<vmem>>, vector<16xi32>,
            %rev3A_649 = arith.constant 15 : i32
            %rev3A_650 = vector.broadcast %rev3A_649 : i32 to vector<16xi32>
            %rev3A_651 = tpu.iota {dimensions = array<i32: 0>} : vector<16xi32>
            %rev3A_652 = arith.subi %rev3A_650, %rev3A_651 : vector<16xi32>
            %rev3A_653 = tpu.dynamic_gather %get3A_648[%rev3A_652] in [0] : vector<16xi32>, vector<16xi32> -> vector<16xi32>
            %le3A_654 = arith.cmpf ole, %masked_sort3A_638, %rev3A_646 : vector<16xf32>
            %select_n3A_655 = arith.select %le3A_654, %masked_sort3A_638, %rev3A_646 : vector<16xi1>, vector<16xf32>
            %select_n3A_656 = arith.select %le3A_654, %masked_sort3A_639, %rev3A_653 : vector<16xi1>, vector<16xi32>
            %masked_sort3A_657 = arith.constant dense<true> : vector<16xi1>
            %masked_sort3A_658, %masked_sort3A_659, %masked_sort3A_660 = tpu.sort %select_n3A_655, %select_n3A_656 masked %masked_sort3A_657 : (vector<16xf32>, vector<16xi32>, vector<16xi1>) -> (vector<16xi1>, vector<16xf32>, vector<16xi32>)
            %swap3A_661 = arith.constant 0 : index
            %swap3A_662 = tpu.vector_load %arg9[%swap3A_661] {strides = array<i32>} : memref<16xf32, #tpu.memory_space<vmem>>, vector<16xf32>,
            tpu.vector_store %arg9[%swap3A_661], %masked_sort3A_659 {strides = array<i32>} : memref<16xf32, #tpu.memory_space<vmem>>, vector<16xf32>,
            %swap3A_663 = arith.constant 0 : index
            %swap3A_664 = tpu.vector_load %arg10[%swap3A_663] {strides = array<i32>} : memref<16xi32, #tpu.memory_space<vmem>>, vector<16xi32>,
            tpu.vector_store %arg10[%swap3A_663], %masked_sort3A_660 {strides = array<i32>} : memref<16xi32, #tpu.memory_space<vmem>>, vector<16xi32>,
            %mul3A_665 = arith.constant 15 : i32
            %mul3A_666 = arith.muli %scan3A_206, %mul3A_665 : i32
            %add3A_667 = arith.constant 10 : i32
            %add3A_668 = arith.addi %mul3A_666, %add3A_667 : i32
            %mul3A_669 = arith.constant 16 : i32
            %mul3A_670 = arith.muli %add3A_668, %mul3A_669 : i32
            %get3A_671 = arith.index_cast %mul3A_670 : i32 to index
            %get3A_672 = tpu.vector_load %arg5[%get3A_671] {strides = array<i32>} : memref<8400xf32, #tpu.memory_space<vmem>>, vector<16xf32>,
            %mul3A_673 = arith.constant 16 : i32
            %mul3A_674 = arith.muli %add3A_668, %mul3A_673 : i32
            %add3A_675 = vector.broadcast %mul3A_674 : i32 to vector<16xi32>
            %add3A_676 = arith.addi %iota3A, %add3A_675 : vector<16xi32>
            %masked_sort3A_677 = arith.constant dense<true> : vector<16xi1>
            %masked_sort3A_678, %masked_sort3A_679, %masked_sort3A_680 = tpu.sort %get3A_672, %add3A_676 masked %masked_sort3A_677 : (vector<16xf32>, vector<16xi32>, vector<16xi1>) -> (vector<16xi1>, vector<16xf32>, vector<16xi32>)
            %get3A_681 = arith.constant 0 : index
            %get3A_682 = tpu.vector_load %arg9[%get3A_681] {strides = array<i32>} : memref<16xf32, #tpu.memory_space<vmem>>, vector<16xf32>,
            %rev3A_683 = arith.constant 15 : i32
            %rev3A_684 = vector.broadcast %rev3A_683 : i32 to vector<16xi32>
            %rev3A_685 = tpu.iota {dimensions = array<i32: 0>} : vector<16xi32>
            %rev3A_686 = arith.subi %rev3A_684, %rev3A_685 : vector<16xi32>
            %rev3A_687 = tpu.dynamic_gather %get3A_682[%rev3A_686] in [0] : vector<16xf32>, vector<16xi32> -> vector<16xf32>
            %get3A_688 = arith.constant 0 : index
            %get3A_689 = tpu.vector_load %arg10[%get3A_688] {strides = array<i32>} : memref<16xi32, #tpu.memory_space<vmem>>, vector<16xi32>,
            %rev3A_690 = arith.constant 15 : i32
            %rev3A_691 = vector.broadcast %rev3A_690 : i32 to vector<16xi32>
            %rev3A_692 = tpu.iota {dimensions = array<i32: 0>} : vector<16xi32>
            %rev3A_693 = arith.subi %rev3A_691, %rev3A_692 : vector<16xi32>
            %rev3A_694 = tpu.dynamic_gather %get3A_689[%rev3A_693] in [0] : vector<16xi32>, vector<16xi32> -> vector<16xi32>
            %le3A_695 = arith.cmpf ole, %masked_sort3A_679, %rev3A_687 : vector<16xf32>
            %select_n3A_696 = arith.select %le3A_695, %masked_sort3A_679, %rev3A_687 : vector<16xi1>, vector<16xf32>
            %select_n3A_697 = arith.select %le3A_695, %masked_sort3A_680, %rev3A_694 : vector<16xi1>, vector<16xi32>
            %masked_sort3A_698 = arith.constant dense<true> : vector<16xi1>
            %masked_sort3A_699, %masked_sort3A_700, %masked_sort3A_701 = tpu.sort %select_n3A_696, %select_n3A_697 masked %masked_sort3A_698 : (vector<16xf32>, vector<16xi32>, vector<16xi1>) -> (vector<16xi1>, vector<16xf32>, vector<16xi32>)
            %swap3A_702 = arith.constant 0 : index
            %swap3A_703 = tpu.vector_load %arg9[%swap3A_702] {strides = array<i32>} : memref<16xf32, #tpu.memory_space<vmem>>, vector<16xf32>,
            tpu.vector_store %arg9[%swap3A_702], %masked_sort3A_700 {strides = array<i32>} : memref<16xf32, #tpu.memory_space<vmem>>, vector<16xf32>,
            %swap3A_704 = arith.constant 0 : index
            %swap3A_705 = tpu.vector_load %arg10[%swap3A_704] {strides = array<i32>} : memref<16xi32, #tpu.memory_space<vmem>>, vector<16xi32>,
            tpu.vector_store %arg10[%swap3A_704], %masked_sort3A_701 {strides = array<i32>} : memref<16xi32, #tpu.memory_space<vmem>>, vector<16xi32>,
            %mul3A_706 = arith.constant 15 : i32
            %mul3A_707 = arith.muli %scan3A_206, %mul3A_706 : i32
            %add3A_708 = arith.constant 11 : i32
            %add3A_709 = arith.addi %mul3A_707, %add3A_708 : i32
            %mul3A_710 = arith.constant 16 : i32
            %mul3A_711 = arith.muli %add3A_709, %mul3A_710 : i32
            %get3A_712 = arith.index_cast %mul3A_711 : i32 to index
            %get3A_713 = tpu.vector_load %arg5[%get3A_712] {strides = array<i32>} : memref<8400xf32, #tpu.memory_space<vmem>>, vector<16xf32>,
            %mul3A_714 = arith.constant 16 : i32
            %mul3A_715 = arith.muli %add3A_709, %mul3A_714 : i32
            %add3A_716 = vector.broadcast %mul3A_715 : i32 to vector<16xi32>
            %add3A_717 = arith.addi %iota3A, %add3A_716 : vector<16xi32>
            %masked_sort3A_718 = arith.constant dense<true> : vector<16xi1>
            %masked_sort3A_719, %masked_sort3A_720, %masked_sort3A_721 = tpu.sort %get3A_713, %add3A_717 masked %masked_sort3A_718 : (vector<16xf32>, vector<16xi32>, vector<16xi1>) -> (vector<16xi1>, vector<16xf32>, vector<16xi32>)
            %get3A_722 = arith.constant 0 : index
            %get3A_723 = tpu.vector_load %arg9[%get3A_722] {strides = array<i32>} : memref<16xf32, #tpu.memory_space<vmem>>, vector<16xf32>,
            %rev3A_724 = arith.constant 15 : i32
            %rev3A_725 = vector.broadcast %rev3A_724 : i32 to vector<16xi32>
            %rev3A_726 = tpu.iota {dimensions = array<i32: 0>} : vector<16xi32>
            %rev3A_727 = arith.subi %rev3A_725, %rev3A_726 : vector<16xi32>
            %rev3A_728 = tpu.dynamic_gather %get3A_723[%rev3A_727] in [0] : vector<16xf32>, vector<16xi32> -> vector<16xf32>
            %get3A_729 = arith.constant 0 : index
            %get3A_730 = tpu.vector_load %arg10[%get3A_729] {strides = array<i32>} : memref<16xi32, #tpu.memory_space<vmem>>, vector<16xi32>,
            %rev3A_731 = arith.constant 15 : i32
            %rev3A_732 = vector.broadcast %rev3A_731 : i32 to vector<16xi32>
            %rev3A_733 = tpu.iota {dimensions = array<i32: 0>} : vector<16xi32>
            %rev3A_734 = arith.subi %rev3A_732, %rev3A_733 : vector<16xi32>
            %rev3A_735 = tpu.dynamic_gather %get3A_730[%rev3A_734] in [0] : vector<16xi32>, vector<16xi32> -> vector<16xi32>
            %le3A_736 = arith.cmpf ole, %masked_sort3A_720, %rev3A_728 : vector<16xf32>
            %select_n3A_737 = arith.select %le3A_736, %masked_sort3A_720, %rev3A_728 : vector<16xi1>, vector<16xf32>
            %select_n3A_738 = arith.select %le3A_736, %masked_sort3A_721, %rev3A_735 : vector<16xi1>, vector<16xi32>
            %masked_sort3A_739 = arith.constant dense<true> : vector<16xi1>
            %masked_sort3A_740, %masked_sort3A_741, %masked_sort3A_742 = tpu.sort %select_n3A_737, %select_n3A_738 masked %masked_sort3A_739 : (vector<16xf32>, vector<16xi32>, vector<16xi1>) -> (vector<16xi1>, vector<16xf32>, vector<16xi32>)
            %swap3A_743 = arith.constant 0 : index
            %swap3A_744 = tpu.vector_load %arg9[%swap3A_743] {strides = array<i32>} : memref<16xf32, #tpu.memory_space<vmem>>, vector<16xf32>,
            tpu.vector_store %arg9[%swap3A_743], %masked_sort3A_741 {strides = array<i32>} : memref<16xf32, #tpu.memory_space<vmem>>, vector<16xf32>,
            %swap3A_745 = arith.constant 0 : index
            %swap3A_746 = tpu.vector_load %arg10[%swap3A_745] {strides = array<i32>} : memref<16xi32, #tpu.memory_space<vmem>>, vector<16xi32>,
            tpu.vector_store %arg10[%swap3A_745], %masked_sort3A_742 {strides = array<i32>} : memref<16xi32, #tpu.memory_space<vmem>>, vector<16xi32>,
            %mul3A_747 = arith.constant 15 : i32
            %mul3A_748 = arith.muli %scan3A_206, %mul3A_747 : i32
            %add3A_749 = arith.constant 12 : i32
            %add3A_750 = arith.addi %mul3A_748, %add3A_749 : i32
            %mul3A_751 = arith.constant 16 : i32
            %mul3A_752 = arith.muli %add3A_750, %mul3A_751 : i32
            %get3A_753 = arith.index_cast %mul3A_752 : i32 to index
            %get3A_754 = tpu.vector_load %arg5[%get3A_753] {strides = array<i32>} : memref<8400xf32, #tpu.memory_space<vmem>>, vector<16xf32>,
            %mul3A_755 = arith.constant 16 : i32
            %mul3A_756 = arith.muli %add3A_750, %mul3A_755 : i32
            %add3A_757 = vector.broadcast %mul3A_756 : i32 to vector<16xi32>
            %add3A_758 = arith.addi %iota3A, %add3A_757 : vector<16xi32>
            %masked_sort3A_759 = arith.constant dense<true> : vector<16xi1>
            %masked_sort3A_760, %masked_sort3A_761, %masked_sort3A_762 = tpu.sort %get3A_754, %add3A_758 masked %masked_sort3A_759 : (vector<16xf32>, vector<16xi32>, vector<16xi1>) -> (vector<16xi1>, vector<16xf32>, vector<16xi32>)
            %get3A_763 = arith.constant 0 : index
            %get3A_764 = tpu.vector_load %arg9[%get3A_763] {strides = array<i32>} : memref<16xf32, #tpu.memory_space<vmem>>, vector<16xf32>,
            %rev3A_765 = arith.constant 15 : i32
            %rev3A_766 = vector.broadcast %rev3A_765 : i32 to vector<16xi32>
            %rev3A_767 = tpu.iota {dimensions = array<i32: 0>} : vector<16xi32>
            %rev3A_768 = arith.subi %rev3A_766, %rev3A_767 : vector<16xi32>
            %rev3A_769 = tpu.dynamic_gather %get3A_764[%rev3A_768] in [0] : vector<16xf32>, vector<16xi32> -> vector<16xf32>
            %get3A_770 = arith.constant 0 : index
            %get3A_771 = tpu.vector_load %arg10[%get3A_770] {strides = array<i32>} : memref<16xi32, #tpu.memory_space<vmem>>, vector<16xi32>,
            %rev3A_772 = arith.constant 15 : i32
            %rev3A_773 = vector.broadcast %rev3A_772 : i32 to vector<16xi32>
            %rev3A_774 = tpu.iota {dimensions = array<i32: 0>} : vector<16xi32>
            %rev3A_775 = arith.subi %rev3A_773, %rev3A_774 : vector<16xi32>
            %rev3A_776 = tpu.dynamic_gather %get3A_771[%rev3A_775] in [0] : vector<16xi32>, vector<16xi32> -> vector<16xi32>
            %le3A_777 = arith.cmpf ole, %masked_sort3A_761, %rev3A_769 : vector<16xf32>
            %select_n3A_778 = arith.select %le3A_777, %masked_sort3A_761, %rev3A_769 : vector<16xi1>, vector<16xf32>
            %select_n3A_779 = arith.select %le3A_777, %masked_sort3A_762, %rev3A_776 : vector<16xi1>, vector<16xi32>
            %masked_sort3A_780 = arith.constant dense<true> : vector<16xi1>
            %masked_sort3A_781, %masked_sort3A_782, %masked_sort3A_783 = tpu.sort %select_n3A_778, %select_n3A_779 masked %masked_sort3A_780 : (vector<16xf32>, vector<16xi32>, vector<16xi1>) -> (vector<16xi1>, vector<16xf32>, vector<16xi32>)
            %swap3A_784 = arith.constant 0 : index
            %swap3A_785 = tpu.vector_load %arg9[%swap3A_784] {strides = array<i32>} : memref<16xf32, #tpu.memory_space<vmem>>, vector<16xf32>,
            tpu.vector_store %arg9[%swap3A_784], %masked_sort3A_782 {strides = array<i32>} : memref<16xf32, #tpu.memory_space<vmem>>, vector<16xf32>,
            %swap3A_786 = arith.constant 0 : index
            %swap3A_787 = tpu.vector_load %arg10[%swap3A_786] {strides = array<i32>} : memref<16xi32, #tpu.memory_space<vmem>>, vector<16xi32>,
            tpu.vector_store %arg10[%swap3A_786], %masked_sort3A_783 {strides = array<i32>} : memref<16xi32, #tpu.memory_space<vmem>>, vector<16xi32>,
            %mul3A_788 = arith.constant 15 : i32
            %mul3A_789 = arith.muli %scan3A_206, %mul3A_788 : i32
            %add3A_790 = arith.constant 13 : i32
            %add3A_791 = arith.addi %mul3A_789, %add3A_790 : i32
            %mul3A_792 = arith.constant 16 : i32
            %mul3A_793 = arith.muli %add3A_791, %mul3A_792 : i32
            %get3A_794 = arith.index_cast %mul3A_793 : i32 to index
            %get3A_795 = tpu.vector_load %arg5[%get3A_794] {strides = array<i32>} : memref<8400xf32, #tpu.memory_space<vmem>>, vector<16xf32>,
            %mul3A_796 = arith.constant 16 : i32
            %mul3A_797 = arith.muli %add3A_791, %mul3A_796 : i32
            %add3A_798 = vector.broadcast %mul3A_797 : i32 to vector<16xi32>
            %add3A_799 = arith.addi %iota3A, %add3A_798 : vector<16xi32>
            %masked_sort3A_800 = arith.constant dense<true> : vector<16xi1>
            %masked_sort3A_801, %masked_sort3A_802, %masked_sort3A_803 = tpu.sort %get3A_795, %add3A_799 masked %masked_sort3A_800 : (vector<16xf32>, vector<16xi32>, vector<16xi1>) -> (vector<16xi1>, vector<16xf32>, vector<16xi32>)
            %get3A_804 = arith.constant 0 : index
            %get3A_805 = tpu.vector_load %arg9[%get3A_804] {strides = array<i32>} : memref<16xf32, #tpu.memory_space<vmem>>, vector<16xf32>,
            %rev3A_806 = arith.constant 15 : i32
            %rev3A_807 = vector.broadcast %rev3A_806 : i32 to vector<16xi32>
            %rev3A_808 = tpu.iota {dimensions = array<i32: 0>} : vector<16xi32>
            %rev3A_809 = arith.subi %rev3A_807, %rev3A_808 : vector<16xi32>
            %rev3A_810 = tpu.dynamic_gather %get3A_805[%rev3A_809] in [0] : vector<16xf32>, vector<16xi32> -> vector<16xf32>
            %get3A_811 = arith.constant 0 : index
            %get3A_812 = tpu.vector_load %arg10[%get3A_811] {strides = array<i32>} : memref<16xi32, #tpu.memory_space<vmem>>, vector<16xi32>,
            %rev3A_813 = arith.constant 15 : i32
            %rev3A_814 = vector.broadcast %rev3A_813 : i32 to vector<16xi32>
            %rev3A_815 = tpu.iota {dimensions = array<i32: 0>} : vector<16xi32>
            %rev3A_816 = arith.subi %rev3A_814, %rev3A_815 : vector<16xi32>
            %rev3A_817 = tpu.dynamic_gather %get3A_812[%rev3A_816] in [0] : vector<16xi32>, vector<16xi32> -> vector<16xi32>
            %le3A_818 = arith.cmpf ole, %masked_sort3A_802, %rev3A_810 : vector<16xf32>
            %select_n3A_819 = arith.select %le3A_818, %masked_sort3A_802, %rev3A_810 : vector<16xi1>, vector<16xf32>
            %select_n3A_820 = arith.select %le3A_818, %masked_sort3A_803, %rev3A_817 : vector<16xi1>, vector<16xi32>
            %masked_sort3A_821 = arith.constant dense<true> : vector<16xi1>
            %masked_sort3A_822, %masked_sort3A_823, %masked_sort3A_824 = tpu.sort %select_n3A_819, %select_n3A_820 masked %masked_sort3A_821 : (vector<16xf32>, vector<16xi32>, vector<16xi1>) -> (vector<16xi1>, vector<16xf32>, vector<16xi32>)
            %swap3A_825 = arith.constant 0 : index
            %swap3A_826 = tpu.vector_load %arg9[%swap3A_825] {strides = array<i32>} : memref<16xf32, #tpu.memory_space<vmem>>, vector<16xf32>,
            tpu.vector_store %arg9[%swap3A_825], %masked_sort3A_823 {strides = array<i32>} : memref<16xf32, #tpu.memory_space<vmem>>, vector<16xf32>,
            %swap3A_827 = arith.constant 0 : index
            %swap3A_828 = tpu.vector_load %arg10[%swap3A_827] {strides = array<i32>} : memref<16xi32, #tpu.memory_space<vmem>>, vector<16xi32>,
            tpu.vector_store %arg10[%swap3A_827], %masked_sort3A_824 {strides = array<i32>} : memref<16xi32, #tpu.memory_space<vmem>>, vector<16xi32>,
            %mul3A_829 = arith.constant 15 : i32
            %mul3A_830 = arith.muli %scan3A_206, %mul3A_829 : i32
            %add3A_831 = arith.constant 14 : i32
            %add3A_832 = arith.addi %mul3A_830, %add3A_831 : i32
            %mul3A_833 = arith.constant 16 : i32
            %mul3A_834 = arith.muli %add3A_832, %mul3A_833 : i32
            %get3A_835 = arith.index_cast %mul3A_834 : i32 to index
            %get3A_836 = tpu.vector_load %arg5[%get3A_835] {strides = array<i32>} : memref<8400xf32, #tpu.memory_space<vmem>>, vector<16xf32>,
            %mul3A_837 = arith.constant 16 : i32
            %mul3A_838 = arith.muli %add3A_832, %mul3A_837 : i32
            %add3A_839 = vector.broadcast %mul3A_838 : i32 to vector<16xi32>
            %add3A_840 = arith.addi %iota3A, %add3A_839 : vector<16xi32>
            %masked_sort3A_841 = arith.constant dense<true> : vector<16xi1>
            %masked_sort3A_842, %masked_sort3A_843, %masked_sort3A_844 = tpu.sort %get3A_836, %add3A_840 masked %masked_sort3A_841 : (vector<16xf32>, vector<16xi32>, vector<16xi1>) -> (vector<16xi1>, vector<16xf32>, vector<16xi32>)
            %get3A_845 = arith.constant 0 : index
            %get3A_846 = tpu.vector_load %arg9[%get3A_845] {strides = array<i32>} : memref<16xf32, #tpu.memory_space<vmem>>, vector<16xf32>,
            %rev3A_847 = arith.constant 15 : i32
            %rev3A_848 = vector.broadcast %rev3A_847 : i32 to vector<16xi32>
            %rev3A_849 = tpu.iota {dimensions = array<i32: 0>} : vector<16xi32>
            %rev3A_850 = arith.subi %rev3A_848, %rev3A_849 : vector<16xi32>
            %rev3A_851 = tpu.dynamic_gather %get3A_846[%rev3A_850] in [0] : vector<16xf32>, vector<16xi32> -> vector<16xf32>
            %get3A_852 = arith.constant 0 : index
            %get3A_853 = tpu.vector_load %arg10[%get3A_852] {strides = array<i32>} : memref<16xi32, #tpu.memory_space<vmem>>, vector<16xi32>,
            %rev3A_854 = arith.constant 15 : i32
            %rev3A_855 = vector.broadcast %rev3A_854 : i32 to vector<16xi32>
            %rev3A_856 = tpu.iota {dimensions = array<i32: 0>} : vector<16xi32>
            %rev3A_857 = arith.subi %rev3A_855, %rev3A_856 : vector<16xi32>
            %rev3A_858 = tpu.dynamic_gather %get3A_853[%rev3A_857] in [0] : vector<16xi32>, vector<16xi32> -> vector<16xi32>
            %le3A_859 = arith.cmpf ole, %masked_sort3A_843, %rev3A_851 : vector<16xf32>
            %select_n3A_860 = arith.select %le3A_859, %masked_sort3A_843, %rev3A_851 : vector<16xi1>, vector<16xf32>
            %select_n3A_861 = arith.select %le3A_859, %masked_sort3A_844, %rev3A_858 : vector<16xi1>, vector<16xi32>
            %masked_sort3A_862 = arith.constant dense<true> : vector<16xi1>
            %masked_sort3A_863, %masked_sort3A_864, %masked_sort3A_865 = tpu.sort %select_n3A_860, %select_n3A_861 masked %masked_sort3A_862 : (vector<16xf32>, vector<16xi32>, vector<16xi1>) -> (vector<16xi1>, vector<16xf32>, vector<16xi32>)
            %swap3A_866 = arith.constant 0 : index
            %swap3A_867 = tpu.vector_load %arg9[%swap3A_866] {strides = array<i32>} : memref<16xf32, #tpu.memory_space<vmem>>, vector<16xf32>,
            tpu.vector_store %arg9[%swap3A_866], %masked_sort3A_864 {strides = array<i32>} : memref<16xf32, #tpu.memory_space<vmem>>, vector<16xf32>,
            %swap3A_868 = arith.constant 0 : index
            %swap3A_869 = tpu.vector_load %arg10[%swap3A_868] {strides = array<i32>} : memref<16xi32, #tpu.memory_space<vmem>>, vector<16xi32>,
            tpu.vector_store %arg10[%swap3A_868], %masked_sort3A_865 {strides = array<i32>} : memref<16xi32, #tpu.memory_space<vmem>>, vector<16xi32>,
          } else {
          }
        }
        %scan3A_195 = arith.constant 35 : i32
        %lt3A_196 = arith.cmpi slt, %iota3A, %max3A_165 : vector<16xi32>
        %get3A_197 = arith.constant 0 : index
        %get3A_198 = tpu.vector_load %arg10[%get3A_197] {strides = array<i32>} : memref<16xi32, #tpu.memory_space<vmem>>, vector<16xi32>,
        %jit3A_199 = arith.constant -1 : i32
        %broadcast_in_dim3A_200 = vector.broadcast %jit3A_199 : i32 to vector<16xi32>
        %select_n3A_201 = arith.select %lt3A_196, %get3A_198, %broadcast_in_dim3A_200 : vector<16xi1>, vector<16xi32>
        %mul3A_202 = arith.constant 16 : i32
        %mul3A_203 = arith.muli %scan3A_104, %mul3A_202 : i32
        %swap3A_204 = arith.index_cast %mul3A_203 : i32 to index
        %swap3A_205 = tpu.vector_load %arg7[%swap3A_204] {strides = array<i32>} : memref<208xi32, #tpu.memory_space<vmem>>, vector<16xi32>,
        tpu.vector_store %arg7[%swap3A_204], %select_n3A_201 {strides = array<i32>} : memref<208xi32, #tpu.memory_space<vmem>>, vector<16xi32>,
      } else {
      }
    }
    %scan3A_101 = arith.constant 13 : i32
    %mul3A_102 = arith.constant 16 : i32
    %mul3A_103 = arith.muli %mul3A_2, %mul3A_102 : i32
    "tpu.region"() ({
      %run_scoped3A = tpu.sem_alloc : memref<!tpu.dma_semaphore, #tpu.memory_space<semaphore_mem>>
      %dma_start3A = tpu.memref_slice %arg4[%mul3A_103] : memref<6656xi32, #tpu.memory_space<hbm>> -> memref<208xi32, #tpu.memory_space<hbm>>
      %dma_start3A_104 = tpu.memref_slice %arg4[%mul3A_103] : memref<6656xi32, #tpu.memory_space<hbm>> -> memref<208xi32, #tpu.memory_space<hbm>>
      tpu.enqueue_dma source(%arg7 : memref<208xi32, #tpu.memory_space<vmem>>) target(%dma_start3A_104 : memref<208xi32, #tpu.memory_space<hbm>>) target_semaphore(%run_scoped3A : memref<!tpu.dma_semaphore, #tpu.memory_space<semaphore_mem>>)
      %dma_wait3A = tpu.memref_slice %arg4[%mul3A_103] : memref<6656xi32, #tpu.memory_space<hbm>> -> memref<208xi32, #tpu.memory_space<hbm>>
      %dma_wait3A_105 = tpu.memref_slice %arg4[%mul3A_103] : memref<6656xi32, #tpu.memory_space<hbm>> -> memref<208xi32, #tpu.memory_space<hbm>>
      tpu.wait_dma2 semaphore(%run_scoped3A : memref<!tpu.dma_semaphore, #tpu.memory_space<semaphore_mem>>) src(%arg7 : memref<208xi32, #tpu.memory_space<vmem>>) dst(%dma_wait3A_105 : memref<208xi32, #tpu.memory_space<hbm>>)
      tpu.yield
    }) : () -> ()
    return
  }
}

module attributes {stable_mosaic.version = 14 : i64} {
  func.func @_cost_kernel(%arg0: i32, %arg1: memref<1x4x8400xf32, #tpu.memory_space<vmem>>, %arg2: memref<1x8400x80xf32, #tpu.memory_space<vmem>>, %arg3: memref<4x8400xf32, #tpu.memory_space<vmem>>, %arg4: memref<1x50x4xf32, #tpu.memory_space<vmem>>, %arg5: memref<1x50x1xi32, #tpu.memory_space<vmem>>, %arg6: memref<1x50x1xf32, #tpu.memory_space<vmem>>, %arg7: memref<1x50x8400xf32, #tpu.memory_space<vmem>>, %arg8: memref<1x50x8400xf32, #tpu.memory_space<vmem>>, %arg9: memref<1x1x8400xi32, #tpu.memory_space<vmem>>) attributes {dimension_semantics = [#tpu.dimension_semantics<arbitrary>], iteration_bounds = array<i64: 8>, scalar_prefetch = 0 : i64, scratch_operands = 0 : i64, tpu.core_type = #tpu.core_type<tc>, window_params = [{transform_indices = @transform_0, window_bounds = array<i64: 1, 4, 8400>}, {transform_indices = @transform_1, window_bounds = array<i64: 1, 8400, 80>}, {pipeline_mode = #tpu.pipeline_mode<synchronous>, transform_indices = @transform_2, window_bounds = array<i64: 4, 8400>}, {transform_indices = @transform_3, window_bounds = array<i64: 1, 50, 4>}, {transform_indices = @transform_4, window_bounds = array<i64: 1, 50, 1>}, {transform_indices = @transform_5, window_bounds = array<i64: 1, 50, 1>}, {transform_indices = @transform_6, window_bounds = array<i64: 1, 50, 8400>}, {transform_indices = @transform_7, window_bounds = array<i64: 1, 50, 8400>}, {transform_indices = @transform_8, window_bounds = array<i64: 1, 1, 8400>}]} {
    %get3A = arith.constant 0 : index
    %get3A_0 = arith.constant 0 : index
    %get3A_1 = arith.constant 0 : index
    %get3A_2 = vector.load %arg1[%get3A, %get3A_0, %get3A_1] : memref<1x4x8400xf32, #tpu.memory_space<vmem>>, vector<1x4x8400xf32>
    %get3A_3 = vector.shape_cast %get3A_2 : vector<1x4x8400xf32> to vector<4x8400xf32>
    %get3A_4 = arith.constant 0 : index
    %get3A_5 = arith.constant 0 : index
    %get3A_6 = vector.load %arg3[%get3A_4, %get3A_5] : memref<4x8400xf32, #tpu.memory_space<vmem>>, vector<4x8400xf32>
    %get3A_7 = arith.constant 0 : index
    %get3A_8 = arith.constant 0 : index
    %get3A_9 = arith.constant 0 : index
    %get3A_10 = vector.load %arg4[%get3A_7, %get3A_8, %get3A_9] : memref<1x50x4xf32, #tpu.memory_space<vmem>>, vector<1x50x4xf32>
    %get3A_11 = vector.shape_cast %get3A_10 : vector<1x50x4xf32> to vector<50x4xf32>
    %get3A_12 = arith.constant 0 : index
    %get3A_13 = arith.constant 0 : index
    %get3A_14 = arith.constant 0 : index
    %get3A_15 = vector.load %arg5[%get3A_12, %get3A_13, %get3A_14] : memref<1x50x1xi32, #tpu.memory_space<vmem>>, vector<1x50x1xi32>
    %get3A_16 = vector.shape_cast %get3A_15 : vector<1x50x1xi32> to vector<50x1xi32>
    %get3A_17 = arith.constant 0 : index
    %get3A_18 = arith.constant 0 : index
    %get3A_19 = arith.constant 0 : index
    %get3A_20 = vector.load %arg6[%get3A_17, %get3A_18, %get3A_19] : memref<1x50x1xf32, #tpu.memory_space<vmem>>, vector<1x50x1xf32>
    %get3A_21 = vector.shape_cast %get3A_20 : vector<1x50x1xf32> to vector<50x1xf32>
    %slice3A = vector.extract_strided_slice %get3A_6 {offsets = [0, 0], sizes = [1, 8400], strides = [1, 1]} : vector<4x8400xf32> to vector<1x8400xf32>
    %slice3A_22 = vector.extract_strided_slice %get3A_6 {offsets = [1, 0], sizes = [1, 8400], strides = [1, 1]} : vector<4x8400xf32> to vector<1x8400xf32>
    %slice3A_23 = vector.extract_strided_slice %get3A_6 {offsets = [2, 0], sizes = [1, 8400], strides = [1, 1]} : vector<4x8400xf32> to vector<1x8400xf32>
    %slice3A_24 = vector.extract_strided_slice %get3A_3 {offsets = [0, 0], sizes = [1, 8400], strides = [1, 1]} : vector<4x8400xf32> to vector<1x8400xf32>
    %slice3A_25 = vector.extract_strided_slice %get3A_3 {offsets = [1, 0], sizes = [1, 8400], strides = [1, 1]} : vector<4x8400xf32> to vector<1x8400xf32>
    %slice3A_26 = vector.extract_strided_slice %get3A_3 {offsets = [2, 0], sizes = [1, 8400], strides = [1, 1]} : vector<4x8400xf32> to vector<1x8400xf32>
    %slice3A_27 = vector.extract_strided_slice %get3A_3 {offsets = [3, 0], sizes = [1, 8400], strides = [1, 1]} : vector<4x8400xf32> to vector<1x8400xf32>
    %slice3A_28 = vector.extract_strided_slice %get3A_11 {offsets = [0, 0], sizes = [50, 1], strides = [1, 1]} : vector<50x4xf32> to vector<50x1xf32>
    %slice3A_29 = vector.extract_strided_slice %get3A_11 {offsets = [0, 1], sizes = [50, 1], strides = [1, 1]} : vector<50x4xf32> to vector<50x1xf32>
    %slice3A_30 = vector.extract_strided_slice %get3A_11 {offsets = [0, 2], sizes = [50, 1], strides = [1, 1]} : vector<50x4xf32> to vector<50x1xf32>
    %slice3A_31 = vector.extract_strided_slice %get3A_11 {offsets = [0, 3], sizes = [50, 1], strides = [1, 1]} : vector<50x4xf32> to vector<50x1xf32>
    %gt3A = vector.broadcast %slice3A : vector<1x8400xf32> to vector<50x8400xf32>
    %gt3A_32 = vector.broadcast %slice3A_28 : vector<50x1xf32> to vector<50x8400xf32>
    %gt3A_33 = arith.cmpf ogt, %gt3A, %gt3A_32 : vector<50x8400xf32>
    %gt3A_34 = vector.broadcast %slice3A_22 : vector<1x8400xf32> to vector<50x8400xf32>
    %gt3A_35 = vector.broadcast %slice3A_29 : vector<50x1xf32> to vector<50x8400xf32>
    %gt3A_36 = arith.cmpf ogt, %gt3A_34, %gt3A_35 : vector<50x8400xf32>
    %and3A = arith.andi %gt3A_33, %gt3A_36 : vector<50x8400xi1>
    %lt3A = vector.broadcast %slice3A : vector<1x8400xf32> to vector<50x8400xf32>
    %lt3A_37 = vector.broadcast %slice3A_30 : vector<50x1xf32> to vector<50x8400xf32>
    %lt3A_38 = arith.cmpf olt, %lt3A, %lt3A_37 : vector<50x8400xf32>
    %and3A_39 = arith.andi %and3A, %lt3A_38 : vector<50x8400xi1>
    %lt3A_40 = vector.broadcast %slice3A_22 : vector<1x8400xf32> to vector<50x8400xf32>
    %lt3A_41 = vector.broadcast %slice3A_31 : vector<50x1xf32> to vector<50x8400xf32>
    %lt3A_42 = arith.cmpf olt, %lt3A_40, %lt3A_41 : vector<50x8400xf32>
    %and3A_43 = arith.andi %and3A_39, %lt3A_42 : vector<50x8400xi1>
    %gt3A_44 = arith.constant 0.000000e+00 : f32
    %gt3A_45 = vector.broadcast %gt3A_44 : f32 to vector<50x1xf32>
    %gt3A_46 = arith.cmpf ogt, %get3A_21, %gt3A_45 : vector<50x1xf32>
    %and3A_47 = vector.broadcast %gt3A_46 : vector<50x1xi1> to vector<50x8400xi1>
    %and3A_48 = arith.andi %and3A_43, %and3A_47 : vector<50x8400xi1>
    %convert_element_type3A = arith.extui %and3A_48 : vector<50x8400xi1> to vector<50x8400xi32>
    %convert_element_type3A_49 = arith.sitofp %convert_element_type3A : vector<50x8400xi32> to vector<50x8400xf32>
    %reduce_sum3A = arith.constant dense<0.000000e+00> : vector<8400xf32>
    %reduce_sum3A_50 = vector.multi_reduction <add>, %convert_element_type3A_49, %reduce_sum3A [0] : vector<50x8400xf32> to vector<8400xf32>
    %broadcast_in_dim3A = vector.shape_cast %reduce_sum3A_50 : vector<8400xf32> to vector<1x8400xf32>
    %gt3A_51 = arith.constant 0.000000e+00 : f32
    %gt3A_52 = vector.broadcast %gt3A_51 : f32 to vector<1x8400xf32>
    %gt3A_53 = arith.cmpf ogt, %broadcast_in_dim3A, %gt3A_52 : vector<1x8400xf32>
    %convert_element_type3A_54 = arith.extui %gt3A_53 : vector<1x8400xi1> to vector<1x8400xi32>
    %convert_element_type3A_55 = arith.sitofp %convert_element_type3A_54 : vector<1x8400xi32> to vector<1x8400xf32>
    %add3A = arith.addf %slice3A_28, %slice3A_30 : vector<50x1xf32>
    %mul3A = arith.constant 5.000000e-01 : f32
    %mul3A_56 = vector.broadcast %mul3A : f32 to vector<50x1xf32>
    %mul3A_57 = arith.mulf %add3A, %mul3A_56 : vector<50x1xf32>
    %add3A_58 = arith.addf %slice3A_29, %slice3A_31 : vector<50x1xf32>
    %mul3A_59 = arith.constant 5.000000e-01 : f32
    %mul3A_60 = vector.broadcast %mul3A_59 : f32 to vector<50x1xf32>
    %mul3A_61 = arith.mulf %add3A_58, %mul3A_60 : vector<50x1xf32>
    %sub3A = vector.broadcast %slice3A : vector<1x8400xf32> to vector<50x8400xf32>
    %sub3A_62 = vector.broadcast %mul3A_57 : vector<50x1xf32> to vector<50x8400xf32>
    %sub3A_63 = arith.subf %sub3A, %sub3A_62 : vector<50x8400xf32>
    %integer_pow3A = arith.mulf %sub3A_63, %sub3A_63 : vector<50x8400xf32>
    %sub3A_64 = vector.broadcast %slice3A_22 : vector<1x8400xf32> to vector<50x8400xf32>
    %sub3A_65 = vector.broadcast %mul3A_61 : vector<50x1xf32> to vector<50x8400xf32>
    %sub3A_66 = arith.subf %sub3A_64, %sub3A_65 : vector<50x8400xf32>
    %integer_pow3A_67 = arith.mulf %sub3A_66, %sub3A_66 : vector<50x8400xf32>
    %add3A_68 = arith.addf %integer_pow3A, %integer_pow3A_67 : vector<50x8400xf32>
    %sqrt3A = math.sqrt %add3A_68 : vector<50x8400xf32>
    %div3A = vector.broadcast %slice3A_23 : vector<1x8400xf32> to vector<50x8400xf32>
    %div3A_69 = arith.divf %sqrt3A, %div3A : vector<50x8400xf32>
    %mul3A_70 = vector.broadcast %convert_element_type3A_55 : vector<1x8400xf32> to vector<50x8400xf32>
    %mul3A_71 = arith.mulf %div3A_69, %mul3A_70 : vector<50x8400xf32>
    %sub3A_72 = arith.constant 3.000000e+00 : f32
    %sub3A_73 = vector.broadcast %sub3A_72 : f32 to vector<50x8400xf32>
    %sub3A_74 = arith.subf %mul3A_71, %sub3A_73 : vector<50x8400xf32>
    %pow3A = arith.constant 1.000000e+01 : f32
    %pow3A_75 = vector.broadcast %pow3A : f32 to vector<50x8400xf32>
    %pow3A_76 = math.powf %pow3A_75, %sub3A_74 : vector<50x8400xf32>
    %min3A = vector.broadcast %slice3A_26 : vector<1x8400xf32> to vector<50x8400xf32>
    %min3A_77 = vector.broadcast %slice3A_30 : vector<50x1xf32> to vector<50x8400xf32>
    %min3A_78 = arith.minimumf %min3A, %min3A_77 : vector<50x8400xf32>
    %max3A = vector.broadcast %slice3A_24 : vector<1x8400xf32> to vector<50x8400xf32>
    %max3A_79 = vector.broadcast %slice3A_28 : vector<50x1xf32> to vector<50x8400xf32>
    %max3A_80 = arith.maximumf %max3A, %max3A_79 : vector<50x8400xf32>
    %sub3A_81 = arith.subf %min3A_78, %max3A_80 : vector<50x8400xf32>
    %max3A_82 = arith.constant 0.000000e+00 : f32
    %max3A_83 = vector.broadcast %max3A_82 : f32 to vector<50x8400xf32>
    %max3A_84 = arith.maximumf %sub3A_81, %max3A_83 : vector<50x8400xf32>
    %min3A_85 = vector.broadcast %slice3A_27 : vector<1x8400xf32> to vector<50x8400xf32>
    %min3A_86 = vector.broadcast %slice3A_31 : vector<50x1xf32> to vector<50x8400xf32>
    %min3A_87 = arith.minimumf %min3A_85, %min3A_86 : vector<50x8400xf32>
    %max3A_88 = vector.broadcast %slice3A_25 : vector<1x8400xf32> to vector<50x8400xf32>
    %max3A_89 = vector.broadcast %slice3A_29 : vector<50x1xf32> to vector<50x8400xf32>
    %max3A_90 = arith.maximumf %max3A_88, %max3A_89 : vector<50x8400xf32>
    %sub3A_91 = arith.subf %min3A_87, %max3A_90 : vector<50x8400xf32>
    %max3A_92 = arith.constant 0.000000e+00 : f32
    %max3A_93 = vector.broadcast %max3A_92 : f32 to vector<50x8400xf32>
    %max3A_94 = arith.maximumf %sub3A_91, %max3A_93 : vector<50x8400xf32>
    %mul3A_95 = arith.mulf %max3A_84, %max3A_94 : vector<50x8400xf32>
    %sub3A_96 = arith.subf %slice3A_26, %slice3A_24 : vector<1x8400xf32>
    %sub3A_97 = arith.subf %slice3A_27, %slice3A_25 : vector<1x8400xf32>
    %mul3A_98 = arith.mulf %sub3A_96, %sub3A_97 : vector<1x8400xf32>
    %sub3A_99 = arith.subf %slice3A_30, %slice3A_28 : vector<50x1xf32>
    %sub3A_100 = arith.subf %slice3A_31, %slice3A_29 : vector<50x1xf32>
    %mul3A_101 = arith.mulf %sub3A_99, %sub3A_100 : vector<50x1xf32>
    %add3A_102 = vector.broadcast %mul3A_98 : vector<1x8400xf32> to vector<50x8400xf32>
    %add3A_103 = vector.broadcast %mul3A_101 : vector<50x1xf32> to vector<50x8400xf32>
    %add3A_104 = arith.addf %add3A_102, %add3A_103 : vector<50x8400xf32>
    %sub3A_105 = arith.subf %add3A_104, %mul3A_95 : vector<50x8400xf32>
    %max3A_106 = arith.constant 9.99999997E-7 : f32
    %max3A_107 = vector.broadcast %max3A_106 : f32 to vector<50x8400xf32>
    %max3A_108 = arith.maximumf %sub3A_105, %max3A_107 : vector<50x8400xf32>
    %div3A_109 = arith.divf %mul3A_95, %max3A_108 : vector<50x8400xf32>
    %add3A_110 = arith.constant 1.000000e-07 : f32
    %add3A_111 = vector.broadcast %add3A_110 : f32 to vector<50x8400xf32>
    %add3A_112 = arith.addf %div3A_109, %add3A_111 : vector<50x8400xf32>
    %log3A = math.log %add3A_112 : vector<50x8400xf32>
    %neg3A = arith.constant 0.000000e+00 : f32
    %neg3A_113 = vector.broadcast %neg3A : f32 to vector<50x8400xf32>
    %neg3A_114 = arith.subf %neg3A_113, %log3A : vector<50x8400xf32>
    %mul3A_115 = arith.constant 3.000000e+00 : f32
    %mul3A_116 = vector.broadcast %mul3A_115 : f32 to vector<50x8400xf32>
    %mul3A_117 = arith.mulf %neg3A_114, %mul3A_116 : vector<50x8400xf32>
    %get3A_118 = arith.constant 0 : index
    %get3A_119 = arith.constant 0 : index
    %get3A_120 = arith.constant 0 : index
    %get3A_121 = vector.load %arg2[%get3A_118, %get3A_119, %get3A_120] : memref<1x8400x80xf32, #tpu.memory_space<vmem>>, vector<1x8400x80xf32>
    %get3A_122 = vector.shape_cast %get3A_121 : vector<1x8400x80xf32> to vector<8400x80xf32>
    %transpose3A = tpu.transpose %get3A_16, [1, 0] : vector<50x1xi32> -> vector<1x50xi32>
    %broadcast_in_dim3A_123 = vector.shape_cast %transpose3A : vector<1x50xi32> to vector<1x50xi32>
    %broadcast_in_dim3A_124 = vector.broadcast %broadcast_in_dim3A_123 : vector<1x50xi32> to vector<8400x50xi32>
    %lt3A_125 = arith.constant 0 : i32
    %lt3A_126 = vector.broadcast %lt3A_125 : i32 to vector<8400x50xi32>
    %lt3A_127 = arith.cmpi slt, %broadcast_in_dim3A_124, %lt3A_126 : vector<8400x50xi32>
    %add3A_128 = arith.constant 80 : i32
    %add3A_129 = vector.broadcast %add3A_128 : i32 to vector<8400x50xi32>
    %add3A_130 = arith.addi %broadcast_in_dim3A_124, %add3A_129 : vector<8400x50xi32>
    %select_n3A = arith.select %lt3A_127, %add3A_130, %broadcast_in_dim3A_124 : vector<8400x50xi1>, vector<8400x50xi32>
    %reshape3A = vector.shape_cast %select_n3A : vector<8400x50xi32> to vector<8400x50x1xi32>
    %gather3A = vector.shape_cast %reshape3A : vector<8400x50x1xi32> to vector<8400x50xi32>
    %gather3A_131 = tpu.dynamic_gather %get3A_122[%gather3A] in [1] : vector<8400x80xf32>, vector<8400x50xi32> -> vector<8400x50xf32>
    %transpose3A_132 = tpu.transpose %gather3A_131, [1, 0] : vector<8400x50xf32> -> vector<50x8400xf32>
    %logistic3A = arith.negf %transpose3A_132 : vector<50x8400xf32>
    %logistic3A_133 = math.exp %logistic3A : vector<50x8400xf32>
    %logistic3A_134 = arith.constant 1.000000e+00 : f32
    %logistic3A_135 = vector.broadcast %logistic3A_134 : f32 to vector<50x8400xf32>
    %logistic3A_136 = arith.addf %logistic3A_135, %logistic3A_133 : vector<50x8400xf32>
    %logistic3A_137 = arith.divf %logistic3A_135, %logistic3A_136 : vector<50x8400xf32>
    %max3A_138 = arith.constant 0.000000e+00 : f32
    %max3A_139 = vector.broadcast %max3A_138 : f32 to vector<50x8400xf32>
    %max3A_140 = arith.maximumf %transpose3A_132, %max3A_139 : vector<50x8400xf32>
    %mul3A_141 = arith.mulf %transpose3A_132, %div3A_109 : vector<50x8400xf32>
    %sub3A_142 = arith.subf %max3A_140, %mul3A_141 : vector<50x8400xf32>
    %abs3A = math.absf %transpose3A_132 : vector<50x8400xf32>
    %neg3A_143 = arith.constant 0.000000e+00 : f32
    %neg3A_144 = vector.broadcast %neg3A_143 : f32 to vector<50x8400xf32>
    %neg3A_145 = arith.subf %neg3A_144, %abs3A : vector<50x8400xf32>
    %exp3A = math.exp %neg3A_145 : vector<50x8400xf32>
    %log1p3A = math.log1p %exp3A : vector<50x8400xf32>
    %add3A_146 = arith.addf %sub3A_142, %log1p3A : vector<50x8400xf32>
    %sub3A_147 = arith.subf %div3A_109, %logistic3A_137 : vector<50x8400xf32>
    %integer_pow3A_148 = arith.mulf %sub3A_147, %sub3A_147 : vector<50x8400xf32>
    %mul3A_149 = arith.mulf %add3A_146, %integer_pow3A_148 : vector<50x8400xf32>
    %add3A_150 = arith.addf %mul3A_149, %mul3A_117 : vector<50x8400xf32>
    %add3A_151 = arith.addf %add3A_150, %pow3A_76 : vector<50x8400xf32>
    %jit3A = arith.constant 1.000000e+08 : f32
    %broadcast_in_dim3A_152 = vector.shape_cast %gt3A_53 : vector<1x8400xi1> to vector<1x8400xi1>
    %broadcast_in_dim3A_153 = vector.broadcast %broadcast_in_dim3A_152 : vector<1x8400xi1> to vector<50x8400xi1>
    %broadcast_in_dim3A_154 = vector.broadcast %jit3A : f32 to vector<50x8400xf32>
    %select_n3A_155 = arith.select %broadcast_in_dim3A_153, %add3A_151, %broadcast_in_dim3A_154 : vector<50x8400xi1>, vector<50x8400xf32>
    %iota3A = tpu.iota {dimensions = array<i32: 0>} : vector<50x8400xi32>
    %reduce_min3A = arith.constant dense<0x7F800000> : vector<8400xf32>
    %reduce_min3A_156 = vector.multi_reduction <minimumf>, %select_n3A_155, %reduce_min3A [0] : vector<50x8400xf32> to vector<8400xf32>
    %broadcast_in_dim3A_157 = vector.shape_cast %reduce_min3A_156 : vector<8400xf32> to vector<1x8400xf32>
    %eq3A = vector.broadcast %broadcast_in_dim3A_157 : vector<1x8400xf32> to vector<50x8400xf32>
    %eq3A_158 = arith.cmpf oeq, %select_n3A_155, %eq3A : vector<50x8400xf32>
    %jit3A_159 = arith.constant 50 : i32
    %broadcast_in_dim3A_160 = vector.broadcast %jit3A_159 : i32 to vector<50x8400xi32>
    %select_n3A_161 = arith.select %eq3A_158, %iota3A, %broadcast_in_dim3A_160 : vector<50x8400xi1>, vector<50x8400xi32>
    %reduce_min3A_162 = arith.constant dense<2147483647> : vector<8400xi32>
    %reduce_min3A_163 = vector.multi_reduction <minsi>, %select_n3A_161, %reduce_min3A_162 [0] : vector<50x8400xi32> to vector<8400xi32>
    %broadcast_in_dim3A_164 = vector.shape_cast %reduce_min3A_163 : vector<8400xi32> to vector<1x8400xi32>
    %swap3A = arith.constant 0 : index
    %swap3A_165 = arith.constant 0 : index
    %swap3A_166 = arith.constant 0 : index
    %swap3A_167 = vector.load %arg7[%swap3A, %swap3A_165, %swap3A_166] : memref<1x50x8400xf32, #tpu.memory_space<vmem>>, vector<1x50x8400xf32>
    %swap3A_168 = vector.shape_cast %swap3A_167 : vector<1x50x8400xf32> to vector<50x8400xf32>
    %swap3A_169 = vector.shape_cast %select_n3A_155 : vector<50x8400xf32> to vector<1x50x8400xf32>
    tpu.vector_store %arg7[%swap3A, %swap3A_165, %swap3A_166], %swap3A_169 {strides = array<i32>} : memref<1x50x8400xf32, #tpu.memory_space<vmem>>, vector<1x50x8400xf32>,
    %swap3A_170 = arith.constant 0 : index
    %swap3A_171 = arith.constant 0 : index
    %swap3A_172 = arith.constant 0 : index
    %swap3A_173 = vector.load %arg8[%swap3A_170, %swap3A_171, %swap3A_172] : memref<1x50x8400xf32, #tpu.memory_space<vmem>>, vector<1x50x8400xf32>
    %swap3A_174 = vector.shape_cast %swap3A_173 : vector<1x50x8400xf32> to vector<50x8400xf32>
    %swap3A_175 = vector.shape_cast %div3A_109 : vector<50x8400xf32> to vector<1x50x8400xf32>
    tpu.vector_store %arg8[%swap3A_170, %swap3A_171, %swap3A_172], %swap3A_175 {strides = array<i32>} : memref<1x50x8400xf32, #tpu.memory_space<vmem>>, vector<1x50x8400xf32>,
    %swap3A_176 = arith.constant 0 : index
    %swap3A_177 = arith.constant 0 : index
    %swap3A_178 = arith.constant 0 : index
    %swap3A_179 = vector.load %arg9[%swap3A_176, %swap3A_177, %swap3A_178] : memref<1x1x8400xi32, #tpu.memory_space<vmem>>, vector<1x1x8400xi32>
    %swap3A_180 = vector.shape_cast %swap3A_179 : vector<1x1x8400xi32> to vector<1x8400xi32>
    %swap3A_181 = vector.shape_cast %broadcast_in_dim3A_164 : vector<1x8400xi32> to vector<1x1x8400xi32>
    tpu.vector_store %arg9[%swap3A_176, %swap3A_177, %swap3A_178], %swap3A_181 {strides = array<i32>} : memref<1x1x8400xi32, #tpu.memory_space<vmem>>, vector<1x1x8400xi32>,
    return
  }
  func.func @transform_0(%arg0: i32) -> (i32, i32, i32) {
    %add3A = arith.constant 8 : i32
    %add3A_0 = arith.addi %arg0, %add3A : i32
    %c0_i32 = arith.constant 0 : i32
    %c0_i32_1 = arith.constant 0 : i32
    %c0_i32_2 = arith.constant 0 : i32
    return %add3A_0, %c0_i32, %c0_i32_1 : i32, i32, i32
  }
  func.func @transform_1(%arg0: i32) -> (i32, i32, i32) {
    %add3A = arith.constant 8 : i32
    %add3A_0 = arith.addi %arg0, %add3A : i32
    %c0_i32 = arith.constant 0 : i32
    %c0_i32_1 = arith.constant 0 : i32
    %c0_i32_2 = arith.constant 0 : i32
    return %add3A_0, %c0_i32, %c0_i32_1 : i32, i32, i32
  }
  func.func @transform_2(%arg0: i32) -> (i32, i32) {
    %c0_i32 = arith.constant 0 : i32
    %c0_i32_0 = arith.constant 0 : i32
    %c0_i32_1 = arith.constant 0 : i32
    return %c0_i32, %c0_i32_0 : i32, i32
  }
  func.func @transform_3(%arg0: i32) -> (i32, i32, i32) {
    %add3A = arith.constant 8 : i32
    %add3A_0 = arith.addi %arg0, %add3A : i32
    %c0_i32 = arith.constant 0 : i32
    %c0_i32_1 = arith.constant 0 : i32
    %c0_i32_2 = arith.constant 0 : i32
    return %add3A_0, %c0_i32, %c0_i32_1 : i32, i32, i32
  }
  func.func @transform_4(%arg0: i32) -> (i32, i32, i32) {
    %add3A = arith.constant 8 : i32
    %add3A_0 = arith.addi %arg0, %add3A : i32
    %c0_i32 = arith.constant 0 : i32
    %c0_i32_1 = arith.constant 0 : i32
    %c0_i32_2 = arith.constant 0 : i32
    return %add3A_0, %c0_i32, %c0_i32_1 : i32, i32, i32
  }
  func.func @transform_5(%arg0: i32) -> (i32, i32, i32) {
    %add3A = arith.constant 8 : i32
    %add3A_0 = arith.addi %arg0, %add3A : i32
    %c0_i32 = arith.constant 0 : i32
    %c0_i32_1 = arith.constant 0 : i32
    %c0_i32_2 = arith.constant 0 : i32
    return %add3A_0, %c0_i32, %c0_i32_1 : i32, i32, i32
  }
  func.func @transform_6(%arg0: i32) -> (i32, i32, i32) {
    %c0_i32 = arith.constant 0 : i32
    %c0_i32_0 = arith.constant 0 : i32
    %c0_i32_1 = arith.constant 0 : i32
    return %arg0, %c0_i32, %c0_i32_0 : i32, i32, i32
  }
  func.func @transform_7(%arg0: i32) -> (i32, i32, i32) {
    %c0_i32 = arith.constant 0 : i32
    %c0_i32_0 = arith.constant 0 : i32
    %c0_i32_1 = arith.constant 0 : i32
    return %arg0, %c0_i32, %c0_i32_0 : i32, i32, i32
  }
  func.func @transform_8(%arg0: i32) -> (i32, i32, i32) {
    %c0_i32 = arith.constant 0 : i32
    %c0_i32_0 = arith.constant 0 : i32
    %c0_i32_1 = arith.constant 0 : i32
    return %arg0, %c0_i32, %c0_i32_0 : i32, i32, i32
  }
}

module attributes {stable_mosaic.version = 14 : i64} {
  func.func @_cost_kernel(%arg0: i32, %arg1: memref<1x4x8400xf32, #tpu.memory_space<vmem>>, %arg2: memref<1x8400x80xf32, #tpu.memory_space<vmem>>, %arg3: memref<4x8400xf32, #tpu.memory_space<vmem>>, %arg4: memref<1x50x4xf32, #tpu.memory_space<vmem>>, %arg5: memref<1x50x1xi32, #tpu.memory_space<vmem>>, %arg6: memref<1x50x1xf32, #tpu.memory_space<vmem>>, %arg7: memref<1x50x8400xf32, #tpu.memory_space<vmem>>, %arg8: memref<1x50x8400xf32, #tpu.memory_space<vmem>>, %arg9: memref<1x1x8400xi32, #tpu.memory_space<vmem>>) attributes {dimension_semantics = [#tpu.dimension_semantics<arbitrary>], iteration_bounds = array<i64: 8>, scalar_prefetch = 0 : i64, scratch_operands = 0 : i64, tpu.core_type = #tpu.core_type<tc>, window_params = [{transform_indices = @transform_0, window_bounds = array<i64: 1, 4, 8400>}, {transform_indices = @transform_1, window_bounds = array<i64: 1, 8400, 80>}, {pipeline_mode = #tpu.pipeline_mode<synchronous>, transform_indices = @transform_2, window_bounds = array<i64: 4, 8400>}, {transform_indices = @transform_3, window_bounds = array<i64: 1, 50, 4>}, {transform_indices = @transform_4, window_bounds = array<i64: 1, 50, 1>}, {transform_indices = @transform_5, window_bounds = array<i64: 1, 50, 1>}, {transform_indices = @transform_6, window_bounds = array<i64: 1, 50, 8400>}, {transform_indices = @transform_7, window_bounds = array<i64: 1, 50, 8400>}, {transform_indices = @transform_8, window_bounds = array<i64: 1, 1, 8400>}]} {
    %get3A = arith.constant 0 : index
    %get3A_0 = arith.constant 0 : index
    %get3A_1 = arith.constant 0 : index
    %get3A_2 = vector.load %arg1[%get3A, %get3A_0, %get3A_1] : memref<1x4x8400xf32, #tpu.memory_space<vmem>>, vector<1x4x8400xf32>
    %get3A_3 = vector.shape_cast %get3A_2 : vector<1x4x8400xf32> to vector<4x8400xf32>
    %get3A_4 = arith.constant 0 : index
    %get3A_5 = arith.constant 0 : index
    %get3A_6 = vector.load %arg3[%get3A_4, %get3A_5] : memref<4x8400xf32, #tpu.memory_space<vmem>>, vector<4x8400xf32>
    %get3A_7 = arith.constant 0 : index
    %get3A_8 = arith.constant 0 : index
    %get3A_9 = arith.constant 0 : index
    %get3A_10 = vector.load %arg4[%get3A_7, %get3A_8, %get3A_9] : memref<1x50x4xf32, #tpu.memory_space<vmem>>, vector<1x50x4xf32>
    %get3A_11 = vector.shape_cast %get3A_10 : vector<1x50x4xf32> to vector<50x4xf32>
    %get3A_12 = arith.constant 0 : index
    %get3A_13 = arith.constant 0 : index
    %get3A_14 = arith.constant 0 : index
    %get3A_15 = vector.load %arg5[%get3A_12, %get3A_13, %get3A_14] : memref<1x50x1xi32, #tpu.memory_space<vmem>>, vector<1x50x1xi32>
    %get3A_16 = vector.shape_cast %get3A_15 : vector<1x50x1xi32> to vector<50x1xi32>
    %get3A_17 = arith.constant 0 : index
    %get3A_18 = arith.constant 0 : index
    %get3A_19 = arith.constant 0 : index
    %get3A_20 = vector.load %arg6[%get3A_17, %get3A_18, %get3A_19] : memref<1x50x1xf32, #tpu.memory_space<vmem>>, vector<1x50x1xf32>
    %get3A_21 = vector.shape_cast %get3A_20 : vector<1x50x1xf32> to vector<50x1xf32>
    %slice3A = vector.extract_strided_slice %get3A_6 {offsets = [0, 0], sizes = [1, 8400], strides = [1, 1]} : vector<4x8400xf32> to vector<1x8400xf32>
    %slice3A_22 = vector.extract_strided_slice %get3A_6 {offsets = [1, 0], sizes = [1, 8400], strides = [1, 1]} : vector<4x8400xf32> to vector<1x8400xf32>
    %slice3A_23 = vector.extract_strided_slice %get3A_6 {offsets = [2, 0], sizes = [1, 8400], strides = [1, 1]} : vector<4x8400xf32> to vector<1x8400xf32>
    %slice3A_24 = vector.extract_strided_slice %get3A_3 {offsets = [0, 0], sizes = [1, 8400], strides = [1, 1]} : vector<4x8400xf32> to vector<1x8400xf32>
    %slice3A_25 = vector.extract_strided_slice %get3A_3 {offsets = [1, 0], sizes = [1, 8400], strides = [1, 1]} : vector<4x8400xf32> to vector<1x8400xf32>
    %slice3A_26 = vector.extract_strided_slice %get3A_3 {offsets = [2, 0], sizes = [1, 8400], strides = [1, 1]} : vector<4x8400xf32> to vector<1x8400xf32>
    %slice3A_27 = vector.extract_strided_slice %get3A_3 {offsets = [3, 0], sizes = [1, 8400], strides = [1, 1]} : vector<4x8400xf32> to vector<1x8400xf32>
    %slice3A_28 = vector.extract_strided_slice %get3A_11 {offsets = [0, 0], sizes = [50, 1], strides = [1, 1]} : vector<50x4xf32> to vector<50x1xf32>
    %slice3A_29 = vector.extract_strided_slice %get3A_11 {offsets = [0, 1], sizes = [50, 1], strides = [1, 1]} : vector<50x4xf32> to vector<50x1xf32>
    %slice3A_30 = vector.extract_strided_slice %get3A_11 {offsets = [0, 2], sizes = [50, 1], strides = [1, 1]} : vector<50x4xf32> to vector<50x1xf32>
    %slice3A_31 = vector.extract_strided_slice %get3A_11 {offsets = [0, 3], sizes = [50, 1], strides = [1, 1]} : vector<50x4xf32> to vector<50x1xf32>
    %gt3A = vector.broadcast %slice3A : vector<1x8400xf32> to vector<50x8400xf32>
    %gt3A_32 = vector.broadcast %slice3A_28 : vector<50x1xf32> to vector<50x8400xf32>
    %gt3A_33 = arith.cmpf ogt, %gt3A, %gt3A_32 : vector<50x8400xf32>
    %gt3A_34 = vector.broadcast %slice3A_22 : vector<1x8400xf32> to vector<50x8400xf32>
    %gt3A_35 = vector.broadcast %slice3A_29 : vector<50x1xf32> to vector<50x8400xf32>
    %gt3A_36 = arith.cmpf ogt, %gt3A_34, %gt3A_35 : vector<50x8400xf32>
    %and3A = arith.andi %gt3A_33, %gt3A_36 : vector<50x8400xi1>
    %lt3A = vector.broadcast %slice3A : vector<1x8400xf32> to vector<50x8400xf32>
    %lt3A_37 = vector.broadcast %slice3A_30 : vector<50x1xf32> to vector<50x8400xf32>
    %lt3A_38 = arith.cmpf olt, %lt3A, %lt3A_37 : vector<50x8400xf32>
    %and3A_39 = arith.andi %and3A, %lt3A_38 : vector<50x8400xi1>
    %lt3A_40 = vector.broadcast %slice3A_22 : vector<1x8400xf32> to vector<50x8400xf32>
    %lt3A_41 = vector.broadcast %slice3A_31 : vector<50x1xf32> to vector<50x8400xf32>
    %lt3A_42 = arith.cmpf olt, %lt3A_40, %lt3A_41 : vector<50x8400xf32>
    %and3A_43 = arith.andi %and3A_39, %lt3A_42 : vector<50x8400xi1>
    %gt3A_44 = arith.constant 0.000000e+00 : f32
    %gt3A_45 = vector.broadcast %gt3A_44 : f32 to vector<50x1xf32>
    %gt3A_46 = arith.cmpf ogt, %get3A_21, %gt3A_45 : vector<50x1xf32>
    %and3A_47 = vector.broadcast %gt3A_46 : vector<50x1xi1> to vector<50x8400xi1>
    %and3A_48 = arith.andi %and3A_43, %and3A_47 : vector<50x8400xi1>
    %convert_element_type3A = arith.extui %and3A_48 : vector<50x8400xi1> to vector<50x8400xi32>
    %convert_element_type3A_49 = arith.sitofp %convert_element_type3A : vector<50x8400xi32> to vector<50x8400xf32>
    %reduce_sum3A = arith.constant dense<0.000000e+00> : vector<8400xf32>
    %reduce_sum3A_50 = vector.multi_reduction <add>, %convert_element_type3A_49, %reduce_sum3A [0] : vector<50x8400xf32> to vector<8400xf32>
    %broadcast_in_dim3A = vector.shape_cast %reduce_sum3A_50 : vector<8400xf32> to vector<1x8400xf32>
    %gt3A_51 = arith.constant 0.000000e+00 : f32
    %gt3A_52 = vector.broadcast %gt3A_51 : f32 to vector<1x8400xf32>
    %gt3A_53 = arith.cmpf ogt, %broadcast_in_dim3A, %gt3A_52 : vector<1x8400xf32>
    %convert_element_type3A_54 = arith.extui %gt3A_53 : vector<1x8400xi1> to vector<1x8400xi32>
    %convert_element_type3A_55 = arith.sitofp %convert_element_type3A_54 : vector<1x8400xi32> to vector<1x8400xf32>
    %add3A = arith.addf %slice3A_28, %slice3A_30 : vector<50x1xf32>
    %mul3A = arith.constant 5.000000e-01 : f32
    %mul3A_56 = vector.broadcast %mul3A : f32 to vector<50x1xf32>
    %mul3A_57 = arith.mulf %add3A, %mul3A_56 : vector<50x1xf32>
    %add3A_58 = arith.addf %slice3A_29, %slice3A_31 : vector<50x1xf32>
    %mul3A_59 = arith.constant 5.000000e-01 : f32
    %mul3A_60 = vector.broadcast %mul3A_59 : f32 to vector<50x1xf32>
    %mul3A_61 = arith.mulf %add3A_58, %mul3A_60 : vector<50x1xf32>
    %sub3A = vector.broadcast %slice3A : vector<1x8400xf32> to vector<50x8400xf32>
    %sub3A_62 = vector.broadcast %mul3A_57 : vector<50x1xf32> to vector<50x8400xf32>
    %sub3A_63 = arith.subf %sub3A, %sub3A_62 : vector<50x8400xf32>
    %integer_pow3A = arith.mulf %sub3A_63, %sub3A_63 : vector<50x8400xf32>
    %sub3A_64 = vector.broadcast %slice3A_22 : vector<1x8400xf32> to vector<50x8400xf32>
    %sub3A_65 = vector.broadcast %mul3A_61 : vector<50x1xf32> to vector<50x8400xf32>
    %sub3A_66 = arith.subf %sub3A_64, %sub3A_65 : vector<50x8400xf32>
    %integer_pow3A_67 = arith.mulf %sub3A_66, %sub3A_66 : vector<50x8400xf32>
    %add3A_68 = arith.addf %integer_pow3A, %integer_pow3A_67 : vector<50x8400xf32>
    %sqrt3A = math.sqrt %add3A_68 : vector<50x8400xf32>
    %div3A = vector.broadcast %slice3A_23 : vector<1x8400xf32> to vector<50x8400xf32>
    %div3A_69 = arith.divf %sqrt3A, %div3A : vector<50x8400xf32>
    %mul3A_70 = vector.broadcast %convert_element_type3A_55 : vector<1x8400xf32> to vector<50x8400xf32>
    %mul3A_71 = arith.mulf %div3A_69, %mul3A_70 : vector<50x8400xf32>
    %sub3A_72 = arith.constant 3.000000e+00 : f32
    %sub3A_73 = vector.broadcast %sub3A_72 : f32 to vector<50x8400xf32>
    %sub3A_74 = arith.subf %mul3A_71, %sub3A_73 : vector<50x8400xf32>
    %pow3A = arith.constant 1.000000e+01 : f32
    %pow3A_75 = vector.broadcast %pow3A : f32 to vector<50x8400xf32>
    %pow3A_76 = math.powf %pow3A_75, %sub3A_74 : vector<50x8400xf32>
    %min3A = vector.broadcast %slice3A_26 : vector<1x8400xf32> to vector<50x8400xf32>
    %min3A_77 = vector.broadcast %slice3A_30 : vector<50x1xf32> to vector<50x8400xf32>
    %min3A_78 = arith.minimumf %min3A, %min3A_77 : vector<50x8400xf32>
    %max3A = vector.broadcast %slice3A_24 : vector<1x8400xf32> to vector<50x8400xf32>
    %max3A_79 = vector.broadcast %slice3A_28 : vector<50x1xf32> to vector<50x8400xf32>
    %max3A_80 = arith.maximumf %max3A, %max3A_79 : vector<50x8400xf32>
    %sub3A_81 = arith.subf %min3A_78, %max3A_80 : vector<50x8400xf32>
    %max3A_82 = arith.constant 0.000000e+00 : f32
    %max3A_83 = vector.broadcast %max3A_82 : f32 to vector<50x8400xf32>
    %max3A_84 = arith.maximumf %sub3A_81, %max3A_83 : vector<50x8400xf32>
    %min3A_85 = vector.broadcast %slice3A_27 : vector<1x8400xf32> to vector<50x8400xf32>
    %min3A_86 = vector.broadcast %slice3A_31 : vector<50x1xf32> to vector<50x8400xf32>
    %min3A_87 = arith.minimumf %min3A_85, %min3A_86 : vector<50x8400xf32>
    %max3A_88 = vector.broadcast %slice3A_25 : vector<1x8400xf32> to vector<50x8400xf32>
    %max3A_89 = vector.broadcast %slice3A_29 : vector<50x1xf32> to vector<50x8400xf32>
    %max3A_90 = arith.maximumf %max3A_88, %max3A_89 : vector<50x8400xf32>
    %sub3A_91 = arith.subf %min3A_87, %max3A_90 : vector<50x8400xf32>
    %max3A_92 = arith.constant 0.000000e+00 : f32
    %max3A_93 = vector.broadcast %max3A_92 : f32 to vector<50x8400xf32>
    %max3A_94 = arith.maximumf %sub3A_91, %max3A_93 : vector<50x8400xf32>
    %mul3A_95 = arith.mulf %max3A_84, %max3A_94 : vector<50x8400xf32>
    %sub3A_96 = arith.subf %slice3A_26, %slice3A_24 : vector<1x8400xf32>
    %sub3A_97 = arith.subf %slice3A_27, %slice3A_25 : vector<1x8400xf32>
    %mul3A_98 = arith.mulf %sub3A_96, %sub3A_97 : vector<1x8400xf32>
    %sub3A_99 = arith.subf %slice3A_30, %slice3A_28 : vector<50x1xf32>
    %sub3A_100 = arith.subf %slice3A_31, %slice3A_29 : vector<50x1xf32>
    %mul3A_101 = arith.mulf %sub3A_99, %sub3A_100 : vector<50x1xf32>
    %add3A_102 = vector.broadcast %mul3A_98 : vector<1x8400xf32> to vector<50x8400xf32>
    %add3A_103 = vector.broadcast %mul3A_101 : vector<50x1xf32> to vector<50x8400xf32>
    %add3A_104 = arith.addf %add3A_102, %add3A_103 : vector<50x8400xf32>
    %sub3A_105 = arith.subf %add3A_104, %mul3A_95 : vector<50x8400xf32>
    %max3A_106 = arith.constant 9.99999997E-7 : f32
    %max3A_107 = vector.broadcast %max3A_106 : f32 to vector<50x8400xf32>
    %max3A_108 = arith.maximumf %sub3A_105, %max3A_107 : vector<50x8400xf32>
    %div3A_109 = arith.divf %mul3A_95, %max3A_108 : vector<50x8400xf32>
    %add3A_110 = arith.constant 1.000000e-07 : f32
    %add3A_111 = vector.broadcast %add3A_110 : f32 to vector<50x8400xf32>
    %add3A_112 = arith.addf %div3A_109, %add3A_111 : vector<50x8400xf32>
    %log3A = math.log %add3A_112 : vector<50x8400xf32>
    %neg3A = arith.constant 0.000000e+00 : f32
    %neg3A_113 = vector.broadcast %neg3A : f32 to vector<50x8400xf32>
    %neg3A_114 = arith.subf %neg3A_113, %log3A : vector<50x8400xf32>
    %mul3A_115 = arith.constant 3.000000e+00 : f32
    %mul3A_116 = vector.broadcast %mul3A_115 : f32 to vector<50x8400xf32>
    %mul3A_117 = arith.mulf %neg3A_114, %mul3A_116 : vector<50x8400xf32>
    %get3A_118 = arith.constant 0 : index
    %get3A_119 = arith.constant 0 : index
    %get3A_120 = arith.constant 0 : index
    %get3A_121 = vector.load %arg2[%get3A_118, %get3A_119, %get3A_120] : memref<1x8400x80xf32, #tpu.memory_space<vmem>>, vector<1x8400x80xf32>
    %get3A_122 = vector.shape_cast %get3A_121 : vector<1x8400x80xf32> to vector<8400x80xf32>
    %transpose3A = tpu.transpose %get3A_16, [1, 0] : vector<50x1xi32> -> vector<1x50xi32>
    %broadcast_in_dim3A_123 = vector.shape_cast %transpose3A : vector<1x50xi32> to vector<1x50xi32>
    %broadcast_in_dim3A_124 = vector.broadcast %broadcast_in_dim3A_123 : vector<1x50xi32> to vector<8400x50xi32>
    %lt3A_125 = arith.constant 0 : i32
    %lt3A_126 = vector.broadcast %lt3A_125 : i32 to vector<8400x50xi32>
    %lt3A_127 = arith.cmpi slt, %broadcast_in_dim3A_124, %lt3A_126 : vector<8400x50xi32>
    %add3A_128 = arith.constant 80 : i32
    %add3A_129 = vector.broadcast %add3A_128 : i32 to vector<8400x50xi32>
    %add3A_130 = arith.addi %broadcast_in_dim3A_124, %add3A_129 : vector<8400x50xi32>
    %select_n3A = arith.select %lt3A_127, %add3A_130, %broadcast_in_dim3A_124 : vector<8400x50xi1>, vector<8400x50xi32>
    %reshape3A = vector.shape_cast %select_n3A : vector<8400x50xi32> to vector<8400x50x1xi32>
    %gather3A = vector.shape_cast %reshape3A : vector<8400x50x1xi32> to vector<8400x50xi32>
    %gather3A_131 = tpu.dynamic_gather %get3A_122[%gather3A] in [1] : vector<8400x80xf32>, vector<8400x50xi32> -> vector<8400x50xf32>
    %transpose3A_132 = tpu.transpose %gather3A_131, [1, 0] : vector<8400x50xf32> -> vector<50x8400xf32>
    %logistic3A = arith.negf %transpose3A_132 : vector<50x8400xf32>
    %logistic3A_133 = math.exp %logistic3A : vector<50x8400xf32>
    %logistic3A_134 = arith.constant 1.000000e+00 : f32
    %logistic3A_135 = vector.broadcast %logistic3A_134 : f32 to vector<50x8400xf32>
    %logistic3A_136 = arith.addf %logistic3A_135, %logistic3A_133 : vector<50x8400xf32>
    %logistic3A_137 = arith.divf %logistic3A_135, %logistic3A_136 : vector<50x8400xf32>
    %max3A_138 = arith.constant 0.000000e+00 : f32
    %max3A_139 = vector.broadcast %max3A_138 : f32 to vector<50x8400xf32>
    %max3A_140 = arith.maximumf %transpose3A_132, %max3A_139 : vector<50x8400xf32>
    %mul3A_141 = arith.mulf %transpose3A_132, %div3A_109 : vector<50x8400xf32>
    %sub3A_142 = arith.subf %max3A_140, %mul3A_141 : vector<50x8400xf32>
    %abs3A = math.absf %transpose3A_132 : vector<50x8400xf32>
    %neg3A_143 = arith.constant 0.000000e+00 : f32
    %neg3A_144 = vector.broadcast %neg3A_143 : f32 to vector<50x8400xf32>
    %neg3A_145 = arith.subf %neg3A_144, %abs3A : vector<50x8400xf32>
    %exp3A = math.exp %neg3A_145 : vector<50x8400xf32>
    %log1p3A = math.log1p %exp3A : vector<50x8400xf32>
    %add3A_146 = arith.addf %sub3A_142, %log1p3A : vector<50x8400xf32>
    %sub3A_147 = arith.subf %div3A_109, %logistic3A_137 : vector<50x8400xf32>
    %integer_pow3A_148 = arith.mulf %sub3A_147, %sub3A_147 : vector<50x8400xf32>
    %mul3A_149 = arith.mulf %add3A_146, %integer_pow3A_148 : vector<50x8400xf32>
    %add3A_150 = arith.addf %mul3A_149, %mul3A_117 : vector<50x8400xf32>
    %add3A_151 = arith.addf %add3A_150, %pow3A_76 : vector<50x8400xf32>
    %jit3A = arith.constant 1.000000e+08 : f32
    %broadcast_in_dim3A_152 = vector.shape_cast %gt3A_53 : vector<1x8400xi1> to vector<1x8400xi1>
    %broadcast_in_dim3A_153 = vector.broadcast %broadcast_in_dim3A_152 : vector<1x8400xi1> to vector<50x8400xi1>
    %broadcast_in_dim3A_154 = vector.broadcast %jit3A : f32 to vector<50x8400xf32>
    %select_n3A_155 = arith.select %broadcast_in_dim3A_153, %add3A_151, %broadcast_in_dim3A_154 : vector<50x8400xi1>, vector<50x8400xf32>
    %iota3A = tpu.iota {dimensions = array<i32: 0>} : vector<50x8400xi32>
    %reduce_min3A = arith.constant dense<0x7F800000> : vector<8400xf32>
    %reduce_min3A_156 = vector.multi_reduction <minimumf>, %select_n3A_155, %reduce_min3A [0] : vector<50x8400xf32> to vector<8400xf32>
    %broadcast_in_dim3A_157 = vector.shape_cast %reduce_min3A_156 : vector<8400xf32> to vector<1x8400xf32>
    %eq3A = vector.broadcast %broadcast_in_dim3A_157 : vector<1x8400xf32> to vector<50x8400xf32>
    %eq3A_158 = arith.cmpf oeq, %select_n3A_155, %eq3A : vector<50x8400xf32>
    %jit3A_159 = arith.constant 50 : i32
    %broadcast_in_dim3A_160 = vector.broadcast %jit3A_159 : i32 to vector<50x8400xi32>
    %select_n3A_161 = arith.select %eq3A_158, %iota3A, %broadcast_in_dim3A_160 : vector<50x8400xi1>, vector<50x8400xi32>
    %reduce_min3A_162 = arith.constant dense<2147483647> : vector<8400xi32>
    %reduce_min3A_163 = vector.multi_reduction <minsi>, %select_n3A_161, %reduce_min3A_162 [0] : vector<50x8400xi32> to vector<8400xi32>
    %broadcast_in_dim3A_164 = vector.shape_cast %reduce_min3A_163 : vector<8400xi32> to vector<1x8400xi32>
    %swap3A = arith.constant 0 : index
    %swap3A_165 = arith.constant 0 : index
    %swap3A_166 = arith.constant 0 : index
    %swap3A_167 = vector.load %arg7[%swap3A, %swap3A_165, %swap3A_166] : memref<1x50x8400xf32, #tpu.memory_space<vmem>>, vector<1x50x8400xf32>
    %swap3A_168 = vector.shape_cast %swap3A_167 : vector<1x50x8400xf32> to vector<50x8400xf32>
    %swap3A_169 = vector.shape_cast %select_n3A_155 : vector<50x8400xf32> to vector<1x50x8400xf32>
    tpu.vector_store %arg7[%swap3A, %swap3A_165, %swap3A_166], %swap3A_169 {strides = array<i32>} : memref<1x50x8400xf32, #tpu.memory_space<vmem>>, vector<1x50x8400xf32>,
    %swap3A_170 = arith.constant 0 : index
    %swap3A_171 = arith.constant 0 : index
    %swap3A_172 = arith.constant 0 : index
    %swap3A_173 = vector.load %arg8[%swap3A_170, %swap3A_171, %swap3A_172] : memref<1x50x8400xf32, #tpu.memory_space<vmem>>, vector<1x50x8400xf32>
    %swap3A_174 = vector.shape_cast %swap3A_173 : vector<1x50x8400xf32> to vector<50x8400xf32>
    %swap3A_175 = vector.shape_cast %div3A_109 : vector<50x8400xf32> to vector<1x50x8400xf32>
    tpu.vector_store %arg8[%swap3A_170, %swap3A_171, %swap3A_172], %swap3A_175 {strides = array<i32>} : memref<1x50x8400xf32, #tpu.memory_space<vmem>>, vector<1x50x8400xf32>,
    %swap3A_176 = arith.constant 0 : index
    %swap3A_177 = arith.constant 0 : index
    %swap3A_178 = arith.constant 0 : index
    %swap3A_179 = vector.load %arg9[%swap3A_176, %swap3A_177, %swap3A_178] : memref<1x1x8400xi32, #tpu.memory_space<vmem>>, vector<1x1x8400xi32>
    %swap3A_180 = vector.shape_cast %swap3A_179 : vector<1x1x8400xi32> to vector<1x8400xi32>
    %swap3A_181 = vector.shape_cast %broadcast_in_dim3A_164 : vector<1x8400xi32> to vector<1x1x8400xi32>
    tpu.vector_store %arg9[%swap3A_176, %swap3A_177, %swap3A_178], %swap3A_181 {strides = array<i32>} : memref<1x1x8400xi32, #tpu.memory_space<vmem>>, vector<1x1x8400xi32>,
    return
  }
  func.func @transform_0(%arg0: i32) -> (i32, i32, i32) {
    %add3A = arith.constant 0 : i32
    %add3A_0 = arith.addi %arg0, %add3A : i32
    %c0_i32 = arith.constant 0 : i32
    %c0_i32_1 = arith.constant 0 : i32
    %c0_i32_2 = arith.constant 0 : i32
    return %add3A_0, %c0_i32, %c0_i32_1 : i32, i32, i32
  }
  func.func @transform_1(%arg0: i32) -> (i32, i32, i32) {
    %add3A = arith.constant 0 : i32
    %add3A_0 = arith.addi %arg0, %add3A : i32
    %c0_i32 = arith.constant 0 : i32
    %c0_i32_1 = arith.constant 0 : i32
    %c0_i32_2 = arith.constant 0 : i32
    return %add3A_0, %c0_i32, %c0_i32_1 : i32, i32, i32
  }
  func.func @transform_2(%arg0: i32) -> (i32, i32) {
    %c0_i32 = arith.constant 0 : i32
    %c0_i32_0 = arith.constant 0 : i32
    %c0_i32_1 = arith.constant 0 : i32
    return %c0_i32, %c0_i32_0 : i32, i32
  }
  func.func @transform_3(%arg0: i32) -> (i32, i32, i32) {
    %add3A = arith.constant 0 : i32
    %add3A_0 = arith.addi %arg0, %add3A : i32
    %c0_i32 = arith.constant 0 : i32
    %c0_i32_1 = arith.constant 0 : i32
    %c0_i32_2 = arith.constant 0 : i32
    return %add3A_0, %c0_i32, %c0_i32_1 : i32, i32, i32
  }
  func.func @transform_4(%arg0: i32) -> (i32, i32, i32) {
    %add3A = arith.constant 0 : i32
    %add3A_0 = arith.addi %arg0, %add3A : i32
    %c0_i32 = arith.constant 0 : i32
    %c0_i32_1 = arith.constant 0 : i32
    %c0_i32_2 = arith.constant 0 : i32
    return %add3A_0, %c0_i32, %c0_i32_1 : i32, i32, i32
  }
  func.func @transform_5(%arg0: i32) -> (i32, i32, i32) {
    %add3A = arith.constant 0 : i32
    %add3A_0 = arith.addi %arg0, %add3A : i32
    %c0_i32 = arith.constant 0 : i32
    %c0_i32_1 = arith.constant 0 : i32
    %c0_i32_2 = arith.constant 0 : i32
    return %add3A_0, %c0_i32, %c0_i32_1 : i32, i32, i32
  }
  func.func @transform_6(%arg0: i32) -> (i32, i32, i32) {
    %c0_i32 = arith.constant 0 : i32
    %c0_i32_0 = arith.constant 0 : i32
    %c0_i32_1 = arith.constant 0 : i32
    return %arg0, %c0_i32, %c0_i32_0 : i32, i32, i32
  }
  func.func @transform_7(%arg0: i32) -> (i32, i32, i32) {
    %c0_i32 = arith.constant 0 : i32
    %c0_i32_0 = arith.constant 0 : i32
    %c0_i32_1 = arith.constant 0 : i32
    return %arg0, %c0_i32, %c0_i32_0 : i32, i32, i32
  }
  func.func @transform_8(%arg0: i32) -> (i32, i32, i32) {
    %c0_i32 = arith.constant 0 : i32
    %c0_i32_0 = arith.constant 0 : i32
    %c0_i32_1 = arith.constant 0 : i32
    return %arg0, %c0_i32, %c0_i32_0 : i32, i32, i32
  }
}

module attributes {stable_mosaic.version = 14 : i64} {
  func.func @_assemble_kernel(%arg0: i32, %arg1: memref<1x50x8400xf32, #tpu.memory_space<vmem>>, %arg2: memref<1x50x16xi32, #tpu.memory_space<vmem>>, %arg3: memref<1x1x8400xi32, #tpu.memory_space<vmem>>, %arg4: memref<1x50x4xf32, #tpu.memory_space<vmem>>, %arg5: memref<1x50x1xi32, #tpu.memory_space<vmem>>, %arg6: memref<1x50x1xf32, #tpu.memory_space<vmem>>, %arg7: memref<1x1x8400xi32, #tpu.memory_space<vmem>>, %arg8: memref<1x4x8400xf32, #tpu.memory_space<vmem>>, %arg9: memref<1x1x8400xf32, #tpu.memory_space<vmem>>) attributes {dimension_semantics = [#tpu.dimension_semantics<arbitrary>], iteration_bounds = array<i64: 8>, scalar_prefetch = 0 : i64, scratch_operands = 0 : i64, tpu.core_type = #tpu.core_type<tc>, window_params = [{transform_indices = @transform_0, window_bounds = array<i64: 1, 50, 8400>}, {transform_indices = @transform_1, window_bounds = array<i64: 1, 50, 16>}, {transform_indices = @transform_2, window_bounds = array<i64: 1, 1, 8400>}, {transform_indices = @transform_3, window_bounds = array<i64: 1, 50, 4>}, {transform_indices = @transform_4, window_bounds = array<i64: 1, 50, 1>}, {transform_indices = @transform_5, window_bounds = array<i64: 1, 50, 1>}, {transform_indices = @transform_6, window_bounds = array<i64: 1, 1, 8400>}, {transform_indices = @transform_7, window_bounds = array<i64: 1, 4, 8400>}, {transform_indices = @transform_8, window_bounds = array<i64: 1, 1, 8400>}]} {
    %get3A = arith.constant 0 : index
    %get3A_0 = arith.constant 0 : index
    %get3A_1 = arith.constant 0 : index
    %get3A_2 = vector.load %arg1[%get3A, %get3A_0, %get3A_1] : memref<1x50x8400xf32, #tpu.memory_space<vmem>>, vector<1x50x8400xf32>
    %get3A_3 = vector.shape_cast %get3A_2 : vector<1x50x8400xf32> to vector<50x8400xf32>
    %get3A_4 = arith.constant 0 : index
    %get3A_5 = arith.constant 0 : index
    %get3A_6 = arith.constant 0 : index
    %get3A_7 = vector.load %arg2[%get3A_4, %get3A_5, %get3A_6] : memref<1x50x16xi32, #tpu.memory_space<vmem>>, vector<1x50x16xi32>
    %get3A_8 = vector.shape_cast %get3A_7 : vector<1x50x16xi32> to vector<50x16xi32>
    %get3A_9 = arith.constant 0 : index
    %get3A_10 = arith.constant 0 : index
    %get3A_11 = arith.constant 0 : index
    %get3A_12 = vector.load %arg3[%get3A_9, %get3A_10, %get3A_11] : memref<1x1x8400xi32, #tpu.memory_space<vmem>>, vector<1x1x8400xi32>
    %get3A_13 = vector.shape_cast %get3A_12 : vector<1x1x8400xi32> to vector<1x8400xi32>
    %get3A_14 = arith.constant 0 : index
    %get3A_15 = arith.constant 0 : index
    %get3A_16 = arith.constant 0 : index
    %get3A_17 = vector.load %arg4[%get3A_14, %get3A_15, %get3A_16] : memref<1x50x4xf32, #tpu.memory_space<vmem>>, vector<1x50x4xf32>
    %get3A_18 = vector.shape_cast %get3A_17 : vector<1x50x4xf32> to vector<50x4xf32>
    %get3A_19 = arith.constant 0 : index
    %get3A_20 = arith.constant 0 : index
    %get3A_21 = arith.constant 0 : index
    %get3A_22 = vector.load %arg5[%get3A_19, %get3A_20, %get3A_21] : memref<1x50x1xi32, #tpu.memory_space<vmem>>, vector<1x50x1xi32>
    %get3A_23 = vector.shape_cast %get3A_22 : vector<1x50x1xi32> to vector<50x1xi32>
    %get3A_24 = arith.constant 0 : index
    %get3A_25 = arith.constant 0 : index
    %get3A_26 = arith.constant 0 : index
    %get3A_27 = vector.load %arg6[%get3A_24, %get3A_25, %get3A_26] : memref<1x50x1xf32, #tpu.memory_space<vmem>>, vector<1x50x1xf32>
    %get3A_28 = vector.shape_cast %get3A_27 : vector<1x50x1xf32> to vector<50x1xf32>
    %iota3A = tpu.iota {dimensions = array<i32: 1>} : vector<50x8400xi32>
    %gt3A = arith.constant 0.000000e+00 : f32
    %gt3A_29 = vector.broadcast %gt3A : f32 to vector<50x1xf32>
    %gt3A_30 = arith.cmpf ogt, %get3A_28, %gt3A_29 : vector<50x1xf32>
    %broadcast_in_dim3A = arith.constant 0.000000e+00 : f32
    %broadcast_in_dim3A_31 = vector.broadcast %broadcast_in_dim3A : f32 to vector<50x8400xf32>
    %slice3A = vector.extract_strided_slice %get3A_8 {offsets = [0, 0], sizes = [50, 1], strides = [1, 1]} : vector<50x16xi32> to vector<50x1xi32>
    %eq3A = vector.broadcast %slice3A : vector<50x1xi32> to vector<50x8400xi32>
    %eq3A_32 = arith.cmpi eq, %iota3A, %eq3A : vector<50x8400xi32>
    %and3A = vector.broadcast %gt3A_30 : vector<50x1xi1> to vector<50x8400xi1>
    %and3A_33 = arith.andi %eq3A_32, %and3A : vector<50x8400xi1>
    %jit3A = arith.constant 1.000000e+00 : f32
    %broadcast_in_dim3A_34 = vector.broadcast %jit3A : f32 to vector<50x8400xf32>
    %select_n3A = arith.select %and3A_33, %broadcast_in_dim3A_34, %broadcast_in_dim3A_31 : vector<50x8400xi1>, vector<50x8400xf32>
    %slice3A_35 = vector.extract_strided_slice %get3A_8 {offsets = [0, 1], sizes = [50, 1], strides = [1, 1]} : vector<50x16xi32> to vector<50x1xi32>
    %eq3A_36 = vector.broadcast %slice3A_35 : vector<50x1xi32> to vector<50x8400xi32>
    %eq3A_37 = arith.cmpi eq, %iota3A, %eq3A_36 : vector<50x8400xi32>
    %and3A_38 = vector.broadcast %gt3A_30 : vector<50x1xi1> to vector<50x8400xi1>
    %and3A_39 = arith.andi %eq3A_37, %and3A_38 : vector<50x8400xi1>
    %jit3A_40 = arith.constant 1.000000e+00 : f32
    %broadcast_in_dim3A_41 = vector.broadcast %jit3A_40 : f32 to vector<50x8400xf32>
    %select_n3A_42 = arith.select %and3A_39, %broadcast_in_dim3A_41, %select_n3A : vector<50x8400xi1>, vector<50x8400xf32>
    %slice3A_43 = vector.extract_strided_slice %get3A_8 {offsets = [0, 2], sizes = [50, 1], strides = [1, 1]} : vector<50x16xi32> to vector<50x1xi32>
    %eq3A_44 = vector.broadcast %slice3A_43 : vector<50x1xi32> to vector<50x8400xi32>
    %eq3A_45 = arith.cmpi eq, %iota3A, %eq3A_44 : vector<50x8400xi32>
    %and3A_46 = vector.broadcast %gt3A_30 : vector<50x1xi1> to vector<50x8400xi1>
    %and3A_47 = arith.andi %eq3A_45, %and3A_46 : vector<50x8400xi1>
    %jit3A_48 = arith.constant 1.000000e+00 : f32
    %broadcast_in_dim3A_49 = vector.broadcast %jit3A_48 : f32 to vector<50x8400xf32>
    %select_n3A_50 = arith.select %and3A_47, %broadcast_in_dim3A_49, %select_n3A_42 : vector<50x8400xi1>, vector<50x8400xf32>
    %slice3A_51 = vector.extract_strided_slice %get3A_8 {offsets = [0, 3], sizes = [50, 1], strides = [1, 1]} : vector<50x16xi32> to vector<50x1xi32>
    %eq3A_52 = vector.broadcast %slice3A_51 : vector<50x1xi32> to vector<50x8400xi32>
    %eq3A_53 = arith.cmpi eq, %iota3A, %eq3A_52 : vector<50x8400xi32>
    %and3A_54 = vector.broadcast %gt3A_30 : vector<50x1xi1> to vector<50x8400xi1>
    %and3A_55 = arith.andi %eq3A_53, %and3A_54 : vector<50x8400xi1>
    %jit3A_56 = arith.constant 1.000000e+00 : f32
    %broadcast_in_dim3A_57 = vector.broadcast %jit3A_56 : f32 to vector<50x8400xf32>
    %select_n3A_58 = arith.select %and3A_55, %broadcast_in_dim3A_57, %select_n3A_50 : vector<50x8400xi1>, vector<50x8400xf32>
    %slice3A_59 = vector.extract_strided_slice %get3A_8 {offsets = [0, 4], sizes = [50, 1], strides = [1, 1]} : vector<50x16xi32> to vector<50x1xi32>
    %eq3A_60 = vector.broadcast %slice3A_59 : vector<50x1xi32> to vector<50x8400xi32>
    %eq3A_61 = arith.cmpi eq, %iota3A, %eq3A_60 : vector<50x8400xi32>
    %and3A_62 = vector.broadcast %gt3A_30 : vector<50x1xi1> to vector<50x8400xi1>
    %and3A_63 = arith.andi %eq3A_61, %and3A_62 : vector<50x8400xi1>
    %jit3A_64 = arith.constant 1.000000e+00 : f32
    %broadcast_in_dim3A_65 = vector.broadcast %jit3A_64 : f32 to vector<50x8400xf32>
    %select_n3A_66 = arith.select %and3A_63, %broadcast_in_dim3A_65, %select_n3A_58 : vector<50x8400xi1>, vector<50x8400xf32>
    %slice3A_67 = vector.extract_strided_slice %get3A_8 {offsets = [0, 5], sizes = [50, 1], strides = [1, 1]} : vector<50x16xi32> to vector<50x1xi32>
    %eq3A_68 = vector.broadcast %slice3A_67 : vector<50x1xi32> to vector<50x8400xi32>
    %eq3A_69 = arith.cmpi eq, %iota3A, %eq3A_68 : vector<50x8400xi32>
    %and3A_70 = vector.broadcast %gt3A_30 : vector<50x1xi1> to vector<50x8400xi1>
    %and3A_71 = arith.andi %eq3A_69, %and3A_70 : vector<50x8400xi1>
    %jit3A_72 = arith.constant 1.000000e+00 : f32
    %broadcast_in_dim3A_73 = vector.broadcast %jit3A_72 : f32 to vector<50x8400xf32>
    %select_n3A_74 = arith.select %and3A_71, %broadcast_in_dim3A_73, %select_n3A_66 : vector<50x8400xi1>, vector<50x8400xf32>
    %slice3A_75 = vector.extract_strided_slice %get3A_8 {offsets = [0, 6], sizes = [50, 1], strides = [1, 1]} : vector<50x16xi32> to vector<50x1xi32>
    %eq3A_76 = vector.broadcast %slice3A_75 : vector<50x1xi32> to vector<50x8400xi32>
    %eq3A_77 = arith.cmpi eq, %iota3A, %eq3A_76 : vector<50x8400xi32>
    %and3A_78 = vector.broadcast %gt3A_30 : vector<50x1xi1> to vector<50x8400xi1>
    %and3A_79 = arith.andi %eq3A_77, %and3A_78 : vector<50x8400xi1>
    %jit3A_80 = arith.constant 1.000000e+00 : f32
    %broadcast_in_dim3A_81 = vector.broadcast %jit3A_80 : f32 to vector<50x8400xf32>
    %select_n3A_82 = arith.select %and3A_79, %broadcast_in_dim3A_81, %select_n3A_74 : vector<50x8400xi1>, vector<50x8400xf32>
    %slice3A_83 = vector.extract_strided_slice %get3A_8 {offsets = [0, 7], sizes = [50, 1], strides = [1, 1]} : vector<50x16xi32> to vector<50x1xi32>
    %eq3A_84 = vector.broadcast %slice3A_83 : vector<50x1xi32> to vector<50x8400xi32>
    %eq3A_85 = arith.cmpi eq, %iota3A, %eq3A_84 : vector<50x8400xi32>
    %and3A_86 = vector.broadcast %gt3A_30 : vector<50x1xi1> to vector<50x8400xi1>
    %and3A_87 = arith.andi %eq3A_85, %and3A_86 : vector<50x8400xi1>
    %jit3A_88 = arith.constant 1.000000e+00 : f32
    %broadcast_in_dim3A_89 = vector.broadcast %jit3A_88 : f32 to vector<50x8400xf32>
    %select_n3A_90 = arith.select %and3A_87, %broadcast_in_dim3A_89, %select_n3A_82 : vector<50x8400xi1>, vector<50x8400xf32>
    %slice3A_91 = vector.extract_strided_slice %get3A_8 {offsets = [0, 8], sizes = [50, 1], strides = [1, 1]} : vector<50x16xi32> to vector<50x1xi32>
    %eq3A_92 = vector.broadcast %slice3A_91 : vector<50x1xi32> to vector<50x8400xi32>
    %eq3A_93 = arith.cmpi eq, %iota3A, %eq3A_92 : vector<50x8400xi32>
    %and3A_94 = vector.broadcast %gt3A_30 : vector<50x1xi1> to vector<50x8400xi1>
    %and3A_95 = arith.andi %eq3A_93, %and3A_94 : vector<50x8400xi1>
    %jit3A_96 = arith.constant 1.000000e+00 : f32
    %broadcast_in_dim3A_97 = vector.broadcast %jit3A_96 : f32 to vector<50x8400xf32>
    %select_n3A_98 = arith.select %and3A_95, %broadcast_in_dim3A_97, %select_n3A_90 : vector<50x8400xi1>, vector<50x8400xf32>
    %slice3A_99 = vector.extract_strided_slice %get3A_8 {offsets = [0, 9], sizes = [50, 1], strides = [1, 1]} : vector<50x16xi32> to vector<50x1xi32>
    %eq3A_100 = vector.broadcast %slice3A_99 : vector<50x1xi32> to vector<50x8400xi32>
    %eq3A_101 = arith.cmpi eq, %iota3A, %eq3A_100 : vector<50x8400xi32>
    %and3A_102 = vector.broadcast %gt3A_30 : vector<50x1xi1> to vector<50x8400xi1>
    %and3A_103 = arith.andi %eq3A_101, %and3A_102 : vector<50x8400xi1>
    %jit3A_104 = arith.constant 1.000000e+00 : f32
    %broadcast_in_dim3A_105 = vector.broadcast %jit3A_104 : f32 to vector<50x8400xf32>
    %select_n3A_106 = arith.select %and3A_103, %broadcast_in_dim3A_105, %select_n3A_98 : vector<50x8400xi1>, vector<50x8400xf32>
    %slice3A_107 = vector.extract_strided_slice %get3A_8 {offsets = [0, 10], sizes = [50, 1], strides = [1, 1]} : vector<50x16xi32> to vector<50x1xi32>
    %eq3A_108 = vector.broadcast %slice3A_107 : vector<50x1xi32> to vector<50x8400xi32>
    %eq3A_109 = arith.cmpi eq, %iota3A, %eq3A_108 : vector<50x8400xi32>
    %and3A_110 = vector.broadcast %gt3A_30 : vector<50x1xi1> to vector<50x8400xi1>
    %and3A_111 = arith.andi %eq3A_109, %and3A_110 : vector<50x8400xi1>
    %jit3A_112 = arith.constant 1.000000e+00 : f32
    %broadcast_in_dim3A_113 = vector.broadcast %jit3A_112 : f32 to vector<50x8400xf32>
    %select_n3A_114 = arith.select %and3A_111, %broadcast_in_dim3A_113, %select_n3A_106 : vector<50x8400xi1>, vector<50x8400xf32>
    %slice3A_115 = vector.extract_strided_slice %get3A_8 {offsets = [0, 11], sizes = [50, 1], strides = [1, 1]} : vector<50x16xi32> to vector<50x1xi32>
    %eq3A_116 = vector.broadcast %slice3A_115 : vector<50x1xi32> to vector<50x8400xi32>
    %eq3A_117 = arith.cmpi eq, %iota3A, %eq3A_116 : vector<50x8400xi32>
    %and3A_118 = vector.broadcast %gt3A_30 : vector<50x1xi1> to vector<50x8400xi1>
    %and3A_119 = arith.andi %eq3A_117, %and3A_118 : vector<50x8400xi1>
    %jit3A_120 = arith.constant 1.000000e+00 : f32
    %broadcast_in_dim3A_121 = vector.broadcast %jit3A_120 : f32 to vector<50x8400xf32>
    %select_n3A_122 = arith.select %and3A_119, %broadcast_in_dim3A_121, %select_n3A_114 : vector<50x8400xi1>, vector<50x8400xf32>
    %slice3A_123 = vector.extract_strided_slice %get3A_8 {offsets = [0, 12], sizes = [50, 1], strides = [1, 1]} : vector<50x16xi32> to vector<50x1xi32>
    %eq3A_124 = vector.broadcast %slice3A_123 : vector<50x1xi32> to vector<50x8400xi32>
    %eq3A_125 = arith.cmpi eq, %iota3A, %eq3A_124 : vector<50x8400xi32>
    %and3A_126 = vector.broadcast %gt3A_30 : vector<50x1xi1> to vector<50x8400xi1>
    %and3A_127 = arith.andi %eq3A_125, %and3A_126 : vector<50x8400xi1>
    %jit3A_128 = arith.constant 1.000000e+00 : f32
    %broadcast_in_dim3A_129 = vector.broadcast %jit3A_128 : f32 to vector<50x8400xf32>
    %select_n3A_130 = arith.select %and3A_127, %broadcast_in_dim3A_129, %select_n3A_122 : vector<50x8400xi1>, vector<50x8400xf32>
    %reduce_sum3A = arith.constant dense<0.000000e+00> : vector<8400xf32>
    %reduce_sum3A_131 = vector.multi_reduction <add>, %select_n3A_130, %reduce_sum3A [0] : vector<50x8400xf32> to vector<8400xf32>
    %broadcast_in_dim3A_132 = vector.shape_cast %reduce_sum3A_131 : vector<8400xf32> to vector<1x8400xf32>
    %iota3A_133 = tpu.iota {dimensions = array<i32: 0>} : vector<50x8400xi32>
    %gt3A_134 = arith.constant 0.000000e+00 : f32
    %gt3A_135 = vector.broadcast %gt3A_134 : f32 to vector<50x8400xf32>
    %gt3A_136 = arith.cmpf ogt, %select_n3A_130, %gt3A_135 : vector<50x8400xf32>
    %jit3A_137 = arith.constant 50 : i32
    %broadcast_in_dim3A_138 = vector.broadcast %jit3A_137 : i32 to vector<50x8400xi32>
    %select_n3A_139 = arith.select %gt3A_136, %iota3A_133, %broadcast_in_dim3A_138 : vector<50x8400xi1>, vector<50x8400xi32>
    %reduce_min3A = arith.constant dense<2147483647> : vector<8400xi32>
    %reduce_min3A_140 = vector.multi_reduction <minsi>, %select_n3A_139, %reduce_min3A [0] : vector<50x8400xi32> to vector<8400xi32>
    %broadcast_in_dim3A_141 = vector.shape_cast %reduce_min3A_140 : vector<8400xi32> to vector<1x8400xi32>
    %gt3A_142 = arith.constant 1.000000e+00 : f32
    %gt3A_143 = vector.broadcast %gt3A_142 : f32 to vector<1x8400xf32>
    %gt3A_144 = arith.cmpf ogt, %broadcast_in_dim3A_132, %gt3A_143 : vector<1x8400xf32>
    %select_n3A_145 = arith.select %gt3A_144, %get3A_13, %broadcast_in_dim3A_141 : vector<1x8400xi1>, vector<1x8400xi32>
    %gt3A_146 = arith.constant 0.000000e+00 : f32
    %gt3A_147 = vector.broadcast %gt3A_146 : f32 to vector<1x8400xf32>
    %gt3A_148 = arith.cmpf ogt, %broadcast_in_dim3A_132, %gt3A_147 : vector<1x8400xf32>
    %eq3A_149 = vector.broadcast %select_n3A_145 : vector<1x8400xi32> to vector<50x8400xi32>
    %eq3A_150 = arith.cmpi eq, %iota3A_133, %eq3A_149 : vector<50x8400xi32>
    %convert_element_type3A = arith.extui %eq3A_150 : vector<50x8400xi1> to vector<50x8400xi32>
    %convert_element_type3A_151 = arith.sitofp %convert_element_type3A : vector<50x8400xi32> to vector<50x8400xf32>
    %mul3A = arith.mulf %convert_element_type3A_151, %get3A_3 : vector<50x8400xf32>
    %reduce_sum3A_152 = arith.constant dense<0.000000e+00> : vector<8400xf32>
    %reduce_sum3A_153 = vector.multi_reduction <add>, %mul3A, %reduce_sum3A_152 [0] : vector<50x8400xf32> to vector<8400xf32>
    %broadcast_in_dim3A_154 = vector.shape_cast %reduce_sum3A_153 : vector<8400xf32> to vector<1x8400xf32>
    %convert_element_type3A_155 = arith.sitofp %get3A_23 : vector<50x1xi32> to vector<50x1xf32>
    %mul3A_156 = vector.broadcast %convert_element_type3A_155 : vector<50x1xf32> to vector<50x8400xf32>
    %mul3A_157 = arith.mulf %convert_element_type3A_151, %mul3A_156 : vector<50x8400xf32>
    %reduce_sum3A_158 = arith.constant dense<0.000000e+00> : vector<8400xf32>
    %reduce_sum3A_159 = vector.multi_reduction <add>, %mul3A_157, %reduce_sum3A_158 [0] : vector<50x8400xf32> to vector<8400xf32>
    %broadcast_in_dim3A_160 = vector.shape_cast %reduce_sum3A_159 : vector<8400xf32> to vector<1x8400xf32>
    %slice3A_161 = vector.extract_strided_slice %get3A_18 {offsets = [0, 0], sizes = [50, 1], strides = [1, 1]} : vector<50x4xf32> to vector<50x1xf32>
    %mul3A_162 = vector.broadcast %slice3A_161 : vector<50x1xf32> to vector<50x8400xf32>
    %mul3A_163 = arith.mulf %convert_element_type3A_151, %mul3A_162 : vector<50x8400xf32>
    %reduce_sum3A_164 = arith.constant dense<0.000000e+00> : vector<8400xf32>
    %reduce_sum3A_165 = vector.multi_reduction <add>, %mul3A_163, %reduce_sum3A_164 [0] : vector<50x8400xf32> to vector<8400xf32>
    %broadcast_in_dim3A_166 = vector.shape_cast %reduce_sum3A_165 : vector<8400xf32> to vector<1x8400xf32>
    %slice3A_167 = vector.extract_strided_slice %get3A_18 {offsets = [0, 1], sizes = [50, 1], strides = [1, 1]} : vector<50x4xf32> to vector<50x1xf32>
    %mul3A_168 = vector.broadcast %slice3A_167 : vector<50x1xf32> to vector<50x8400xf32>
    %mul3A_169 = arith.mulf %convert_element_type3A_151, %mul3A_168 : vector<50x8400xf32>
    %reduce_sum3A_170 = arith.constant dense<0.000000e+00> : vector<8400xf32>
    %reduce_sum3A_171 = vector.multi_reduction <add>, %mul3A_169, %reduce_sum3A_170 [0] : vector<50x8400xf32> to vector<8400xf32>
    %broadcast_in_dim3A_172 = vector.shape_cast %reduce_sum3A_171 : vector<8400xf32> to vector<1x8400xf32>
    %slice3A_173 = vector.extract_strided_slice %get3A_18 {offsets = [0, 2], sizes = [50, 1], strides = [1, 1]} : vector<50x4xf32> to vector<50x1xf32>
    %mul3A_174 = vector.broadcast %slice3A_173 : vector<50x1xf32> to vector<50x8400xf32>
    %mul3A_175 = arith.mulf %convert_element_type3A_151, %mul3A_174 : vector<50x8400xf32>
    %reduce_sum3A_176 = arith.constant dense<0.000000e+00> : vector<8400xf32>
    %reduce_sum3A_177 = vector.multi_reduction <add>, %mul3A_175, %reduce_sum3A_176 [0] : vector<50x8400xf32> to vector<8400xf32>
    %broadcast_in_dim3A_178 = vector.shape_cast %reduce_sum3A_177 : vector<8400xf32> to vector<1x8400xf32>
    %slice3A_179 = vector.extract_strided_slice %get3A_18 {offsets = [0, 3], sizes = [50, 1], strides = [1, 1]} : vector<50x4xf32> to vector<50x1xf32>
    %mul3A_180 = vector.broadcast %slice3A_179 : vector<50x1xf32> to vector<50x8400xf32>
    %mul3A_181 = arith.mulf %convert_element_type3A_151, %mul3A_180 : vector<50x8400xf32>
    %reduce_sum3A_182 = arith.constant dense<0.000000e+00> : vector<8400xf32>
    %reduce_sum3A_183 = vector.multi_reduction <add>, %mul3A_181, %reduce_sum3A_182 [0] : vector<50x8400xf32> to vector<8400xf32>
    %broadcast_in_dim3A_184 = vector.shape_cast %reduce_sum3A_183 : vector<8400xf32> to vector<1x8400xf32>
    %concatenate3A = tpu.concatenate %broadcast_in_dim3A_166, %broadcast_in_dim3A_172, %broadcast_in_dim3A_178, %broadcast_in_dim3A_184 in 0 : vector<1x8400xf32>, vector<1x8400xf32>, vector<1x8400xf32>, vector<1x8400xf32> -> vector<4x8400xf32>
    %convert_element_type3A_185 = arith.fptosi %broadcast_in_dim3A_160 : vector<1x8400xf32> to vector<1x8400xi32>
    %jit3A_186 = arith.constant 80 : i32
    %broadcast_in_dim3A_187 = vector.broadcast %jit3A_186 : i32 to vector<1x8400xi32>
    %select_n3A_188 = arith.select %gt3A_148, %convert_element_type3A_185, %broadcast_in_dim3A_187 : vector<1x8400xi1>, vector<1x8400xi32>
    %swap3A = arith.constant 0 : index
    %swap3A_189 = arith.constant 0 : index
    %swap3A_190 = arith.constant 0 : index
    %swap3A_191 = vector.load %arg7[%swap3A, %swap3A_189, %swap3A_190] : memref<1x1x8400xi32, #tpu.memory_space<vmem>>, vector<1x1x8400xi32>
    %swap3A_192 = vector.shape_cast %swap3A_191 : vector<1x1x8400xi32> to vector<1x8400xi32>
    %swap3A_193 = vector.shape_cast %select_n3A_188 : vector<1x8400xi32> to vector<1x1x8400xi32>
    tpu.vector_store %arg7[%swap3A, %swap3A_189, %swap3A_190], %swap3A_193 {strides = array<i32>} : memref<1x1x8400xi32, #tpu.memory_space<vmem>>, vector<1x1x8400xi32>,
    %jit3A_194 = arith.constant 0.000000e+00 : f32
    %broadcast_in_dim3A_195 = vector.broadcast %jit3A_194 : f32 to vector<1x8400xf32>
    %select_n3A_196 = arith.select %gt3A_148, %broadcast_in_dim3A_154, %broadcast_in_dim3A_195 : vector<1x8400xi1>, vector<1x8400xf32>
    %swap3A_197 = arith.constant 0 : index
    %swap3A_198 = arith.constant 0 : index
    %swap3A_199 = arith.constant 0 : index
    %swap3A_200 = vector.load %arg9[%swap3A_197, %swap3A_198, %swap3A_199] : memref<1x1x8400xf32, #tpu.memory_space<vmem>>, vector<1x1x8400xf32>
    %swap3A_201 = vector.shape_cast %swap3A_200 : vector<1x1x8400xf32> to vector<1x8400xf32>
    %swap3A_202 = vector.shape_cast %select_n3A_196 : vector<1x8400xf32> to vector<1x1x8400xf32>
    tpu.vector_store %arg9[%swap3A_197, %swap3A_198, %swap3A_199], %swap3A_202 {strides = array<i32>} : memref<1x1x8400xf32, #tpu.memory_space<vmem>>, vector<1x1x8400xf32>,
    %jit3A_203 = arith.constant 0.000000e+00 : f32
    %broadcast_in_dim3A_204 = vector.shape_cast %gt3A_148 : vector<1x8400xi1> to vector<1x8400xi1>
    %broadcast_in_dim3A_205 = vector.broadcast %broadcast_in_dim3A_204 : vector<1x8400xi1> to vector<4x8400xi1>
    %broadcast_in_dim3A_206 = vector.broadcast %jit3A_203 : f32 to vector<4x8400xf32>
    %select_n3A_207 = arith.select %broadcast_in_dim3A_205, %concatenate3A, %broadcast_in_dim3A_206 : vector<4x8400xi1>, vector<4x8400xf32>
    %swap3A_208 = arith.constant 0 : index
    %swap3A_209 = arith.constant 0 : index
    %swap3A_210 = arith.constant 0 : index
    %swap3A_211 = vector.load %arg8[%swap3A_208, %swap3A_209, %swap3A_210] : memref<1x4x8400xf32, #tpu.memory_space<vmem>>, vector<1x4x8400xf32>
    %swap3A_212 = vector.shape_cast %swap3A_211 : vector<1x4x8400xf32> to vector<4x8400xf32>
    %swap3A_213 = vector.shape_cast %select_n3A_207 : vector<4x8400xf32> to vector<1x4x8400xf32>
    tpu.vector_store %arg8[%swap3A_208, %swap3A_209, %swap3A_210], %swap3A_213 {strides = array<i32>} : memref<1x4x8400xf32, #tpu.memory_space<vmem>>, vector<1x4x8400xf32>,
    return
  }
  func.func @transform_0(%arg0: i32) -> (i32, i32, i32) {
    %c0_i32 = arith.constant 0 : i32
    %c0_i32_0 = arith.constant 0 : i32
    %c0_i32_1 = arith.constant 0 : i32
    return %arg0, %c0_i32, %c0_i32_0 : i32, i32, i32
  }
  func.func @transform_1(%arg0: i32) -> (i32, i32, i32) {
    %c0_i32 = arith.constant 0 : i32
    %c0_i32_0 = arith.constant 0 : i32
    %c0_i32_1 = arith.constant 0 : i32
    return %arg0, %c0_i32, %c0_i32_0 : i32, i32, i32
  }
  func.func @transform_2(%arg0: i32) -> (i32, i32, i32) {
    %c0_i32 = arith.constant 0 : i32
    %c0_i32_0 = arith.constant 0 : i32
    %c0_i32_1 = arith.constant 0 : i32
    return %arg0, %c0_i32, %c0_i32_0 : i32, i32, i32
  }
  func.func @transform_3(%arg0: i32) -> (i32, i32, i32) {
    %add3A = arith.constant 8 : i32
    %add3A_0 = arith.addi %arg0, %add3A : i32
    %c0_i32 = arith.constant 0 : i32
    %c0_i32_1 = arith.constant 0 : i32
    %c0_i32_2 = arith.constant 0 : i32
    return %add3A_0, %c0_i32, %c0_i32_1 : i32, i32, i32
  }
  func.func @transform_4(%arg0: i32) -> (i32, i32, i32) {
    %add3A = arith.constant 8 : i32
    %add3A_0 = arith.addi %arg0, %add3A : i32
    %c0_i32 = arith.constant 0 : i32
    %c0_i32_1 = arith.constant 0 : i32
    %c0_i32_2 = arith.constant 0 : i32
    return %add3A_0, %c0_i32, %c0_i32_1 : i32, i32, i32
  }
  func.func @transform_5(%arg0: i32) -> (i32, i32, i32) {
    %add3A = arith.constant 8 : i32
    %add3A_0 = arith.addi %arg0, %add3A : i32
    %c0_i32 = arith.constant 0 : i32
    %c0_i32_1 = arith.constant 0 : i32
    %c0_i32_2 = arith.constant 0 : i32
    return %add3A_0, %c0_i32, %c0_i32_1 : i32, i32, i32
  }
  func.func @transform_6(%arg0: i32) -> (i32, i32, i32) {
    %c0_i32 = arith.constant 0 : i32
    %c0_i32_0 = arith.constant 0 : i32
    %c0_i32_1 = arith.constant 0 : i32
    return %arg0, %c0_i32, %c0_i32_0 : i32, i32, i32
  }
  func.func @transform_7(%arg0: i32) -> (i32, i32, i32) {
    %c0_i32 = arith.constant 0 : i32
    %c0_i32_0 = arith.constant 0 : i32
    %c0_i32_1 = arith.constant 0 : i32
    return %arg0, %c0_i32, %c0_i32_0 : i32, i32, i32
  }
  func.func @transform_8(%arg0: i32) -> (i32, i32, i32) {
    %c0_i32 = arith.constant 0 : i32
    %c0_i32_0 = arith.constant 0 : i32
    %c0_i32_1 = arith.constant 0 : i32
    return %arg0, %c0_i32, %c0_i32_0 : i32, i32, i32
  }
}

module attributes {stable_mosaic.version = 14 : i64} {
  func.func @_assemble_kernel(%arg0: i32, %arg1: memref<1x50x8400xf32, #tpu.memory_space<vmem>>, %arg2: memref<1x50x16xi32, #tpu.memory_space<vmem>>, %arg3: memref<1x1x8400xi32, #tpu.memory_space<vmem>>, %arg4: memref<1x50x4xf32, #tpu.memory_space<vmem>>, %arg5: memref<1x50x1xi32, #tpu.memory_space<vmem>>, %arg6: memref<1x50x1xf32, #tpu.memory_space<vmem>>, %arg7: memref<1x1x8400xi32, #tpu.memory_space<vmem>>, %arg8: memref<1x4x8400xf32, #tpu.memory_space<vmem>>, %arg9: memref<1x1x8400xf32, #tpu.memory_space<vmem>>) attributes {dimension_semantics = [#tpu.dimension_semantics<arbitrary>], iteration_bounds = array<i64: 8>, scalar_prefetch = 0 : i64, scratch_operands = 0 : i64, tpu.core_type = #tpu.core_type<tc>, window_params = [{transform_indices = @transform_0, window_bounds = array<i64: 1, 50, 8400>}, {transform_indices = @transform_1, window_bounds = array<i64: 1, 50, 16>}, {transform_indices = @transform_2, window_bounds = array<i64: 1, 1, 8400>}, {transform_indices = @transform_3, window_bounds = array<i64: 1, 50, 4>}, {transform_indices = @transform_4, window_bounds = array<i64: 1, 50, 1>}, {transform_indices = @transform_5, window_bounds = array<i64: 1, 50, 1>}, {transform_indices = @transform_6, window_bounds = array<i64: 1, 1, 8400>}, {transform_indices = @transform_7, window_bounds = array<i64: 1, 4, 8400>}, {transform_indices = @transform_8, window_bounds = array<i64: 1, 1, 8400>}]} {
    %get3A = arith.constant 0 : index
    %get3A_0 = arith.constant 0 : index
    %get3A_1 = arith.constant 0 : index
    %get3A_2 = vector.load %arg1[%get3A, %get3A_0, %get3A_1] : memref<1x50x8400xf32, #tpu.memory_space<vmem>>, vector<1x50x8400xf32>
    %get3A_3 = vector.shape_cast %get3A_2 : vector<1x50x8400xf32> to vector<50x8400xf32>
    %get3A_4 = arith.constant 0 : index
    %get3A_5 = arith.constant 0 : index
    %get3A_6 = arith.constant 0 : index
    %get3A_7 = vector.load %arg2[%get3A_4, %get3A_5, %get3A_6] : memref<1x50x16xi32, #tpu.memory_space<vmem>>, vector<1x50x16xi32>
    %get3A_8 = vector.shape_cast %get3A_7 : vector<1x50x16xi32> to vector<50x16xi32>
    %get3A_9 = arith.constant 0 : index
    %get3A_10 = arith.constant 0 : index
    %get3A_11 = arith.constant 0 : index
    %get3A_12 = vector.load %arg3[%get3A_9, %get3A_10, %get3A_11] : memref<1x1x8400xi32, #tpu.memory_space<vmem>>, vector<1x1x8400xi32>
    %get3A_13 = vector.shape_cast %get3A_12 : vector<1x1x8400xi32> to vector<1x8400xi32>
    %get3A_14 = arith.constant 0 : index
    %get3A_15 = arith.constant 0 : index
    %get3A_16 = arith.constant 0 : index
    %get3A_17 = vector.load %arg4[%get3A_14, %get3A_15, %get3A_16] : memref<1x50x4xf32, #tpu.memory_space<vmem>>, vector<1x50x4xf32>
    %get3A_18 = vector.shape_cast %get3A_17 : vector<1x50x4xf32> to vector<50x4xf32>
    %get3A_19 = arith.constant 0 : index
    %get3A_20 = arith.constant 0 : index
    %get3A_21 = arith.constant 0 : index
    %get3A_22 = vector.load %arg5[%get3A_19, %get3A_20, %get3A_21] : memref<1x50x1xi32, #tpu.memory_space<vmem>>, vector<1x50x1xi32>
    %get3A_23 = vector.shape_cast %get3A_22 : vector<1x50x1xi32> to vector<50x1xi32>
    %get3A_24 = arith.constant 0 : index
    %get3A_25 = arith.constant 0 : index
    %get3A_26 = arith.constant 0 : index
    %get3A_27 = vector.load %arg6[%get3A_24, %get3A_25, %get3A_26] : memref<1x50x1xf32, #tpu.memory_space<vmem>>, vector<1x50x1xf32>
    %get3A_28 = vector.shape_cast %get3A_27 : vector<1x50x1xf32> to vector<50x1xf32>
    %iota3A = tpu.iota {dimensions = array<i32: 1>} : vector<50x8400xi32>
    %gt3A = arith.constant 0.000000e+00 : f32
    %gt3A_29 = vector.broadcast %gt3A : f32 to vector<50x1xf32>
    %gt3A_30 = arith.cmpf ogt, %get3A_28, %gt3A_29 : vector<50x1xf32>
    %broadcast_in_dim3A = arith.constant 0.000000e+00 : f32
    %broadcast_in_dim3A_31 = vector.broadcast %broadcast_in_dim3A : f32 to vector<50x8400xf32>
    %slice3A = vector.extract_strided_slice %get3A_8 {offsets = [0, 0], sizes = [50, 1], strides = [1, 1]} : vector<50x16xi32> to vector<50x1xi32>
    %eq3A = vector.broadcast %slice3A : vector<50x1xi32> to vector<50x8400xi32>
    %eq3A_32 = arith.cmpi eq, %iota3A, %eq3A : vector<50x8400xi32>
    %and3A = vector.broadcast %gt3A_30 : vector<50x1xi1> to vector<50x8400xi1>
    %and3A_33 = arith.andi %eq3A_32, %and3A : vector<50x8400xi1>
    %jit3A = arith.constant 1.000000e+00 : f32
    %broadcast_in_dim3A_34 = vector.broadcast %jit3A : f32 to vector<50x8400xf32>
    %select_n3A = arith.select %and3A_33, %broadcast_in_dim3A_34, %broadcast_in_dim3A_31 : vector<50x8400xi1>, vector<50x8400xf32>
    %slice3A_35 = vector.extract_strided_slice %get3A_8 {offsets = [0, 1], sizes = [50, 1], strides = [1, 1]} : vector<50x16xi32> to vector<50x1xi32>
    %eq3A_36 = vector.broadcast %slice3A_35 : vector<50x1xi32> to vector<50x8400xi32>
    %eq3A_37 = arith.cmpi eq, %iota3A, %eq3A_36 : vector<50x8400xi32>
    %and3A_38 = vector.broadcast %gt3A_30 : vector<50x1xi1> to vector<50x8400xi1>
    %and3A_39 = arith.andi %eq3A_37, %and3A_38 : vector<50x8400xi1>
    %jit3A_40 = arith.constant 1.000000e+00 : f32
    %broadcast_in_dim3A_41 = vector.broadcast %jit3A_40 : f32 to vector<50x8400xf32>
    %select_n3A_42 = arith.select %and3A_39, %broadcast_in_dim3A_41, %select_n3A : vector<50x8400xi1>, vector<50x8400xf32>
    %slice3A_43 = vector.extract_strided_slice %get3A_8 {offsets = [0, 2], sizes = [50, 1], strides = [1, 1]} : vector<50x16xi32> to vector<50x1xi32>
    %eq3A_44 = vector.broadcast %slice3A_43 : vector<50x1xi32> to vector<50x8400xi32>
    %eq3A_45 = arith.cmpi eq, %iota3A, %eq3A_44 : vector<50x8400xi32>
    %and3A_46 = vector.broadcast %gt3A_30 : vector<50x1xi1> to vector<50x8400xi1>
    %and3A_47 = arith.andi %eq3A_45, %and3A_46 : vector<50x8400xi1>
    %jit3A_48 = arith.constant 1.000000e+00 : f32
    %broadcast_in_dim3A_49 = vector.broadcast %jit3A_48 : f32 to vector<50x8400xf32>
    %select_n3A_50 = arith.select %and3A_47, %broadcast_in_dim3A_49, %select_n3A_42 : vector<50x8400xi1>, vector<50x8400xf32>
    %slice3A_51 = vector.extract_strided_slice %get3A_8 {offsets = [0, 3], sizes = [50, 1], strides = [1, 1]} : vector<50x16xi32> to vector<50x1xi32>
    %eq3A_52 = vector.broadcast %slice3A_51 : vector<50x1xi32> to vector<50x8400xi32>
    %eq3A_53 = arith.cmpi eq, %iota3A, %eq3A_52 : vector<50x8400xi32>
    %and3A_54 = vector.broadcast %gt3A_30 : vector<50x1xi1> to vector<50x8400xi1>
    %and3A_55 = arith.andi %eq3A_53, %and3A_54 : vector<50x8400xi1>
    %jit3A_56 = arith.constant 1.000000e+00 : f32
    %broadcast_in_dim3A_57 = vector.broadcast %jit3A_56 : f32 to vector<50x8400xf32>
    %select_n3A_58 = arith.select %and3A_55, %broadcast_in_dim3A_57, %select_n3A_50 : vector<50x8400xi1>, vector<50x8400xf32>
    %slice3A_59 = vector.extract_strided_slice %get3A_8 {offsets = [0, 4], sizes = [50, 1], strides = [1, 1]} : vector<50x16xi32> to vector<50x1xi32>
    %eq3A_60 = vector.broadcast %slice3A_59 : vector<50x1xi32> to vector<50x8400xi32>
    %eq3A_61 = arith.cmpi eq, %iota3A, %eq3A_60 : vector<50x8400xi32>
    %and3A_62 = vector.broadcast %gt3A_30 : vector<50x1xi1> to vector<50x8400xi1>
    %and3A_63 = arith.andi %eq3A_61, %and3A_62 : vector<50x8400xi1>
    %jit3A_64 = arith.constant 1.000000e+00 : f32
    %broadcast_in_dim3A_65 = vector.broadcast %jit3A_64 : f32 to vector<50x8400xf32>
    %select_n3A_66 = arith.select %and3A_63, %broadcast_in_dim3A_65, %select_n3A_58 : vector<50x8400xi1>, vector<50x8400xf32>
    %slice3A_67 = vector.extract_strided_slice %get3A_8 {offsets = [0, 5], sizes = [50, 1], strides = [1, 1]} : vector<50x16xi32> to vector<50x1xi32>
    %eq3A_68 = vector.broadcast %slice3A_67 : vector<50x1xi32> to vector<50x8400xi32>
    %eq3A_69 = arith.cmpi eq, %iota3A, %eq3A_68 : vector<50x8400xi32>
    %and3A_70 = vector.broadcast %gt3A_30 : vector<50x1xi1> to vector<50x8400xi1>
    %and3A_71 = arith.andi %eq3A_69, %and3A_70 : vector<50x8400xi1>
    %jit3A_72 = arith.constant 1.000000e+00 : f32
    %broadcast_in_dim3A_73 = vector.broadcast %jit3A_72 : f32 to vector<50x8400xf32>
    %select_n3A_74 = arith.select %and3A_71, %broadcast_in_dim3A_73, %select_n3A_66 : vector<50x8400xi1>, vector<50x8400xf32>
    %slice3A_75 = vector.extract_strided_slice %get3A_8 {offsets = [0, 6], sizes = [50, 1], strides = [1, 1]} : vector<50x16xi32> to vector<50x1xi32>
    %eq3A_76 = vector.broadcast %slice3A_75 : vector<50x1xi32> to vector<50x8400xi32>
    %eq3A_77 = arith.cmpi eq, %iota3A, %eq3A_76 : vector<50x8400xi32>
    %and3A_78 = vector.broadcast %gt3A_30 : vector<50x1xi1> to vector<50x8400xi1>
    %and3A_79 = arith.andi %eq3A_77, %and3A_78 : vector<50x8400xi1>
    %jit3A_80 = arith.constant 1.000000e+00 : f32
    %broadcast_in_dim3A_81 = vector.broadcast %jit3A_80 : f32 to vector<50x8400xf32>
    %select_n3A_82 = arith.select %and3A_79, %broadcast_in_dim3A_81, %select_n3A_74 : vector<50x8400xi1>, vector<50x8400xf32>
    %slice3A_83 = vector.extract_strided_slice %get3A_8 {offsets = [0, 7], sizes = [50, 1], strides = [1, 1]} : vector<50x16xi32> to vector<50x1xi32>
    %eq3A_84 = vector.broadcast %slice3A_83 : vector<50x1xi32> to vector<50x8400xi32>
    %eq3A_85 = arith.cmpi eq, %iota3A, %eq3A_84 : vector<50x8400xi32>
    %and3A_86 = vector.broadcast %gt3A_30 : vector<50x1xi1> to vector<50x8400xi1>
    %and3A_87 = arith.andi %eq3A_85, %and3A_86 : vector<50x8400xi1>
    %jit3A_88 = arith.constant 1.000000e+00 : f32
    %broadcast_in_dim3A_89 = vector.broadcast %jit3A_88 : f32 to vector<50x8400xf32>
    %select_n3A_90 = arith.select %and3A_87, %broadcast_in_dim3A_89, %select_n3A_82 : vector<50x8400xi1>, vector<50x8400xf32>
    %slice3A_91 = vector.extract_strided_slice %get3A_8 {offsets = [0, 8], sizes = [50, 1], strides = [1, 1]} : vector<50x16xi32> to vector<50x1xi32>
    %eq3A_92 = vector.broadcast %slice3A_91 : vector<50x1xi32> to vector<50x8400xi32>
    %eq3A_93 = arith.cmpi eq, %iota3A, %eq3A_92 : vector<50x8400xi32>
    %and3A_94 = vector.broadcast %gt3A_30 : vector<50x1xi1> to vector<50x8400xi1>
    %and3A_95 = arith.andi %eq3A_93, %and3A_94 : vector<50x8400xi1>
    %jit3A_96 = arith.constant 1.000000e+00 : f32
    %broadcast_in_dim3A_97 = vector.broadcast %jit3A_96 : f32 to vector<50x8400xf32>
    %select_n3A_98 = arith.select %and3A_95, %broadcast_in_dim3A_97, %select_n3A_90 : vector<50x8400xi1>, vector<50x8400xf32>
    %slice3A_99 = vector.extract_strided_slice %get3A_8 {offsets = [0, 9], sizes = [50, 1], strides = [1, 1]} : vector<50x16xi32> to vector<50x1xi32>
    %eq3A_100 = vector.broadcast %slice3A_99 : vector<50x1xi32> to vector<50x8400xi32>
    %eq3A_101 = arith.cmpi eq, %iota3A, %eq3A_100 : vector<50x8400xi32>
    %and3A_102 = vector.broadcast %gt3A_30 : vector<50x1xi1> to vector<50x8400xi1>
    %and3A_103 = arith.andi %eq3A_101, %and3A_102 : vector<50x8400xi1>
    %jit3A_104 = arith.constant 1.000000e+00 : f32
    %broadcast_in_dim3A_105 = vector.broadcast %jit3A_104 : f32 to vector<50x8400xf32>
    %select_n3A_106 = arith.select %and3A_103, %broadcast_in_dim3A_105, %select_n3A_98 : vector<50x8400xi1>, vector<50x8400xf32>
    %slice3A_107 = vector.extract_strided_slice %get3A_8 {offsets = [0, 10], sizes = [50, 1], strides = [1, 1]} : vector<50x16xi32> to vector<50x1xi32>
    %eq3A_108 = vector.broadcast %slice3A_107 : vector<50x1xi32> to vector<50x8400xi32>
    %eq3A_109 = arith.cmpi eq, %iota3A, %eq3A_108 : vector<50x8400xi32>
    %and3A_110 = vector.broadcast %gt3A_30 : vector<50x1xi1> to vector<50x8400xi1>
    %and3A_111 = arith.andi %eq3A_109, %and3A_110 : vector<50x8400xi1>
    %jit3A_112 = arith.constant 1.000000e+00 : f32
    %broadcast_in_dim3A_113 = vector.broadcast %jit3A_112 : f32 to vector<50x8400xf32>
    %select_n3A_114 = arith.select %and3A_111, %broadcast_in_dim3A_113, %select_n3A_106 : vector<50x8400xi1>, vector<50x8400xf32>
    %slice3A_115 = vector.extract_strided_slice %get3A_8 {offsets = [0, 11], sizes = [50, 1], strides = [1, 1]} : vector<50x16xi32> to vector<50x1xi32>
    %eq3A_116 = vector.broadcast %slice3A_115 : vector<50x1xi32> to vector<50x8400xi32>
    %eq3A_117 = arith.cmpi eq, %iota3A, %eq3A_116 : vector<50x8400xi32>
    %and3A_118 = vector.broadcast %gt3A_30 : vector<50x1xi1> to vector<50x8400xi1>
    %and3A_119 = arith.andi %eq3A_117, %and3A_118 : vector<50x8400xi1>
    %jit3A_120 = arith.constant 1.000000e+00 : f32
    %broadcast_in_dim3A_121 = vector.broadcast %jit3A_120 : f32 to vector<50x8400xf32>
    %select_n3A_122 = arith.select %and3A_119, %broadcast_in_dim3A_121, %select_n3A_114 : vector<50x8400xi1>, vector<50x8400xf32>
    %slice3A_123 = vector.extract_strided_slice %get3A_8 {offsets = [0, 12], sizes = [50, 1], strides = [1, 1]} : vector<50x16xi32> to vector<50x1xi32>
    %eq3A_124 = vector.broadcast %slice3A_123 : vector<50x1xi32> to vector<50x8400xi32>
    %eq3A_125 = arith.cmpi eq, %iota3A, %eq3A_124 : vector<50x8400xi32>
    %and3A_126 = vector.broadcast %gt3A_30 : vector<50x1xi1> to vector<50x8400xi1>
    %and3A_127 = arith.andi %eq3A_125, %and3A_126 : vector<50x8400xi1>
    %jit3A_128 = arith.constant 1.000000e+00 : f32
    %broadcast_in_dim3A_129 = vector.broadcast %jit3A_128 : f32 to vector<50x8400xf32>
    %select_n3A_130 = arith.select %and3A_127, %broadcast_in_dim3A_129, %select_n3A_122 : vector<50x8400xi1>, vector<50x8400xf32>
    %reduce_sum3A = arith.constant dense<0.000000e+00> : vector<8400xf32>
    %reduce_sum3A_131 = vector.multi_reduction <add>, %select_n3A_130, %reduce_sum3A [0] : vector<50x8400xf32> to vector<8400xf32>
    %broadcast_in_dim3A_132 = vector.shape_cast %reduce_sum3A_131 : vector<8400xf32> to vector<1x8400xf32>
    %iota3A_133 = tpu.iota {dimensions = array<i32: 0>} : vector<50x8400xi32>
    %gt3A_134 = arith.constant 0.000000e+00 : f32
    %gt3A_135 = vector.broadcast %gt3A_134 : f32 to vector<50x8400xf32>
    %gt3A_136 = arith.cmpf ogt, %select_n3A_130, %gt3A_135 : vector<50x8400xf32>
    %jit3A_137 = arith.constant 50 : i32
    %broadcast_in_dim3A_138 = vector.broadcast %jit3A_137 : i32 to vector<50x8400xi32>
    %select_n3A_139 = arith.select %gt3A_136, %iota3A_133, %broadcast_in_dim3A_138 : vector<50x8400xi1>, vector<50x8400xi32>
    %reduce_min3A = arith.constant dense<2147483647> : vector<8400xi32>
    %reduce_min3A_140 = vector.multi_reduction <minsi>, %select_n3A_139, %reduce_min3A [0] : vector<50x8400xi32> to vector<8400xi32>
    %broadcast_in_dim3A_141 = vector.shape_cast %reduce_min3A_140 : vector<8400xi32> to vector<1x8400xi32>
    %gt3A_142 = arith.constant 1.000000e+00 : f32
    %gt3A_143 = vector.broadcast %gt3A_142 : f32 to vector<1x8400xf32>
    %gt3A_144 = arith.cmpf ogt, %broadcast_in_dim3A_132, %gt3A_143 : vector<1x8400xf32>
    %select_n3A_145 = arith.select %gt3A_144, %get3A_13, %broadcast_in_dim3A_141 : vector<1x8400xi1>, vector<1x8400xi32>
    %gt3A_146 = arith.constant 0.000000e+00 : f32
    %gt3A_147 = vector.broadcast %gt3A_146 : f32 to vector<1x8400xf32>
    %gt3A_148 = arith.cmpf ogt, %broadcast_in_dim3A_132, %gt3A_147 : vector<1x8400xf32>
    %eq3A_149 = vector.broadcast %select_n3A_145 : vector<1x8400xi32> to vector<50x8400xi32>
    %eq3A_150 = arith.cmpi eq, %iota3A_133, %eq3A_149 : vector<50x8400xi32>
    %convert_element_type3A = arith.extui %eq3A_150 : vector<50x8400xi1> to vector<50x8400xi32>
    %convert_element_type3A_151 = arith.sitofp %convert_element_type3A : vector<50x8400xi32> to vector<50x8400xf32>
    %mul3A = arith.mulf %convert_element_type3A_151, %get3A_3 : vector<50x8400xf32>
    %reduce_sum3A_152 = arith.constant dense<0.000000e+00> : vector<8400xf32>
    %reduce_sum3A_153 = vector.multi_reduction <add>, %mul3A, %reduce_sum3A_152 [0] : vector<50x8400xf32> to vector<8400xf32>
    %broadcast_in_dim3A_154 = vector.shape_cast %reduce_sum3A_153 : vector<8400xf32> to vector<1x8400xf32>
    %convert_element_type3A_155 = arith.sitofp %get3A_23 : vector<50x1xi32> to vector<50x1xf32>
    %mul3A_156 = vector.broadcast %convert_element_type3A_155 : vector<50x1xf32> to vector<50x8400xf32>
    %mul3A_157 = arith.mulf %convert_element_type3A_151, %mul3A_156 : vector<50x8400xf32>
    %reduce_sum3A_158 = arith.constant dense<0.000000e+00> : vector<8400xf32>
    %reduce_sum3A_159 = vector.multi_reduction <add>, %mul3A_157, %reduce_sum3A_158 [0] : vector<50x8400xf32> to vector<8400xf32>
    %broadcast_in_dim3A_160 = vector.shape_cast %reduce_sum3A_159 : vector<8400xf32> to vector<1x8400xf32>
    %slice3A_161 = vector.extract_strided_slice %get3A_18 {offsets = [0, 0], sizes = [50, 1], strides = [1, 1]} : vector<50x4xf32> to vector<50x1xf32>
    %mul3A_162 = vector.broadcast %slice3A_161 : vector<50x1xf32> to vector<50x8400xf32>
    %mul3A_163 = arith.mulf %convert_element_type3A_151, %mul3A_162 : vector<50x8400xf32>
    %reduce_sum3A_164 = arith.constant dense<0.000000e+00> : vector<8400xf32>
    %reduce_sum3A_165 = vector.multi_reduction <add>, %mul3A_163, %reduce_sum3A_164 [0] : vector<50x8400xf32> to vector<8400xf32>
    %broadcast_in_dim3A_166 = vector.shape_cast %reduce_sum3A_165 : vector<8400xf32> to vector<1x8400xf32>
    %slice3A_167 = vector.extract_strided_slice %get3A_18 {offsets = [0, 1], sizes = [50, 1], strides = [1, 1]} : vector<50x4xf32> to vector<50x1xf32>
    %mul3A_168 = vector.broadcast %slice3A_167 : vector<50x1xf32> to vector<50x8400xf32>
    %mul3A_169 = arith.mulf %convert_element_type3A_151, %mul3A_168 : vector<50x8400xf32>
    %reduce_sum3A_170 = arith.constant dense<0.000000e+00> : vector<8400xf32>
    %reduce_sum3A_171 = vector.multi_reduction <add>, %mul3A_169, %reduce_sum3A_170 [0] : vector<50x8400xf32> to vector<8400xf32>
    %broadcast_in_dim3A_172 = vector.shape_cast %reduce_sum3A_171 : vector<8400xf32> to vector<1x8400xf32>
    %slice3A_173 = vector.extract_strided_slice %get3A_18 {offsets = [0, 2], sizes = [50, 1], strides = [1, 1]} : vector<50x4xf32> to vector<50x1xf32>
    %mul3A_174 = vector.broadcast %slice3A_173 : vector<50x1xf32> to vector<50x8400xf32>
    %mul3A_175 = arith.mulf %convert_element_type3A_151, %mul3A_174 : vector<50x8400xf32>
    %reduce_sum3A_176 = arith.constant dense<0.000000e+00> : vector<8400xf32>
    %reduce_sum3A_177 = vector.multi_reduction <add>, %mul3A_175, %reduce_sum3A_176 [0] : vector<50x8400xf32> to vector<8400xf32>
    %broadcast_in_dim3A_178 = vector.shape_cast %reduce_sum3A_177 : vector<8400xf32> to vector<1x8400xf32>
    %slice3A_179 = vector.extract_strided_slice %get3A_18 {offsets = [0, 3], sizes = [50, 1], strides = [1, 1]} : vector<50x4xf32> to vector<50x1xf32>
    %mul3A_180 = vector.broadcast %slice3A_179 : vector<50x1xf32> to vector<50x8400xf32>
    %mul3A_181 = arith.mulf %convert_element_type3A_151, %mul3A_180 : vector<50x8400xf32>
    %reduce_sum3A_182 = arith.constant dense<0.000000e+00> : vector<8400xf32>
    %reduce_sum3A_183 = vector.multi_reduction <add>, %mul3A_181, %reduce_sum3A_182 [0] : vector<50x8400xf32> to vector<8400xf32>
    %broadcast_in_dim3A_184 = vector.shape_cast %reduce_sum3A_183 : vector<8400xf32> to vector<1x8400xf32>
    %concatenate3A = tpu.concatenate %broadcast_in_dim3A_166, %broadcast_in_dim3A_172, %broadcast_in_dim3A_178, %broadcast_in_dim3A_184 in 0 : vector<1x8400xf32>, vector<1x8400xf32>, vector<1x8400xf32>, vector<1x8400xf32> -> vector<4x8400xf32>
    %convert_element_type3A_185 = arith.fptosi %broadcast_in_dim3A_160 : vector<1x8400xf32> to vector<1x8400xi32>
    %jit3A_186 = arith.constant 80 : i32
    %broadcast_in_dim3A_187 = vector.broadcast %jit3A_186 : i32 to vector<1x8400xi32>
    %select_n3A_188 = arith.select %gt3A_148, %convert_element_type3A_185, %broadcast_in_dim3A_187 : vector<1x8400xi1>, vector<1x8400xi32>
    %swap3A = arith.constant 0 : index
    %swap3A_189 = arith.constant 0 : index
    %swap3A_190 = arith.constant 0 : index
    %swap3A_191 = vector.load %arg7[%swap3A, %swap3A_189, %swap3A_190] : memref<1x1x8400xi32, #tpu.memory_space<vmem>>, vector<1x1x8400xi32>
    %swap3A_192 = vector.shape_cast %swap3A_191 : vector<1x1x8400xi32> to vector<1x8400xi32>
    %swap3A_193 = vector.shape_cast %select_n3A_188 : vector<1x8400xi32> to vector<1x1x8400xi32>
    tpu.vector_store %arg7[%swap3A, %swap3A_189, %swap3A_190], %swap3A_193 {strides = array<i32>} : memref<1x1x8400xi32, #tpu.memory_space<vmem>>, vector<1x1x8400xi32>,
    %jit3A_194 = arith.constant 0.000000e+00 : f32
    %broadcast_in_dim3A_195 = vector.broadcast %jit3A_194 : f32 to vector<1x8400xf32>
    %select_n3A_196 = arith.select %gt3A_148, %broadcast_in_dim3A_154, %broadcast_in_dim3A_195 : vector<1x8400xi1>, vector<1x8400xf32>
    %swap3A_197 = arith.constant 0 : index
    %swap3A_198 = arith.constant 0 : index
    %swap3A_199 = arith.constant 0 : index
    %swap3A_200 = vector.load %arg9[%swap3A_197, %swap3A_198, %swap3A_199] : memref<1x1x8400xf32, #tpu.memory_space<vmem>>, vector<1x1x8400xf32>
    %swap3A_201 = vector.shape_cast %swap3A_200 : vector<1x1x8400xf32> to vector<1x8400xf32>
    %swap3A_202 = vector.shape_cast %select_n3A_196 : vector<1x8400xf32> to vector<1x1x8400xf32>
    tpu.vector_store %arg9[%swap3A_197, %swap3A_198, %swap3A_199], %swap3A_202 {strides = array<i32>} : memref<1x1x8400xf32, #tpu.memory_space<vmem>>, vector<1x1x8400xf32>,
    %jit3A_203 = arith.constant 0.000000e+00 : f32
    %broadcast_in_dim3A_204 = vector.shape_cast %gt3A_148 : vector<1x8400xi1> to vector<1x8400xi1>
    %broadcast_in_dim3A_205 = vector.broadcast %broadcast_in_dim3A_204 : vector<1x8400xi1> to vector<4x8400xi1>
    %broadcast_in_dim3A_206 = vector.broadcast %jit3A_203 : f32 to vector<4x8400xf32>
    %select_n3A_207 = arith.select %broadcast_in_dim3A_205, %concatenate3A, %broadcast_in_dim3A_206 : vector<4x8400xi1>, vector<4x8400xf32>
    %swap3A_208 = arith.constant 0 : index
    %swap3A_209 = arith.constant 0 : index
    %swap3A_210 = arith.constant 0 : index
    %swap3A_211 = vector.load %arg8[%swap3A_208, %swap3A_209, %swap3A_210] : memref<1x4x8400xf32, #tpu.memory_space<vmem>>, vector<1x4x8400xf32>
    %swap3A_212 = vector.shape_cast %swap3A_211 : vector<1x4x8400xf32> to vector<4x8400xf32>
    %swap3A_213 = vector.shape_cast %select_n3A_207 : vector<4x8400xf32> to vector<1x4x8400xf32>
    tpu.vector_store %arg8[%swap3A_208, %swap3A_209, %swap3A_210], %swap3A_213 {strides = array<i32>} : memref<1x4x8400xf32, #tpu.memory_space<vmem>>, vector<1x4x8400xf32>,
    return
  }
  func.func @transform_0(%arg0: i32) -> (i32, i32, i32) {
    %c0_i32 = arith.constant 0 : i32
    %c0_i32_0 = arith.constant 0 : i32
    %c0_i32_1 = arith.constant 0 : i32
    return %arg0, %c0_i32, %c0_i32_0 : i32, i32, i32
  }
  func.func @transform_1(%arg0: i32) -> (i32, i32, i32) {
    %c0_i32 = arith.constant 0 : i32
    %c0_i32_0 = arith.constant 0 : i32
    %c0_i32_1 = arith.constant 0 : i32
    return %arg0, %c0_i32, %c0_i32_0 : i32, i32, i32
  }
  func.func @transform_2(%arg0: i32) -> (i32, i32, i32) {
    %c0_i32 = arith.constant 0 : i32
    %c0_i32_0 = arith.constant 0 : i32
    %c0_i32_1 = arith.constant 0 : i32
    return %arg0, %c0_i32, %c0_i32_0 : i32, i32, i32
  }
  func.func @transform_3(%arg0: i32) -> (i32, i32, i32) {
    %add3A = arith.constant 0 : i32
    %add3A_0 = arith.addi %arg0, %add3A : i32
    %c0_i32 = arith.constant 0 : i32
    %c0_i32_1 = arith.constant 0 : i32
    %c0_i32_2 = arith.constant 0 : i32
    return %add3A_0, %c0_i32, %c0_i32_1 : i32, i32, i32
  }
  func.func @transform_4(%arg0: i32) -> (i32, i32, i32) {
    %add3A = arith.constant 0 : i32
    %add3A_0 = arith.addi %arg0, %add3A : i32
    %c0_i32 = arith.constant 0 : i32
    %c0_i32_1 = arith.constant 0 : i32
    %c0_i32_2 = arith.constant 0 : i32
    return %add3A_0, %c0_i32, %c0_i32_1 : i32, i32, i32
  }
  func.func @transform_5(%arg0: i32) -> (i32, i32, i32) {
    %add3A = arith.constant 0 : i32
    %add3A_0 = arith.addi %arg0, %add3A : i32
    %c0_i32 = arith.constant 0 : i32
    %c0_i32_1 = arith.constant 0 : i32
    %c0_i32_2 = arith.constant 0 : i32
    return %add3A_0, %c0_i32, %c0_i32_1 : i32, i32, i32
  }
  func.func @transform_6(%arg0: i32) -> (i32, i32, i32) {
    %c0_i32 = arith.constant 0 : i32
    %c0_i32_0 = arith.constant 0 : i32
    %c0_i32_1 = arith.constant 0 : i32
    return %arg0, %c0_i32, %c0_i32_0 : i32, i32, i32
  }
  func.func @transform_7(%arg0: i32) -> (i32, i32, i32) {
    %c0_i32 = arith.constant 0 : i32
    %c0_i32_0 = arith.constant 0 : i32
    %c0_i32_1 = arith.constant 0 : i32
    return %arg0, %c0_i32, %c0_i32_0 : i32, i32, i32
  }
  func.func @transform_8(%arg0: i32) -> (i32, i32, i32) {
    %c0_i32 = arith.constant 0 : i32
    %c0_i32_0 = arith.constant 0 : i32
    %c0_i32_1 = arith.constant 0 : i32
    return %arg0, %c0_i32, %c0_i32_0 : i32, i32, i32
  }
}

</mosaic_0001>

<sc_bundles>
// kernel: kernel.11.cloned.1.call-start
scs
__scs_entry_jumppad:
0x0: {  	(pc) =	sbr.rel $0x88, $3  }
0x1: {  	(tag) =	ssettag $0x0;
	lr =	simm.s32 $0x1  }
0x2: {  	[smem:$0x3F9B] =	sst lr;
	_ =	strace $0xD0000000  }
0x3: {  	_ = 	snop  }
0x4: {  	_ = 	snop  }
0x5: {  	_ = 	snop  }
0x6: {  	_ = 	snop  }
0x7: {  	_ = 	snop  }
__scs_overlays_trampoline_lowered:
0x8: {  	[smem:$0x3FAA] =	sst s0  }
0x9: {  	[smem:$0x3FAB] =	sst s1  }
0xa: {  	[smem:$0x3FAC] =	sst s2  }
0xb: {  	[smem:$0x3FAD] =	sst s3  }
0xc: {  	[smem:$0x3FAE] =	sst s4  }
0xd: {  	[smem:$0x3FAF] =	sst s5  }
0xe: {  	[smem:$0x3FB0] =	sst s6  }
0xf: {  	[smem:$0x3FB1] =	sst s7  }
0x10: {  	[smem:$0x3FB2] =	sst s8  }
0x11: {  	[smem:$0x3FB3] =	sst s9;
	s0 =	simm.s32 @!p0 $0x0  }
0x12: {  	s1 =	sld [smem:$0x3F99];
	s0 =	simm.s32 @p0 $0x1  }
0x13: {  	[smem:$0x3FB4] =	sst s0;
	s0 =	simm.s32 @!p1 $0x0  }
0x14: {  	s2 =	sld [smem:$0x3F98];
	s0 =	simm.s32 @p1 $0x1  }
0x15: {  	[smem:$0x3FB5] =	sst s0;
	s0 =	simm.s32 @!p2 $0x0  }
0x16: {  	s3 =	sld [smem:$0x3FDB];
	s0 =	simm.s32 @p2 $0x1  }
0x17: {  	s4 =	simm.s32 $0x1BF5;
	[smem:$0x3FB7] =	sst s0  }
0x18: {  	s0 =	sld [smem:$0x3F9A];
	_ =	swait.ge [sflag:s4], $0x0  }
0x19: {  	s7 =	sld [smem:$0x3F9B]  }
0x1a: {  	s8 =	sadd.s32 $0xFFFFE003, lr  }
0x1b: {  	s9 =	sadd.s32 $0xFFFFFEF7, lr;
	s5 =	simm.s32 $0xFFFFFFFF;
	p2 =	slt.u32 s8, $0xFFFFF086  }
0x1c: {  	p1 =	slt.u32 s9, $0xF7A;
	s5 =	simm.s32 @!p2 $0x0  }
0x1d: {  	s5 =	simm.s32 @p1 $0x1;
	p0 =	seq.s32 s7, s2  }
0x1e: {  	s7 =	smul.u32 @!p0 $0xF7A, s2;
	p2 =	seq.s32 @!p0 s5, $0x0  }
0x1f: {  	s9 =	smul.u32 $0xF7A, s1;
	s8 =	simm.s32 @!p0 $0x1BF5;
	p2 =	por !p2, p0  }
0x20: {  	[sflag:s8] =	ssyncset.s32 @!p0 $0xFFFFF086;
	s6 =	sadd.s32 @!p0 s3, s7;
	s7 =	simm.s32 @!p0 $0x108  }
0x21: {  	s3 =	sadd.s32 s3, s9;
	s6 =	sadd.s32 @!p0 $0x88, s6;
	s7 =	simm.s32 @p2 $0x1082  }
0x22: {  	[simem:s7], [sflag:s8] =	dma.local @!p0 [hbm:s6], $0xF7A  }
0x23: {  	s9 =	sor.u32 $0xD0000000, s2;
	s6 =	simm.s32 $0x108;
	_ =	swait.ge @!p0 [sflag:s8], $0x0  }
0x24: {  	s3 =	sadd.s32 $0x88, s3;
	s6 =	simm.s32 @!p1 $0x1082;
	[sflag:s4] =	ssyncset.s32 $0xFFFFF086  }
0x25: {  	[simem:s6], [sflag:s4] =	dma.local [hbm:s3], $0xF7A  }
0x26: {  	[smem:$0x3F9B] =	sst s1;
	(tag) =	ssettag s2;
	_ =	strace s9  }
0x27: {  	s1 =	sld [smem:$0x3FAB]  }
0x28: {  	s2 =	sld [smem:$0x3FAC]  }
0x29: {  	s4 =	sld [smem:$0x3FAE]  }
0x2a: {  	p0 =	seq.s32 s5, $0x0;
	s5 =	sld [smem:$0x3FAF]  }
0x2b: {  	s6 =	sld [smem:$0x3FB0]  }
0x2c: {  	s7 =	sld [smem:$0x3FB1]  }
0x2d: {  	s3 =	simm.s32 $0x108;
	s8 =	sld [smem:$0x3FB2]  }
0x2e: {  	s3 =	simm.s32 @!p0 $0x1082;
	s9 =	sld [smem:$0x3FB3]  }
0x2f: {  	lr =	sadd.s32 s0, s3;
	s0 =	sld [smem:$0x3FAA]  }
0x30: {  	s3 =	sld [smem:$0x3FAD]  }
0x31: {  	[smem:$0x3FB6] =	sst s10  }
0x32: {  	s10 =	sld [smem:$0x3FB4];
	_ =	sdelay $0x3  }
0x33: {  	p0 =	seq.s32 s10, $0x1;
	s10 =	sld [smem:$0x3FB6];
	_ =	sdelay $0x3  }
0x34: {  	[smem:$0x3FB6] =	sst s10  }
0x35: {  	s10 =	sld [smem:$0x3FB5];
	_ =	sdelay $0x3  }
0x36: {  	p1 =	seq.s32 s10, $0x1;
	s10 =	sld [smem:$0x3FB6];
	_ =	sdelay $0x3  }
0x37: {  	[smem:$0x3FB6] =	sst s10  }
0x38: {  	s10 =	sld [smem:$0x3FB7]  }
0x39: {  	_ = 	snop;
	(pc) =	sbr.ind lr, $3  }
0x3a: {  	_ = 	snop  }
0x3b: {  	_ = 	snop  }
0x3c: {  	p2 =	seq.s32 s10, $0x1;
	s10 =	sld [smem:$0x3FB6]  }
0x3d: {  	_ =	shalt  }
0x3e: {  	_ =	shalt  }
0x3f: {  	_ =	shalt  }
0x40: {  	_ =	shalt  }
0x41: {  	_ =	shalt  }
0x42: {  	_ =	shalt  }
0x43: {  	_ =	shalt  }
0x44: {  	_ =	shalt  }
0x45: {  	_ =	shalt  }
0x46: {  	_ =	shalt  }
0x47: {  	_ =	shalt  }
0x48: {  	_ =	shalt  }
0x49: {  	_ =	shalt  }
0x4a: {  	_ =	shalt  }
0x4b: {  	_ =	shalt  }
0x4c: {  	_ =	shalt  }
0x4d: {  	_ =	shalt  }
0x4e: {  	_ =	shalt  }
0x4f: {  	_ =	shalt  }
0x50: {  	_ =	shalt  }
0x51: {  	_ =	shalt  }
0x52: {  	_ =	shalt  }
0x53: {  	_ =	shalt  }
0x54: {  	_ =	shalt  }
0x55: {  	_ =	shalt  }
0x56: {  	_ =	shalt  }
0x57: {  	_ =	shalt  }
0x58: {  	_ =	shalt  }
0x59: {  	_ =	shalt  }
0x5a: {  	_ =	shalt  }
0x5b: {  	_ =	shalt  }
0x5c: {  	_ =	shalt  }
0x5d: {  	_ =	shalt  }
0x5e: {  	_ =	shalt  }
0x5f: {  	_ =	shalt  }
0x60: {  	_ =	shalt  }
0x61: {  	_ =	shalt  }
0x62: {  	_ =	shalt  }
0x63: {  	_ =	shalt  }
0x64: {  	_ =	shalt  }
0x65: {  	_ =	shalt  }
0x66: {  	_ =	shalt  }
0x67: {  	_ =	shalt  }
0x68: {  	_ =	shalt  }
0x69: {  	_ =	shalt  }
0x6a: {  	_ =	shalt  }
0x6b: {  	_ =	shalt  }
0x6c: {  	_ =	shalt  }
0x6d: {  	_ =	shalt  }
0x6e: {  	_ =	shalt  }
0x6f: {  	_ =	shalt  }
0x70: {  	_ =	shalt  }
0x71: {  	_ =	shalt  }
0x72: {  	_ =	shalt  }
0x73: {  	_ =	shalt  }
0x74: {  	_ =	shalt  }
0x75: {  	_ =	shalt  }
0x76: {  	_ =	shalt  }
0x77: {  	_ =	shalt  }
0x78: {  	_ =	shalt  }
0x79: {  	_ =	shalt  }
0x7a: {  	_ =	shalt  }
0x7b: {  	_ =	shalt  }
0x7c: {  	_ =	shalt  }
0x7d: {  	_ =	shalt  }
0x7e: {  	_ =	shalt  }
0x7f: {  	_ =	shalt  }
0x80: {  	_ =	shalt  }
0x81: {  	_ =	shalt  }
0x82: {  	_ =	shalt  }
0x83: {  	_ =	shalt  }
0x84: {  	_ =	shalt  }
0x85: {  	_ =	shalt  }
0x86: {  	_ =	shalt  }
0x87: {  	_ =	shalt  }
.Lfunc_end0:
.L_simem_size_0:
called_computation.1_lowered:
.L_overlay_start_0:
0x88: {  	s2 =	sld [smem:$0x3FD9]  }
0x89: {  	s3 =	sld [smem:$0x3FFE];
	_ =	sdelay $0x1  }
0x8a: {  	s1 =	srdreg.scid  }
0x8b: {  	s0 =	sand.u32 $0x1, s1  }
0x8c: {  	s14 =	sshll.u32 s0, $0xA;
	s2 =	sadd.s32 s3, s2  }
0x8d: {  	s2 =	sadd.s32 s2, s14  }
0x8e: {  	[smem:$0x3FC2] =	sst s2  }
0x8f: {  	_ = 	snop  }
0x90: {  	s2 =	sld [smem:$0x3FD0];
	_ =	sdelay $0x2  }
0x91: {  	s15 =	simm.s32 $0xB;
	s4 =	simm.s32 $0x10  }
0x92: {  	[smem:s4], [sflag:s15] =	dma.local [hbm:s2], $0x1  }
0x93: {  	_ =	swait.eq [sflag:s15], $0x1  }
0x94: {  	[sflag:s15] =	ssyncset.done $0x0  }
0x95: {  	[sflag:s15] =	ssyncadd.s32 $0xFFFFFFFF  }
0x96: {  	s16 =	sld [smem:$0x11];
	(tm) =	ssettm $0x1  }
0x97: {  	s17 =	sld [smem:$0x3FFB];
	_ =	sdelay $0x3  }
0x98: {  	_ =	strace s17  }
0x99: {  	s3 =	sld [smem:$0x3FFC];
	_ =	sdelay $0x3  }
0x9a: {  	_ =	strace s3  }
0x9b: {  	s3 =	sld [smem:$0x3FFD];
	_ =	sdelay $0x3  }
0x9c: {  	_ =	strace s3  }
0x9d: {  	_ =	strace $0x8FFFFFFF  }
0x9e: {  	s18 =	sld [smem:$0x3FDB];
	_ =	sdelay $0x1  }
0x9f: {  	s19 =	simm.s32 $_scs_section_size  }
0xa0: {  	s5 =	simm.s32 $_size__tile_overlayer_lowered;
	s6 =	simm.s32 $_tile_overlayer_lowered  }
0xa1: {  	s22 =	simm.s32 $0x1BFF;
	s21 =	sshll.u32 s6, $0x1;
	s3 =	sadd.s32 s19, s18  }
0xa2: {  	s7 =	simm.s32 $0x0;
	s20 =	sshll.u32 s5, $0x1;
	s5 =	sadd.s32 s21, s3  }
0xa3: {  	[timem:s7], [sflag:s22] =	dma.local [hbm:s5], s20  }
0xa4: {  	_ =	swait.ge [sflag:s22], s20  }
0xa5: {  	s4 =	ssub.s32 $0x0, s20;
	[sflag:s22] =	ssyncset.done $0x0  }
0xa6: {  	[sflag:s22] =	ssyncadd.s32 s4;
	_ =	sdelay $0x1  }
0xa7: {  	s23 =	simm.s32 $0x1B8B  }
0xa8: {  	_ =	swait.ge [sflag:s23], $0x1  }
0xa9: {  	[sflag:s23] =	ssyncset.done $0x0  }
0xaa: {  	s25 =	simm.s32 $0x1B8E;
	s24 =	sld [smem:$0x3FFE];
	[sflag:s23] =	ssyncadd.s32 $0xFFFFFFFF  }
0xab: {  	s26 =	simm.s32 $execute0_lowered;
	[smem:$0x3FD2] =	sst s25  }
0xac: {  	s5 =	sshll.u32 s26, $0x1;
	_ =	strace $0x80000046;
	[dreg:$0x1] =	wrdreg $0xFFFFFFFF  }
0xad: {  	s28 =	simm.s32 $_size_execute0_lowered;
	s3 =	sadd.s32 s3, s5;
	[dreg:$0x0] =	wrdreg $0x0  }
0xae: {  	s5 =	sshll.u32 s28, $0x1;
	[dreg:$0x2] =	wrdreg s3  }
0xaf: {  	[dreg:$0x3] =	wrdreg s5  }
0xb0: {  	[dreg:$0x4] =	wrdreg $0xC0  }
0xb1: {  	_ =	task [dreg:s7], $0x5FFFF  }
0xb2: {  	[dreg:$0x1] =	wrdreg $0xFFFFFFFF  }
0xb3: {  	[dreg:$0x0] =	wrdreg $0x60  }
0xb4: {  	[dreg:$0x2] =	wrdreg s24  }
0xb5: {  	[dreg:$0x3] =	wrdreg s16  }
0xb6: {  	[dreg:$0x4] =	wrdreg $0xA  }
0xb7: {  	_ =	task.clear_ibuf [dreg:s7], $0x5FFFF;
	_ =	strace $0x90000046  }
0xb8: {  	s29 =	simm.s32 $0xA;
	_ =	strace $0x80000048  }
0xb9: {  	_ =	swait.ge [sflag:s29], $0x1  }
0xba: {  	[sflag:s29] =	ssyncadd.s32 $0xFFFFFFFF  }
0xbb: {  	_ =	strace $0x90000048  }
0xbc: {  	_ =	sfence  }
0xbd: {  	s30 =	sld [smem:$0x0];
	_ =	sdelay $0x2  }
0xbe: {  	s31 =	sshll.u32 s1, $0xD;
	s1 =	sshrl.u32 s1, $0x2  }
0xbf: {  	s3 =	sand.u32 $0x4000, s31;
	s1 =	sadd.s32 s1, s30  }
0xc0: {  	s0 =	sor.u32 s3, s0;
	s1 =	sshll.u32 s1, $0x11  }
0xc1: {  	s0 =	sor.u32 s1, s0  }
0xc2: {  	s0 =	sadd.s32 $0x8F2B, s0  }
0xc3: {  	[sflag:s0] =	ssyncadd.remote.s32 $0x1  }
0xc4: {  	_ =	sfence.sel $0xFFFF  }
0xc5: {  	[dreg:$0x0] =	wrdreg $0xFFFFFFFF;
	(pc) =	sbr.abs _section_cstart, $3  }
0xc6: {  	[dreg:$0x1] =	wrdreg $0xFFFFFFFF  }
0xc7: {  	_ =	task.clear_ibuf [dreg:s7], $0x2FFFF;
	_ =	strace $0x9FFFFFFF  }
0xc8: {  	(tm) =	ssettm $0x7FFFFFFF  }
0xc9: {  	_ =	shalt  }
tec
execute0_lowered:
.L_overlay_start_1:
0x0: {  	(tag) =	ssettag $0x1  }
0x1: {  	v0 =	vimm.s32 $0xFEDCBA9;
	s4 =	rddreg [dreg:$0x0];
	v3 =	vimm.s32 $0x10FEDCBA;
	v4 =	vimm.s32 $0x98765432  }
0x2: {  	s6 =	rddreg [dreg:$0x1];
	v5 =	vimm.s32 $0x3210FEDC;
	v6 =	vimm.s32 $0xBA987654;
	v7 =	vimm.s32 $0xFEDCBA98  }
0x3: {  	s0 =	rddreg [dreg:$0x2];
	s2 =	simm.s32 $0x0;
	v8 =	vimm.s32 $0x76543210;
	v1 =	vunpack.c.l.s4.s8 v0;
	v0 =	vimm.s32 $0x87654321  }
0x4: {  	s3 =	srdreg.scid;
	s1 =	stileid.u32;
	s10 =	simm.s32 $0x2100;
	v3 =	vunpack.c.l.s4.s8 v3;
	v4 =	vunpack.c.l.s4.s8 v4;
	v5 =	vunpack.c.l.s4.s8 v5  }
0x5: {  	s11 =	simm.s32 $0x1;
	s12 =	simm.s32 $0x4200;
	s13 =	simm.s32 $0x2;
	v6 =	vunpack.c.l.s4.s8 v6;
	v7 =	vunpack.c.l.s4.s8 v7;
	v2 =	vunpack.c.l.s4.s8 v0  }
0x6: {  	s14 =	simm.s32 $0x0;
	[smem:$0x7FF] =	sst s2;
	s3 =	sand.u32 $0x1, s3;
	v8 =	vunpack.c.l.s4.s8 v8;
	v0 =	vlaneseq.u32;
	v1 =	vunpack.c.0.s8.s32 v1  }
.Ltmp0:
0x7: {  	s5 =	sshll.u32 s1, $0x1;
	_ =	strace $0x80000047;
	v3 =	vunpack.c.0.s8.s32 v3;
	v4 =	vunpack.c.0.s8.s32 v4;
	v2 =	vunpack.c.0.s8.s32 v2;
	(pc) =	sbr.rel .LBB2_1-.Ltmp0, $4  }
0x8: {  	s7 =	ssub.s32 $0x2, s3;
	s5 =	sor.u32 s3, s5;
	s3 =	sadd.s32 $0x2F7400, s4;
	v5 =	vunpack.c.0.s8.s32 v5;
	v6 =	vunpack.c.0.s8.s32 v6;
	v7 =	vunpack.c.0.s8.s32 v7  }
0x9: {  	s4 =	sadd.s32 $0x283C00, s4;
	s8 =	sshrl.u32 s7, $0x1;
	s9 =	smul.u32 $0x1A, s5;
	v9 =	vmul.u32 $0xFFFFFFFF, v0;
	v8 =	vunpack.c.0.s8.s32 v8;
	v1 =	vcombine.low v2, v1  }
0xa: {  	s5 =	smul.u32 $0xD, s5;
	s7 =	ssub.s32 s7, s8;
	s8 =	simm.s32 $0x80;
	v2 =	vcombine.low v4, v3;
	v3 =	vcombine.low v6, v5;
	v5 =	vand.u32 $0xF, v7  }
0xb: {  	s6 =	sadd.s32 s6, s9;
	s7 =	smax.u32 s7, $0x1;
	s9 =	simm.s32 $0x400;
	v4 =	vadd.s32 $0xF, v9;
	v6 =	vimm.f32 $3.000000010e+38;
	v5 =	vcombine.low v5, v8  }
.LBB2_23:
0xc: {  	s14 =	sadd.s32 $0x1, s14  }
0xd: {  	p0 =	sne.s32 s14, s7  }
.Ltmp1:
0xe: {  	_ = 	snop;
	(pc) =	sbr.rel @!p0 .LBB2_24-.Ltmp1, $4  }
0xf: {  	[hbm4b:s6+s2] =	stream.linear.scatter [tilespmem:s12], [sflag:$0x2], $0xD0, $0x38;
	[tilespmem:$0x4680] =	vst v63  }
0x10: {  	_ =	swait.ge [sflag:s13], $0xD0  }
0x11: {  	[sflag:s13] =	ssyncset.done $0x0  }
0x12: {  	[sflag:s13] =	ssyncadd.s32 $0xFFFFFF30  }
.LBB2_1:
.Ltmp2:
0x13: {  	(pc) =	sbr.rel .LBB2_2-.Ltmp2, $2  }
0x14: {  	_ =	sdelay $0x2  }
0x15: {  	s15 =	simm.s32 $0x0  }
.LBB2_21:
0x16: {  	v7 =	vtrunc.f32 v7  }
0x17: {  	v7 =	vcvt.f32.s32 v7;
	_ =	sdelay $0x1  }
0x18: {  	vm0 =	vgt.s32 v7, $0x1  }
0x19: {  	v7 =	vnsel vm0, $0x1, v7  }
0x1a: {  	s16 =	sshll.u32 s15, $0x4;
	vm0 =	vgt.u32 v7, v0  }
0x1b: {  	s16 =	sand.u32 $0x3FFFFFF0, s16;
	v7 =	vnsel vm0, $0xFFFFFFFF, v8  }
0x1c: {  	[tilespmem:s16+$0x4200] =	vst v7  }
.LBB2_22:
0x1d: {  	s15 =	sadd.s32 $0x1, s15  }
0x1e: {  	p0 =	sne.s32 s15, $0xD  }
.Ltmp3:
0x1f: {  	_ = 	snop;
	(pc) =	sbr.rel @!p0 .LBB2_23-.Ltmp3, $1  }
0x20: {  	_ =	sdelay $0x3  }
.LBB2_2:
0x21: {  	s16 =	sadd.s32 s5, s15  }
0x22: {  	p0 =	sgt.u32 s16, $0x18F  }
.Ltmp4:
0x23: {  	_ = 	snop;
	(pc) =	sbr.rel @p0 .LBB2_22-.Ltmp4, $1  }
0x24: {  	_ =	sdelay $0x3  }
0x25: {  	s17 =	sshrl.u32 s16, $0x3  }
0x26: {  	s28 =	sshll.u32 s16, $0x7;
	s17 =	smul.u32 $0x10800, s17  }
0x27: {  	s16 =	sand.u32 $0x380, s28  }
0x28: {  	s16 =	sor.u32 s16, s17  }
0x29: {  	s16 =	sshrl.u32 s16, $0x3  }
0x2a: {  	s18 =	simm.s32 $0x0;
	s29 =	sadd.s32 s3, s16  }
0x2b: {  	[tilespmem:s18], [sflag:$0x1] =	stream.strided.gather [hbm4b:s29+s8], $0x2100, s9, s8, $0x38;
	[tilespmem:$0x4680] =	vst v63  }
0x2c: {  	s16 =	sadd.s32 s4, s16  }
0x2d: {  	[tilespmem:s10], [sflag:$0x1] =	stream.strided.gather [hbm4b:s16+s8], $0x2100, s9, s8, $0x38;
	[tilespmem:$0x4680] =	vst v63  }
0x2e: {  	_ =	swait.ge [sflag:s11], $0x2100  }
0x2f: {  	[sflag:s11] =	ssyncset.done $0x0  }
0x30: {  	[sflag:s11] =	ssyncadd.s32 $0xFFFFDF00  }
0x31: {  	_ =	swait.ge [sflag:s11], $0x2100  }
0x32: {  	[sflag:s11] =	ssyncset.done $0x0  }
0x33: {  	s30 =	simm.s32 $0x2170;
	[sflag:s11] =	ssyncadd.s32 $0xFFFFDF00  }
0x34: {  	v7 =	vld [tilespmem:s30+$0xFFFFFFA0]  }
0x35: {  	v8 =	vld [tilespmem:s30+$0xFFFFFF90]  }
0x36: {  	v9 =	vld [tilespmem:s30+$0xFFFFFFB0]  }
0x37: {  	v10 =	vld [tilespmem:s30+$0xFFFFFFC0]  }
0x38: {  	v11 =	vld [tilespmem:s30+$0xFFFFFFD0]  }
0x39: {  	v12 =	vld [tilespmem:s30+$0xFFFFFFE0]  }
0x3a: {  	v7 =	vmax.f32 v8, v7;
	v8 =	vld [tilespmem:s30+$0xFFFFFFF0]  }
0x3b: {  	s31 =	sand.u32 $0x3FF0, s18;
	v7 =	vmax.f32 v7, v9;
	v9 =	vld [tilespmem:s30+$0x0]  }
0x3c: {  	v7 =	vmax.f32 v7, v10;
	v10 =	vld [tilespmem:s31+$0x2180]  }
0x3d: {  	v7 =	vmax.f32 v7, v11;
	v11 =	vld [tilespmem:s30+$0x20]  }
0x3e: {  	v63 =	vld [tilespmem:s30+$0x30];
	v7 =	vmax.f32 v7, v12  }
0x3f: {  	v7 =	vmax.f32 v7, v8;
	v8 =	vld [tilespmem:s30+$0x40]  }
0x40: {  	v7 =	vmax.f32 v7, v9;
	v9 =	vld [tilespmem:s30+$0x50]  }
0x41: {  	v7 =	vmax.f32 v7, v10;
	v10 =	vld [tilespmem:s30+$0x60]  }
0x42: {  	v7 =	vmax.f32 v7, v11;
	v11 =	vld [tilespmem:s30+$0x70]  }
0x43: {  	v7 =	vmax.f32 v7, v63  }
0x44: {  	v7 =	vmax.f32 v7, v8  }
0x45: {  	v7 =	vmax.f32 v7, v9  }
0x46: {  	v7 =	vmax.f32 v7, v10  }
0x47: {  	s16 =	simm.s32 $0x4300;
	v7 =	vmax.f32 v7, v11  }
0x48: {  	s17 =	simm.s32 $0x2260;
	[tilespmem:s16+$0x0] =	vst v7  }
0x49: {  	v7 =	vld [tilespmem:s17+$0xFFFFFFA0]  }
0x4a: {  	s19 =	simm.s32 $0x1E0;
	s18 =	simm.s32 $0xF0;
	v8 =	vld [tilespmem:s17+$0xFFFFFF90]  }
.LBB2_4:
0x4b: {  	p0 =	sne.s32 s19, $0x1FE0;
	v9 =	vld [tilespmem:s17+$0xFFFFFFB0]  }
0x4c: {  	v10 =	vld [tilespmem:s17+$0xFFFFFFC0]  }
0x4d: {  	v11 =	vld [tilespmem:s17+$0xFFFFFFD0]  }
0x4e: {  	v12 =	vld [tilespmem:s17+$0xFFFFFFE0]  }
0x4f: {  	v7 =	vmax.f32 v8, v7;
	v8 =	vld [tilespmem:s17+$0xFFFFFFF0]  }
0x50: {  	s20 =	sand.u32 $0x3FF0, s18;
	s18 =	smov.u32 s19;
	v7 =	vmax.f32 v7, v9;
	v9 =	vld [tilespmem:s17+$0x0]  }
0x51: {  	v7 =	vmax.f32 v7, v10;
	v10 =	vld [tilespmem:s20+$0x2180]  }
0x52: {  	v7 =	vmax.f32 v7, v11;
	v11 =	vld [tilespmem:s17+$0x20]  }
0x53: {  	v7 =	vmax.f32 v7, v12;
	v12 =	vld [tilespmem:s17+$0x30]  }
0x54: {  	v7 =	vmax.f32 v7, v8;
	v8 =	vld [tilespmem:s17+$0x40]  }
0x55: {  	v7 =	vmax.f32 v7, v9;
	v9 =	vld [tilespmem:s17+$0x50]  }
0x56: {  	v7 =	vmax.f32 v7, v10;
	v10 =	vld [tilespmem:s17+$0x60]  }
0x57: {  	v7 =	vmax.f32 v7, v11;
	v11 =	vld [tilespmem:s17+$0x70]  }
0x58: {  	v7 =	vmax.f32 v7, v12  }
0x59: {  	v7 =	vmax.f32 v7, v8  }
0x5a: {  	v7 =	vmax.f32 v7, v9  }
.Ltmp5:
0x5b: {  	v7 =	vmax.f32 v7, v10;
	(pc) =	sbr.rel @p0 .LBB2_4-.Ltmp5, $4  }
0x5c: {  	s16 =	sadd.s32 $0x10, s16;
	v7 =	vmax.f32 v7, v11  }
0x5d: {  	s17 =	sadd.s32 $0xF0, s17;
	[tilespmem:s16+$0x0] =	vst v7  }
0x5e: {  	v7 =	vld [tilespmem:s17+$0xFFFFFFA0]  }
0x5f: {  	s19 =	sadd.s32 $0xF0, s19;
	v8 =	vld [tilespmem:s17+$0xFFFFFF90]  }
0x60: {  	v9 =	vld [tilespmem:s17+$0xFFFFFFB0]  }
0x61: {  	v10 =	vld [tilespmem:s17+$0xFFFFFFC0]  }
0x62: {  	v11 =	vld [tilespmem:s17+$0xFFFFFFD0]  }
0x63: {  	v12 =	vld [tilespmem:s17+$0xFFFFFFE0]  }
0x64: {  	v7 =	vmax.f32 v8, v7;
	v8 =	vld [tilespmem:s17+$0xFFFFFFF0]  }
0x65: {  	v57 =	vld [tilespmem:s17+$0x0];
	s18 =	sand.u32 $0x3FF0, s18;
	v7 =	vmax.f32 v7, v9  }
0x66: {  	v58 =	vld [tilespmem:s18+$0x2180];
	v7 =	vmax.f32 v7, v10  }
0x67: {  	v59 =	vld [tilespmem:s17+$0x20];
	v7 =	vmax.f32 v7, v11  }
0x68: {  	v60 =	vld [tilespmem:s17+$0x30];
	v7 =	vmax.f32 v7, v12  }
0x69: {  	v7 =	vmax.f32 v7, v8;
	v8 =	vld [tilespmem:s17+$0x40]  }
0x6a: {  	v61 =	vld [tilespmem:s17+$0x50];
	v7 =	vmax.f32 v7, v57  }
0x6b: {  	v62 =	vld [tilespmem:s17+$0x60];
	v7 =	vmax.f32 v7, v58  }
0x6c: {  	v63 =	vld [tilespmem:s17+$0x70];
	v7 =	vmax.f32 v7, v59  }
0x6d: {  	v7 =	vmax.f32 v7, v60  }
0x6e: {  	v7 =	vmax.f32 v7, v8  }
0x6f: {  	v7 =	vmax.f32 v7, v61  }
0x70: {  	v7 =	vmax.f32 v7, v62  }
0x71: {  	s16 =	sadd.s32 $0x10, s16;
	v7 =	vmax.f32 v7, v63  }
0x72: {  	s31 =	simm.s32 $0x0;
	[tilespmem:s16+$0x0] =	vst v7  }
0x73: {  	v8 =	vld [tilespmem:s31+$0x4300];
	_ =	sdelay $0x4  }
0x74: {  	(xrf1) =	vsort.ascd.msk.f32 $0xffff, v8, v8;
	_ =	sdelay $0xb  }
0x75: {  	s17 =	simm.s32 $0x10;
	v7 =	vimm.f32 $-1.000000000e+00;
	s16 =	simm.s32 $0x80  }
.LBB2_6:
0x76: {  	p0 =	sne.s32 s16, $0x880;
	v8 =	vld [tilespmem:s17+$0x4300];
	v7 =	vperm.xlane v7, v4  }
0x77: {  	v9, _, _ =	vpop (xrf1)  }
0x78: {  	v7 =	vmax.f32 v9, v7  }
0x79: {  	(xrf1) =	vsort.ascd.msk.f32 $0xffff, v7, v7;
	_ =	sdelay $0x1  }
0x7a: {  	(xrf1) =	vsort.ascd.msk.f32 $0xffff, v8, v8;
	_ =	sdelay $0x7  }
.Ltmp6:
0x7b: {  	(pc) =	sbr.rel @p0 .LBB2_6-.Ltmp6, $2  }
0x7c: {  	_ =	sdelay $0x2  }
0x7d: {  	s17 =	sshra.s32 s16, $0x2;
	s16 =	sadd.s32 $0x40, s16;
	v7, _, _ =	vpop (xrf1)  }
0x7e: {  	v8 =	vld [tilespmem:s17+$0x4300];
	v7 =	vperm.xlane v7, v4  }
0x7f: {  	v9, _, _ =	vpop (xrf1)  }
0x80: {  	v7 =	vmax.f32 v9, v7  }
0x81: {  	(xrf1) =	vsort.ascd.msk.f32 $0xffff, v7, v7;
	_ =	sdelay $0x1  }
0x82: {  	(xrf1) =	vsort.ascd.msk.f32 $0xffff, v8, v8;
	_ =	sdelay $0xb  }
0x83: {  	v7, _, _ =	vpop (xrf1)  }
0x84: {  	v7 =	vperm.xlane v7, v4  }
0x85: {  	v8, _, _ =	vpop (xrf1)  }
0x86: {  	v7 =	vmax.f32 v8, v7  }
0x87: {  	(xrf1) =	vsort.ascd.msk.f32 $0xffff, v7, v7;
	_ =	sdelay $0xd  }
0x88: {  	v7, _, _ =	vpop (xrf1)  }
0x89: {  	(v2sf) =	vpush v7, $0x3;
	_ =	sdelay $0xa  }
.Ltmp7:
0x8a: {  	_ = 	snop;
	(pc) =	sbr.rel .LBB2_8-.Ltmp7, $3  }
0x8b: {  	_ =	sdelay $0x1  }
0x8c: {  	s17 =	simm.s32 $0x0;
	v7 =	vimm.f32 $-1.000000000e+00  }
0x8d: {  	s18 =	simm.s32 $0x4300;
	s19 =	simm.s32 $0x2170;
	[tilespmem:$0x4580] =	vst v7;
	s16 =	spop (v2sf)  }
.LBB2_10:
0x8e: {  	s17 =	sadd.s32 $0xF0, s17  }
0x8f: {  	p0 =	sne.s32 s17, $0x20D0  }
.Ltmp8:
0x90: {  	_ = 	snop;
	(pc) =	sbr.rel @!p0 .LBB2_11-.Ltmp8, $2  }
0x91: {  	_ =	sdelay $0x2  }
0x92: {  	s18 =	sadd.s32 $0x10, s18;
	s19 =	sadd.s32 $0xF0, s19  }
.LBB2_8:
0x93: {  	v8 =	vld [tilespmem:s18+$0x0];
	_ =	sdelay $0x4  }
0x94: {  	v9 =	vperm.xlane v8, v1;
	_ =	sdelay $0x1  }
0x95: {  	v8 =	vmax.f32 v8, v9  }
0x96: {  	v9 =	vperm.xlane v8, v2;
	_ =	sdelay $0x1  }
0x97: {  	v8 =	vmax.f32 v8, v9  }
0x98: {  	v9 =	vperm.xlane v8, v3;
	_ =	sdelay $0x1  }
0x99: {  	v8 =	vmax.f32 v8, v9  }
0x9a: {  	v9 =	vperm.xlane v8, v5;
	_ =	sdelay $0x1  }
0x9b: {  	v8 =	vmax.f32 v8, v9  }
0x9c: {  	(v2sf) =	vpush v8, $0x0;
	_ =	sdelay $0xe  }
0x9d: {  	s20 =	spop (v2sf)  }
0x9e: {  	p0 =	sge.f32 s20, s16  }
.Ltmp9:
0x9f: {  	_ = 	snop;
	(pc) =	sbr.rel @!p0 .LBB2_10-.Ltmp9, $1  }
0xa0: {  	_ =	sdelay $0x3  }
0xa1: {  	v8 =	vld [tilespmem:s19+$0xFFFFFF90];
	_ =	sdelay $0x4  }
0xa2: {  	(xrf1) =	vsort.ascd.msk.f32 $0xffff, v8, v8;
	_ =	sdelay $0xc  }
0xa3: {  	v7 =	vperm.xlane v7, v4  }
0xa4: {  	v8, _, _ =	vpop (xrf1)  }
0xa5: {  	v7 =	vmax.f32 v8, v7  }
0xa6: {  	(xrf1) =	vsort.ascd.msk.f32 $0xffff, v7, v7;
	_ =	sdelay $0xd  }
0xa7: {  	v7, _, _ =	vpop (xrf1)  }
0xa8: {  	[tilespmem:$0x4580] =	vst v7  }
0xa9: {  	v8 =	vld [tilespmem:s19+$0xFFFFFFA0];
	_ =	sdelay $0x4  }
0xaa: {  	(xrf1) =	vsort.ascd.msk.f32 $0xffff, v8, v8;
	_ =	sdelay $0xc  }
0xab: {  	v7 =	vperm.xlane v7, v4  }
0xac: {  	v8, _, _ =	vpop (xrf1)  }
0xad: {  	v7 =	vmax.f32 v8, v7  }
0xae: {  	(xrf1) =	vsort.ascd.msk.f32 $0xffff, v7, v7;
	_ =	sdelay $0xd  }
0xaf: {  	v7, _, _ =	vpop (xrf1)  }
0xb0: {  	[tilespmem:$0x4580] =	vst v7  }
0xb1: {  	v8 =	vld [tilespmem:s19+$0xFFFFFFB0];
	_ =	sdelay $0x4  }
0xb2: {  	(xrf1) =	vsort.ascd.msk.f32 $0xffff, v8, v8;
	_ =	sdelay $0xc  }
0xb3: {  	v7 =	vperm.xlane v7, v4  }
0xb4: {  	v8, _, _ =	vpop (xrf1)  }
0xb5: {  	v7 =	vmax.f32 v8, v7  }
0xb6: {  	(xrf1) =	vsort.ascd.msk.f32 $0xffff, v7, v7;
	_ =	sdelay $0xd  }
0xb7: {  	v7, _, _ =	vpop (xrf1)  }
0xb8: {  	[tilespmem:$0x4580] =	vst v7  }
0xb9: {  	v8 =	vld [tilespmem:s19+$0xFFFFFFC0];
	_ =	sdelay $0x4  }
0xba: {  	(xrf1) =	vsort.ascd.msk.f32 $0xffff, v8, v8;
	_ =	sdelay $0xc  }
0xbb: {  	v7 =	vperm.xlane v7, v4  }
0xbc: {  	v8, _, _ =	vpop (xrf1)  }
0xbd: {  	v7 =	vmax.f32 v8, v7  }
0xbe: {  	(xrf1) =	vsort.ascd.msk.f32 $0xffff, v7, v7;
	_ =	sdelay $0xd  }
0xbf: {  	v7, _, _ =	vpop (xrf1)  }
0xc0: {  	[tilespmem:$0x4580] =	vst v7  }
0xc1: {  	v8 =	vld [tilespmem:s19+$0xFFFFFFD0];
	_ =	sdelay $0x4  }
0xc2: {  	(xrf1) =	vsort.ascd.msk.f32 $0xffff, v8, v8;
	_ =	sdelay $0xc  }
0xc3: {  	v7 =	vperm.xlane v7, v4  }
0xc4: {  	v8, _, _ =	vpop (xrf1)  }
0xc5: {  	v7 =	vmax.f32 v8, v7  }
0xc6: {  	(xrf1) =	vsort.ascd.msk.f32 $0xffff, v7, v7;
	_ =	sdelay $0xd  }
0xc7: {  	v7, _, _ =	vpop (xrf1)  }
0xc8: {  	[tilespmem:$0x4580] =	vst v7  }
0xc9: {  	v8 =	vld [tilespmem:s19+$0xFFFFFFE0];
	_ =	sdelay $0x4  }
0xca: {  	(xrf1) =	vsort.ascd.msk.f32 $0xffff, v8, v8;
	_ =	sdelay $0xc  }
0xcb: {  	v7 =	vperm.xlane v7, v4  }
0xcc: {  	v8, _, _ =	vpop (xrf1)  }
0xcd: {  	v7 =	vmax.f32 v8, v7  }
0xce: {  	(xrf1) =	vsort.ascd.msk.f32 $0xffff, v7, v7;
	_ =	sdelay $0xd  }
0xcf: {  	v7, _, _ =	vpop (xrf1)  }
0xd0: {  	[tilespmem:$0x4580] =	vst v7  }
0xd1: {  	v8 =	vld [tilespmem:s19+$0xFFFFFFF0];
	_ =	sdelay $0x4  }
0xd2: {  	(xrf1) =	vsort.ascd.msk.f32 $0xffff, v8, v8;
	_ =	sdelay $0xc  }
0xd3: {  	v7 =	vperm.xlane v7, v4  }
0xd4: {  	v8, _, _ =	vpop (xrf1)  }
0xd5: {  	v7 =	vmax.f32 v8, v7  }
0xd6: {  	(xrf1) =	vsort.ascd.msk.f32 $0xffff, v7, v7;
	_ =	sdelay $0xd  }
0xd7: {  	v7, _, _ =	vpop (xrf1)  }
0xd8: {  	[tilespmem:$0x4580] =	vst v7  }
0xd9: {  	v8 =	vld [tilespmem:s19+$0x0];
	_ =	sdelay $0x4  }
0xda: {  	(xrf1) =	vsort.ascd.msk.f32 $0xffff, v8, v8;
	_ =	sdelay $0xc  }
0xdb: {  	v7 =	vperm.xlane v7, v4  }
0xdc: {  	v8, _, _ =	vpop (xrf1)  }
0xdd: {  	v7 =	vmax.f32 v8, v7  }
0xde: {  	(xrf1) =	vsort.ascd.msk.f32 $0xffff, v7, v7;
	_ =	sdelay $0xd  }
0xdf: {  	v7, _, _ =	vpop (xrf1)  }
0xe0: {  	s20 =	sand.u32 $0x3FF0, s17;
	[tilespmem:$0x4580] =	vst v7  }
0xe1: {  	v8 =	vld [tilespmem:s20+$0x2180];
	_ =	sdelay $0x4  }
0xe2: {  	(xrf1) =	vsort.ascd.msk.f32 $0xffff, v8, v8;
	_ =	sdelay $0xc  }
0xe3: {  	v7 =	vperm.xlane v7, v4  }
0xe4: {  	v8, _, _ =	vpop (xrf1)  }
0xe5: {  	v7 =	vmax.f32 v8, v7  }
0xe6: {  	(xrf1) =	vsort.ascd.msk.f32 $0xffff, v7, v7;
	_ =	sdelay $0xd  }
0xe7: {  	v7, _, _ =	vpop (xrf1)  }
0xe8: {  	[tilespmem:$0x4580] =	vst v7  }
0xe9: {  	v8 =	vld [tilespmem:s19+$0x20];
	_ =	sdelay $0x4  }
0xea: {  	(xrf1) =	vsort.ascd.msk.f32 $0xffff, v8, v8;
	_ =	sdelay $0xc  }
0xeb: {  	v7 =	vperm.xlane v7, v4  }
0xec: {  	v8, _, _ =	vpop (xrf1)  }
0xed: {  	v7 =	vmax.f32 v8, v7  }
0xee: {  	(xrf1) =	vsort.ascd.msk.f32 $0xffff, v7, v7;
	_ =	sdelay $0xd  }
0xef: {  	v7, _, _ =	vpop (xrf1)  }
0xf0: {  	[tilespmem:$0x4580] =	vst v7  }
0xf1: {  	v8 =	vld [tilespmem:s19+$0x30];
	_ =	sdelay $0x4  }
0xf2: {  	(xrf1) =	vsort.ascd.msk.f32 $0xffff, v8, v8;
	_ =	sdelay $0xc  }
0xf3: {  	v7 =	vperm.xlane v7, v4  }
0xf4: {  	v8, _, _ =	vpop (xrf1)  }
0xf5: {  	v7 =	vmax.f32 v8, v7  }
0xf6: {  	(xrf1) =	vsort.ascd.msk.f32 $0xffff, v7, v7;
	_ =	sdelay $0xd  }
0xf7: {  	v7, _, _ =	vpop (xrf1)  }
0xf8: {  	[tilespmem:$0x4580] =	vst v7  }
0xf9: {  	v8 =	vld [tilespmem:s19+$0x40];
	_ =	sdelay $0x4  }
0xfa: {  	(xrf1) =	vsort.ascd.msk.f32 $0xffff, v8, v8;
	_ =	sdelay $0xc  }
0xfb: {  	v7 =	vperm.xlane v7, v4  }
0xfc: {  	v8, _, _ =	vpop (xrf1)  }
0xfd: {  	v7 =	vmax.f32 v8, v7  }
0xfe: {  	(xrf1) =	vsort.ascd.msk.f32 $0xffff, v7, v7;
	_ =	sdelay $0xd  }
0xff: {  	v7, _, _ =	vpop (xrf1)  }
0x100: {  	[tilespmem:$0x4580] =	vst v7  }
0x101: {  	v8 =	vld [tilespmem:s19+$0x50];
	_ =	sdelay $0x4  }
0x102: {  	(xrf1) =	vsort.ascd.msk.f32 $0xffff, v8, v8;
	_ =	sdelay $0xc  }
0x103: {  	v7 =	vperm.xlane v7, v4  }
0x104: {  	v8, _, _ =	vpop (xrf1)  }
0x105: {  	v7 =	vmax.f32 v8, v7  }
0x106: {  	(xrf1) =	vsort.ascd.msk.f32 $0xffff, v7, v7;
	_ =	sdelay $0xd  }
0x107: {  	v7, _, _ =	vpop (xrf1)  }
0x108: {  	[tilespmem:$0x4580] =	vst v7  }
0x109: {  	v8 =	vld [tilespmem:s19+$0x60];
	_ =	sdelay $0x4  }
0x10a: {  	(xrf1) =	vsort.ascd.msk.f32 $0xffff, v8, v8;
	_ =	sdelay $0xc  }
0x10b: {  	v7 =	vperm.xlane v7, v4  }
0x10c: {  	v8, _, _ =	vpop (xrf1)  }
0x10d: {  	v7 =	vmax.f32 v8, v7  }
0x10e: {  	(xrf1) =	vsort.ascd.msk.f32 $0xffff, v7, v7;
	_ =	sdelay $0xd  }
0x10f: {  	v7, _, _ =	vpop (xrf1)  }
0x110: {  	[tilespmem:$0x4580] =	vst v7  }
0x111: {  	v8 =	vld [tilespmem:s19+$0x70];
	_ =	sdelay $0x4  }
0x112: {  	(xrf1) =	vsort.ascd.msk.f32 $0xffff, v8, v8;
	_ =	sdelay $0xc  }
0x113: {  	v7 =	vperm.xlane v7, v4  }
0x114: {  	v8, _, _ =	vpop (xrf1)  }
0x115: {  	v7 =	vmax.f32 v8, v7  }
0x116: {  	(xrf1) =	vsort.ascd.msk.f32 $0xffff, v7, v7;
	_ =	sdelay $0xa  }
.Ltmp10:
0x117: {  	_ = 	snop;
	(pc) =	sbr.rel .LBB2_10-.Ltmp10, $3  }
0x118: {  	_ =	sdelay $0x1  }
0x119: {  	v7, _, _ =	vpop (xrf1)  }
0x11a: {  	[tilespmem:$0x4580] =	vst v7  }
.LBB2_11:
0x11b: {  	s16 =	simm.s32 $0x0  }
0x11c: {  	v8 =	vmov s16  }
0x11d: {  	v8 =	vsub.s32 $0xF, v8  }
0x11e: {  	v9 =	vbroadcast v8, $0x0;
	_ =	sdelay $0x1  }
0x11f: {  	s17 =	simm.s32 $0x1;
	v8 =	vimm.f32 $0.0e+00;
	v9 =	vperm.xlane v7, v9  }
.LBB2_12:
0x120: {  	p0 =	sne.s32 s17, $0xC  }
.Ltmp11:
0x121: {  	v10 =	vmov s17;
	s17 =	sadd.s32 $0x1, s17;
	v8 =	vadd.f32 v9, v8;
	(pc) =	sbr.rel @p0 .LBB2_12-.Ltmp11, $3  }
0x122: {  	v9 =	vsub.s32 $0xF, v10  }
0x123: {  	v9 =	vbroadcast v9, $0x0;
	_ =	sdelay $0x1  }
0x124: {  	v9 =	vperm.xlane v7, v9  }
0x125: {  	s17 =	simm.s32 $0x70  }
0x126: {  	v7 =	vld [tilespmem:s17+$0xFFFFFFA0]  }
0x127: {  	v10 =	vld [tilespmem:s17+$0xFFFFFF90]  }
0x128: {  	v11 =	vld [tilespmem:s17+$0xFFFFFFB0]  }
0x129: {  	v12 =	vld [tilespmem:s17+$0xFFFFFFC0]  }
0x12a: {  	v13 =	vld [tilespmem:s17+$0xFFFFFFD0]  }
0x12b: {  	v14 =	vld [tilespmem:s17+$0xFFFFFFE0]  }
0x12c: {  	v7 =	vmin.f32 v10, v7;
	v10 =	vld [tilespmem:s17+$0xFFFFFFF0]  }
0x12d: {  	s16 =	sand.u32 $0x3FF0, s16;
	v7 =	vmin.f32 v7, v11;
	v11 =	vld [tilespmem:s17+$0x0]  }
0x12e: {  	v59 =	vld [tilespmem:s16+$0x80];
	v7 =	vmin.f32 v7, v12  }
0x12f: {  	v60 =	vld [tilespmem:s17+$0x20];
	v7 =	vmin.f32 v7, v13  }
0x130: {  	v61 =	vld [tilespmem:s17+$0x30];
	v7 =	vmin.f32 v7, v14  }
0x131: {  	v7 =	vmin.f32 v7, v10;
	v10 =	vld [tilespmem:s17+$0x40]  }
0x132: {  	v7 =	vmin.f32 v7, v11;
	v11 =	vld [tilespmem:s17+$0x50]  }
0x133: {  	v62 =	vld [tilespmem:s17+$0x60];
	v7 =	vmin.f32 v7, v59  }
0x134: {  	v63 =	vld [tilespmem:s17+$0x70];
	v7 =	vmin.f32 v7, v60  }
0x135: {  	v7 =	vmin.f32 v7, v61  }
0x136: {  	v7 =	vmin.f32 v7, v10  }
0x137: {  	v7 =	vmin.f32 v7, v11  }
0x138: {  	v7 =	vmin.f32 v7, v62  }
0x139: {  	s16 =	simm.s32 $0x4300;
	v7 =	vmin.f32 v7, v63  }
0x13a: {  	s17 =	simm.s32 $0x160;
	[tilespmem:s16+$0x0] =	vst v7  }
0x13b: {  	v7 =	vadd.f32 v9, v8;
	v10 =	vld [tilespmem:s17+$0xFFFFFFA0]  }
0x13c: {  	s18 =	simm.s32 $0xF0;
	s19 =	simm.s32 $0x1E0;
	v8 =	vld [tilespmem:s17+$0xFFFFFF90]  }
.LBB2_14:
0x13d: {  	p0 =	sne.s32 s19, $0x1FE0;
	v9 =	vld [tilespmem:s17+$0xFFFFFFB0]  }
0x13e: {  	v11 =	vld [tilespmem:s17+$0xFFFFFFC0]  }
0x13f: {  	v12 =	vld [tilespmem:s17+$0xFFFFFFD0]  }
0x140: {  	v13 =	vld [tilespmem:s17+$0xFFFFFFE0]  }
0x141: {  	v8 =	vmin.f32 v8, v10;
	v10 =	vld [tilespmem:s17+$0xFFFFFFF0]  }
0x142: {  	s20 =	sand.u32 $0x3FF0, s18;
	s18 =	smov.u32 s19;
	v8 =	vmin.f32 v8, v9;
	v9 =	vld [tilespmem:s17+$0x0]  }
0x143: {  	v8 =	vmin.f32 v8, v11;
	v11 =	vld [tilespmem:s20+$0x80]  }
0x144: {  	v8 =	vmin.f32 v8, v12;
	v12 =	vld [tilespmem:s17+$0x20]  }
0x145: {  	v8 =	vmin.f32 v8, v13;
	v13 =	vld [tilespmem:s17+$0x30]  }
0x146: {  	v8 =	vmin.f32 v8, v10;
	v10 =	vld [tilespmem:s17+$0x40]  }
0x147: {  	v8 =	vmin.f32 v8, v9;
	v9 =	vld [tilespmem:s17+$0x50]  }
0x148: {  	v8 =	vmin.f32 v8, v11;
	v11 =	vld [tilespmem:s17+$0x60]  }
0x149: {  	v8 =	vmin.f32 v8, v12;
	v12 =	vld [tilespmem:s17+$0x70]  }
0x14a: {  	v8 =	vmin.f32 v8, v13  }
0x14b: {  	v8 =	vmin.f32 v8, v10  }
0x14c: {  	v8 =	vmin.f32 v8, v9  }
.Ltmp12:
0x14d: {  	v8 =	vmin.f32 v8, v11;
	(pc) =	sbr.rel @p0 .LBB2_14-.Ltmp12, $4  }
0x14e: {  	s16 =	sadd.s32 $0x10, s16;
	v8 =	vmin.f32 v8, v12  }
0x14f: {  	s17 =	sadd.s32 $0xF0, s17;
	[tilespmem:s16+$0x0] =	vst v8  }
0x150: {  	v10 =	vld [tilespmem:s17+$0xFFFFFFA0]  }
0x151: {  	s19 =	sadd.s32 $0xF0, s19;
	v8 =	vld [tilespmem:s17+$0xFFFFFF90]  }
0x152: {  	v9 =	vld [tilespmem:s17+$0xFFFFFFB0]  }
0x153: {  	v11 =	vld [tilespmem:s17+$0xFFFFFFC0]  }
0x154: {  	v12 =	vld [tilespmem:s17+$0xFFFFFFD0]  }
0x155: {  	v13 =	vld [tilespmem:s17+$0xFFFFFFE0]  }
0x156: {  	v8 =	vmin.f32 v8, v10;
	v10 =	vld [tilespmem:s17+$0xFFFFFFF0]  }
0x157: {  	s18 =	sand.u32 $0x3FF0, s18;
	v8 =	vmin.f32 v8, v9;
	v9 =	vld [tilespmem:s17+$0x0]  }
0x158: {  	v8 =	vmin.f32 v8, v11;
	v11 =	vld [tilespmem:s18+$0x80]  }
0x159: {  	v61 =	vld [tilespmem:s17+$0x20];
	v8 =	vmin.f32 v8, v12  }
0x15a: {  	v62 =	vld [tilespmem:s17+$0x30];
	v8 =	vmin.f32 v8, v13  }
0x15b: {  	v8 =	vmin.f32 v8, v10;
	v10 =	vld [tilespmem:s17+$0x40]  }
0x15c: {  	v8 =	vmin.f32 v8, v9;
	v9 =	vld [tilespmem:s17+$0x50]  }
0x15d: {  	v8 =	vmin.f32 v8, v11;
	v11 =	vld [tilespmem:s17+$0x60]  }
0x15e: {  	v63 =	vld [tilespmem:s17+$0x70];
	v8 =	vmin.f32 v8, v61  }
0x15f: {  	v8 =	vmin.f32 v8, v62  }
0x160: {  	v8 =	vmin.f32 v8, v10  }
0x161: {  	v8 =	vmin.f32 v8, v9  }
0x162: {  	v8 =	vmin.f32 v8, v11  }
0x163: {  	s16 =	sadd.s32 $0x10, s16;
	v8 =	vmin.f32 v8, v63  }
0x164: {  	s31 =	simm.s32 $0x0;
	[tilespmem:s16+$0x0] =	vst v8  }
0x165: {  	v9 =	vld [tilespmem:s31+$0x4300];
	_ =	sdelay $0x4  }
0x166: {  	(xrf1) =	vsort.ascd.msk.f32 $0xffff, v9, v9;
	_ =	sdelay $0xb  }
0x167: {  	s17 =	simm.s32 $0x10;
	v8 =	vimm.f32 $3.000000010e+38;
	s16 =	simm.s32 $0x80  }
.LBB2_16:
0x168: {  	p0 =	sne.s32 s16, $0x880;
	v9 =	vld [tilespmem:s17+$0x4300];
	v8 =	vperm.xlane v8, v4  }
0x169: {  	v10, _, _ =	vpop (xrf1)  }
0x16a: {  	v8 =	vmin.f32 v10, v8  }
0x16b: {  	(xrf1) =	vsort.ascd.msk.f32 $0xffff, v8, v8;
	_ =	sdelay $0x1  }
0x16c: {  	(xrf1) =	vsort.ascd.msk.f32 $0xffff, v9, v9;
	_ =	sdelay $0x7  }
.Ltmp13:
0x16d: {  	(pc) =	sbr.rel @p0 .LBB2_16-.Ltmp13, $2  }
0x16e: {  	_ =	sdelay $0x2  }
0x16f: {  	s17 =	sshra.s32 s16, $0x2;
	s16 =	sadd.s32 $0x40, s16;
	v8, _, _ =	vpop (xrf1)  }
0x170: {  	v9 =	vld [tilespmem:s17+$0x4300];
	v8 =	vperm.xlane v8, v4  }
0x171: {  	v10, _, _ =	vpop (xrf1)  }
0x172: {  	v8 =	vmin.f32 v10, v8  }
0x173: {  	(xrf1) =	vsort.ascd.msk.f32 $0xffff, v8, v8;
	_ =	sdelay $0x1  }
0x174: {  	(xrf1) =	vsort.ascd.msk.f32 $0xffff, v9, v9;
	_ =	sdelay $0xb  }
0x175: {  	v8, _, _ =	vpop (xrf1)  }
0x176: {  	v8 =	vperm.xlane v8, v4  }
0x177: {  	v9, _, _ =	vpop (xrf1)  }
0x178: {  	v8 =	vmin.f32 v9, v8  }
0x179: {  	(xrf1) =	vsort.ascd.msk.f32 $0xffff, v8, v8;
	_ =	sdelay $0xd  }
0x17a: {  	v8, _, _ =	vpop (xrf1)  }
0x17b: {  	(v2sf) =	vpush v8, $0xC;
	_ =	sdelay $0xa  }
.Ltmp14:
0x17c: {  	_ = 	snop;
	(pc) =	sbr.rel .LBB2_18-.Ltmp14, $3  }
0x17d: {  	_ =	sdelay $0x1  }
0x17e: {  	[tilespmem:$0x4580] =	vst v6;
	s17 =	simm.s32 $0x4300;
	v8 =	vimm.s32 $0xFFFFFFFF  }
0x17f: {  	s18 =	simm.s32 $0xE0;
	s19 =	simm.s32 $0x70;
	[tilespmem:$0x4600] =	vst v8;
	s16 =	spop (v2sf)  }
.LBB2_20:
0x180: {  	s18 =	sadd.s32 $0xF0, s18  }
0x181: {  	p0 =	sne.s32 s18, $0x21B0  }
.Ltmp15:
0x182: {  	_ = 	snop;
	(pc) =	sbr.rel @!p0 .LBB2_21-.Ltmp15, $2  }
0x183: {  	_ =	sdelay $0x2  }
0x184: {  	s17 =	sadd.s32 $0x10, s17;
	s19 =	sadd.s32 $0xF0, s19  }
.LBB2_18:
0x185: {  	v9 =	vld [tilespmem:s17+$0x0];
	_ =	sdelay $0x4  }
0x186: {  	v10 =	vperm.xlane v9, v1;
	_ =	sdelay $0x1  }
0x187: {  	v9 =	vmin.f32 v9, v10  }
0x188: {  	v10 =	vperm.xlane v9, v2;
	_ =	sdelay $0x1  }
0x189: {  	v9 =	vmin.f32 v9, v10  }
0x18a: {  	v10 =	vperm.xlane v9, v3;
	_ =	sdelay $0x1  }
0x18b: {  	v9 =	vmin.f32 v9, v10  }
0x18c: {  	v10 =	vperm.xlane v9, v5;
	_ =	sdelay $0x1  }
0x18d: {  	v9 =	vmin.f32 v9, v10  }
0x18e: {  	(v2sf) =	vpush v9, $0x0;
	_ =	sdelay $0xe  }
0x18f: {  	s20 =	spop (v2sf)  }
0x190: {  	p0 =	sle.f32 s20, s16  }
.Ltmp16:
0x191: {  	_ = 	snop;
	(pc) =	sbr.rel @!p0 .LBB2_20-.Ltmp16, $1  }
0x192: {  	_ =	sdelay $0x3  }
0x193: {  	v9 =	vld [tilespmem:s19+$0xFFFFFF90];
	_ =	sdelay $0x2  }
0x194: {  	s20 =	sadd.s32 $0xFFFFFF20, s18  }
0x195: {  	v10 =	vor.u32 s20, v0  }
0x196: {  	(xrf1) =	vsort.ascd.msk.f32 $0xffff, v9, v10;
	_ =	sdelay $0x7  }
0x197: {  	v9 =	vld [tilespmem:$0x4580];
	_ =	sdelay $0x4  }
0x198: {  	v9 =	vperm.xlane v9, v4  }
0x199: {  	v8 =	vperm.xlane v8, v4;
	v10, v11, _ =	vpop (xrf1)  }
0x19a: {  	vm0 =	vle.f32 v10, v9  }
0x19b: {  	v9 =	vsel vm0, v10, v9;
	v8 =	vsel vm0, v11, v8  }
0x19c: {  	(xrf1) =	vsort.ascd.msk.f32 $0xffff, v9, v8;
	_ =	sdelay $0xd  }
0x19d: {  	v8, v9, _ =	vpop (xrf1)  }
0x19e: {  	[tilespmem:$0x4580] =	vst v8  }
0x19f: {  	[tilespmem:$0x4600] =	vst v9  }
0x1a0: {  	v8 =	vld [tilespmem:s19+$0xFFFFFFA0];
	_ =	sdelay $0x2  }
0x1a1: {  	s21 =	sadd.s32 $0xFFFFFF30, s18  }
0x1a2: {  	v10 =	vor.u32 s21, v0  }
0x1a3: {  	(xrf1) =	vsort.ascd.msk.f32 $0xffff, v8, v10;
	_ =	sdelay $0x7  }
0x1a4: {  	v8 =	vld [tilespmem:$0x4580];
	_ =	sdelay $0x4  }
0x1a5: {  	v8 =	vperm.xlane v8, v4  }
0x1a6: {  	v9 =	vperm.xlane v9, v4;
	v10, v11, _ =	vpop (xrf1)  }
0x1a7: {  	vm14 =	vle.f32 v10, v8  }
0x1a8: {  	v8 =	vsel vm14, v10, v8;
	v9 =	vsel vm14, v11, v9  }
0x1a9: {  	(xrf1) =	vsort.ascd.msk.f32 $0xffff, v8, v9;
	_ =	sdelay $0xd  }
0x1aa: {  	v8, v9, _ =	vpop (xrf1)  }
0x1ab: {  	[tilespmem:$0x4580] =	vst v8  }
0x1ac: {  	[tilespmem:$0x4600] =	vst v9  }
0x1ad: {  	v8 =	vld [tilespmem:s19+$0xFFFFFFB0];
	_ =	sdelay $0x2  }
0x1ae: {  	s29 =	sadd.s32 $0xFFFFFF40, s18  }
0x1af: {  	v10 =	vor.u32 s29, v0  }
0x1b0: {  	(xrf1) =	vsort.ascd.msk.f32 $0xffff, v8, v10;
	_ =	sdelay $0x7  }
0x1b1: {  	v8 =	vld [tilespmem:$0x4580];
	_ =	sdelay $0x4  }
0x1b2: {  	v8 =	vperm.xlane v8, v4  }
0x1b3: {  	v9 =	vperm.xlane v9, v4;
	v10, v11, _ =	vpop (xrf1)  }
0x1b4: {  	vm15 =	vle.f32 v10, v8  }
0x1b5: {  	v8 =	vsel vm15, v10, v8;
	v9 =	vsel vm15, v11, v9  }
0x1b6: {  	(xrf1) =	vsort.ascd.msk.f32 $0xffff, v8, v9;
	_ =	sdelay $0xd  }
0x1b7: {  	v8, v9, _ =	vpop (xrf1)  }
0x1b8: {  	[tilespmem:$0x4580] =	vst v8  }
0x1b9: {  	[tilespmem:$0x4600] =	vst v9  }
0x1ba: {  	v8 =	vld [tilespmem:s19+$0xFFFFFFC0];
	_ =	sdelay $0x2  }
0x1bb: {  	s30 =	sadd.s32 $0xFFFFFF50, s18  }
0x1bc: {  	v10 =	vor.u32 s30, v0  }
0x1bd: {  	(xrf1) =	vsort.ascd.msk.f32 $0xffff, v8, v10;
	_ =	sdelay $0x7  }
0x1be: {  	v8 =	vld [tilespmem:$0x4580];
	_ =	sdelay $0x4  }
0x1bf: {  	v8 =	vperm.xlane v8, v4  }
0x1c0: {  	v9 =	vperm.xlane v9, v4;
	v10, v11, _ =	vpop (xrf1)  }
0x1c1: {  	vm4 =	vle.f32 v10, v8  }
0x1c2: {  	v8 =	vsel vm4, v10, v8;
	v9 =	vsel vm4, v11, v9  }
0x1c3: {  	(xrf1) =	vsort.ascd.msk.f32 $0xffff, v8, v9;
	_ =	sdelay $0xd  }
0x1c4: {  	v8, v9, _ =	vpop (xrf1)  }
0x1c5: {  	[tilespmem:$0x4580] =	vst v8  }
0x1c6: {  	[tilespmem:$0x4600] =	vst v9  }
0x1c7: {  	v8 =	vld [tilespmem:s19+$0xFFFFFFD0];
	_ =	sdelay $0x2  }
0x1c8: {  	s31 =	sadd.s32 $0xFFFFFF60, s18  }
0x1c9: {  	v10 =	vor.u32 s31, v0  }
0x1ca: {  	(xrf1) =	vsort.ascd.msk.f32 $0xffff, v8, v10;
	_ =	sdelay $0x7  }
0x1cb: {  	v8 =	vld [tilespmem:$0x4580];
	_ =	sdelay $0x4  }
0x1cc: {  	v8 =	vperm.xlane v8, v4  }
0x1cd: {  	v9 =	vperm.xlane v9, v4;
	v10, v11, _ =	vpop (xrf1)  }
0x1ce: {  	vm5 =	vle.f32 v10, v8  }
0x1cf: {  	v8 =	vsel vm5, v10, v8;
	v9 =	vsel vm5, v11, v9  }
0x1d0: {  	(xrf1) =	vsort.ascd.msk.f32 $0xffff, v8, v9;
	_ =	sdelay $0xd  }
0x1d1: {  	v8, v9, _ =	vpop (xrf1)  }
0x1d2: {  	[tilespmem:$0x4580] =	vst v8  }
0x1d3: {  	[tilespmem:$0x4600] =	vst v9  }
0x1d4: {  	v8 =	vld [tilespmem:s19+$0xFFFFFFE0];
	_ =	sdelay $0x2  }
0x1d5: {  	s22 =	sadd.s32 $0xFFFFFF70, s18  }
0x1d6: {  	v10 =	vor.u32 s22, v0  }
0x1d7: {  	(xrf1) =	vsort.ascd.msk.f32 $0xffff, v8, v10;
	_ =	sdelay $0x7  }
0x1d8: {  	v8 =	vld [tilespmem:$0x4580];
	_ =	sdelay $0x4  }
0x1d9: {  	v8 =	vperm.xlane v8, v4  }
0x1da: {  	v9 =	vperm.xlane v9, v4;
	v10, v11, _ =	vpop (xrf1)  }
0x1db: {  	vm6 =	vle.f32 v10, v8  }
0x1dc: {  	v8 =	vsel vm6, v10, v8;
	v9 =	vsel vm6, v11, v9  }
0x1dd: {  	(xrf1) =	vsort.ascd.msk.f32 $0xffff, v8, v9;
	_ =	sdelay $0xd  }
0x1de: {  	v8, v9, _ =	vpop (xrf1)  }
0x1df: {  	[tilespmem:$0x4580] =	vst v8  }
0x1e0: {  	[tilespmem:$0x4600] =	vst v9  }
0x1e1: {  	v8 =	vld [tilespmem:s19+$0xFFFFFFF0];
	_ =	sdelay $0x2  }
0x1e2: {  	s23 =	sadd.s32 $0xFFFFFF80, s18  }
0x1e3: {  	v10 =	vor.u32 s23, v0  }
0x1e4: {  	(xrf1) =	vsort.ascd.msk.f32 $0xffff, v8, v10;
	_ =	sdelay $0x7  }
0x1e5: {  	v8 =	vld [tilespmem:$0x4580];
	_ =	sdelay $0x4  }
0x1e6: {  	v8 =	vperm.xlane v8, v4  }
0x1e7: {  	v9 =	vperm.xlane v9, v4;
	v10, v11, _ =	vpop (xrf1)  }
0x1e8: {  	vm7 =	vle.f32 v10, v8  }
0x1e9: {  	v8 =	vsel vm7, v10, v8;
	v9 =	vsel vm7, v11, v9  }
0x1ea: {  	(xrf1) =	vsort.ascd.msk.f32 $0xffff, v8, v9;
	_ =	sdelay $0xd  }
0x1eb: {  	v8, v9, _ =	vpop (xrf1)  }
0x1ec: {  	[tilespmem:$0x4580] =	vst v8  }
0x1ed: {  	[tilespmem:$0x4600] =	vst v9  }
0x1ee: {  	v8 =	vld [tilespmem:s19+$0x0];
	_ =	sdelay $0x2  }
0x1ef: {  	s24 =	sadd.s32 $0xFFFFFF90, s18  }
0x1f0: {  	v10 =	vor.u32 s24, v0  }
0x1f1: {  	(xrf1) =	vsort.ascd.msk.f32 $0xffff, v8, v10;
	_ =	sdelay $0x7  }
0x1f2: {  	v8 =	vld [tilespmem:$0x4580];
	_ =	sdelay $0x4  }
0x1f3: {  	v8 =	vperm.xlane v8, v4  }
0x1f4: {  	v9 =	vperm.xlane v9, v4;
	v10, v11, _ =	vpop (xrf1)  }
0x1f5: {  	vm8 =	vle.f32 v10, v8  }
0x1f6: {  	v8 =	vsel vm8, v10, v8;
	v9 =	vsel vm8, v11, v9  }
0x1f7: {  	(xrf1) =	vsort.ascd.msk.f32 $0xffff, v8, v9;
	_ =	sdelay $0xd  }
0x1f8: {  	s25 =	sadd.s32 $0xFFFFFFA0, s18;
	v8, v9, _ =	vpop (xrf1)  }
0x1f9: {  	s20 =	sand.u32 $0x70, s20;
	s22 =	sand.u32 $0x7F80, s25;
	[tilespmem:$0x4580] =	vst v8  }
0x1fa: {  	s20 =	sor.u32 s20, s22;
	[tilespmem:$0x4600] =	vst v9  }
0x1fb: {  	v8 =	vld [tilespmem:s20+$0x0];
	_ =	sdelay $0x3  }
0x1fc: {  	v10 =	vor.u32 s25, v0  }
0x1fd: {  	(xrf1) =	vsort.ascd.msk.f32 $0xffff, v8, v10;
	_ =	sdelay $0x7  }
0x1fe: {  	v8 =	vld [tilespmem:$0x4580];
	_ =	sdelay $0x4  }
0x1ff: {  	v8 =	vperm.xlane v8, v4  }
0x200: {  	v9 =	vperm.xlane v9, v4;
	v10, v11, _ =	vpop (xrf1)  }
0x201: {  	vm9 =	vle.f32 v10, v8  }
0x202: {  	v8 =	vsel vm9, v10, v8;
	v9 =	vsel vm9, v11, v9  }
0x203: {  	(xrf1) =	vsort.ascd.msk.f32 $0xffff, v8, v9;
	_ =	sdelay $0xd  }
0x204: {  	v8, v9, _ =	vpop (xrf1)  }
0x205: {  	[tilespmem:$0x4580] =	vst v8  }
0x206: {  	[tilespmem:$0x4600] =	vst v9  }
0x207: {  	v8 =	vld [tilespmem:s19+$0x20];
	_ =	sdelay $0x2  }
0x208: {  	s26 =	sadd.s32 $0xFFFFFFB0, s18  }
0x209: {  	v10 =	vor.u32 s26, v0  }
0x20a: {  	(xrf1) =	vsort.ascd.msk.f32 $0xffff, v8, v10;
	_ =	sdelay $0x7  }
0x20b: {  	v8 =	vld [tilespmem:$0x4580];
	_ =	sdelay $0x4  }
0x20c: {  	v8 =	vperm.xlane v8, v4  }
0x20d: {  	v9 =	vperm.xlane v9, v4;
	v10, v11, _ =	vpop (xrf1)  }
0x20e: {  	vm10 =	vle.f32 v10, v8  }
0x20f: {  	v8 =	vsel vm10, v10, v8;
	v9 =	vsel vm10, v11, v9  }
0x210: {  	(xrf1) =	vsort.ascd.msk.f32 $0xffff, v8, v9;
	_ =	sdelay $0xd  }
0x211: {  	v8, v9, _ =	vpop (xrf1)  }
0x212: {  	[tilespmem:$0x4580] =	vst v8  }
0x213: {  	[tilespmem:$0x4600] =	vst v9  }
0x214: {  	v8 =	vld [tilespmem:s19+$0x30];
	_ =	sdelay $0x2  }
0x215: {  	s28 =	sadd.s32 $0xFFFFFFC0, s18  }
0x216: {  	v10 =	vor.u32 s28, v0  }
0x217: {  	(xrf1) =	vsort.ascd.msk.f32 $0xffff, v8, v10;
	_ =	sdelay $0x7  }
0x218: {  	v8 =	vld [tilespmem:$0x4580];
	_ =	sdelay $0x4  }
0x219: {  	v8 =	vperm.xlane v8, v4  }
0x21a: {  	v9 =	vperm.xlane v9, v4;
	v10, v11, _ =	vpop (xrf1)  }
0x21b: {  	vm11 =	vle.f32 v10, v8  }
0x21c: {  	v8 =	vsel vm11, v10, v8;
	v9 =	vsel vm11, v11, v9  }
0x21d: {  	(xrf1) =	vsort.ascd.msk.f32 $0xffff, v8, v9;
	_ =	sdelay $0xd  }
0x21e: {  	v8, v9, _ =	vpop (xrf1)  }
0x21f: {  	[tilespmem:$0x4580] =	vst v8  }
0x220: {  	[tilespmem:$0x4600] =	vst v9  }
0x221: {  	v8 =	vld [tilespmem:s19+$0x40];
	_ =	sdelay $0x2  }
0x222: {  	s29 =	sadd.s32 $0xFFFFFFD0, s18  }
0x223: {  	v10 =	vor.u32 s29, v0  }
0x224: {  	(xrf1) =	vsort.ascd.msk.f32 $0xffff, v8, v10;
	_ =	sdelay $0x7  }
0x225: {  	v8 =	vld [tilespmem:$0x4580];
	_ =	sdelay $0x4  }
0x226: {  	v8 =	vperm.xlane v8, v4  }
0x227: {  	v9 =	vperm.xlane v9, v4;
	v10, v11, _ =	vpop (xrf1)  }
0x228: {  	vm12 =	vle.f32 v10, v8  }
0x229: {  	v8 =	vsel vm12, v10, v8;
	v9 =	vsel vm12, v11, v9  }
0x22a: {  	(xrf1) =	vsort.ascd.msk.f32 $0xffff, v8, v9;
	_ =	sdelay $0xd  }
0x22b: {  	v8, v9, _ =	vpop (xrf1)  }
0x22c: {  	[tilespmem:$0x4580] =	vst v8  }
0x22d: {  	[tilespmem:$0x4600] =	vst v9  }
0x22e: {  	v8 =	vld [tilespmem:s19+$0x50];
	_ =	sdelay $0x2  }
0x22f: {  	s30 =	sadd.s32 $0xFFFFFFE0, s18  }
0x230: {  	v10 =	vor.u32 s30, v0  }
0x231: {  	(xrf1) =	vsort.ascd.msk.f32 $0xffff, v8, v10;
	_ =	sdelay $0x7  }
0x232: {  	v8 =	vld [tilespmem:$0x4580];
	_ =	sdelay $0x4  }
0x233: {  	v8 =	vperm.xlane v8, v4  }
0x234: {  	v9 =	vperm.xlane v9, v4;
	v10, v11, _ =	vpop (xrf1)  }
0x235: {  	vm13 =	vle.f32 v10, v8  }
0x236: {  	v8 =	vsel vm13, v10, v8;
	v9 =	vsel vm13, v11, v9  }
0x237: {  	(xrf1) =	vsort.ascd.msk.f32 $0xffff, v8, v9;
	_ =	sdelay $0xd  }
0x238: {  	v8, v9, _ =	vpop (xrf1)  }
0x239: {  	[tilespmem:$0x4580] =	vst v8  }
0x23a: {  	[tilespmem:$0x4600] =	vst v9  }
0x23b: {  	v8 =	vld [tilespmem:s19+$0x60];
	_ =	sdelay $0x2  }
0x23c: {  	s31 =	sadd.s32 $0xFFFFFFF0, s18  }
0x23d: {  	v10 =	vor.u32 s31, v0  }
0x23e: {  	(xrf1) =	vsort.ascd.msk.f32 $0xffff, v8, v10;
	_ =	sdelay $0x7  }
0x23f: {  	v8 =	vld [tilespmem:$0x4580];
	_ =	sdelay $0x4  }
0x240: {  	v8 =	vperm.xlane v8, v4  }
0x241: {  	v9 =	vperm.xlane v9, v4;
	v10, v11, _ =	vpop (xrf1)  }
0x242: {  	vm14 =	vle.f32 v10, v8  }
0x243: {  	v8 =	vsel vm14, v10, v8;
	v9 =	vsel vm14, v11, v9  }
0x244: {  	(xrf1) =	vsort.ascd.msk.f32 $0xffff, v8, v9;
	_ =	sdelay $0xd  }
0x245: {  	v8, v9, _ =	vpop (xrf1)  }
0x246: {  	[tilespmem:$0x4580] =	vst v8  }
0x247: {  	[tilespmem:$0x4600] =	vst v9  }
0x248: {  	v8 =	vld [tilespmem:s19+$0x70];
	_ =	sdelay $0x3  }
0x249: {  	v10 =	vor.u32 s18, v0  }
0x24a: {  	(xrf1) =	vsort.ascd.msk.f32 $0xffff, v8, v10;
	_ =	sdelay $0x7  }
0x24b: {  	v8 =	vld [tilespmem:$0x4580];
	_ =	sdelay $0x4  }
0x24c: {  	v8 =	vperm.xlane v8, v4  }
0x24d: {  	v9 =	vperm.xlane v9, v4;
	v10, v11, _ =	vpop (xrf1)  }
0x24e: {  	vm15 =	vle.f32 v10, v8  }
0x24f: {  	v8 =	vsel vm15, v10, v8;
	v9 =	vsel vm15, v11, v9  }
0x250: {  	(xrf1) =	vsort.ascd.msk.f32 $0xffff, v8, v9;
	_ =	sdelay $0xb  }
.Ltmp17:
0x251: {  	_ = 	snop;
	(pc) =	sbr.rel .LBB2_20-.Ltmp17, $4  }
0x252: {  	_ = 	snop  }
0x253: {  	v9, v8, _ =	vpop (xrf1)  }
0x254: {  	[tilespmem:$0x4580] =	vst v9  }
0x255: {  	[tilespmem:$0x4600] =	vst v8  }
.LBB2_24:
0x256: {  	_ =	sfence.sel $0x180000  }
0x257: {  	[bflag:$0x0] =	sbarrier.arrive $0xFFFF  }
0x258: {  	p0 =	sne.s32 s1, $0x0;
	_ =	strace $0x90000047  }
0x259: {  	s0 =	sadd.s32 @!p0 $0x100000, s0;
	[bflag:$0x2] =	sbarrier.arrive $0xFFFF  }
0x25a: {  	[sflag:s0] =	ssyncadd.tile.s32 @!p0 $0x1;
	_ =	shalt  }
.Lfunc_end2:
_tile_overlayer_lowered:
.L_overlay_start_2:
0x25b: {  	(tag) =	ssettag $0x2  }
0x25c: {  	s0 =	rddreg [dreg:$0x0];
	s2 =	stileid.u32  }
0x25d: {  	s1 =	rddreg [dreg:$0x1];
	p0 =	sne.s32 s2, $0x0  }
0x25e: {  	s3 =	rddreg [dreg:$0x2];
	[bflag:$0x3] =	sbarrier.arrive $0xFFFF;
	s2 =	simm.s32 @!p0 $0x1C02  }
0x25f: {  	[timem:s3], [sflag:s2] =	dma.local @!p0 [hbm:s0], s1  }
0x260: {  	s0 =	simm.s32 @!p0 $0x2  }
0x261: {  	_ =	swait.ge @!p0 [sflag:s0], s1  }
0x262: {  	s1 =	ssub.s32 @!p0 $0x0, s1;
	[sflag:s0] =	ssyncset.done @!p0 $0x0  }
0x263: {  	[sflag:s0] =	ssyncadd.s32 @!p0 s1  }
0x264: {  	[bflag:$0x3] =	sbarrier.arrive $0xFFFF  }
0x265: {  	_ =	shalt  }

// kernel: kernel.8.cloned.1.call-start
scs
__scs_entry_jumppad:
0x0: {  	(pc) =	sbr.rel $0x88, $3  }
0x1: {  	(tag) =	ssettag $0x0;
	lr =	simm.s32 $0x1  }
0x2: {  	[smem:$0x3F9B] =	sst lr;
	_ =	strace $0xD0000000  }
0x3: {  	_ = 	snop  }
0x4: {  	_ = 	snop  }
0x5: {  	_ = 	snop  }
0x6: {  	_ = 	snop  }
0x7: {  	_ = 	snop  }
__scs_overlays_trampoline_lowered:
0x8: {  	[smem:$0x3FAA] =	sst s0  }
0x9: {  	[smem:$0x3FAB] =	sst s1  }
0xa: {  	[smem:$0x3FAC] =	sst s2  }
0xb: {  	[smem:$0x3FAD] =	sst s3  }
0xc: {  	[smem:$0x3FAE] =	sst s4  }
0xd: {  	[smem:$0x3FAF] =	sst s5  }
0xe: {  	[smem:$0x3FB0] =	sst s6  }
0xf: {  	[smem:$0x3FB1] =	sst s7  }
0x10: {  	[smem:$0x3FB2] =	sst s8  }
0x11: {  	[smem:$0x3FB3] =	sst s9;
	s0 =	simm.s32 @!p0 $0x0  }
0x12: {  	s1 =	sld [smem:$0x3F99];
	s0 =	simm.s32 @p0 $0x1  }
0x13: {  	[smem:$0x3FB4] =	sst s0;
	s0 =	simm.s32 @!p1 $0x0  }
0x14: {  	s2 =	sld [smem:$0x3F98];
	s0 =	simm.s32 @p1 $0x1  }
0x15: {  	[smem:$0x3FB5] =	sst s0;
	s0 =	simm.s32 @!p2 $0x0  }
0x16: {  	s3 =	sld [smem:$0x3FDB];
	s0 =	simm.s32 @p2 $0x1  }
0x17: {  	s4 =	simm.s32 $0x1BF5;
	[smem:$0x3FB7] =	sst s0  }
0x18: {  	s0 =	sld [smem:$0x3F9A];
	_ =	swait.ge [sflag:s4], $0x0  }
0x19: {  	s7 =	sld [smem:$0x3F9B]  }
0x1a: {  	s8 =	sadd.s32 $0xFFFFE003, lr  }
0x1b: {  	s9 =	sadd.s32 $0xFFFFFEF7, lr;
	s5 =	simm.s32 $0xFFFFFFFF;
	p2 =	slt.u32 s8, $0xFFFFF086  }
0x1c: {  	p1 =	slt.u32 s9, $0xF7A;
	s5 =	simm.s32 @!p2 $0x0  }
0x1d: {  	s5 =	simm.s32 @p1 $0x1;
	p0 =	seq.s32 s7, s2  }
0x1e: {  	s7 =	smul.u32 @!p0 $0xF7A, s2;
	p2 =	seq.s32 @!p0 s5, $0x0  }
0x1f: {  	s9 =	smul.u32 $0xF7A, s1;
	s8 =	simm.s32 @!p0 $0x1BF5;
	p2 =	por !p2, p0  }
0x20: {  	[sflag:s8] =	ssyncset.s32 @!p0 $0xFFFFF086;
	s6 =	sadd.s32 @!p0 s3, s7;
	s7 =	simm.s32 @!p0 $0x108  }
0x21: {  	s3 =	sadd.s32 s3, s9;
	s6 =	sadd.s32 @!p0 $0x88, s6;
	s7 =	simm.s32 @p2 $0x1082  }
0x22: {  	[simem:s7], [sflag:s8] =	dma.local @!p0 [hbm:s6], $0xF7A  }
0x23: {  	s9 =	sor.u32 $0xD0000000, s2;
	s6 =	simm.s32 $0x108;
	_ =	swait.ge @!p0 [sflag:s8], $0x0  }
0x24: {  	s3 =	sadd.s32 $0x88, s3;
	s6 =	simm.s32 @!p1 $0x1082;
	[sflag:s4] =	ssyncset.s32 $0xFFFFF086  }
0x25: {  	[simem:s6], [sflag:s4] =	dma.local [hbm:s3], $0xF7A  }
0x26: {  	[smem:$0x3F9B] =	sst s1;
	(tag) =	ssettag s2;
	_ =	strace s9  }
0x27: {  	s1 =	sld [smem:$0x3FAB]  }
0x28: {  	s2 =	sld [smem:$0x3FAC]  }
0x29: {  	s4 =	sld [smem:$0x3FAE]  }
0x2a: {  	p0 =	seq.s32 s5, $0x0;
	s5 =	sld [smem:$0x3FAF]  }
0x2b: {  	s6 =	sld [smem:$0x3FB0]  }
0x2c: {  	s7 =	sld [smem:$0x3FB1]  }
0x2d: {  	s3 =	simm.s32 $0x108;
	s8 =	sld [smem:$0x3FB2]  }
0x2e: {  	s3 =	simm.s32 @!p0 $0x1082;
	s9 =	sld [smem:$0x3FB3]  }
0x2f: {  	lr =	sadd.s32 s0, s3;
	s0 =	sld [smem:$0x3FAA]  }
0x30: {  	s3 =	sld [smem:$0x3FAD]  }
0x31: {  	[smem:$0x3FB6] =	sst s10  }
0x32: {  	s10 =	sld [smem:$0x3FB4];
	_ =	sdelay $0x3  }
0x33: {  	p0 =	seq.s32 s10, $0x1;
	s10 =	sld [smem:$0x3FB6];
	_ =	sdelay $0x3  }
0x34: {  	[smem:$0x3FB6] =	sst s10  }
0x35: {  	s10 =	sld [smem:$0x3FB5];
	_ =	sdelay $0x3  }
0x36: {  	p1 =	seq.s32 s10, $0x1;
	s10 =	sld [smem:$0x3FB6];
	_ =	sdelay $0x3  }
0x37: {  	[smem:$0x3FB6] =	sst s10  }
0x38: {  	s10 =	sld [smem:$0x3FB7]  }
0x39: {  	_ = 	snop;
	(pc) =	sbr.ind lr, $3  }
0x3a: {  	_ = 	snop  }
0x3b: {  	_ = 	snop  }
0x3c: {  	p2 =	seq.s32 s10, $0x1;
	s10 =	sld [smem:$0x3FB6]  }
0x3d: {  	_ =	shalt  }
0x3e: {  	_ =	shalt  }
0x3f: {  	_ =	shalt  }
0x40: {  	_ =	shalt  }
0x41: {  	_ =	shalt  }
0x42: {  	_ =	shalt  }
0x43: {  	_ =	shalt  }
0x44: {  	_ =	shalt  }
0x45: {  	_ =	shalt  }
0x46: {  	_ =	shalt  }
0x47: {  	_ =	shalt  }
0x48: {  	_ =	shalt  }
0x49: {  	_ =	shalt  }
0x4a: {  	_ =	shalt  }
0x4b: {  	_ =	shalt  }
0x4c: {  	_ =	shalt  }
0x4d: {  	_ =	shalt  }
0x4e: {  	_ =	shalt  }
0x4f: {  	_ =	shalt  }
0x50: {  	_ =	shalt  }
0x51: {  	_ =	shalt  }
0x52: {  	_ =	shalt  }
0x53: {  	_ =	shalt  }
0x54: {  	_ =	shalt  }
0x55: {  	_ =	shalt  }
0x56: {  	_ =	shalt  }
0x57: {  	_ =	shalt  }
0x58: {  	_ =	shalt  }
0x59: {  	_ =	shalt  }
0x5a: {  	_ =	shalt  }
0x5b: {  	_ =	shalt  }
0x5c: {  	_ =	shalt  }
0x5d: {  	_ =	shalt  }
0x5e: {  	_ =	shalt  }
0x5f: {  	_ =	shalt  }
0x60: {  	_ =	shalt  }
0x61: {  	_ =	shalt  }
0x62: {  	_ =	shalt  }
0x63: {  	_ =	shalt  }
0x64: {  	_ =	shalt  }
0x65: {  	_ =	shalt  }
0x66: {  	_ =	shalt  }
0x67: {  	_ =	shalt  }
0x68: {  	_ =	shalt  }
0x69: {  	_ =	shalt  }
0x6a: {  	_ =	shalt  }
0x6b: {  	_ =	shalt  }
0x6c: {  	_ =	shalt  }
0x6d: {  	_ =	shalt  }
0x6e: {  	_ =	shalt  }
0x6f: {  	_ =	shalt  }
0x70: {  	_ =	shalt  }
0x71: {  	_ =	shalt  }
0x72: {  	_ =	shalt  }
0x73: {  	_ =	shalt  }
0x74: {  	_ =	shalt  }
0x75: {  	_ =	shalt  }
0x76: {  	_ =	shalt  }
0x77: {  	_ =	shalt  }
0x78: {  	_ =	shalt  }
0x79: {  	_ =	shalt  }
0x7a: {  	_ =	shalt  }
0x7b: {  	_ =	shalt  }
0x7c: {  	_ =	shalt  }
0x7d: {  	_ =	shalt  }
0x7e: {  	_ =	shalt  }
0x7f: {  	_ =	shalt  }
0x80: {  	_ =	shalt  }
0x81: {  	_ =	shalt  }
0x82: {  	_ =	shalt  }
0x83: {  	_ =	shalt  }
0x84: {  	_ =	shalt  }
0x85: {  	_ =	shalt  }
0x86: {  	_ =	shalt  }
0x87: {  	_ =	shalt  }
.Lfunc_end0:
.L_simem_size_0:
called_computation_lowered:
.L_overlay_start_0:
0x88: {  	s2 =	sld [smem:$0x3FD9]  }
0x89: {  	s3 =	sld [smem:$0x3FFE];
	_ =	sdelay $0x1  }
0x8a: {  	s1 =	srdreg.scid  }
0x8b: {  	s0 =	sand.u32 $0x1, s1  }
0x8c: {  	s15 =	sshll.u32 s0, $0xA;
	s2 =	sadd.s32 s3, s2  }
0x8d: {  	s2 =	sadd.s32 s2, s15  }
0x8e: {  	[smem:$0x3FC2] =	sst s2  }
0x8f: {  	_ = 	snop  }
0x90: {  	s2 =	sld [smem:$0x3FD0];
	_ =	sdelay $0x2  }
0x91: {  	s16 =	simm.s32 $0xB;
	s4 =	simm.s32 $0x10  }
0x92: {  	[smem:s4], [sflag:s16] =	dma.local [hbm:s2], $0x1  }
0x93: {  	_ =	swait.eq [sflag:s16], $0x1  }
0x94: {  	[sflag:s16] =	ssyncset.done $0x0  }
0x95: {  	[sflag:s16] =	ssyncadd.s32 $0xFFFFFFFF  }
0x96: {  	s17 =	sld [smem:$0x13];
	(tm) =	ssettm $0x1  }
0x97: {  	s18 =	sld [smem:$0x3FFB];
	_ =	sdelay $0x3  }
0x98: {  	_ =	strace s18  }
0x99: {  	s2 =	sld [smem:$0x3FFC];
	_ =	sdelay $0x3  }
0x9a: {  	_ =	strace s2  }
0x9b: {  	s2 =	sld [smem:$0x3FFD];
	_ =	sdelay $0x3  }
0x9c: {  	_ =	strace s2  }
0x9d: {  	_ =	strace $0x8FFFFFFF  }
0x9e: {  	s19 =	sld [smem:$0x3FDB];
	_ =	sdelay $0x1  }
0x9f: {  	s20 =	simm.s32 $_scs_section_size  }
0xa0: {  	s5 =	simm.s32 $_size__tile_overlayer_lowered;
	s6 =	simm.s32 $_tile_overlayer_lowered  }
0xa1: {  	s7 =	simm.s32 $0x1BFF;
	s21 =	sshll.u32 s6, $0x1;
	s4 =	sadd.s32 s20, s19  }
0xa2: {  	s22 =	simm.s32 $0x0;
	s5 =	sshll.u32 s5, $0x1;
	s6 =	sadd.s32 s21, s4  }
0xa3: {  	[timem:s22], [sflag:s7] =	dma.local [hbm:s6], s5  }
0xa4: {  	_ =	swait.ge [sflag:s7], s5  }
0xa5: {  	s5 =	ssub.s32 $0x0, s5;
	[sflag:s7] =	ssyncset.done $0x0  }
0xa6: {  	[sflag:s7] =	ssyncadd.s32 s5;
	_ =	sdelay $0x1  }
0xa7: {  	s23 =	simm.s32 $0x1B8B  }
0xa8: {  	_ =	swait.ge [sflag:s23], $0x1  }
0xa9: {  	[sflag:s23] =	ssyncset.done $0x0  }
0xaa: {  	[sflag:s23] =	ssyncadd.s32 $0xFFFFFFFF  }
0xab: {  	s5 =	sld [smem:$0x0]  }
0xac: {  	s6 =	sand.u32 $0xFFFFFFFE, s1  }
0xad: {  	p0 =	sne.s32 s1, s6  }
0xae: {  	s6 =	sshll.u32 @p0 s6, $0xE  }
0xaf: {  	s6 =	sadd.s32 @p0 $0x11B8D, s6;
	s7 =	sshll.u32 @p0 s5, $0x11  }
0xb0: {  	s6 =	sor.u32 @p0 s7, s6  }
0xb1: {  	[sflag:s6] =	ssyncadd.remote.s32 @p0 $0x1;
	_ =	sdelay $0x1  }
0xb2: {  	s6 =	simm.s32 @p0 $0x1B8D  }
0xb3: {  	_ =	swait.eq @p0 [sflag:s6], $0x1  }
0xb4: {  	[sflag:s6] =	ssyncadd.s32 @p0 $0xFFFFFFFF  }
0xb5: {  	s7 =	sshll.u32 @!p0 s1, $0xE  }
0xb6: {  	s7 =	sor.u32 @!p0 $0x4000, s7;
	s6 =	simm.s32 @!p0 $0x1B8D  }
0xb7: {  	s5 =	sshll.u32 @!p0 s5, $0x11;
	s7 =	sadd.s32 @!p0 $0x11B8D, s7;
	_ =	swait.eq @!p0 [sflag:s6], $0x1  }
0xb8: {  	s5 =	sor.u32 @!p0 s5, s7;
	[sflag:s6] =	ssyncadd.s32 @!p0 $0xFFFFFFFF  }
0xb9: {  	s25 =	simm.s32 $0x1B8E;
	s24 =	sld [smem:$0x3FFE];
	[sflag:s5] =	ssyncadd.remote.s32 @!p0 $0x1  }
0xba: {  	s26 =	simm.s32 $execute0_lowered;
	[smem:$0x3FD2] =	sst s25  }
0xbb: {  	s6 =	sshll.u32 s26, $0x1;
	_ =	strace $0x80000049;
	[dreg:$0x1] =	wrdreg $0xFFFFFFFF  }
0xbc: {  	s28 =	simm.s32 $_size_execute0_lowered;
	s4 =	sadd.s32 s4, s6;
	[dreg:$0x0] =	wrdreg $0x0  }
0xbd: {  	s6 =	sshll.u32 s28, $0x1;
	[dreg:$0x2] =	wrdreg s4  }
0xbe: {  	[dreg:$0x3] =	wrdreg s6  }
0xbf: {  	[dreg:$0x4] =	wrdreg $0xC0  }
0xc0: {  	_ =	task [dreg:s22], $0x5FFFF  }
0xc1: {  	[dreg:$0x1] =	wrdreg $0xFFFFFFFF  }
0xc2: {  	[dreg:$0x0] =	wrdreg $0x60  }
0xc3: {  	[dreg:$0x2] =	wrdreg s24  }
0xc4: {  	[dreg:$0x3] =	wrdreg s17  }
0xc5: {  	[dreg:$0x4] =	wrdreg $0x9  }
0xc6: {  	_ =	task.clear_ibuf [dreg:s22], $0x5FFFF;
	_ =	strace $0x90000049  }
0xc7: {  	s29 =	simm.s32 $0x9;
	_ =	strace $0x8000004B  }
0xc8: {  	_ =	swait.ge [sflag:s29], $0x1  }
0xc9: {  	[sflag:s29] =	ssyncadd.s32 $0xFFFFFFFF  }
0xca: {  	_ =	strace $0x9000004B  }
0xcb: {  	_ =	sfence  }
0xcc: {  	s30 =	sld [smem:$0x0];
	_ =	sdelay $0x2  }
0xcd: {  	s31 =	sshll.u32 s1, $0xD;
	s1 =	sshrl.u32 s1, $0x2  }
0xce: {  	s4 =	sand.u32 $0x4000, s31;
	s1 =	sadd.s32 s1, s30  }
0xcf: {  	s0 =	sor.u32 s4, s0;
	s1 =	sshll.u32 s1, $0x11  }
0xd0: {  	s0 =	sor.u32 s1, s0  }
0xd1: {  	s0 =	sadd.s32 $0x8F2B, s0  }
0xd2: {  	[sflag:s0] =	ssyncadd.remote.s32 $0x1  }
0xd3: {  	_ =	sfence.sel $0xFFFF  }
0xd4: {  	[dreg:$0x0] =	wrdreg $0xFFFFFFFF;
	(pc) =	sbr.abs _section_cstart, $3  }
0xd5: {  	[dreg:$0x1] =	wrdreg $0xFFFFFFFF  }
0xd6: {  	_ =	task.clear_ibuf [dreg:s22], $0x2FFFF;
	_ =	strace $0x9FFFFFFF  }
0xd7: {  	(tm) =	ssettm $0x7FFFFFFF  }
tec
execute0_lowered:
.L_overlay_start_1:
0x0: {  	(tag) =	ssettag $0x1  }
0x1: {  	v0 =	vimm.s32 $0xFEDCBA9;
	s4 =	rddreg [dreg:$0x0];
	v3 =	vimm.s32 $0x10FEDCBA;
	v4 =	vimm.s32 $0x98765432  }
0x2: {  	s6 =	rddreg [dreg:$0x1];
	v5 =	vimm.s32 $0x3210FEDC;
	v6 =	vimm.s32 $0xBA987654;
	v7 =	vimm.s32 $0xFEDCBA98  }
0x3: {  	s0 =	rddreg [dreg:$0x2];
	s2 =	simm.s32 $0x0;
	v8 =	vimm.s32 $0x76543210;
	v1 =	vunpack.c.l.s4.s8 v0;
	v0 =	vimm.s32 $0x87654321  }
0x4: {  	s3 =	srdreg.scid;
	s1 =	stileid.u32;
	s10 =	simm.s32 $0x2100;
	v3 =	vunpack.c.l.s4.s8 v3;
	v4 =	vunpack.c.l.s4.s8 v4;
	v5 =	vunpack.c.l.s4.s8 v5  }
0x5: {  	s11 =	simm.s32 $0x1;
	s12 =	simm.s32 $0x4200;
	s13 =	simm.s32 $0x2;
	v6 =	vunpack.c.l.s4.s8 v6;
	v7 =	vunpack.c.l.s4.s8 v7;
	v2 =	vunpack.c.l.s4.s8 v0  }
0x6: {  	s14 =	simm.s32 $0x0;
	[smem:$0x7FF] =	sst s2;
	s3 =	sand.u32 $0x1, s3;
	v8 =	vunpack.c.l.s4.s8 v8;
	v0 =	vlaneseq.u32;
	v1 =	vunpack.c.0.s8.s32 v1  }
.Ltmp0:
0x7: {  	s5 =	sshll.u32 s1, $0x1;
	_ =	strace $0x8000004A;
	v3 =	vunpack.c.0.s8.s32 v3;
	v4 =	vunpack.c.0.s8.s32 v4;
	v2 =	vunpack.c.0.s8.s32 v2;
	(pc) =	sbr.rel .LBB2_1-.Ltmp0, $4  }
0x8: {  	s7 =	ssub.s32 $0x2, s3;
	s5 =	sor.u32 s3, s5;
	s3 =	sadd.s32 $0x76C00, s4;
	v5 =	vunpack.c.0.s8.s32 v5;
	v6 =	vunpack.c.0.s8.s32 v6;
	v7 =	vunpack.c.0.s8.s32 v7  }
0x9: {  	s4 =	sadd.s32 $0x3400, s4;
	s8 =	sshrl.u32 s7, $0x1;
	s9 =	smul.u32 $0x1A, s5;
	v9 =	vmul.u32 $0xFFFFFFFF, v0;
	v8 =	vunpack.c.0.s8.s32 v8;
	v1 =	vcombine.low v2, v1  }
0xa: {  	s5 =	smul.u32 $0xD, s5;
	s7 =	ssub.s32 s7, s8;
	s8 =	simm.s32 $0x80;
	v2 =	vcombine.low v4, v3;
	v3 =	vcombine.low v6, v5;
	v5 =	vand.u32 $0xF, v7  }
0xb: {  	s6 =	sadd.s32 s6, s9;
	s7 =	smax.u32 s7, $0x1;
	s9 =	simm.s32 $0x400;
	v4 =	vadd.s32 $0xF, v9;
	v6 =	vimm.f32 $3.000000010e+38;
	v5 =	vcombine.low v5, v8  }
.LBB2_23:
0xc: {  	s14 =	sadd.s32 $0x1, s14  }
0xd: {  	p0 =	sne.s32 s14, s7  }
.Ltmp1:
0xe: {  	_ = 	snop;
	(pc) =	sbr.rel @!p0 .LBB2_24-.Ltmp1, $4  }
0xf: {  	[hbm4b:s6+s2] =	stream.linear.scatter [tilespmem:s12], [sflag:$0x2], $0xD0, $0x38;
	[tilespmem:$0x4680] =	vst v63  }
0x10: {  	_ =	swait.ge [sflag:s13], $0xD0  }
0x11: {  	[sflag:s13] =	ssyncset.done $0x0  }
0x12: {  	[sflag:s13] =	ssyncadd.s32 $0xFFFFFF30  }
.LBB2_1:
.Ltmp2:
0x13: {  	(pc) =	sbr.rel .LBB2_2-.Ltmp2, $2  }
0x14: {  	_ =	sdelay $0x2  }
0x15: {  	s15 =	simm.s32 $0x0  }
.LBB2_21:
0x16: {  	v7 =	vtrunc.f32 v7  }
0x17: {  	v7 =	vcvt.f32.s32 v7;
	_ =	sdelay $0x1  }
0x18: {  	vm0 =	vgt.s32 v7, $0x1  }
0x19: {  	v7 =	vnsel vm0, $0x1, v7  }
0x1a: {  	s16 =	sshll.u32 s15, $0x4;
	vm0 =	vgt.u32 v7, v0  }
0x1b: {  	s16 =	sand.u32 $0x3FFFFFF0, s16;
	v7 =	vnsel vm0, $0xFFFFFFFF, v8  }
0x1c: {  	[tilespmem:s16+$0x4200] =	vst v7  }
.LBB2_22:
0x1d: {  	s15 =	sadd.s32 $0x1, s15  }
0x1e: {  	p0 =	sne.s32 s15, $0xD  }
.Ltmp3:
0x1f: {  	_ = 	snop;
	(pc) =	sbr.rel @!p0 .LBB2_23-.Ltmp3, $1  }
0x20: {  	_ =	sdelay $0x3  }
.LBB2_2:
0x21: {  	s16 =	sadd.s32 s5, s15  }
0x22: {  	p0 =	sgt.u32 s16, $0x18F  }
.Ltmp4:
0x23: {  	_ = 	snop;
	(pc) =	sbr.rel @p0 .LBB2_22-.Ltmp4, $1  }
0x24: {  	_ =	sdelay $0x3  }
0x25: {  	s17 =	sshrl.u32 s16, $0x3  }
0x26: {  	s28 =	sshll.u32 s16, $0x7;
	s17 =	smul.u32 $0x10800, s17  }
0x27: {  	s16 =	sand.u32 $0x380, s28  }
0x28: {  	s16 =	sor.u32 s16, s17  }
0x29: {  	s16 =	sshrl.u32 s16, $0x3  }
0x2a: {  	s18 =	simm.s32 $0x0;
	s29 =	sadd.s32 s3, s16  }
0x2b: {  	[tilespmem:s18], [sflag:$0x1] =	stream.strided.gather [hbm4b:s29+s8], $0x2100, s9, s8, $0x38;
	[tilespmem:$0x4680] =	vst v63  }
0x2c: {  	s16 =	sadd.s32 s4, s16  }
0x2d: {  	[tilespmem:s10], [sflag:$0x1] =	stream.strided.gather [hbm4b:s16+s8], $0x2100, s9, s8, $0x38;
	[tilespmem:$0x4680] =	vst v63  }
0x2e: {  	_ =	swait.ge [sflag:s11], $0x2100  }
0x2f: {  	[sflag:s11] =	ssyncset.done $0x0  }
0x30: {  	[sflag:s11] =	ssyncadd.s32 $0xFFFFDF00  }
0x31: {  	_ =	swait.ge [sflag:s11], $0x2100  }
0x32: {  	[sflag:s11] =	ssyncset.done $0x0  }
0x33: {  	s30 =	simm.s32 $0x2170;
	[sflag:s11] =	ssyncadd.s32 $0xFFFFDF00  }
0x34: {  	v7 =	vld [tilespmem:s30+$0xFFFFFFA0]  }
0x35: {  	v8 =	vld [tilespmem:s30+$0xFFFFFF90]  }
0x36: {  	v9 =	vld [tilespmem:s30+$0xFFFFFFB0]  }
0x37: {  	v10 =	vld [tilespmem:s30+$0xFFFFFFC0]  }
0x38: {  	v11 =	vld [tilespmem:s30+$0xFFFFFFD0]  }
0x39: {  	v12 =	vld [tilespmem:s30+$0xFFFFFFE0]  }
0x3a: {  	v7 =	vmax.f32 v8, v7;
	v8 =	vld [tilespmem:s30+$0xFFFFFFF0]  }
0x3b: {  	s31 =	sand.u32 $0x3FF0, s18;
	v7 =	vmax.f32 v7, v9;
	v9 =	vld [tilespmem:s30+$0x0]  }
0x3c: {  	v7 =	vmax.f32 v7, v10;
	v10 =	vld [tilespmem:s31+$0x2180]  }
0x3d: {  	v7 =	vmax.f32 v7, v11;
	v11 =	vld [tilespmem:s30+$0x20]  }
0x3e: {  	v63 =	vld [tilespmem:s30+$0x30];
	v7 =	vmax.f32 v7, v12  }
0x3f: {  	v7 =	vmax.f32 v7, v8;
	v8 =	vld [tilespmem:s30+$0x40]  }
0x40: {  	v7 =	vmax.f32 v7, v9;
	v9 =	vld [tilespmem:s30+$0x50]  }
0x41: {  	v7 =	vmax.f32 v7, v10;
	v10 =	vld [tilespmem:s30+$0x60]  }
0x42: {  	v7 =	vmax.f32 v7, v11;
	v11 =	vld [tilespmem:s30+$0x70]  }
0x43: {  	v7 =	vmax.f32 v7, v63  }
0x44: {  	v7 =	vmax.f32 v7, v8  }
0x45: {  	v7 =	vmax.f32 v7, v9  }
0x46: {  	v7 =	vmax.f32 v7, v10  }
0x47: {  	s16 =	simm.s32 $0x4300;
	v7 =	vmax.f32 v7, v11  }
0x48: {  	s17 =	simm.s32 $0x2260;
	[tilespmem:s16+$0x0] =	vst v7  }
0x49: {  	v7 =	vld [tilespmem:s17+$0xFFFFFFA0]  }
0x4a: {  	s19 =	simm.s32 $0x1E0;
	s18 =	simm.s32 $0xF0;
	v8 =	vld [tilespmem:s17+$0xFFFFFF90]  }
.LBB2_4:
0x4b: {  	p0 =	sne.s32 s19, $0x1FE0;
	v9 =	vld [tilespmem:s17+$0xFFFFFFB0]  }
0x4c: {  	v10 =	vld [tilespmem:s17+$0xFFFFFFC0]  }
0x4d: {  	v11 =	vld [tilespmem:s17+$0xFFFFFFD0]  }
0x4e: {  	v12 =	vld [tilespmem:s17+$0xFFFFFFE0]  }
0x4f: {  	v7 =	vmax.f32 v8, v7;
	v8 =	vld [tilespmem:s17+$0xFFFFFFF0]  }
0x50: {  	s20 =	sand.u32 $0x3FF0, s18;
	s18 =	smov.u32 s19;
	v7 =	vmax.f32 v7, v9;
	v9 =	vld [tilespmem:s17+$0x0]  }
0x51: {  	v7 =	vmax.f32 v7, v10;
	v10 =	vld [tilespmem:s20+$0x2180]  }
0x52: {  	v7 =	vmax.f32 v7, v11;
	v11 =	vld [tilespmem:s17+$0x20]  }
0x53: {  	v7 =	vmax.f32 v7, v12;
	v12 =	vld [tilespmem:s17+$0x30]  }
0x54: {  	v7 =	vmax.f32 v7, v8;
	v8 =	vld [tilespmem:s17+$0x40]  }
0x55: {  	v7 =	vmax.f32 v7, v9;
	v9 =	vld [tilespmem:s17+$0x50]  }
0x56: {  	v7 =	vmax.f32 v7, v10;
	v10 =	vld [tilespmem:s17+$0x60]  }
0x57: {  	v7 =	vmax.f32 v7, v11;
	v11 =	vld [tilespmem:s17+$0x70]  }
0x58: {  	v7 =	vmax.f32 v7, v12  }
0x59: {  	v7 =	vmax.f32 v7, v8  }
0x5a: {  	v7 =	vmax.f32 v7, v9  }
.Ltmp5:
0x5b: {  	v7 =	vmax.f32 v7, v10;
	(pc) =	sbr.rel @p0 .LBB2_4-.Ltmp5, $4  }
0x5c: {  	s16 =	sadd.s32 $0x10, s16;
	v7 =	vmax.f32 v7, v11  }
0x5d: {  	s17 =	sadd.s32 $0xF0, s17;
	[tilespmem:s16+$0x0] =	vst v7  }
0x5e: {  	v7 =	vld [tilespmem:s17+$0xFFFFFFA0]  }
0x5f: {  	s19 =	sadd.s32 $0xF0, s19;
	v8 =	vld [tilespmem:s17+$0xFFFFFF90]  }
0x60: {  	v9 =	vld [tilespmem:s17+$0xFFFFFFB0]  }
0x61: {  	v10 =	vld [tilespmem:s17+$0xFFFFFFC0]  }
0x62: {  	v11 =	vld [tilespmem:s17+$0xFFFFFFD0]  }
0x63: {  	v12 =	vld [tilespmem:s17+$0xFFFFFFE0]  }
0x64: {  	v7 =	vmax.f32 v8, v7;
	v8 =	vld [tilespmem:s17+$0xFFFFFFF0]  }
0x65: {  	v57 =	vld [tilespmem:s17+$0x0];
	s18 =	sand.u32 $0x3FF0, s18;
	v7 =	vmax.f32 v7, v9  }
0x66: {  	v58 =	vld [tilespmem:s18+$0x2180];
	v7 =	vmax.f32 v7, v10  }
0x67: {  	v59 =	vld [tilespmem:s17+$0x20];
	v7 =	vmax.f32 v7, v11  }
0x68: {  	v60 =	vld [tilespmem:s17+$0x30];
	v7 =	vmax.f32 v7, v12  }
0x69: {  	v7 =	vmax.f32 v7, v8;
	v8 =	vld [tilespmem:s17+$0x40]  }
0x6a: {  	v61 =	vld [tilespmem:s17+$0x50];
	v7 =	vmax.f32 v7, v57  }
0x6b: {  	v62 =	vld [tilespmem:s17+$0x60];
	v7 =	vmax.f32 v7, v58  }
0x6c: {  	v63 =	vld [tilespmem:s17+$0x70];
	v7 =	vmax.f32 v7, v59  }
0x6d: {  	v7 =	vmax.f32 v7, v60  }
0x6e: {  	v7 =	vmax.f32 v7, v8  }
0x6f: {  	v7 =	vmax.f32 v7, v61  }
0x70: {  	v7 =	vmax.f32 v7, v62  }
0x71: {  	s16 =	sadd.s32 $0x10, s16;
	v7 =	vmax.f32 v7, v63  }
0x72: {  	s31 =	simm.s32 $0x0;
	[tilespmem:s16+$0x0] =	vst v7  }
0x73: {  	v8 =	vld [tilespmem:s31+$0x4300];
	_ =	sdelay $0x4  }
0x74: {  	(xrf1) =	vsort.ascd.msk.f32 $0xffff, v8, v8;
	_ =	sdelay $0xb  }
0x75: {  	s17 =	simm.s32 $0x10;
	v7 =	vimm.f32 $-1.000000000e+00;
	s16 =	simm.s32 $0x80  }
.LBB2_6:
0x76: {  	p0 =	sne.s32 s16, $0x880;
	v8 =	vld [tilespmem:s17+$0x4300];
	v7 =	vperm.xlane v7, v4  }
0x77: {  	v9, _, _ =	vpop (xrf1)  }
0x78: {  	v7 =	vmax.f32 v9, v7  }
0x79: {  	(xrf1) =	vsort.ascd.msk.f32 $0xffff, v7, v7;
	_ =	sdelay $0x1  }
0x7a: {  	(xrf1) =	vsort.ascd.msk.f32 $0xffff, v8, v8;
	_ =	sdelay $0x7  }
.Ltmp6:
0x7b: {  	(pc) =	sbr.rel @p0 .LBB2_6-.Ltmp6, $2  }
0x7c: {  	_ =	sdelay $0x2  }
0x7d: {  	s17 =	sshra.s32 s16, $0x2;
	s16 =	sadd.s32 $0x40, s16;
	v7, _, _ =	vpop (xrf1)  }
0x7e: {  	v8 =	vld [tilespmem:s17+$0x4300];
	v7 =	vperm.xlane v7, v4  }
0x7f: {  	v9, _, _ =	vpop (xrf1)  }
0x80: {  	v7 =	vmax.f32 v9, v7  }
0x81: {  	(xrf1) =	vsort.ascd.msk.f32 $0xffff, v7, v7;
	_ =	sdelay $0x1  }
0x82: {  	(xrf1) =	vsort.ascd.msk.f32 $0xffff, v8, v8;
	_ =	sdelay $0xb  }
0x83: {  	v7, _, _ =	vpop (xrf1)  }
0x84: {  	v7 =	vperm.xlane v7, v4  }
0x85: {  	v8, _, _ =	vpop (xrf1)  }
0x86: {  	v7 =	vmax.f32 v8, v7  }
0x87: {  	(xrf1) =	vsort.ascd.msk.f32 $0xffff, v7, v7;
	_ =	sdelay $0xd  }
0x88: {  	v7, _, _ =	vpop (xrf1)  }
0x89: {  	(v2sf) =	vpush v7, $0x3;
	_ =	sdelay $0xa  }
.Ltmp7:
0x8a: {  	_ = 	snop;
	(pc) =	sbr.rel .LBB2_8-.Ltmp7, $3  }
0x8b: {  	_ =	sdelay $0x1  }
0x8c: {  	s17 =	simm.s32 $0x0;
	v7 =	vimm.f32 $-1.000000000e+00  }
0x8d: {  	s18 =	simm.s32 $0x4300;
	s19 =	simm.s32 $0x2170;
	[tilespmem:$0x4580] =	vst v7;
	s16 =	spop (v2sf)  }
.LBB2_10:
0x8e: {  	s17 =	sadd.s32 $0xF0, s17  }
0x8f: {  	p0 =	sne.s32 s17, $0x20D0  }
.Ltmp8:
0x90: {  	_ = 	snop;
	(pc) =	sbr.rel @!p0 .LBB2_11-.Ltmp8, $2  }
0x91: {  	_ =	sdelay $0x2  }
0x92: {  	s18 =	sadd.s32 $0x10, s18;
	s19 =	sadd.s32 $0xF0, s19  }
.LBB2_8:
0x93: {  	v8 =	vld [tilespmem:s18+$0x0];
	_ =	sdelay $0x4  }
0x94: {  	v9 =	vperm.xlane v8, v1;
	_ =	sdelay $0x1  }
0x95: {  	v8 =	vmax.f32 v8, v9  }
0x96: {  	v9 =	vperm.xlane v8, v2;
	_ =	sdelay $0x1  }
0x97: {  	v8 =	vmax.f32 v8, v9  }
0x98: {  	v9 =	vperm.xlane v8, v3;
	_ =	sdelay $0x1  }
0x99: {  	v8 =	vmax.f32 v8, v9  }
0x9a: {  	v9 =	vperm.xlane v8, v5;
	_ =	sdelay $0x1  }
0x9b: {  	v8 =	vmax.f32 v8, v9  }
0x9c: {  	(v2sf) =	vpush v8, $0x0;
	_ =	sdelay $0xe  }
0x9d: {  	s20 =	spop (v2sf)  }
0x9e: {  	p0 =	sge.f32 s20, s16  }
.Ltmp9:
0x9f: {  	_ = 	snop;
	(pc) =	sbr.rel @!p0 .LBB2_10-.Ltmp9, $1  }
0xa0: {  	_ =	sdelay $0x3  }
0xa1: {  	v8 =	vld [tilespmem:s19+$0xFFFFFF90];
	_ =	sdelay $0x4  }
0xa2: {  	(xrf1) =	vsort.ascd.msk.f32 $0xffff, v8, v8;
	_ =	sdelay $0xc  }
0xa3: {  	v7 =	vperm.xlane v7, v4  }
0xa4: {  	v8, _, _ =	vpop (xrf1)  }
0xa5: {  	v7 =	vmax.f32 v8, v7  }
0xa6: {  	(xrf1) =	vsort.ascd.msk.f32 $0xffff, v7, v7;
	_ =	sdelay $0xd  }
0xa7: {  	v7, _, _ =	vpop (xrf1)  }
0xa8: {  	[tilespmem:$0x4580] =	vst v7  }
0xa9: {  	v8 =	vld [tilespmem:s19+$0xFFFFFFA0];
	_ =	sdelay $0x4  }
0xaa: {  	(xrf1) =	vsort.ascd.msk.f32 $0xffff, v8, v8;
	_ =	sdelay $0xc  }
0xab: {  	v7 =	vperm.xlane v7, v4  }
0xac: {  	v8, _, _ =	vpop (xrf1)  }
0xad: {  	v7 =	vmax.f32 v8, v7  }
0xae: {  	(xrf1) =	vsort.ascd.msk.f32 $0xffff, v7, v7;
	_ =	sdelay $0xd  }
0xaf: {  	v7, _, _ =	vpop (xrf1)  }
0xb0: {  	[tilespmem:$0x4580] =	vst v7  }
0xb1: {  	v8 =	vld [tilespmem:s19+$0xFFFFFFB0];
	_ =	sdelay $0x4  }
0xb2: {  	(xrf1) =	vsort.ascd.msk.f32 $0xffff, v8, v8;
	_ =	sdelay $0xc  }
0xb3: {  	v7 =	vperm.xlane v7, v4  }
0xb4: {  	v8, _, _ =	vpop (xrf1)  }
0xb5: {  	v7 =	vmax.f32 v8, v7  }
0xb6: {  	(xrf1) =	vsort.ascd.msk.f32 $0xffff, v7, v7;
	_ =	sdelay $0xd  }
0xb7: {  	v7, _, _ =	vpop (xrf1)  }
0xb8: {  	[tilespmem:$0x4580] =	vst v7  }
0xb9: {  	v8 =	vld [tilespmem:s19+$0xFFFFFFC0];
	_ =	sdelay $0x4  }
0xba: {  	(xrf1) =	vsort.ascd.msk.f32 $0xffff, v8, v8;
	_ =	sdelay $0xc  }
0xbb: {  	v7 =	vperm.xlane v7, v4  }
0xbc: {  	v8, _, _ =	vpop (xrf1)  }
0xbd: {  	v7 =	vmax.f32 v8, v7  }
0xbe: {  	(xrf1) =	vsort.ascd.msk.f32 $0xffff, v7, v7;
	_ =	sdelay $0xd  }
0xbf: {  	v7, _, _ =	vpop (xrf1)  }
0xc0: {  	[tilespmem:$0x4580] =	vst v7  }
0xc1: {  	v8 =	vld [tilespmem:s19+$0xFFFFFFD0];
	_ =	sdelay $0x4  }
0xc2: {  	(xrf1) =	vsort.ascd.msk.f32 $0xffff, v8, v8;
	_ =	sdelay $0xc  }
0xc3: {  	v7 =	vperm.xlane v7, v4  }
0xc4: {  	v8, _, _ =	vpop (xrf1)  }
0xc5: {  	v7 =	vmax.f32 v8, v7  }
0xc6: {  	(xrf1) =	vsort.ascd.msk.f32 $0xffff, v7, v7;
	_ =	sdelay $0xd  }
0xc7: {  	v7, _, _ =	vpop (xrf1)  }
0xc8: {  	[tilespmem:$0x4580] =	vst v7  }
0xc9: {  	v8 =	vld [tilespmem:s19+$0xFFFFFFE0];
	_ =	sdelay $0x4  }
0xca: {  	(xrf1) =	vsort.ascd.msk.f32 $0xffff, v8, v8;
	_ =	sdelay $0xc  }
0xcb: {  	v7 =	vperm.xlane v7, v4  }
0xcc: {  	v8, _, _ =	vpop (xrf1)  }
0xcd: {  	v7 =	vmax.f32 v8, v7  }
0xce: {  	(xrf1) =	vsort.ascd.msk.f32 $0xffff, v7, v7;
	_ =	sdelay $0xd  }
0xcf: {  	v7, _, _ =	vpop (xrf1)  }
0xd0: {  	[tilespmem:$0x4580] =	vst v7  }
0xd1: {  	v8 =	vld [tilespmem:s19+$0xFFFFFFF0];
	_ =	sdelay $0x4  }
0xd2: {  	(xrf1) =	vsort.ascd.msk.f32 $0xffff, v8, v8;
	_ =	sdelay $0xc  }
0xd3: {  	v7 =	vperm.xlane v7, v4  }
0xd4: {  	v8, _, _ =	vpop (xrf1)  }
0xd5: {  	v7 =	vmax.f32 v8, v7  }
0xd6: {  	(xrf1) =	vsort.ascd.msk.f32 $0xffff, v7, v7;
	_ =	sdelay $0xd  }
0xd7: {  	v7, _, _ =	vpop (xrf1)  }
0xd8: {  	[tilespmem:$0x4580] =	vst v7  }
0xd9: {  	v8 =	vld [tilespmem:s19+$0x0];
	_ =	sdelay $0x4  }
0xda: {  	(xrf1) =	vsort.ascd.msk.f32 $0xffff, v8, v8;
	_ =	sdelay $0xc  }
0xdb: {  	v7 =	vperm.xlane v7, v4  }
0xdc: {  	v8, _, _ =	vpop (xrf1)  }
0xdd: {  	v7 =	vmax.f32 v8, v7  }
0xde: {  	(xrf1) =	vsort.ascd.msk.f32 $0xffff, v7, v7;
	_ =	sdelay $0xd  }
0xdf: {  	v7, _, _ =	vpop (xrf1)  }
0xe0: {  	s20 =	sand.u32 $0x3FF0, s17;
	[tilespmem:$0x4580] =	vst v7  }
0xe1: {  	v8 =	vld [tilespmem:s20+$0x2180];
	_ =	sdelay $0x4  }
0xe2: {  	(xrf1) =	vsort.ascd.msk.f32 $0xffff, v8, v8;
	_ =	sdelay $0xc  }
0xe3: {  	v7 =	vperm.xlane v7, v4  }
0xe4: {  	v8, _, _ =	vpop (xrf1)  }
0xe5: {  	v7 =	vmax.f32 v8, v7  }
0xe6: {  	(xrf1) =	vsort.ascd.msk.f32 $0xffff, v7, v7;
	_ =	sdelay $0xd  }
0xe7: {  	v7, _, _ =	vpop (xrf1)  }
0xe8: {  	[tilespmem:$0x4580] =	vst v7  }
0xe9: {  	v8 =	vld [tilespmem:s19+$0x20];
	_ =	sdelay $0x4  }
0xea: {  	(xrf1) =	vsort.ascd.msk.f32 $0xffff, v8, v8;
	_ =	sdelay $0xc  }
0xeb: {  	v7 =	vperm.xlane v7, v4  }
0xec: {  	v8, _, _ =	vpop (xrf1)  }
0xed: {  	v7 =	vmax.f32 v8, v7  }
0xee: {  	(xrf1) =	vsort.ascd.msk.f32 $0xffff, v7, v7;
	_ =	sdelay $0xd  }
0xef: {  	v7, _, _ =	vpop (xrf1)  }
0xf0: {  	[tilespmem:$0x4580] =	vst v7  }
0xf1: {  	v8 =	vld [tilespmem:s19+$0x30];
	_ =	sdelay $0x4  }
0xf2: {  	(xrf1) =	vsort.ascd.msk.f32 $0xffff, v8, v8;
	_ =	sdelay $0xc  }
0xf3: {  	v7 =	vperm.xlane v7, v4  }
0xf4: {  	v8, _, _ =	vpop (xrf1)  }
0xf5: {  	v7 =	vmax.f32 v8, v7  }
0xf6: {  	(xrf1) =	vsort.ascd.msk.f32 $0xffff, v7, v7;
	_ =	sdelay $0xd  }
0xf7: {  	v7, _, _ =	vpop (xrf1)  }
0xf8: {  	[tilespmem:$0x4580] =	vst v7  }
0xf9: {  	v8 =	vld [tilespmem:s19+$0x40];
	_ =	sdelay $0x4  }
0xfa: {  	(xrf1) =	vsort.ascd.msk.f32 $0xffff, v8, v8;
	_ =	sdelay $0xc  }
0xfb: {  	v7 =	vperm.xlane v7, v4  }
0xfc: {  	v8, _, _ =	vpop (xrf1)  }
0xfd: {  	v7 =	vmax.f32 v8, v7  }
0xfe: {  	(xrf1) =	vsort.ascd.msk.f32 $0xffff, v7, v7;
	_ =	sdelay $0xd  }
0xff: {  	v7, _, _ =	vpop (xrf1)  }
0x100: {  	[tilespmem:$0x4580] =	vst v7  }
0x101: {  	v8 =	vld [tilespmem:s19+$0x50];
	_ =	sdelay $0x4  }
0x102: {  	(xrf1) =	vsort.ascd.msk.f32 $0xffff, v8, v8;
	_ =	sdelay $0xc  }
0x103: {  	v7 =	vperm.xlane v7, v4  }
0x104: {  	v8, _, _ =	vpop (xrf1)  }
0x105: {  	v7 =	vmax.f32 v8, v7  }
0x106: {  	(xrf1) =	vsort.ascd.msk.f32 $0xffff, v7, v7;
	_ =	sdelay $0xd  }
0x107: {  	v7, _, _ =	vpop (xrf1)  }
0x108: {  	[tilespmem:$0x4580] =	vst v7  }
0x109: {  	v8 =	vld [tilespmem:s19+$0x60];
	_ =	sdelay $0x4  }
0x10a: {  	(xrf1) =	vsort.ascd.msk.f32 $0xffff, v8, v8;
	_ =	sdelay $0xc  }
0x10b: {  	v7 =	vperm.xlane v7, v4  }
0x10c: {  	v8, _, _ =	vpop (xrf1)  }
0x10d: {  	v7 =	vmax.f32 v8, v7  }
0x10e: {  	(xrf1) =	vsort.ascd.msk.f32 $0xffff, v7, v7;
	_ =	sdelay $0xd  }
0x10f: {  	v7, _, _ =	vpop (xrf1)  }
0x110: {  	[tilespmem:$0x4580] =	vst v7  }
0x111: {  	v8 =	vld [tilespmem:s19+$0x70];
	_ =	sdelay $0x4  }
0x112: {  	(xrf1) =	vsort.ascd.msk.f32 $0xffff, v8, v8;
	_ =	sdelay $0xc  }
0x113: {  	v7 =	vperm.xlane v7, v4  }
0x114: {  	v8, _, _ =	vpop (xrf1)  }
0x115: {  	v7 =	vmax.f32 v8, v7  }
0x116: {  	(xrf1) =	vsort.ascd.msk.f32 $0xffff, v7, v7;
	_ =	sdelay $0xa  }
.Ltmp10:
0x117: {  	_ = 	snop;
	(pc) =	sbr.rel .LBB2_10-.Ltmp10, $3  }
0x118: {  	_ =	sdelay $0x1  }
0x119: {  	v7, _, _ =	vpop (xrf1)  }
0x11a: {  	[tilespmem:$0x4580] =	vst v7  }
.LBB2_11:
0x11b: {  	s16 =	simm.s32 $0x0  }
0x11c: {  	v8 =	vmov s16  }
0x11d: {  	v8 =	vsub.s32 $0xF, v8  }
0x11e: {  	v9 =	vbroadcast v8, $0x0;
	_ =	sdelay $0x1  }
0x11f: {  	s17 =	simm.s32 $0x1;
	v8 =	vimm.f32 $0.0e+00;
	v9 =	vperm.xlane v7, v9  }
.LBB2_12:
0x120: {  	p0 =	sne.s32 s17, $0xC  }
.Ltmp11:
0x121: {  	v10 =	vmov s17;
	s17 =	sadd.s32 $0x1, s17;
	v8 =	vadd.f32 v9, v8;
	(pc) =	sbr.rel @p0 .LBB2_12-.Ltmp11, $3  }
0x122: {  	v9 =	vsub.s32 $0xF, v10  }
0x123: {  	v9 =	vbroadcast v9, $0x0;
	_ =	sdelay $0x1  }
0x124: {  	v9 =	vperm.xlane v7, v9  }
0x125: {  	s17 =	simm.s32 $0x70  }
0x126: {  	v7 =	vld [tilespmem:s17+$0xFFFFFFA0]  }
0x127: {  	v10 =	vld [tilespmem:s17+$0xFFFFFF90]  }
0x128: {  	v11 =	vld [tilespmem:s17+$0xFFFFFFB0]  }
0x129: {  	v12 =	vld [tilespmem:s17+$0xFFFFFFC0]  }
0x12a: {  	v13 =	vld [tilespmem:s17+$0xFFFFFFD0]  }
0x12b: {  	v14 =	vld [tilespmem:s17+$0xFFFFFFE0]  }
0x12c: {  	v7 =	vmin.f32 v10, v7;
	v10 =	vld [tilespmem:s17+$0xFFFFFFF0]  }
0x12d: {  	s16 =	sand.u32 $0x3FF0, s16;
	v7 =	vmin.f32 v7, v11;
	v11 =	vld [tilespmem:s17+$0x0]  }
0x12e: {  	v59 =	vld [tilespmem:s16+$0x80];
	v7 =	vmin.f32 v7, v12  }
0x12f: {  	v60 =	vld [tilespmem:s17+$0x20];
	v7 =	vmin.f32 v7, v13  }
0x130: {  	v61 =	vld [tilespmem:s17+$0x30];
	v7 =	vmin.f32 v7, v14  }
0x131: {  	v7 =	vmin.f32 v7, v10;
	v10 =	vld [tilespmem:s17+$0x40]  }
0x132: {  	v7 =	vmin.f32 v7, v11;
	v11 =	vld [tilespmem:s17+$0x50]  }
0x133: {  	v62 =	vld [tilespmem:s17+$0x60];
	v7 =	vmin.f32 v7, v59  }
0x134: {  	v63 =	vld [tilespmem:s17+$0x70];
	v7 =	vmin.f32 v7, v60  }
0x135: {  	v7 =	vmin.f32 v7, v61  }
0x136: {  	v7 =	vmin.f32 v7, v10  }
0x137: {  	v7 =	vmin.f32 v7, v11  }
0x138: {  	v7 =	vmin.f32 v7, v62  }
0x139: {  	s16 =	simm.s32 $0x4300;
	v7 =	vmin.f32 v7, v63  }
0x13a: {  	s17 =	simm.s32 $0x160;
	[tilespmem:s16+$0x0] =	vst v7  }
0x13b: {  	v7 =	vadd.f32 v9, v8;
	v10 =	vld [tilespmem:s17+$0xFFFFFFA0]  }
0x13c: {  	s18 =	simm.s32 $0xF0;
	s19 =	simm.s32 $0x1E0;
	v8 =	vld [tilespmem:s17+$0xFFFFFF90]  }
.LBB2_14:
0x13d: {  	p0 =	sne.s32 s19, $0x1FE0;
	v9 =	vld [tilespmem:s17+$0xFFFFFFB0]  }
0x13e: {  	v11 =	vld [tilespmem:s17+$0xFFFFFFC0]  }
0x13f: {  	v12 =	vld [tilespmem:s17+$0xFFFFFFD0]  }
0x140: {  	v13 =	vld [tilespmem:s17+$0xFFFFFFE0]  }
0x141: {  	v8 =	vmin.f32 v8, v10;
	v10 =	vld [tilespmem:s17+$0xFFFFFFF0]  }
0x142: {  	s20 =	sand.u32 $0x3FF0, s18;
	s18 =	smov.u32 s19;
	v8 =	vmin.f32 v8, v9;
	v9 =	vld [tilespmem:s17+$0x0]  }
0x143: {  	v8 =	vmin.f32 v8, v11;
	v11 =	vld [tilespmem:s20+$0x80]  }
0x144: {  	v8 =	vmin.f32 v8, v12;
	v12 =	vld [tilespmem:s17+$0x20]  }
0x145: {  	v8 =	vmin.f32 v8, v13;
	v13 =	vld [tilespmem:s17+$0x30]  }
0x146: {  	v8 =	vmin.f32 v8, v10;
	v10 =	vld [tilespmem:s17+$0x40]  }
0x147: {  	v8 =	vmin.f32 v8, v9;
	v9 =	vld [tilespmem:s17+$0x50]  }
0x148: {  	v8 =	vmin.f32 v8, v11;
	v11 =	vld [tilespmem:s17+$0x60]  }
0x149: {  	v8 =	vmin.f32 v8, v12;
	v12 =	vld [tilespmem:s17+$0x70]  }
0x14a: {  	v8 =	vmin.f32 v8, v13  }
0x14b: {  	v8 =	vmin.f32 v8, v10  }
0x14c: {  	v8 =	vmin.f32 v8, v9  }
.Ltmp12:
0x14d: {  	v8 =	vmin.f32 v8, v11;
	(pc) =	sbr.rel @p0 .LBB2_14-.Ltmp12, $4  }
0x14e: {  	s16 =	sadd.s32 $0x10, s16;
	v8 =	vmin.f32 v8, v12  }
0x14f: {  	s17 =	sadd.s32 $0xF0, s17;
	[tilespmem:s16+$0x0] =	vst v8  }
0x150: {  	v10 =	vld [tilespmem:s17+$0xFFFFFFA0]  }
0x151: {  	s19 =	sadd.s32 $0xF0, s19;
	v8 =	vld [tilespmem:s17+$0xFFFFFF90]  }
0x152: {  	v9 =	vld [tilespmem:s17+$0xFFFFFFB0]  }
0x153: {  	v11 =	vld [tilespmem:s17+$0xFFFFFFC0]  }
0x154: {  	v12 =	vld [tilespmem:s17+$0xFFFFFFD0]  }
0x155: {  	v13 =	vld [tilespmem:s17+$0xFFFFFFE0]  }
0x156: {  	v8 =	vmin.f32 v8, v10;
	v10 =	vld [tilespmem:s17+$0xFFFFFFF0]  }
0x157: {  	s18 =	sand.u32 $0x3FF0, s18;
	v8 =	vmin.f32 v8, v9;
	v9 =	vld [tilespmem:s17+$0x0]  }
0x158: {  	v8 =	vmin.f32 v8, v11;
	v11 =	vld [tilespmem:s18+$0x80]  }
0x159: {  	v61 =	vld [tilespmem:s17+$0x20];
	v8 =	vmin.f32 v8, v12  }
0x15a: {  	v62 =	vld [tilespmem:s17+$0x30];
	v8 =	vmin.f32 v8, v13  }
0x15b: {  	v8 =	vmin.f32 v8, v10;
	v10 =	vld [tilespmem:s17+$0x40]  }
0x15c: {  	v8 =	vmin.f32 v8, v9;
	v9 =	vld [tilespmem:s17+$0x50]  }
0x15d: {  	v8 =	vmin.f32 v8, v11;
	v11 =	vld [tilespmem:s17+$0x60]  }
0x15e: {  	v63 =	vld [tilespmem:s17+$0x70];
	v8 =	vmin.f32 v8, v61  }
0x15f: {  	v8 =	vmin.f32 v8, v62  }
0x160: {  	v8 =	vmin.f32 v8, v10  }
0x161: {  	v8 =	vmin.f32 v8, v9  }
0x162: {  	v8 =	vmin.f32 v8, v11  }
0x163: {  	s16 =	sadd.s32 $0x10, s16;
	v8 =	vmin.f32 v8, v63  }
0x164: {  	s31 =	simm.s32 $0x0;
	[tilespmem:s16+$0x0] =	vst v8  }
0x165: {  	v9 =	vld [tilespmem:s31+$0x4300];
	_ =	sdelay $0x4  }
0x166: {  	(xrf1) =	vsort.ascd.msk.f32 $0xffff, v9, v9;
	_ =	sdelay $0xb  }
0x167: {  	s17 =	simm.s32 $0x10;
	v8 =	vimm.f32 $3.000000010e+38;
	s16 =	simm.s32 $0x80  }
.LBB2_16:
0x168: {  	p0 =	sne.s32 s16, $0x880;
	v9 =	vld [tilespmem:s17+$0x4300];
	v8 =	vperm.xlane v8, v4  }
0x169: {  	v10, _, _ =	vpop (xrf1)  }
0x16a: {  	v8 =	vmin.f32 v10, v8  }
0x16b: {  	(xrf1) =	vsort.ascd.msk.f32 $0xffff, v8, v8;
	_ =	sdelay $0x1  }
0x16c: {  	(xrf1) =	vsort.ascd.msk.f32 $0xffff, v9, v9;
	_ =	sdelay $0x7  }
.Ltmp13:
0x16d: {  	(pc) =	sbr.rel @p0 .LBB2_16-.Ltmp13, $2  }
0x16e: {  	_ =	sdelay $0x2  }
0x16f: {  	s17 =	sshra.s32 s16, $0x2;
	s16 =	sadd.s32 $0x40, s16;
	v8, _, _ =	vpop (xrf1)  }
0x170: {  	v9 =	vld [tilespmem:s17+$0x4300];
	v8 =	vperm.xlane v8, v4  }
0x171: {  	v10, _, _ =	vpop (xrf1)  }
0x172: {  	v8 =	vmin.f32 v10, v8  }
0x173: {  	(xrf1) =	vsort.ascd.msk.f32 $0xffff, v8, v8;
	_ =	sdelay $0x1  }
0x174: {  	(xrf1) =	vsort.ascd.msk.f32 $0xffff, v9, v9;
	_ =	sdelay $0xb  }
0x175: {  	v8, _, _ =	vpop (xrf1)  }
0x176: {  	v8 =	vperm.xlane v8, v4  }
0x177: {  	v9, _, _ =	vpop (xrf1)  }
0x178: {  	v8 =	vmin.f32 v9, v8  }
0x179: {  	(xrf1) =	vsort.ascd.msk.f32 $0xffff, v8, v8;
	_ =	sdelay $0xd  }
0x17a: {  	v8, _, _ =	vpop (xrf1)  }
0x17b: {  	(v2sf) =	vpush v8, $0xC;
	_ =	sdelay $0xa  }
.Ltmp14:
0x17c: {  	_ = 	snop;
	(pc) =	sbr.rel .LBB2_18-.Ltmp14, $3  }
0x17d: {  	_ =	sdelay $0x1  }
0x17e: {  	[tilespmem:$0x4580] =	vst v6;
	s17 =	simm.s32 $0x4300;
	v8 =	vimm.s32 $0xFFFFFFFF  }
0x17f: {  	s18 =	simm.s32 $0xE0;
	s19 =	simm.s32 $0x70;
	[tilespmem:$0x4600] =	vst v8;
	s16 =	spop (v2sf)  }
.LBB2_20:
0x180: {  	s18 =	sadd.s32 $0xF0, s18  }
0x181: {  	p0 =	sne.s32 s18, $0x21B0  }
.Ltmp15:
0x182: {  	_ = 	snop;
	(pc) =	sbr.rel @!p0 .LBB2_21-.Ltmp15, $2  }
0x183: {  	_ =	sdelay $0x2  }
0x184: {  	s17 =	sadd.s32 $0x10, s17;
	s19 =	sadd.s32 $0xF0, s19  }
.LBB2_18:
0x185: {  	v9 =	vld [tilespmem:s17+$0x0];
	_ =	sdelay $0x4  }
0x186: {  	v10 =	vperm.xlane v9, v1;
	_ =	sdelay $0x1  }
0x187: {  	v9 =	vmin.f32 v9, v10  }
0x188: {  	v10 =	vperm.xlane v9, v2;
	_ =	sdelay $0x1  }
0x189: {  	v9 =	vmin.f32 v9, v10  }
0x18a: {  	v10 =	vperm.xlane v9, v3;
	_ =	sdelay $0x1  }
0x18b: {  	v9 =	vmin.f32 v9, v10  }
0x18c: {  	v10 =	vperm.xlane v9, v5;
	_ =	sdelay $0x1  }
0x18d: {  	v9 =	vmin.f32 v9, v10  }
0x18e: {  	(v2sf) =	vpush v9, $0x0;
	_ =	sdelay $0xe  }
0x18f: {  	s20 =	spop (v2sf)  }
0x190: {  	p0 =	sle.f32 s20, s16  }
.Ltmp16:
0x191: {  	_ = 	snop;
	(pc) =	sbr.rel @!p0 .LBB2_20-.Ltmp16, $1  }
0x192: {  	_ =	sdelay $0x3  }
0x193: {  	v9 =	vld [tilespmem:s19+$0xFFFFFF90];
	_ =	sdelay $0x2  }
0x194: {  	s20 =	sadd.s32 $0xFFFFFF20, s18  }
0x195: {  	v10 =	vor.u32 s20, v0  }
0x196: {  	(xrf1) =	vsort.ascd.msk.f32 $0xffff, v9, v10;
	_ =	sdelay $0x7  }
0x197: {  	v9 =	vld [tilespmem:$0x4580];
	_ =	sdelay $0x4  }
0x198: {  	v9 =	vperm.xlane v9, v4  }
0x199: {  	v8 =	vperm.xlane v8, v4;
	v10, v11, _ =	vpop (xrf1)  }
0x19a: {  	vm0 =	vle.f32 v10, v9  }
0x19b: {  	v9 =	vsel vm0, v10, v9;
	v8 =	vsel vm0, v11, v8  }
0x19c: {  	(xrf1) =	vsort.ascd.msk.f32 $0xffff, v9, v8;
	_ =	sdelay $0xd  }
0x19d: {  	v8, v9, _ =	vpop (xrf1)  }
0x19e: {  	[tilespmem:$0x4580] =	vst v8  }
0x19f: {  	[tilespmem:$0x4600] =	vst v9  }
0x1a0: {  	v8 =	vld [tilespmem:s19+$0xFFFFFFA0];
	_ =	sdelay $0x2  }
0x1a1: {  	s21 =	sadd.s32 $0xFFFFFF30, s18  }
0x1a2: {  	v10 =	vor.u32 s21, v0  }
0x1a3: {  	(xrf1) =	vsort.ascd.msk.f32 $0xffff, v8, v10;
	_ =	sdelay $0x7  }
0x1a4: {  	v8 =	vld [tilespmem:$0x4580];
	_ =	sdelay $0x4  }
0x1a5: {  	v8 =	vperm.xlane v8, v4  }
0x1a6: {  	v9 =	vperm.xlane v9, v4;
	v10, v11, _ =	vpop (xrf1)  }
0x1a7: {  	vm14 =	vle.f32 v10, v8  }
0x1a8: {  	v8 =	vsel vm14, v10, v8;
	v9 =	vsel vm14, v11, v9  }
0x1a9: {  	(xrf1) =	vsort.ascd.msk.f32 $0xffff, v8, v9;
	_ =	sdelay $0xd  }
0x1aa: {  	v8, v9, _ =	vpop (xrf1)  }
0x1ab: {  	[tilespmem:$0x4580] =	vst v8  }
0x1ac: {  	[tilespmem:$0x4600] =	vst v9  }
0x1ad: {  	v8 =	vld [tilespmem:s19+$0xFFFFFFB0];
	_ =	sdelay $0x2  }
0x1ae: {  	s29 =	sadd.s32 $0xFFFFFF40, s18  }
0x1af: {  	v10 =	vor.u32 s29, v0  }
0x1b0: {  	(xrf1) =	vsort.ascd.msk.f32 $0xffff, v8, v10;
	_ =	sdelay $0x7  }
0x1b1: {  	v8 =	vld [tilespmem:$0x4580];
	_ =	sdelay $0x4  }
0x1b2: {  	v8 =	vperm.xlane v8, v4  }
0x1b3: {  	v9 =	vperm.xlane v9, v4;
	v10, v11, _ =	vpop (xrf1)  }
0x1b4: {  	vm15 =	vle.f32 v10, v8  }
0x1b5: {  	v8 =	vsel vm15, v10, v8;
	v9 =	vsel vm15, v11, v9  }
0x1b6: {  	(xrf1) =	vsort.ascd.msk.f32 $0xffff, v8, v9;
	_ =	sdelay $0xd  }
0x1b7: {  	v8, v9, _ =	vpop (xrf1)  }
0x1b8: {  	[tilespmem:$0x4580] =	vst v8  }
0x1b9: {  	[tilespmem:$0x4600] =	vst v9  }
0x1ba: {  	v8 =	vld [tilespmem:s19+$0xFFFFFFC0];
	_ =	sdelay $0x2  }
0x1bb: {  	s30 =	sadd.s32 $0xFFFFFF50, s18  }
0x1bc: {  	v10 =	vor.u32 s30, v0  }
0x1bd: {  	(xrf1) =	vsort.ascd.msk.f32 $0xffff, v8, v10;
	_ =	sdelay $0x7  }
0x1be: {  	v8 =	vld [tilespmem:$0x4580];
	_ =	sdelay $0x4  }
0x1bf: {  	v8 =	vperm.xlane v8, v4  }
0x1c0: {  	v9 =	vperm.xlane v9, v4;
	v10, v11, _ =	vpop (xrf1)  }
0x1c1: {  	vm4 =	vle.f32 v10, v8  }
0x1c2: {  	v8 =	vsel vm4, v10, v8;
	v9 =	vsel vm4, v11, v9  }
0x1c3: {  	(xrf1) =	vsort.ascd.msk.f32 $0xffff, v8, v9;
	_ =	sdelay $0xd  }
0x1c4: {  	v8, v9, _ =	vpop (xrf1)  }
0x1c5: {  	[tilespmem:$0x4580] =	vst v8  }
0x1c6: {  	[tilespmem:$0x4600] =	vst v9  }
0x1c7: {  	v8 =	vld [tilespmem:s19+$0xFFFFFFD0];
	_ =	sdelay $0x2  }
0x1c8: {  	s31 =	sadd.s32 $0xFFFFFF60, s18  }
0x1c9: {  	v10 =	vor.u32 s31, v0  }
0x1ca: {  	(xrf1) =	vsort.ascd.msk.f32 $0xffff, v8, v10;
	_ =	sdelay $0x7  }
0x1cb: {  	v8 =	vld [tilespmem:$0x4580];
	_ =	sdelay $0x4  }
0x1cc: {  	v8 =	vperm.xlane v8, v4  }
0x1cd: {  	v9 =	vperm.xlane v9, v4;
	v10, v11, _ =	vpop (xrf1)  }
0x1ce: {  	vm5 =	vle.f32 v10, v8  }
0x1cf: {  	v8 =	vsel vm5, v10, v8;
	v9 =	vsel vm5, v11, v9  }
0x1d0: {  	(xrf1) =	vsort.ascd.msk.f32 $0xffff, v8, v9;
	_ =	sdelay $0xd  }
0x1d1: {  	v8, v9, _ =	vpop (xrf1)  }
0x1d2: {  	[tilespmem:$0x4580] =	vst v8  }
0x1d3: {  	[tilespmem:$0x4600] =	vst v9  }
0x1d4: {  	v8 =	vld [tilespmem:s19+$0xFFFFFFE0];
	_ =	sdelay $0x2  }
0x1d5: {  	s22 =	sadd.s32 $0xFFFFFF70, s18  }
0x1d6: {  	v10 =	vor.u32 s22, v0  }
0x1d7: {  	(xrf1) =	vsort.ascd.msk.f32 $0xffff, v8, v10;
	_ =	sdelay $0x7  }
0x1d8: {  	v8 =	vld [tilespmem:$0x4580];
	_ =	sdelay $0x4  }
0x1d9: {  	v8 =	vperm.xlane v8, v4  }
0x1da: {  	v9 =	vperm.xlane v9, v4;
	v10, v11, _ =	vpop (xrf1)  }
0x1db: {  	vm6 =	vle.f32 v10, v8  }
0x1dc: {  	v8 =	vsel vm6, v10, v8;
	v9 =	vsel vm6, v11, v9  }
0x1dd: {  	(xrf1) =	vsort.ascd.msk.f32 $0xffff, v8, v9;
	_ =	sdelay $0xd  }
0x1de: {  	v8, v9, _ =	vpop (xrf1)  }
0x1df: {  	[tilespmem:$0x4580] =	vst v8  }
0x1e0: {  	[tilespmem:$0x4600] =	vst v9  }
0x1e1: {  	v8 =	vld [tilespmem:s19+$0xFFFFFFF0];
	_ =	sdelay $0x2  }
0x1e2: {  	s23 =	sadd.s32 $0xFFFFFF80, s18  }
0x1e3: {  	v10 =	vor.u32 s23, v0  }
0x1e4: {  	(xrf1) =	vsort.ascd.msk.f32 $0xffff, v8, v10;
	_ =	sdelay $0x7  }
0x1e5: {  	v8 =	vld [tilespmem:$0x4580];
	_ =	sdelay $0x4  }
0x1e6: {  	v8 =	vperm.xlane v8, v4  }
0x1e7: {  	v9 =	vperm.xlane v9, v4;
	v10, v11, _ =	vpop (xrf1)  }
0x1e8: {  	vm7 =	vle.f32 v10, v8  }
0x1e9: {  	v8 =	vsel vm7, v10, v8;
	v9 =	vsel vm7, v11, v9  }
0x1ea: {  	(xrf1) =	vsort.ascd.msk.f32 $0xffff, v8, v9;
	_ =	sdelay $0xd  }
0x1eb: {  	v8, v9, _ =	vpop (xrf1)  }
0x1ec: {  	[tilespmem:$0x4580] =	vst v8  }
0x1ed: {  	[tilespmem:$0x4600] =	vst v9  }
0x1ee: {  	v8 =	vld [tilespmem:s19+$0x0];
	_ =	sdelay $0x2  }
0x1ef: {  	s24 =	sadd.s32 $0xFFFFFF90, s18  }
0x1f0: {  	v10 =	vor.u32 s24, v0  }
0x1f1: {  	(xrf1) =	vsort.ascd.msk.f32 $0xffff, v8, v10;
	_ =	sdelay $0x7  }
0x1f2: {  	v8 =	vld [tilespmem:$0x4580];
	_ =	sdelay $0x4  }
0x1f3: {  	v8 =	vperm.xlane v8, v4  }
0x1f4: {  	v9 =	vperm.xlane v9, v4;
	v10, v11, _ =	vpop (xrf1)  }
0x1f5: {  	vm8 =	vle.f32 v10, v8  }
0x1f6: {  	v8 =	vsel vm8, v10, v8;
	v9 =	vsel vm8, v11, v9  }
0x1f7: {  	(xrf1) =	vsort.ascd.msk.f32 $0xffff, v8, v9;
	_ =	sdelay $0xd  }
0x1f8: {  	s25 =	sadd.s32 $0xFFFFFFA0, s18;
	v8, v9, _ =	vpop (xrf1)  }
0x1f9: {  	s20 =	sand.u32 $0x70, s20;
	s22 =	sand.u32 $0x7F80, s25;
	[tilespmem:$0x4580] =	vst v8  }
0x1fa: {  	s20 =	sor.u32 s20, s22;
	[tilespmem:$0x4600] =	vst v9  }
0x1fb: {  	v8 =	vld [tilespmem:s20+$0x0];
	_ =	sdelay $0x3  }
0x1fc: {  	v10 =	vor.u32 s25, v0  }
0x1fd: {  	(xrf1) =	vsort.ascd.msk.f32 $0xffff, v8, v10;
	_ =	sdelay $0x7  }
0x1fe: {  	v8 =	vld [tilespmem:$0x4580];
	_ =	sdelay $0x4  }
0x1ff: {  	v8 =	vperm.xlane v8, v4  }
0x200: {  	v9 =	vperm.xlane v9, v4;
	v10, v11, _ =	vpop (xrf1)  }
0x201: {  	vm9 =	vle.f32 v10, v8  }
0x202: {  	v8 =	vsel vm9, v10, v8;
	v9 =	vsel vm9, v11, v9  }
0x203: {  	(xrf1) =	vsort.ascd.msk.f32 $0xffff, v8, v9;
	_ =	sdelay $0xd  }
0x204: {  	v8, v9, _ =	vpop (xrf1)  }
0x205: {  	[tilespmem:$0x4580] =	vst v8  }
0x206: {  	[tilespmem:$0x4600] =	vst v9  }
0x207: {  	v8 =	vld [tilespmem:s19+$0x20];
	_ =	sdelay $0x2  }
0x208: {  	s26 =	sadd.s32 $0xFFFFFFB0, s18  }
0x209: {  	v10 =	vor.u32 s26, v0  }
0x20a: {  	(xrf1) =	vsort.ascd.msk.f32 $0xffff, v8, v10;
	_ =	sdelay $0x7  }
0x20b: {  	v8 =	vld [tilespmem:$0x4580];
	_ =	sdelay $0x4  }
0x20c: {  	v8 =	vperm.xlane v8, v4  }
0x20d: {  	v9 =	vperm.xlane v9, v4;
	v10, v11, _ =	vpop (xrf1)  }
0x20e: {  	vm10 =	vle.f32 v10, v8  }
0x20f: {  	v8 =	vsel vm10, v10, v8;
	v9 =	vsel vm10, v11, v9  }
0x210: {  	(xrf1) =	vsort.ascd.msk.f32 $0xffff, v8, v9;
	_ =	sdelay $0xd  }
0x211: {  	v8, v9, _ =	vpop (xrf1)  }
0x212: {  	[tilespmem:$0x4580] =	vst v8  }
0x213: {  	[tilespmem:$0x4600] =	vst v9  }
0x214: {  	v8 =	vld [tilespmem:s19+$0x30];
	_ =	sdelay $0x2  }
0x215: {  	s28 =	sadd.s32 $0xFFFFFFC0, s18  }
0x216: {  	v10 =	vor.u32 s28, v0  }
0x217: {  	(xrf1) =	vsort.ascd.msk.f32 $0xffff, v8, v10;
	_ =	sdelay $0x7  }
0x218: {  	v8 =	vld [tilespmem:$0x4580];
	_ =	sdelay $0x4  }
0x219: {  	v8 =	vperm.xlane v8, v4  }
0x21a: {  	v9 =	vperm.xlane v9, v4;
	v10, v11, _ =	vpop (xrf1)  }
0x21b: {  	vm11 =	vle.f32 v10, v8  }
0x21c: {  	v8 =	vsel vm11, v10, v8;
	v9 =	vsel vm11, v11, v9  }
0x21d: {  	(xrf1) =	vsort.ascd.msk.f32 $0xffff, v8, v9;
	_ =	sdelay $0xd  }
0x21e: {  	v8, v9, _ =	vpop (xrf1)  }
0x21f: {  	[tilespmem:$0x4580] =	vst v8  }
0x220: {  	[tilespmem:$0x4600] =	vst v9  }
0x221: {  	v8 =	vld [tilespmem:s19+$0x40];
	_ =	sdelay $0x2  }
0x222: {  	s29 =	sadd.s32 $0xFFFFFFD0, s18  }
0x223: {  	v10 =	vor.u32 s29, v0  }
0x224: {  	(xrf1) =	vsort.ascd.msk.f32 $0xffff, v8, v10;
	_ =	sdelay $0x7  }
0x225: {  	v8 =	vld [tilespmem:$0x4580];
	_ =	sdelay $0x4  }
0x226: {  	v8 =	vperm.xlane v8, v4  }
0x227: {  	v9 =	vperm.xlane v9, v4;
	v10, v11, _ =	vpop (xrf1)  }
0x228: {  	vm12 =	vle.f32 v10, v8  }
0x229: {  	v8 =	vsel vm12, v10, v8;
	v9 =	vsel vm12, v11, v9  }
0x22a: {  	(xrf1) =	vsort.ascd.msk.f32 $0xffff, v8, v9;
	_ =	sdelay $0xd  }
0x22b: {  	v8, v9, _ =	vpop (xrf1)  }
0x22c: {  	[tilespmem:$0x4580] =	vst v8  }
0x22d: {  	[tilespmem:$0x4600] =	vst v9  }
0x22e: {  	v8 =	vld [tilespmem:s19+$0x50];
	_ =	sdelay $0x2  }
0x22f: {  	s30 =	sadd.s32 $0xFFFFFFE0, s18  }
0x230: {  	v10 =	vor.u32 s30, v0  }
0x231: {  	(xrf1) =	vsort.ascd.msk.f32 $0xffff, v8, v10;
	_ =	sdelay $0x7  }
0x232: {  	v8 =	vld [tilespmem:$0x4580];
	_ =	sdelay $0x4  }
0x233: {  	v8 =	vperm.xlane v8, v4  }
0x234: {  	v9 =	vperm.xlane v9, v4;
	v10, v11, _ =	vpop (xrf1)  }
0x235: {  	vm13 =	vle.f32 v10, v8  }
0x236: {  	v8 =	vsel vm13, v10, v8;
	v9 =	vsel vm13, v11, v9  }
0x237: {  	(xrf1) =	vsort.ascd.msk.f32 $0xffff, v8, v9;
	_ =	sdelay $0xd  }
0x238: {  	v8, v9, _ =	vpop (xrf1)  }
0x239: {  	[tilespmem:$0x4580] =	vst v8  }
0x23a: {  	[tilespmem:$0x4600] =	vst v9  }
0x23b: {  	v8 =	vld [tilespmem:s19+$0x60];
	_ =	sdelay $0x2  }
0x23c: {  	s31 =	sadd.s32 $0xFFFFFFF0, s18  }
0x23d: {  	v10 =	vor.u32 s31, v0  }
0x23e: {  	(xrf1) =	vsort.ascd.msk.f32 $0xffff, v8, v10;
	_ =	sdelay $0x7  }
0x23f: {  	v8 =	vld [tilespmem:$0x4580];
	_ =	sdelay $0x4  }
0x240: {  	v8 =	vperm.xlane v8, v4  }
0x241: {  	v9 =	vperm.xlane v9, v4;
	v10, v11, _ =	vpop (xrf1)  }
0x242: {  	vm14 =	vle.f32 v10, v8  }
0x243: {  	v8 =	vsel vm14, v10, v8;
	v9 =	vsel vm14, v11, v9  }
0x244: {  	(xrf1) =	vsort.ascd.msk.f32 $0xffff, v8, v9;
	_ =	sdelay $0xd  }
0x245: {  	v8, v9, _ =	vpop (xrf1)  }
0x246: {  	[tilespmem:$0x4580] =	vst v8  }
0x247: {  	[tilespmem:$0x4600] =	vst v9  }
0x248: {  	v8 =	vld [tilespmem:s19+$0x70];
	_ =	sdelay $0x3  }
0x249: {  	v10 =	vor.u32 s18, v0  }
0x24a: {  	(xrf1) =	vsort.ascd.msk.f32 $0xffff, v8, v10;
	_ =	sdelay $0x7  }
0x24b: {  	v8 =	vld [tilespmem:$0x4580];
	_ =	sdelay $0x4  }
0x24c: {  	v8 =	vperm.xlane v8, v4  }
0x24d: {  	v9 =	vperm.xlane v9, v4;
	v10, v11, _ =	vpop (xrf1)  }
0x24e: {  	vm15 =	vle.f32 v10, v8  }
0x24f: {  	v8 =	vsel vm15, v10, v8;
	v9 =	vsel vm15, v11, v9  }
0x250: {  	(xrf1) =	vsort.ascd.msk.f32 $0xffff, v8, v9;
	_ =	sdelay $0xb  }
.Ltmp17:
0x251: {  	_ = 	snop;
	(pc) =	sbr.rel .LBB2_20-.Ltmp17, $4  }
0x252: {  	_ = 	snop  }
0x253: {  	v9, v8, _ =	vpop (xrf1)  }
0x254: {  	[tilespmem:$0x4580] =	vst v9  }
0x255: {  	[tilespmem:$0x4600] =	vst v8  }
.LBB2_24:
0x256: {  	_ =	sfence.sel $0x180000  }
0x257: {  	[bflag:$0x0] =	sbarrier.arrive $0xFFFF  }
0x258: {  	p0 =	sne.s32 s1, $0x0;
	_ =	strace $0x9000004A  }
0x259: {  	s0 =	sadd.s32 @!p0 $0x100000, s0;
	[bflag:$0x2] =	sbarrier.arrive $0xFFFF  }
0x25a: {  	[sflag:s0] =	ssyncadd.tile.s32 @!p0 $0x1;
	_ =	shalt  }
.Lfunc_end2:
_tile_overlayer_lowered:
.L_overlay_start_2:
0x25b: {  	(tag) =	ssettag $0x2  }
0x25c: {  	s0 =	rddreg [dreg:$0x0];
	s2 =	stileid.u32  }
0x25d: {  	s1 =	rddreg [dreg:$0x1];
	p0 =	sne.s32 s2, $0x0  }
0x25e: {  	s3 =	rddreg [dreg:$0x2];
	[bflag:$0x3] =	sbarrier.arrive $0xFFFF;
	s2 =	simm.s32 @!p0 $0x1C02  }
0x25f: {  	[timem:s3], [sflag:s2] =	dma.local @!p0 [hbm:s0], s1  }
0x260: {  	s0 =	simm.s32 @!p0 $0x2  }
0x261: {  	_ =	swait.ge @!p0 [sflag:s0], s1  }
0x262: {  	s1 =	ssub.s32 @!p0 $0x0, s1;
	[sflag:s0] =	ssyncset.done @!p0 $0x0  }
0x263: {  	[sflag:s0] =	ssyncadd.s32 @!p0 s1  }
0x264: {  	[bflag:$0x3] =	sbarrier.arrive $0xFFFF  }
0x265: {  	_ =	shalt  }

</sc_bundles>
